<compile_context>
chip_gen: v7x
topology: tpu7x:2x2x1
jax: 0.10.2.dev20260603
libtpu: 0.0.44.dev20260713+nightly
codegen_flags: <defaults>
</compile_context>

<pallas_src>
import functools

import jax
import jax.numpy as jnp
from jax import lax
from jax.experimental import pallas as pl
from jax.experimental.pallas import tpu as pltpu
from jax.experimental.pallas import tpu_sc as plsc

N = 10000
E = 320000
F_IN = 128
H = 64
Z = 32

NC = 2
NS = 16
NW = NC * NS
CHUNK = 80
EPT = E // NW
ITERS = EPT // CHUNK
WTILES = 16
RPT = N // WTILES

_R = 2000
_GRID = N // _R

def _mesh():
    return plsc.VectorSubcoreMesh(
        core_axis_name="c", subcore_axis_name="s", num_cores=NC, num_subcores=NS)


NBUF = 5


def _seg_body(W, g_hbm, src_hbm, dst_hbm, zeros_hbm, out_hbm,
              idxs, idxd, r0, r1, r2, r3, r4, acc,
              sg0, sg1, sg2, sg3, sg4, ss0, ss1, ss2, ss3, ss4):
    rows = [r0, r1, r2, r3, r4]
    sem_g = [sg0, sg1, sg2, sg3, sg4]
    sem_s = [ss0, ss1, ss2, ss3, ss4]
    c = lax.axis_index("c")
    s = lax.axis_index("s")

    pltpu.sync_copy(zeros_hbm, acc.at[pl.ds(s * RPT, RPT)])

    rbase = (c * NS + s) * ITERS
    pltpu.sync_copy(src_hbm.at[pl.ds(rbase, ITERS)], idxs)
    pltpu.sync_copy(dst_hbm.at[pl.ds(rbase, ITERS)], idxd)
    plsc.subcore_barrier()

    for t in range(NBUF):
        pltpu.async_copy(g_hbm.at[idxs.at[t]], rows[t], sem_g[t])

    def body(j, carry):
        cb = NBUF * j
        for t in range(NBUF):
            ch = cb + t
            pltpu.make_async_copy(g_hbm.at[idxs.at[ch]], rows[t], sem_g[t]).wait()
            pltpu.async_copy(rows[t], acc.at[idxd.at[ch]], sem_s[t], add=True)
            pltpu.make_async_copy(rows[t], acc.at[idxd.at[ch]], sem_s[t]).wait()
            pltpu.async_copy(g_hbm.at[idxs.at[ch + NBUF]], rows[t], sem_g[t])
        return carry

    lax.fori_loop(0, ITERS // NBUF - 1, body, 0)
    cb = ITERS - NBUF
    for t in range(NBUF):
        pltpu.make_async_copy(g_hbm.at[idxs.at[cb + t]], rows[t], sem_g[t]).wait()
        pltpu.async_copy(rows[t], acc.at[idxd.at[cb + t]], sem_s[t], add=True)
    for t in range(NBUF):
        pltpu.make_async_copy(rows[t], acc.at[idxd.at[cb + t]], sem_s[t]).wait()
    plsc.subcore_barrier()

    pltpu.sync_copy(acc.at[pl.ds(s * RPT, RPT)],
                    out_hbm.at[c, pl.ds(s * RPT, RPT)])


_SC_PARAMS = pltpu.CompilerParams(use_tc_tiling_on_sc=False)


def _make_seg(W):
    return pl.kernel(
        functools.partial(_seg_body, W),
        out_type=jax.ShapeDtypeStruct((NC, N, W), jnp.bfloat16),
        mesh=_mesh(),
        compiler_params=_SC_PARAMS,
        scratch_types=[
            pltpu.VMEM((ITERS, CHUNK), jnp.int32),
            pltpu.VMEM((ITERS, CHUNK), jnp.int32),
            *[pltpu.VMEM((CHUNK, W), jnp.bfloat16) for _ in range(NBUF)],
            pltpu.VMEM_SHARED((N, W), jnp.bfloat16),
            *[pltpu.SemaphoreType.DMA for _ in range(2 * NBUF)],
        ],
    )


def _deg_body(dst_hbm, zeros_hbm, ones_hbm, out_hbm, idxd, rows, acc, sem):
    c = lax.axis_index("c")
    s = lax.axis_index("s")

    pltpu.sync_copy(zeros_hbm, acc.at[pl.ds(s * RPT, RPT)])

    rbase = (c * NS + s) * ITERS
    pltpu.sync_copy(dst_hbm.at[pl.ds(rbase, ITERS)], idxd)
    pltpu.sync_copy(ones_hbm, rows)
    plsc.subcore_barrier()

    pltpu.async_copy(rows, acc.at[idxd.at[0]], sem, add=True)

    def body(j, carry):
        pltpu.async_copy(rows, acc.at[idxd.at[j + 1]], sem, add=True)
        pltpu.make_async_copy(rows, acc.at[idxd.at[j]], sem).wait()
        return carry

    lax.fori_loop(0, ITERS - 1, body, 0)
    pltpu.make_async_copy(rows, acc.at[idxd.at[ITERS - 1]], sem).wait()
    plsc.subcore_barrier()

    pltpu.sync_copy(acc.at[pl.ds(s * RPT, RPT)],
                    out_hbm.at[c, pl.ds(s * RPT, RPT)])


def _make_deg():
    return pl.kernel(
        _deg_body,
        out_type=jax.ShapeDtypeStruct((NC, N, 16), jnp.bfloat16),
        mesh=_mesh(),
        compiler_params=_SC_PARAMS,
        scratch_types=[
            pltpu.VMEM((ITERS, CHUNK), jnp.int32),
            pltpu.VMEM((CHUNK, 16), jnp.bfloat16),
            pltpu.VMEM_SHARED((N, 16), jnp.bfloat16),
            pltpu.SemaphoreType.DMA,
        ],
    )


def _mm(a, b):
    return jax.lax.dot_general(a.astype(jnp.bfloat16), b.astype(jnp.bfloat16),
                               (((1,), (0,)), ((), ())),
                               preferred_element_type=jnp.float32)



def _f32(aggp):
    return aggp[0].astype(jnp.float32) + aggp[1].astype(jnp.float32)


def _k1_body(feat, W1, b1, degp, x_o, g0_o, dinv_o):
    d = degp[0].astype(jnp.float32) + degp[1].astype(jnp.float32)
    dinv = lax.rsqrt(jnp.maximum(d[:, :1], 1.0))
    x = jnp.maximum(_mm(feat[...], W1[...]) + b1[...], 0.0)
    x_o[...] = x.astype(jnp.bfloat16)
    g0_o[...] = (x * dinv).astype(jnp.bfloat16)
    dinv_o[...] = jnp.broadcast_to(dinv, dinv_o.shape)


def _k2_body(x, aggp, dinv, f1_o, g1_o):
    dv = dinv[:, :1]
    f1 = x[...].astype(jnp.float32) - _f32(aggp) * dv
    f1_o[...] = f1.astype(jnp.bfloat16)
    g1_o[...] = (f1 * dv).astype(jnp.bfloat16)


def _k3_body(x, f1, aggp, dinv, eps, A0, A1, A2, b2, repW, repb, recW, recb,
             dW1, db1, xd_o, g0d_o, kl_o):
    dv = dinv[:, :1]
    f2 = f1[...].astype(jnp.float32) - _f32(aggp) * dv
    pos = _mm(x[...], A0[...]) + _mm(f1[...], A1[...]) + _mm(f2, A2[...]) + b2[...]
    mu = _mm(pos, repW[...]) + repb[...]
    expmu = jnp.exp(mu)
    z = mu + eps[...].astype(jnp.float32) * jnp.exp(mu * 0.5)
    y = _mm(z, recW[...]) + recb[...]
    xd = jnp.maximum(_mm(y, dW1[...]) + db1[...], 0.0)
    xd_o[...] = xd.astype(jnp.bfloat16)
    g0d_o[...] = (xd * dv).astype(jnp.bfloat16)

    @pl.when(pl.program_id(0) == 0)
    def _():
        kl_o[...] = jnp.zeros((1, 1), jnp.float32)

    kl_o[...] += jnp.sum(1.0 + mu - mu * mu - expmu).reshape(1, 1)


def _k4_body(xd, aggp, dinv, f1d_o, g1d_o):
    dv = dinv[:, :1]
    f1d = xd[...].astype(jnp.float32) - _f32(aggp) * dv
    f1d_o[...] = f1d.astype(jnp.bfloat16)
    g1d_o[...] = (f1d * dv).astype(jnp.bfloat16)


def _k5_body(xd, f1d, aggp, dinv, feat, B0, B1, B2, b2, rec_o):
    dv = dinv[:, :1]
    f2d = f1d[...].astype(jnp.float32) - _f32(aggp) * dv
    xr = _mm(xd[...], B0[...]) + _mm(f1d[...], B1[...]) + _mm(f2d, B2[...]) + b2[...]
    r = xr - feat[...]

    @pl.when(pl.program_id(0) == 0)
    def _():
        rec_o[...] = jnp.zeros((1, 1), jnp.float32)

    rec_o[...] += jnp.sum(r * r).reshape(1, 1)


def _row_spec(w):
    return pl.BlockSpec((_R, w), lambda i: (i, 0))


def _row3_spec(w):
    return pl.BlockSpec((NC, _R, w), lambda i: (0, i, 0))


def _full_spec(shape):
    nd = len(shape)
    if nd == 1:
        return pl.BlockSpec(shape, lambda i: (0,))
    return pl.BlockSpec(shape, lambda i: (0,) * nd)


def _scalar_spec():
    return pl.BlockSpec((1, 1), lambda i: (0, 0))


def _sds(shape, dtype=jnp.float32):
    return jax.ShapeDtypeStruct(shape, dtype)


def _combine(W2, h):
    Wa, Wb, Wc = W2[:h], W2[h:2 * h], W2[2 * h:]
    return 3.0 * Wa, -3.0 * Wa + 3.0 * Wb, 0.75 * Wa - 1.5 * Wb + 0.75 * Wc


def kernel(features, edge_index, enc_W1, enc_b1, enc_W2, enc_b2, rep_W, rep_b,
           rec_W, rec_b, dec_W1, dec_b1, dec_W2, dec_b2, disc_W):
    src = edge_index[0].reshape(E // CHUNK, CHUNK)
    dst = edge_index[1].reshape(E // CHUNK, CHUNK)
    zeros16 = jnp.zeros((RPT, 16), jnp.bfloat16)
    zeros64 = jnp.zeros((RPT, H), jnp.bfloat16)
    zeros128 = jnp.zeros((RPT, F_IN), jnp.bfloat16)
    ones16 = jnp.ones((CHUNK, 16), jnp.bfloat16)

    A0, A1, A2 = _combine(enc_W2, H)
    B0, B1, B2 = _combine(dec_W2, F_IN)
    keps = jax.random.split(jax.random.key(42))[1]
    eps = jax.random.normal(keps, (N, Z), dtype=jnp.float32).astype(jnp.bfloat16)

    seg64 = _make_seg(H)
    seg128 = _make_seg(F_IN)

    degp = _make_deg()(dst, zeros16, ones16)

    x, g0, dinv = pl.pallas_call(
        _k1_body,
        grid=(_GRID,),
        in_specs=[_row_spec(F_IN), _full_spec((F_IN, H)), _full_spec((1, H)),
                  _row3_spec(16)],
        out_specs=[_row_spec(H), _row_spec(H), _row_spec(F_IN)],
        out_shape=[_sds((N, H), jnp.bfloat16), _sds((N, H), jnp.bfloat16),
                   _sds((N, F_IN))],
    )(features, enc_W1, enc_b1.reshape(1, H), degp)

    aggp = seg64(g0, src, dst, zeros64)

    f1, g1 = pl.pallas_call(
        _k2_body,
        grid=(_GRID,),
        in_specs=[_row_spec(H), _row3_spec(H), _row_spec(F_IN)],
        out_specs=[_row_spec(H), _row_spec(H)],
        out_shape=[_sds((N, H), jnp.bfloat16), _sds((N, H), jnp.bfloat16)],
    )(x, aggp, dinv)

    aggp2 = seg64(g1, src, dst, zeros64)

    xd, g0d, kls = pl.pallas_call(
        _k3_body,
        grid=(_GRID,),
        in_specs=[_row_spec(H), _row_spec(H), _row3_spec(H), _row_spec(F_IN),
                  _row_spec(Z),
                  _full_spec((H, H)), _full_spec((H, H)), _full_spec((H, H)),
                  _full_spec((1, H)), _full_spec((H, Z)), _full_spec((1, Z)),
                  _full_spec((Z, H)), _full_spec((1, H)), _full_spec((H, F_IN)),
                  _full_spec((1, F_IN))],
        out_specs=[_row_spec(F_IN), _row_spec(F_IN), _scalar_spec()],
        out_shape=[_sds((N, F_IN), jnp.bfloat16), _sds((N, F_IN), jnp.bfloat16),
                   _sds((1, 1))],
    )(x, f1, aggp2, dinv, eps, A0, A1, A2, enc_b2.reshape(1, H),
      rep_W, rep_b.reshape(1, Z), rec_W, rec_b.reshape(1, H),
      dec_W1, dec_b1.reshape(1, F_IN))

    aggp3 = seg128(g0d, src, dst, zeros128)

    f1d, g1d = pl.pallas_call(
        _k4_body,
        grid=(_GRID,),
        in_specs=[_row_spec(F_IN), _row3_spec(F_IN), _row_spec(F_IN)],
        out_specs=[_row_spec(F_IN), _row_spec(F_IN)],
        out_shape=[_sds((N, F_IN), jnp.bfloat16), _sds((N, F_IN), jnp.bfloat16)],
    )(xd, aggp3, dinv)

    aggp4 = seg128(g1d, src, dst, zeros128)

    recs = pl.pallas_call(
        _k5_body,
        grid=(_GRID,),
        in_specs=[_row_spec(F_IN), _row_spec(F_IN), _row3_spec(F_IN),
                  _row_spec(F_IN), _row_spec(F_IN),
                  _full_spec((F_IN, F_IN)), _full_spec((F_IN, F_IN)),
                  _full_spec((F_IN, F_IN)), _full_spec((1, F_IN))],
        out_specs=_scalar_spec(),
        out_shape=_sds((1, 1)),
    )(xd, f1d, aggp4, dinv, features, B0, B1, B2, dec_b2.reshape(1, F_IN))

    return recs[0, 0] - 0.5 * kls[0, 0]

# --- scband reference (transcript-rebuilt; emitter-appended) ---
"""Pipeline reference for scband-lg-vgae-1245540516299 (READ-ONLY COPY).

The authoritative reference and input builder live on the scoring server;
editing this copy changes nothing except your own understanding.
"""

import jax, jax.numpy as jnp
import numpy as np

N = 10000
E = 320000
IN_FEATS = 128
H = 64
Z = 32
B_COEF = 0.2
# calculate_theta2(d=2) evaluated analytically (Bernstein basis / Beta normalization)
THETAS = [[3.0, -3.0, 0.75], [0.0, 3.0, -1.5], [0.0, 0.0, 0.75]]


def _poly(feat, theta, src, dst, dinv):
    # PolyConv with lin=False: h = sum_k theta[k] * L^k feat, L = I - D^-1/2 A D^-1/2
    h = theta[0] * feat
    f = feat
    for k in range(1, len(theta)):
        msg = (f * dinv)[src]
        agg = jax.ops.segment_sum(msg, dst, num_segments=N)
        f = f - agg * dinv
        h = h + theta[k] * f
    return h


def _block(x, W1, b1, W2, b2, src, dst, dinv):
    # shared Encoder/Decoder structure: linear1 -> relu -> [PolyConv x3] -> concat -> linear2
    x = jax.nn.relu(x @ W1 + b1)
    hs = [_poly(x, t, src, dst, dinv) for t in THETAS]
    return jnp.concatenate(hs, axis=-1) @ W2 + b2


def _bce_ones(x):
    return jnp.mean(jax.nn.softplus(-x))


def _bce_zeros(x):
    return jnp.mean(jax.nn.softplus(x))


def setup_inputs(seed: int = 0):
    key = jax.random.key(seed)
    ks = jax.random.split(key, 16)
    s = 0.05
    return {
        "features": jax.random.normal(ks[0], (N, IN_FEATS), dtype=jnp.float32),
        "edge_index": jax.random.randint(ks[1], (2, E), 0, N),
        "enc_W1": jax.random.normal(ks[2], (IN_FEATS, H), dtype=jnp.float32) * s,
        "enc_b1": jnp.zeros((H,), dtype=jnp.float32),
        "enc_W2": jax.random.normal(ks[3], (3 * H, H), dtype=jnp.float32) * s,
        "enc_b2": jnp.zeros((H,), dtype=jnp.float32),
        "rep_W": jax.random.normal(ks[4], (H, Z), dtype=jnp.float32) * s,
        "rep_b": jnp.zeros((Z,), dtype=jnp.float32),
        "rec_W": jax.random.normal(ks[5], (Z, H), dtype=jnp.float32) * s,
        "rec_b": jnp.zeros((H,), dtype=jnp.float32),
        "dec_W1": jax.random.normal(ks[6], (H, IN_FEATS), dtype=jnp.float32) * s,
        "dec_b1": jnp.zeros((IN_FEATS,), dtype=jnp.float32),
        "dec_W2": jax.random.normal(ks[7], (3 * IN_FEATS, IN_FEATS), dtype=jnp.float32) * s,
        "dec_b2": jnp.zeros((IN_FEATS,), dtype=jnp.float32),
        "disc_W": jax.random.normal(ks[8], (H, H), dtype=jnp.float32) * s,
    }


def reference(features, edge_index, enc_W1, enc_b1, enc_W2, enc_b2, rep_W, rep_b, rec_W, rec_b, dec_W1, dec_b1, dec_W2, dec_b2, disc_W):
    src = edge_index[0]
    dst = edge_index[1]
    deg = jnp.bincount(dst, length=N).astype(jnp.float32)
    dinv = jnp.power(jnp.clip(deg, 1.0, None), -0.5)[:, None]
    rkey = jax.random.key(42)
    kperm, keps = jax.random.split(rkey)
    # Encoder (positive / negative=corrupted)
    positive = _block(features, enc_W1, enc_b1, enc_W2, enc_b2, src, dst, dinv)
    perm = jax.random.permutation(kperm, N)
    negative = _block(features[perm], enc_W1, enc_b1, enc_W2, enc_b2, src, dst, dinv)
    # DGI discriminator
    summary = jax.nn.sigmoid(jnp.mean(positive, axis=0))
    pos_dis = positive @ (disc_W @ summary)
    neg_dis = negative @ (disc_W @ summary)
    dgi_loss = _bce_ones(pos_dis) + _bce_zeros(neg_dis)
    # VGAE branch (mu and log_var share the same linear in the original code)
    mu = positive @ rep_W + rep_b
    log_var = mu
    eps = jax.random.normal(keps, mu.shape, dtype=jnp.float32)
    z = mu + eps * jnp.exp(log_var / 2.0)
    x_rec = _block(z @ rec_W + rec_b, dec_W1, dec_b1, dec_W2, dec_b2, src, dst, dinv)
    reconst_loss = jnp.sum((x_rec - features) ** 2)
    kl_div = -0.5 * jnp.sum(1.0 + log_var - mu ** 2 - jnp.exp(log_var))
    vgae_loss = reconst_loss + kl_div
    joint = B_COEF * dgi_loss / jax.lax.stop_gradient(dgi_loss / vgae_loss) + (1.0 - B_COEF) * vgae_loss
    return joint

if __name__ == "__main__":
    import jax
    _d = setup_inputs()
    print(jax.jit(kernel)(*tuple(_d.values())))

</pallas_src>

<mosaic_0001>
#map = affine_map<(d0, d1) -> (0, 0)>
#map1 = affine_map<(d0, d1) -> (0, 0, 0)>
module attributes {stable_mosaic.version = 14 : i64} {
  func.func @_seg_body(%arg0: i32, %arg1: i32, %arg2: memref<10000x64xbf16, #tpu.memory_space<hbm>>, %arg3: memref<4000x80xi32, #tpu.memory_space<hbm>>, %arg4: memref<4000x80xi32, #tpu.memory_space<hbm>>, %arg5: memref<625x64xbf16, #tpu.memory_space<hbm>>, %arg6: memref<2x10000x64xbf16, #tpu.memory_space<hbm>>, %arg7: memref<125x80xi32, #tpu.memory_space<vmem>>, %arg8: memref<125x80xi32, #tpu.memory_space<vmem>>, %arg9: memref<80x64xbf16, #tpu.memory_space<vmem>>, %arg10: memref<80x64xbf16, #tpu.memory_space<vmem>>, %arg11: memref<80x64xbf16, #tpu.memory_space<vmem>>, %arg12: memref<80x64xbf16, #tpu.memory_space<vmem>>, %arg13: memref<80x64xbf16, #tpu.memory_space<vmem>>, %arg14: memref<10000x64xbf16, #tpu.memory_space<vmem_shared>>, %arg15: memref<!tpu.dma_semaphore, #tpu.memory_space<semaphore_mem>>, %arg16: memref<!tpu.dma_semaphore, #tpu.memory_space<semaphore_mem>>, %arg17: memref<!tpu.dma_semaphore, #tpu.memory_space<semaphore_mem>>, %arg18: memref<!tpu.dma_semaphore, #tpu.memory_space<semaphore_mem>>, %arg19: memref<!tpu.dma_semaphore, #tpu.memory_space<semaphore_mem>>, %arg20: memref<!tpu.dma_semaphore, #tpu.memory_space<semaphore_mem>>, %arg21: memref<!tpu.dma_semaphore, #tpu.memory_space<semaphore_mem>>, %arg22: memref<!tpu.dma_semaphore, #tpu.memory_space<semaphore_mem>>, %arg23: memref<!tpu.dma_semaphore, #tpu.memory_space<semaphore_mem>>, %arg24: memref<!tpu.dma_semaphore, #tpu.memory_space<semaphore_mem>>) attributes {dimension_semantics = [#tpu.dimension_semantics<core_parallel>, #tpu.dimension_semantics<subcore_parallel>], iteration_bounds = array<i64: 2, 16>, scalar_prefetch = 0 : i64, scratch_operands = 18 : i64, tpu.core_type = #tpu.core_type<sc_vector_subcore>, window_params = [{transform_indices = #map}, {transform_indices = #map}, {transform_indices = #map}, {transform_indices = #map}, {transform_indices = #map1}]} {
    %mul3A = arith.constant 625 : i32
    %mul3A_0 = arith.muli %arg1, %mul3A : i32
    "tpu.region"() ({
      %run_scoped3A = tpu.sem_alloc : memref<!tpu.dma_semaphore, #tpu.memory_space<semaphore_mem>>
      %dma_start3A_153 = arith.constant 0 : i32
      %dma_start3A_154 = tpu.memref_slice %arg14[%mul3A_0, %dma_start3A_153] : memref<10000x64xbf16, #tpu.memory_space<vmem_shared>> -> memref<625x64xbf16, #tpu.memory_space<vmem_shared>>
      tpu.enqueue_dma source(%arg5 : memref<625x64xbf16, #tpu.memory_space<hbm>>) target(%dma_start3A_154 : memref<625x64xbf16, #tpu.memory_space<vmem_shared>>) target_semaphore(%run_scoped3A : memref<!tpu.dma_semaphore, #tpu.memory_space<semaphore_mem>>)
      %dma_wait3A_155 = arith.constant 0 : i32
      %dma_wait3A_156 = tpu.memref_slice %arg14[%mul3A_0, %dma_wait3A_155] : memref<10000x64xbf16, #tpu.memory_space<vmem_shared>> -> memref<625x64xbf16, #tpu.memory_space<vmem_shared>>
      tpu.wait_dma2 semaphore(%run_scoped3A : memref<!tpu.dma_semaphore, #tpu.memory_space<semaphore_mem>>) src(%arg5 : memref<625x64xbf16, #tpu.memory_space<hbm>>) dst(%dma_wait3A_156 : memref<625x64xbf16, #tpu.memory_space<vmem_shared>>)
      tpu.yield
    }) : () -> ()
    %mul3A_1 = arith.constant 16 : i32
    %mul3A_2 = arith.muli %arg0, %mul3A_1 : i32
    %add3A = arith.addi %mul3A_2, %arg1 : i32
    %mul3A_3 = arith.constant 125 : i32
    %mul3A_4 = arith.muli %add3A, %mul3A_3 : i32
    "tpu.region"() ({
      %run_scoped3A = tpu.sem_alloc : memref<!tpu.dma_semaphore, #tpu.memory_space<semaphore_mem>>
      %dma_start3A_153 = arith.constant 0 : i32
      %dma_start3A_154 = tpu.memref_slice %arg3[%mul3A_4, %dma_start3A_153] : memref<4000x80xi32, #tpu.memory_space<hbm>> -> memref<125x80xi32, #tpu.memory_space<hbm>>
      %dma_start3A_155 = arith.constant 0 : i32
      %dma_start3A_156 = tpu.memref_slice %arg3[%mul3A_4, %dma_start3A_155] : memref<4000x80xi32, #tpu.memory_space<hbm>> -> memref<125x80xi32, #tpu.memory_space<hbm>>
      tpu.enqueue_dma source(%dma_start3A_156 : memref<125x80xi32, #tpu.memory_space<hbm>>) target(%arg7 : memref<125x80xi32, #tpu.memory_space<vmem>>) target_semaphore(%run_scoped3A : memref<!tpu.dma_semaphore, #tpu.memory_space<semaphore_mem>>)
      %dma_wait3A_157 = arith.constant 0 : i32
      %dma_wait3A_158 = tpu.memref_slice %arg3[%mul3A_4, %dma_wait3A_157] : memref<4000x80xi32, #tpu.memory_space<hbm>> -> memref<125x80xi32, #tpu.memory_space<hbm>>
      %dma_wait3A_159 = arith.constant 0 : i32
      %dma_wait3A_160 = tpu.memref_slice %arg3[%mul3A_4, %dma_wait3A_159] : memref<4000x80xi32, #tpu.memory_space<hbm>> -> memref<125x80xi32, #tpu.memory_space<hbm>>
      tpu.wait_dma2 semaphore(%run_scoped3A : memref<!tpu.dma_semaphore, #tpu.memory_space<semaphore_mem>>) src(%dma_wait3A_160 : memref<125x80xi32, #tpu.memory_space<hbm>>) dst(%arg7 : memref<125x80xi32, #tpu.memory_space<vmem>>)
      tpu.yield
    }) : () -> ()
    "tpu.region"() ({
      %run_scoped3A = tpu.sem_alloc : memref<!tpu.dma_semaphore, #tpu.memory_space<semaphore_mem>>
      %dma_start3A_153 = arith.constant 0 : i32
      %dma_start3A_154 = tpu.memref_slice %arg4[%mul3A_4, %dma_start3A_153] : memref<4000x80xi32, #tpu.memory_space<hbm>> -> memref<125x80xi32, #tpu.memory_space<hbm>>
      %dma_start3A_155 = arith.constant 0 : i32
      %dma_start3A_156 = tpu.memref_slice %arg4[%mul3A_4, %dma_start3A_155] : memref<4000x80xi32, #tpu.memory_space<hbm>> -> memref<125x80xi32, #tpu.memory_space<hbm>>
      tpu.enqueue_dma source(%dma_start3A_156 : memref<125x80xi32, #tpu.memory_space<hbm>>) target(%arg8 : memref<125x80xi32, #tpu.memory_space<vmem>>) target_semaphore(%run_scoped3A : memref<!tpu.dma_semaphore, #tpu.memory_space<semaphore_mem>>)
      %dma_wait3A_157 = arith.constant 0 : i32
      %dma_wait3A_158 = tpu.memref_slice %arg4[%mul3A_4, %dma_wait3A_157] : memref<4000x80xi32, #tpu.memory_space<hbm>> -> memref<125x80xi32, #tpu.memory_space<hbm>>
      %dma_wait3A_159 = arith.constant 0 : i32
      %dma_wait3A_160 = tpu.memref_slice %arg4[%mul3A_4, %dma_wait3A_159] : memref<4000x80xi32, #tpu.memory_space<hbm>> -> memref<125x80xi32, #tpu.memory_space<hbm>>
      tpu.wait_dma2 semaphore(%run_scoped3A : memref<!tpu.dma_semaphore, #tpu.memory_space<semaphore_mem>>) src(%dma_wait3A_160 : memref<125x80xi32, #tpu.memory_space<hbm>>) dst(%arg8 : memref<125x80xi32, #tpu.memory_space<vmem>>)
      tpu.yield
    }) : () -> ()
    %barrier3A = arith.constant 0 : index
    tpu.barrier barrier_id(%barrier3A)
    %dma_start3A = arith.constant 0 : i32
    %dma_start3A_5 = arith.constant 0 : i32
    %dma_start3A_6 = tpu.memref_slice %arg7[%dma_start3A, %dma_start3A_5] : memref<125x80xi32, #tpu.memory_space<vmem>> -> memref<1x80xi32, #tpu.memory_space<vmem>>
    %dma_start3A_7 = tpu.memref_squeeze %dma_start3A_6 : memref<1x80xi32, #tpu.memory_space<vmem>> -> memref<80xi32, #tpu.memory_space<vmem>>
    %dma_start3A_8 = arith.constant 0 : i32
    %dma_start3A_9 = arith.constant 0 : i32
    %dma_start3A_10 = tpu.memref_slice %arg2[%dma_start3A_8, %dma_start3A_9] : memref<10000x64xbf16, #tpu.memory_space<hbm>> -> memref<10000x64xbf16, #tpu.memory_space<hbm>>
    tpu.enqueue_indirect_dma source(%dma_start3A_10 : memref<10000x64xbf16, #tpu.memory_space<hbm>>) target(%arg9 : memref<80x64xbf16, #tpu.memory_space<vmem>>) offsets(%dma_start3A_7 : memref<80xi32, #tpu.memory_space<vmem>>) semaphore(%arg15 : memref<!tpu.dma_semaphore, #tpu.memory_space<semaphore_mem>>)
    %dma_start3A_11 = arith.constant 1 : i32
    %dma_start3A_12 = arith.constant 0 : i32
    %dma_start3A_13 = tpu.memref_slice %arg7[%dma_start3A_11, %dma_start3A_12] : memref<125x80xi32, #tpu.memory_space<vmem>> -> memref<1x80xi32, #tpu.memory_space<vmem>>
    %dma_start3A_14 = tpu.memref_squeeze %dma_start3A_13 : memref<1x80xi32, #tpu.memory_space<vmem>> -> memref<80xi32, #tpu.memory_space<vmem>>
    %dma_start3A_15 = arith.constant 0 : i32
    %dma_start3A_16 = arith.constant 0 : i32
    %dma_start3A_17 = tpu.memref_slice %arg2[%dma_start3A_15, %dma_start3A_16] : memref<10000x64xbf16, #tpu.memory_space<hbm>> -> memref<10000x64xbf16, #tpu.memory_space<hbm>>
    tpu.enqueue_indirect_dma source(%dma_start3A_17 : memref<10000x64xbf16, #tpu.memory_space<hbm>>) target(%arg10 : memref<80x64xbf16, #tpu.memory_space<vmem>>) offsets(%dma_start3A_14 : memref<80xi32, #tpu.memory_space<vmem>>) semaphore(%arg16 : memref<!tpu.dma_semaphore, #tpu.memory_space<semaphore_mem>>)
    %dma_start3A_18 = arith.constant 2 : i32
    %dma_start3A_19 = arith.constant 0 : i32
    %dma_start3A_20 = tpu.memref_slice %arg7[%dma_start3A_18, %dma_start3A_19] : memref<125x80xi32, #tpu.memory_space<vmem>> -> memref<1x80xi32, #tpu.memory_space<vmem>>
    %dma_start3A_21 = tpu.memref_squeeze %dma_start3A_20 : memref<1x80xi32, #tpu.memory_space<vmem>> -> memref<80xi32, #tpu.memory_space<vmem>>
    %dma_start3A_22 = arith.constant 0 : i32
    %dma_start3A_23 = arith.constant 0 : i32
    %dma_start3A_24 = tpu.memref_slice %arg2[%dma_start3A_22, %dma_start3A_23] : memref<10000x64xbf16, #tpu.memory_space<hbm>> -> memref<10000x64xbf16, #tpu.memory_space<hbm>>
    tpu.enqueue_indirect_dma source(%dma_start3A_24 : memref<10000x64xbf16, #tpu.memory_space<hbm>>) target(%arg11 : memref<80x64xbf16, #tpu.memory_space<vmem>>) offsets(%dma_start3A_21 : memref<80xi32, #tpu.memory_space<vmem>>) semaphore(%arg17 : memref<!tpu.dma_semaphore, #tpu.memory_space<semaphore_mem>>)
    %dma_start3A_25 = arith.constant 3 : i32
    %dma_start3A_26 = arith.constant 0 : i32
    %dma_start3A_27 = tpu.memref_slice %arg7[%dma_start3A_25, %dma_start3A_26] : memref<125x80xi32, #tpu.memory_space<vmem>> -> memref<1x80xi32, #tpu.memory_space<vmem>>
    %dma_start3A_28 = tpu.memref_squeeze %dma_start3A_27 : memref<1x80xi32, #tpu.memory_space<vmem>> -> memref<80xi32, #tpu.memory_space<vmem>>
    %dma_start3A_29 = arith.constant 0 : i32
    %dma_start3A_30 = arith.constant 0 : i32
    %dma_start3A_31 = tpu.memref_slice %arg2[%dma_start3A_29, %dma_start3A_30] : memref<10000x64xbf16, #tpu.memory_space<hbm>> -> memref<10000x64xbf16, #tpu.memory_space<hbm>>
    tpu.enqueue_indirect_dma source(%dma_start3A_31 : memref<10000x64xbf16, #tpu.memory_space<hbm>>) target(%arg12 : memref<80x64xbf16, #tpu.memory_space<vmem>>) offsets(%dma_start3A_28 : memref<80xi32, #tpu.memory_space<vmem>>) semaphore(%arg18 : memref<!tpu.dma_semaphore, #tpu.memory_space<semaphore_mem>>)
    %dma_start3A_32 = arith.constant 4 : i32
    %dma_start3A_33 = arith.constant 0 : i32
    %dma_start3A_34 = tpu.memref_slice %arg7[%dma_start3A_32, %dma_start3A_33] : memref<125x80xi32, #tpu.memory_space<vmem>> -> memref<1x80xi32, #tpu.memory_space<vmem>>
    %dma_start3A_35 = tpu.memref_squeeze %dma_start3A_34 : memref<1x80xi32, #tpu.memory_space<vmem>> -> memref<80xi32, #tpu.memory_space<vmem>>
    %dma_start3A_36 = arith.constant 0 : i32
    %dma_start3A_37 = arith.constant 0 : i32
    %dma_start3A_38 = tpu.memref_slice %arg2[%dma_start3A_36, %dma_start3A_37] : memref<10000x64xbf16, #tpu.memory_space<hbm>> -> memref<10000x64xbf16, #tpu.memory_space<hbm>>
    tpu.enqueue_indirect_dma source(%dma_start3A_38 : memref<10000x64xbf16, #tpu.memory_space<hbm>>) target(%arg13 : memref<80x64xbf16, #tpu.memory_space<vmem>>) offsets(%dma_start3A_35 : memref<80xi32, #tpu.memory_space<vmem>>) semaphore(%arg19 : memref<!tpu.dma_semaphore, #tpu.memory_space<semaphore_mem>>)
    %scan3A = arith.constant 0 : i32
    %scan3A_39 = arith.constant 0 : i32
    %scan3A_40 = arith.constant 24 : i32
    %scan3A_41 = arith.addi %scan3A_39, %scan3A_40 : i32
    %scan3A_42 = arith.constant 1 : i32
    scf.for %scan3A_153 = %scan3A_39 to %scan3A_41 step %scan3A_42  : i32 {
      %mul3A_154 = arith.constant 5 : i32
      %mul3A_155 = arith.muli %mul3A_154, %scan3A_153 : i32
      %add3A_156 = arith.constant 0 : i32
      %add3A_157 = arith.addi %mul3A_155, %add3A_156 : i32
      %dma_wait3A_158 = arith.constant 0 : i32
      %dma_wait3A_159 = tpu.memref_slice %arg7[%add3A_157, %dma_wait3A_158] : memref<125x80xi32, #tpu.memory_space<vmem>> -> memref<1x80xi32, #tpu.memory_space<vmem>>
      %dma_wait3A_160 = tpu.memref_squeeze %dma_wait3A_159 : memref<1x80xi32, #tpu.memory_space<vmem>> -> memref<80xi32, #tpu.memory_space<vmem>>
      %dma_wait3A_161 = arith.constant 0 : i32
      %dma_wait3A_162 = arith.constant 0 : i32
      %dma_wait3A_163 = tpu.memref_slice %arg2[%dma_wait3A_161, %dma_wait3A_162] : memref<10000x64xbf16, #tpu.memory_space<hbm>> -> memref<10000x64xbf16, #tpu.memory_space<hbm>>
      tpu.wait_indirect_dma semaphore(%arg15 : memref<!tpu.dma_semaphore, #tpu.memory_space<semaphore_mem>>) src(%dma_wait3A_163 : memref<10000x64xbf16, #tpu.memory_space<hbm>>) dst(%arg9 : memref<80x64xbf16, #tpu.memory_space<vmem>>)
      %dma_start3A_164 = arith.constant 0 : i32
      %dma_start3A_165 = tpu.memref_slice %arg8[%add3A_157, %dma_start3A_164] : memref<125x80xi32, #tpu.memory_space<vmem>> -> memref<1x80xi32, #tpu.memory_space<vmem>>
      %dma_start3A_166 = tpu.memref_squeeze %dma_start3A_165 : memref<1x80xi32, #tpu.memory_space<vmem>> -> memref<80xi32, #tpu.memory_space<vmem>>
      %dma_start3A_167 = arith.constant 0 : i32
      %dma_start3A_168 = arith.constant 0 : i32
      %dma_start3A_169 = tpu.memref_slice %arg14[%dma_start3A_167, %dma_start3A_168] : memref<10000x64xbf16, #tpu.memory_space<vmem_shared>> -> memref<10000x64xbf16, #tpu.memory_space<vmem_shared>>
      tpu.enqueue_indirect_dma source(%arg9 : memref<80x64xbf16, #tpu.memory_space<vmem>>) target(%dma_start3A_169 : memref<10000x64xbf16, #tpu.memory_space<vmem_shared>>) offsets(%dma_start3A_166 : memref<80xi32, #tpu.memory_space<vmem>>) semaphore(%arg20 : memref<!tpu.dma_semaphore, #tpu.memory_space<semaphore_mem>>) {add = true}
      %dma_wait3A_170 = arith.constant 0 : i32
      %dma_wait3A_171 = tpu.memref_slice %arg8[%add3A_157, %dma_wait3A_170] : memref<125x80xi32, #tpu.memory_space<vmem>> -> memref<1x80xi32, #tpu.memory_space<vmem>>
      %dma_wait3A_172 = tpu.memref_squeeze %dma_wait3A_171 : memref<1x80xi32, #tpu.memory_space<vmem>> -> memref<80xi32, #tpu.memory_space<vmem>>
      %dma_wait3A_173 = arith.constant 0 : i32
      %dma_wait3A_174 = arith.constant 0 : i32
      %dma_wait3A_175 = tpu.memref_slice %arg14[%dma_wait3A_173, %dma_wait3A_174] : memref<10000x64xbf16, #tpu.memory_space<vmem_shared>> -> memref<10000x64xbf16, #tpu.memory_space<vmem_shared>>
      tpu.wait_indirect_dma semaphore(%arg20 : memref<!tpu.dma_semaphore, #tpu.memory_space<semaphore_mem>>) src(%arg9 : memref<80x64xbf16, #tpu.memory_space<vmem>>) dst(%dma_wait3A_175 : memref<10000x64xbf16, #tpu.memory_space<vmem_shared>>)
      %add3A_176 = arith.constant 5 : i32
      %add3A_177 = arith.addi %add3A_157, %add3A_176 : i32
      %dma_start3A_178 = arith.constant 0 : i32
      %dma_start3A_179 = tpu.memref_slice %arg7[%add3A_177, %dma_start3A_178] : memref<125x80xi32, #tpu.memory_space<vmem>> -> memref<1x80xi32, #tpu.memory_space<vmem>>
      %dma_start3A_180 = tpu.memref_squeeze %dma_start3A_179 : memref<1x80xi32, #tpu.memory_space<vmem>> -> memref<80xi32, #tpu.memory_space<vmem>>
      %dma_start3A_181 = arith.constant 0 : i32
      %dma_start3A_182 = arith.constant 0 : i32
      %dma_start3A_183 = tpu.memref_slice %arg2[%dma_start3A_181, %dma_start3A_182] : memref<10000x64xbf16, #tpu.memory_space<hbm>> -> memref<10000x64xbf16, #tpu.memory_space<hbm>>
      tpu.enqueue_indirect_dma source(%dma_start3A_183 : memref<10000x64xbf16, #tpu.memory_space<hbm>>) target(%arg9 : memref<80x64xbf16, #tpu.memory_space<vmem>>) offsets(%dma_start3A_180 : memref<80xi32, #tpu.memory_space<vmem>>) semaphore(%arg15 : memref<!tpu.dma_semaphore, #tpu.memory_space<semaphore_mem>>)
      %add3A_184 = arith.constant 1 : i32
      %add3A_185 = arith.addi %mul3A_155, %add3A_184 : i32
      %dma_wait3A_186 = arith.constant 0 : i32
      %dma_wait3A_187 = tpu.memref_slice %arg7[%add3A_185, %dma_wait3A_186] : memref<125x80xi32, #tpu.memory_space<vmem>> -> memref<1x80xi32, #tpu.memory_space<vmem>>
      %dma_wait3A_188 = tpu.memref_squeeze %dma_wait3A_187 : memref<1x80xi32, #tpu.memory_space<vmem>> -> memref<80xi32, #tpu.memory_space<vmem>>
      %dma_wait3A_189 = arith.constant 0 : i32
      %dma_wait3A_190 = arith.constant 0 : i32
      %dma_wait3A_191 = tpu.memref_slice %arg2[%dma_wait3A_189, %dma_wait3A_190] : memref<10000x64xbf16, #tpu.memory_space<hbm>> -> memref<10000x64xbf16, #tpu.memory_space<hbm>>
      tpu.wait_indirect_dma semaphore(%arg16 : memref<!tpu.dma_semaphore, #tpu.memory_space<semaphore_mem>>) src(%dma_wait3A_191 : memref<10000x64xbf16, #tpu.memory_space<hbm>>) dst(%arg10 : memref<80x64xbf16, #tpu.memory_space<vmem>>)
      %dma_start3A_192 = arith.constant 0 : i32
      %dma_start3A_193 = tpu.memref_slice %arg8[%add3A_185, %dma_start3A_192] : memref<125x80xi32, #tpu.memory_space<vmem>> -> memref<1x80xi32, #tpu.memory_space<vmem>>
      %dma_start3A_194 = tpu.memref_squeeze %dma_start3A_193 : memref<1x80xi32, #tpu.memory_space<vmem>> -> memref<80xi32, #tpu.memory_space<vmem>>
      %dma_start3A_195 = arith.constant 0 : i32
      %dma_start3A_196 = arith.constant 0 : i32
      %dma_start3A_197 = tpu.memref_slice %arg14[%dma_start3A_195, %dma_start3A_196] : memref<10000x64xbf16, #tpu.memory_space<vmem_shared>> -> memref<10000x64xbf16, #tpu.memory_space<vmem_shared>>
      tpu.enqueue_indirect_dma source(%arg10 : memref<80x64xbf16, #tpu.memory_space<vmem>>) target(%dma_start3A_197 : memref<10000x64xbf16, #tpu.memory_space<vmem_shared>>) offsets(%dma_start3A_194 : memref<80xi32, #tpu.memory_space<vmem>>) semaphore(%arg21 : memref<!tpu.dma_semaphore, #tpu.memory_space<semaphore_mem>>) {add = true}
      %dma_wait3A_198 = arith.constant 0 : i32
      %dma_wait3A_199 = tpu.memref_slice %arg8[%add3A_185, %dma_wait3A_198] : memref<125x80xi32, #tpu.memory_space<vmem>> -> memref<1x80xi32, #tpu.memory_space<vmem>>
      %dma_wait3A_200 = tpu.memref_squeeze %dma_wait3A_199 : memref<1x80xi32, #tpu.memory_space<vmem>> -> memref<80xi32, #tpu.memory_space<vmem>>
      %dma_wait3A_201 = arith.constant 0 : i32
      %dma_wait3A_202 = arith.constant 0 : i32
      %dma_wait3A_203 = tpu.memref_slice %arg14[%dma_wait3A_201, %dma_wait3A_202] : memref<10000x64xbf16, #tpu.memory_space<vmem_shared>> -> memref<10000x64xbf16, #tpu.memory_space<vmem_shared>>
      tpu.wait_indirect_dma semaphore(%arg21 : memref<!tpu.dma_semaphore, #tpu.memory_space<semaphore_mem>>) src(%arg10 : memref<80x64xbf16, #tpu.memory_space<vmem>>) dst(%dma_wait3A_203 : memref<10000x64xbf16, #tpu.memory_space<vmem_shared>>)
      %add3A_204 = arith.constant 5 : i32
      %add3A_205 = arith.addi %add3A_185, %add3A_204 : i32
      %dma_start3A_206 = arith.constant 0 : i32
      %dma_start3A_207 = tpu.memref_slice %arg7[%add3A_205, %dma_start3A_206] : memref<125x80xi32, #tpu.memory_space<vmem>> -> memref<1x80xi32, #tpu.memory_space<vmem>>
      %dma_start3A_208 = tpu.memref_squeeze %dma_start3A_207 : memref<1x80xi32, #tpu.memory_space<vmem>> -> memref<80xi32, #tpu.memory_space<vmem>>
      %dma_start3A_209 = arith.constant 0 : i32
      %dma_start3A_210 = arith.constant 0 : i32
      %dma_start3A_211 = tpu.memref_slice %arg2[%dma_start3A_209, %dma_start3A_210] : memref<10000x64xbf16, #tpu.memory_space<hbm>> -> memref<10000x64xbf16, #tpu.memory_space<hbm>>
      tpu.enqueue_indirect_dma source(%dma_start3A_211 : memref<10000x64xbf16, #tpu.memory_space<hbm>>) target(%arg10 : memref<80x64xbf16, #tpu.memory_space<vmem>>) offsets(%dma_start3A_208 : memref<80xi32, #tpu.memory_space<vmem>>) semaphore(%arg16 : memref<!tpu.dma_semaphore, #tpu.memory_space<semaphore_mem>>)
      %add3A_212 = arith.constant 2 : i32
      %add3A_213 = arith.addi %mul3A_155, %add3A_212 : i32
      %dma_wait3A_214 = arith.constant 0 : i32
      %dma_wait3A_215 = tpu.memref_slice %arg7[%add3A_213, %dma_wait3A_214] : memref<125x80xi32, #tpu.memory_space<vmem>> -> memref<1x80xi32, #tpu.memory_space<vmem>>
      %dma_wait3A_216 = tpu.memref_squeeze %dma_wait3A_215 : memref<1x80xi32, #tpu.memory_space<vmem>> -> memref<80xi32, #tpu.memory_space<vmem>>
      %dma_wait3A_217 = arith.constant 0 : i32
      %dma_wait3A_218 = arith.constant 0 : i32
      %dma_wait3A_219 = tpu.memref_slice %arg2[%dma_wait3A_217, %dma_wait3A_218] : memref<10000x64xbf16, #tpu.memory_space<hbm>> -> memref<10000x64xbf16, #tpu.memory_space<hbm>>
      tpu.wait_indirect_dma semaphore(%arg17 : memref<!tpu.dma_semaphore, #tpu.memory_space<semaphore_mem>>) src(%dma_wait3A_219 : memref<10000x64xbf16, #tpu.memory_space<hbm>>) dst(%arg11 : memref<80x64xbf16, #tpu.memory_space<vmem>>)
      %dma_start3A_220 = arith.constant 0 : i32
      %dma_start3A_221 = tpu.memref_slice %arg8[%add3A_213, %dma_start3A_220] : memref<125x80xi32, #tpu.memory_space<vmem>> -> memref<1x80xi32, #tpu.memory_space<vmem>>
      %dma_start3A_222 = tpu.memref_squeeze %dma_start3A_221 : memref<1x80xi32, #tpu.memory_space<vmem>> -> memref<80xi32, #tpu.memory_space<vmem>>
      %dma_start3A_223 = arith.constant 0 : i32
      %dma_start3A_224 = arith.constant 0 : i32
      %dma_start3A_225 = tpu.memref_slice %arg14[%dma_start3A_223, %dma_start3A_224] : memref<10000x64xbf16, #tpu.memory_space<vmem_shared>> -> memref<10000x64xbf16, #tpu.memory_space<vmem_shared>>
      tpu.enqueue_indirect_dma source(%arg11 : memref<80x64xbf16, #tpu.memory_space<vmem>>) target(%dma_start3A_225 : memref<10000x64xbf16, #tpu.memory_space<vmem_shared>>) offsets(%dma_start3A_222 : memref<80xi32, #tpu.memory_space<vmem>>) semaphore(%arg22 : memref<!tpu.dma_semaphore, #tpu.memory_space<semaphore_mem>>) {add = true}
      %dma_wait3A_226 = arith.constant 0 : i32
      %dma_wait3A_227 = tpu.memref_slice %arg8[%add3A_213, %dma_wait3A_226] : memref<125x80xi32, #tpu.memory_space<vmem>> -> memref<1x80xi32, #tpu.memory_space<vmem>>
      %dma_wait3A_228 = tpu.memref_squeeze %dma_wait3A_227 : memref<1x80xi32, #tpu.memory_space<vmem>> -> memref<80xi32, #tpu.memory_space<vmem>>
      %dma_wait3A_229 = arith.constant 0 : i32
      %dma_wait3A_230 = arith.constant 0 : i32
      %dma_wait3A_231 = tpu.memref_slice %arg14[%dma_wait3A_229, %dma_wait3A_230] : memref<10000x64xbf16, #tpu.memory_space<vmem_shared>> -> memref<10000x64xbf16, #tpu.memory_space<vmem_shared>>
      tpu.wait_indirect_dma semaphore(%arg22 : memref<!tpu.dma_semaphore, #tpu.memory_space<semaphore_mem>>) src(%arg11 : memref<80x64xbf16, #tpu.memory_space<vmem>>) dst(%dma_wait3A_231 : memref<10000x64xbf16, #tpu.memory_space<vmem_shared>>)
      %add3A_232 = arith.constant 5 : i32
      %add3A_233 = arith.addi %add3A_213, %add3A_232 : i32
      %dma_start3A_234 = arith.constant 0 : i32
      %dma_start3A_235 = tpu.memref_slice %arg7[%add3A_233, %dma_start3A_234] : memref<125x80xi32, #tpu.memory_space<vmem>> -> memref<1x80xi32, #tpu.memory_space<vmem>>
      %dma_start3A_236 = tpu.memref_squeeze %dma_start3A_235 : memref<1x80xi32, #tpu.memory_space<vmem>> -> memref<80xi32, #tpu.memory_space<vmem>>
      %dma_start3A_237 = arith.constant 0 : i32
      %dma_start3A_238 = arith.constant 0 : i32
      %dma_start3A_239 = tpu.memref_slice %arg2[%dma_start3A_237, %dma_start3A_238] : memref<10000x64xbf16, #tpu.memory_space<hbm>> -> memref<10000x64xbf16, #tpu.memory_space<hbm>>
      tpu.enqueue_indirect_dma source(%dma_start3A_239 : memref<10000x64xbf16, #tpu.memory_space<hbm>>) target(%arg11 : memref<80x64xbf16, #tpu.memory_space<vmem>>) offsets(%dma_start3A_236 : memref<80xi32, #tpu.memory_space<vmem>>) semaphore(%arg17 : memref<!tpu.dma_semaphore, #tpu.memory_space<semaphore_mem>>)
      %add3A_240 = arith.constant 3 : i32
      %add3A_241 = arith.addi %mul3A_155, %add3A_240 : i32
      %dma_wait3A_242 = arith.constant 0 : i32
      %dma_wait3A_243 = tpu.memref_slice %arg7[%add3A_241, %dma_wait3A_242] : memref<125x80xi32, #tpu.memory_space<vmem>> -> memref<1x80xi32, #tpu.memory_space<vmem>>
      %dma_wait3A_244 = tpu.memref_squeeze %dma_wait3A_243 : memref<1x80xi32, #tpu.memory_space<vmem>> -> memref<80xi32, #tpu.memory_space<vmem>>
      %dma_wait3A_245 = arith.constant 0 : i32
      %dma_wait3A_246 = arith.constant 0 : i32
      %dma_wait3A_247 = tpu.memref_slice %arg2[%dma_wait3A_245, %dma_wait3A_246] : memref<10000x64xbf16, #tpu.memory_space<hbm>> -> memref<10000x64xbf16, #tpu.memory_space<hbm>>
      tpu.wait_indirect_dma semaphore(%arg18 : memref<!tpu.dma_semaphore, #tpu.memory_space<semaphore_mem>>) src(%dma_wait3A_247 : memref<10000x64xbf16, #tpu.memory_space<hbm>>) dst(%arg12 : memref<80x64xbf16, #tpu.memory_space<vmem>>)
      %dma_start3A_248 = arith.constant 0 : i32
      %dma_start3A_249 = tpu.memref_slice %arg8[%add3A_241, %dma_start3A_248] : memref<125x80xi32, #tpu.memory_space<vmem>> -> memref<1x80xi32, #tpu.memory_space<vmem>>
      %dma_start3A_250 = tpu.memref_squeeze %dma_start3A_249 : memref<1x80xi32, #tpu.memory_space<vmem>> -> memref<80xi32, #tpu.memory_space<vmem>>
      %dma_start3A_251 = arith.constant 0 : i32
      %dma_start3A_252 = arith.constant 0 : i32
      %dma_start3A_253 = tpu.memref_slice %arg14[%dma_start3A_251, %dma_start3A_252] : memref<10000x64xbf16, #tpu.memory_space<vmem_shared>> -> memref<10000x64xbf16, #tpu.memory_space<vmem_shared>>
      tpu.enqueue_indirect_dma source(%arg12 : memref<80x64xbf16, #tpu.memory_space<vmem>>) target(%dma_start3A_253 : memref<10000x64xbf16, #tpu.memory_space<vmem_shared>>) offsets(%dma_start3A_250 : memref<80xi32, #tpu.memory_space<vmem>>) semaphore(%arg23 : memref<!tpu.dma_semaphore, #tpu.memory_space<semaphore_mem>>) {add = true}
      %dma_wait3A_254 = arith.constant 0 : i32
      %dma_wait3A_255 = tpu.memref_slice %arg8[%add3A_241, %dma_wait3A_254] : memref<125x80xi32, #tpu.memory_space<vmem>> -> memref<1x80xi32, #tpu.memory_space<vmem>>
      %dma_wait3A_256 = tpu.memref_squeeze %dma_wait3A_255 : memref<1x80xi32, #tpu.memory_space<vmem>> -> memref<80xi32, #tpu.memory_space<vmem>>
      %dma_wait3A_257 = arith.constant 0 : i32
      %dma_wait3A_258 = arith.constant 0 : i32
      %dma_wait3A_259 = tpu.memref_slice %arg14[%dma_wait3A_257, %dma_wait3A_258] : memref<10000x64xbf16, #tpu.memory_space<vmem_shared>> -> memref<10000x64xbf16, #tpu.memory_space<vmem_shared>>
      tpu.wait_indirect_dma semaphore(%arg23 : memref<!tpu.dma_semaphore, #tpu.memory_space<semaphore_mem>>) src(%arg12 : memref<80x64xbf16, #tpu.memory_space<vmem>>) dst(%dma_wait3A_259 : memref<10000x64xbf16, #tpu.memory_space<vmem_shared>>)
      %add3A_260 = arith.constant 5 : i32
      %add3A_261 = arith.addi %add3A_241, %add3A_260 : i32
      %dma_start3A_262 = arith.constant 0 : i32
      %dma_start3A_263 = tpu.memref_slice %arg7[%add3A_261, %dma_start3A_262] : memref<125x80xi32, #tpu.memory_space<vmem>> -> memref<1x80xi32, #tpu.memory_space<vmem>>
      %dma_start3A_264 = tpu.memref_squeeze %dma_start3A_263 : memref<1x80xi32, #tpu.memory_space<vmem>> -> memref<80xi32, #tpu.memory_space<vmem>>
      %dma_start3A_265 = arith.constant 0 : i32
      %dma_start3A_266 = arith.constant 0 : i32
      %dma_start3A_267 = tpu.memref_slice %arg2[%dma_start3A_265, %dma_start3A_266] : memref<10000x64xbf16, #tpu.memory_space<hbm>> -> memref<10000x64xbf16, #tpu.memory_space<hbm>>
      tpu.enqueue_indirect_dma source(%dma_start3A_267 : memref<10000x64xbf16, #tpu.memory_space<hbm>>) target(%arg12 : memref<80x64xbf16, #tpu.memory_space<vmem>>) offsets(%dma_start3A_264 : memref<80xi32, #tpu.memory_space<vmem>>) semaphore(%arg18 : memref<!tpu.dma_semaphore, #tpu.memory_space<semaphore_mem>>)
      %add3A_268 = arith.constant 4 : i32
      %add3A_269 = arith.addi %mul3A_155, %add3A_268 : i32
      %dma_wait3A_270 = arith.constant 0 : i32
      %dma_wait3A_271 = tpu.memref_slice %arg7[%add3A_269, %dma_wait3A_270] : memref<125x80xi32, #tpu.memory_space<vmem>> -> memref<1x80xi32, #tpu.memory_space<vmem>>
      %dma_wait3A_272 = tpu.memref_squeeze %dma_wait3A_271 : memref<1x80xi32, #tpu.memory_space<vmem>> -> memref<80xi32, #tpu.memory_space<vmem>>
      %dma_wait3A_273 = arith.constant 0 : i32
      %dma_wait3A_274 = arith.constant 0 : i32
      %dma_wait3A_275 = tpu.memref_slice %arg2[%dma_wait3A_273, %dma_wait3A_274] : memref<10000x64xbf16, #tpu.memory_space<hbm>> -> memref<10000x64xbf16, #tpu.memory_space<hbm>>
      tpu.wait_indirect_dma semaphore(%arg19 : memref<!tpu.dma_semaphore, #tpu.memory_space<semaphore_mem>>) src(%dma_wait3A_275 : memref<10000x64xbf16, #tpu.memory_space<hbm>>) dst(%arg13 : memref<80x64xbf16, #tpu.memory_space<vmem>>)
      %dma_start3A_276 = arith.constant 0 : i32
      %dma_start3A_277 = tpu.memref_slice %arg8[%add3A_269, %dma_start3A_276] : memref<125x80xi32, #tpu.memory_space<vmem>> -> memref<1x80xi32, #tpu.memory_space<vmem>>
      %dma_start3A_278 = tpu.memref_squeeze %dma_start3A_277 : memref<1x80xi32, #tpu.memory_space<vmem>> -> memref<80xi32, #tpu.memory_space<vmem>>
      %dma_start3A_279 = arith.constant 0 : i32
      %dma_start3A_280 = arith.constant 0 : i32
      %dma_start3A_281 = tpu.memref_slice %arg14[%dma_start3A_279, %dma_start3A_280] : memref<10000x64xbf16, #tpu.memory_space<vmem_shared>> -> memref<10000x64xbf16, #tpu.memory_space<vmem_shared>>
      tpu.enqueue_indirect_dma source(%arg13 : memref<80x64xbf16, #tpu.memory_space<vmem>>) target(%dma_start3A_281 : memref<10000x64xbf16, #tpu.memory_space<vmem_shared>>) offsets(%dma_start3A_278 : memref<80xi32, #tpu.memory_space<vmem>>) semaphore(%arg24 : memref<!tpu.dma_semaphore, #tpu.memory_space<semaphore_mem>>) {add = true}
      %dma_wait3A_282 = arith.constant 0 : i32
      %dma_wait3A_283 = tpu.memref_slice %arg8[%add3A_269, %dma_wait3A_282] : memref<125x80xi32, #tpu.memory_space<vmem>> -> memref<1x80xi32, #tpu.memory_space<vmem>>
      %dma_wait3A_284 = tpu.memref_squeeze %dma_wait3A_283 : memref<1x80xi32, #tpu.memory_space<vmem>> -> memref<80xi32, #tpu.memory_space<vmem>>
      %dma_wait3A_285 = arith.constant 0 : i32
      %dma_wait3A_286 = arith.constant 0 : i32
      %dma_wait3A_287 = tpu.memref_slice %arg14[%dma_wait3A_285, %dma_wait3A_286] : memref<10000x64xbf16, #tpu.memory_space<vmem_shared>> -> memref<10000x64xbf16, #tpu.memory_space<vmem_shared>>
      tpu.wait_indirect_dma semaphore(%arg24 : memref<!tpu.dma_semaphore, #tpu.memory_space<semaphore_mem>>) src(%arg13 : memref<80x64xbf16, #tpu.memory_space<vmem>>) dst(%dma_wait3A_287 : memref<10000x64xbf16, #tpu.memory_space<vmem_shared>>)
      %add3A_288 = arith.constant 5 : i32
      %add3A_289 = arith.addi %add3A_269, %add3A_288 : i32
      %dma_start3A_290 = arith.constant 0 : i32
      %dma_start3A_291 = tpu.memref_slice %arg7[%add3A_289, %dma_start3A_290] : memref<125x80xi32, #tpu.memory_space<vmem>> -> memref<1x80xi32, #tpu.memory_space<vmem>>
      %dma_start3A_292 = tpu.memref_squeeze %dma_start3A_291 : memref<1x80xi32, #tpu.memory_space<vmem>> -> memref<80xi32, #tpu.memory_space<vmem>>
      %dma_start3A_293 = arith.constant 0 : i32
      %dma_start3A_294 = arith.constant 0 : i32
      %dma_start3A_295 = tpu.memref_slice %arg2[%dma_start3A_293, %dma_start3A_294] : memref<10000x64xbf16, #tpu.memory_space<hbm>> -> memref<10000x64xbf16, #tpu.memory_space<hbm>>
      tpu.enqueue_indirect_dma source(%dma_start3A_295 : memref<10000x64xbf16, #tpu.memory_space<hbm>>) target(%arg13 : memref<80x64xbf16, #tpu.memory_space<vmem>>) offsets(%dma_start3A_292 : memref<80xi32, #tpu.memory_space<vmem>>) semaphore(%arg19 : memref<!tpu.dma_semaphore, #tpu.memory_space<semaphore_mem>>)
    }
    %scan3A_43 = arith.constant 24 : i32
    %dma_wait3A = arith.constant 120 : i32
    %dma_wait3A_44 = arith.constant 0 : i32
    %dma_wait3A_45 = tpu.memref_slice %arg7[%dma_wait3A, %dma_wait3A_44] : memref<125x80xi32, #tpu.memory_space<vmem>> -> memref<1x80xi32, #tpu.memory_space<vmem>>
    %dma_wait3A_46 = tpu.memref_squeeze %dma_wait3A_45 : memref<1x80xi32, #tpu.memory_space<vmem>> -> memref<80xi32, #tpu.memory_space<vmem>>
    %dma_wait3A_47 = arith.constant 0 : i32
    %dma_wait3A_48 = arith.constant 0 : i32
    %dma_wait3A_49 = tpu.memref_slice %arg2[%dma_wait3A_47, %dma_wait3A_48] : memref<10000x64xbf16, #tpu.memory_space<hbm>> -> memref<10000x64xbf16, #tpu.memory_space<hbm>>
    tpu.wait_indirect_dma semaphore(%arg15 : memref<!tpu.dma_semaphore, #tpu.memory_space<semaphore_mem>>) src(%dma_wait3A_49 : memref<10000x64xbf16, #tpu.memory_space<hbm>>) dst(%arg9 : memref<80x64xbf16, #tpu.memory_space<vmem>>)
    %dma_start3A_50 = arith.constant 120 : i32
    %dma_start3A_51 = arith.constant 0 : i32
    %dma_start3A_52 = tpu.memref_slice %arg8[%dma_start3A_50, %dma_start3A_51] : memref<125x80xi32, #tpu.memory_space<vmem>> -> memref<1x80xi32, #tpu.memory_space<vmem>>
    %dma_start3A_53 = tpu.memref_squeeze %dma_start3A_52 : memref<1x80xi32, #tpu.memory_space<vmem>> -> memref<80xi32, #tpu.memory_space<vmem>>
    %dma_start3A_54 = arith.constant 0 : i32
    %dma_start3A_55 = arith.constant 0 : i32
    %dma_start3A_56 = tpu.memref_slice %arg14[%dma_start3A_54, %dma_start3A_55] : memref<10000x64xbf16, #tpu.memory_space<vmem_shared>> -> memref<10000x64xbf16, #tpu.memory_space<vmem_shared>>
    tpu.enqueue_indirect_dma source(%arg9 : memref<80x64xbf16, #tpu.memory_space<vmem>>) target(%dma_start3A_56 : memref<10000x64xbf16, #tpu.memory_space<vmem_shared>>) offsets(%dma_start3A_53 : memref<80xi32, #tpu.memory_space<vmem>>) semaphore(%arg20 : memref<!tpu.dma_semaphore, #tpu.memory_space<semaphore_mem>>) {add = true}
    %dma_wait3A_57 = arith.constant 121 : i32
    %dma_wait3A_58 = arith.constant 0 : i32
    %dma_wait3A_59 = tpu.memref_slice %arg7[%dma_wait3A_57, %dma_wait3A_58] : memref<125x80xi32, #tpu.memory_space<vmem>> -> memref<1x80xi32, #tpu.memory_space<vmem>>
    %dma_wait3A_60 = tpu.memref_squeeze %dma_wait3A_59 : memref<1x80xi32, #tpu.memory_space<vmem>> -> memref<80xi32, #tpu.memory_space<vmem>>
    %dma_wait3A_61 = arith.constant 0 : i32
    %dma_wait3A_62 = arith.constant 0 : i32
    %dma_wait3A_63 = tpu.memref_slice %arg2[%dma_wait3A_61, %dma_wait3A_62] : memref<10000x64xbf16, #tpu.memory_space<hbm>> -> memref<10000x64xbf16, #tpu.memory_space<hbm>>
    tpu.wait_indirect_dma semaphore(%arg16 : memref<!tpu.dma_semaphore, #tpu.memory_space<semaphore_mem>>) src(%dma_wait3A_63 : memref<10000x64xbf16, #tpu.memory_space<hbm>>) dst(%arg10 : memref<80x64xbf16, #tpu.memory_space<vmem>>)
    %dma_start3A_64 = arith.constant 121 : i32
    %dma_start3A_65 = arith.constant 0 : i32
    %dma_start3A_66 = tpu.memref_slice %arg8[%dma_start3A_64, %dma_start3A_65] : memref<125x80xi32, #tpu.memory_space<vmem>> -> memref<1x80xi32, #tpu.memory_space<vmem>>
    %dma_start3A_67 = tpu.memref_squeeze %dma_start3A_66 : memref<1x80xi32, #tpu.memory_space<vmem>> -> memref<80xi32, #tpu.memory_space<vmem>>
    %dma_start3A_68 = arith.constant 0 : i32
    %dma_start3A_69 = arith.constant 0 : i32
    %dma_start3A_70 = tpu.memref_slice %arg14[%dma_start3A_68, %dma_start3A_69] : memref<10000x64xbf16, #tpu.memory_space<vmem_shared>> -> memref<10000x64xbf16, #tpu.memory_space<vmem_shared>>
    tpu.enqueue_indirect_dma source(%arg10 : memref<80x64xbf16, #tpu.memory_space<vmem>>) target(%dma_start3A_70 : memref<10000x64xbf16, #tpu.memory_space<vmem_shared>>) offsets(%dma_start3A_67 : memref<80xi32, #tpu.memory_space<vmem>>) semaphore(%arg21 : memref<!tpu.dma_semaphore, #tpu.memory_space<semaphore_mem>>) {add = true}
    %dma_wait3A_71 = arith.constant 122 : i32
    %dma_wait3A_72 = arith.constant 0 : i32
    %dma_wait3A_73 = tpu.memref_slice %arg7[%dma_wait3A_71, %dma_wait3A_72] : memref<125x80xi32, #tpu.memory_space<vmem>> -> memref<1x80xi32, #tpu.memory_space<vmem>>
    %dma_wait3A_74 = tpu.memref_squeeze %dma_wait3A_73 : memref<1x80xi32, #tpu.memory_space<vmem>> -> memref<80xi32, #tpu.memory_space<vmem>>
    %dma_wait3A_75 = arith.constant 0 : i32
    %dma_wait3A_76 = arith.constant 0 : i32
    %dma_wait3A_77 = tpu.memref_slice %arg2[%dma_wait3A_75, %dma_wait3A_76] : memref<10000x64xbf16, #tpu.memory_space<hbm>> -> memref<10000x64xbf16, #tpu.memory_space<hbm>>
    tpu.wait_indirect_dma semaphore(%arg17 : memref<!tpu.dma_semaphore, #tpu.memory_space<semaphore_mem>>) src(%dma_wait3A_77 : memref<10000x64xbf16, #tpu.memory_space<hbm>>) dst(%arg11 : memref<80x64xbf16, #tpu.memory_space<vmem>>)
    %dma_start3A_78 = arith.constant 122 : i32
    %dma_start3A_79 = arith.constant 0 : i32
    %dma_start3A_80 = tpu.memref_slice %arg8[%dma_start3A_78, %dma_start3A_79] : memref<125x80xi32, #tpu.memory_space<vmem>> -> memref<1x80xi32, #tpu.memory_space<vmem>>
    %dma_start3A_81 = tpu.memref_squeeze %dma_start3A_80 : memref<1x80xi32, #tpu.memory_space<vmem>> -> memref<80xi32, #tpu.memory_space<vmem>>
    %dma_start3A_82 = arith.constant 0 : i32
    %dma_start3A_83 = arith.constant 0 : i32
    %dma_start3A_84 = tpu.memref_slice %arg14[%dma_start3A_82, %dma_start3A_83] : memref<10000x64xbf16, #tpu.memory_space<vmem_shared>> -> memref<10000x64xbf16, #tpu.memory_space<vmem_shared>>
    tpu.enqueue_indirect_dma source(%arg11 : memref<80x64xbf16, #tpu.memory_space<vmem>>) target(%dma_start3A_84 : memref<10000x64xbf16, #tpu.memory_space<vmem_shared>>) offsets(%dma_start3A_81 : memref<80xi32, #tpu.memory_space<vmem>>) semaphore(%arg22 : memref<!tpu.dma_semaphore, #tpu.memory_space<semaphore_mem>>) {add = true}
    %dma_wait3A_85 = arith.constant 123 : i32
    %dma_wait3A_86 = arith.constant 0 : i32
    %dma_wait3A_87 = tpu.memref_slice %arg7[%dma_wait3A_85, %dma_wait3A_86] : memref<125x80xi32, #tpu.memory_space<vmem>> -> memref<1x80xi32, #tpu.memory_space<vmem>>
    %dma_wait3A_88 = tpu.memref_squeeze %dma_wait3A_87 : memref<1x80xi32, #tpu.memory_space<vmem>> -> memref<80xi32, #tpu.memory_space<vmem>>
    %dma_wait3A_89 = arith.constant 0 : i32
    %dma_wait3A_90 = arith.constant 0 : i32
    %dma_wait3A_91 = tpu.memref_slice %arg2[%dma_wait3A_89, %dma_wait3A_90] : memref<10000x64xbf16, #tpu.memory_space<hbm>> -> memref<10000x64xbf16, #tpu.memory_space<hbm>>
    tpu.wait_indirect_dma semaphore(%arg18 : memref<!tpu.dma_semaphore, #tpu.memory_space<semaphore_mem>>) src(%dma_wait3A_91 : memref<10000x64xbf16, #tpu.memory_space<hbm>>) dst(%arg12 : memref<80x64xbf16, #tpu.memory_space<vmem>>)
    %dma_start3A_92 = arith.constant 123 : i32
    %dma_start3A_93 = arith.constant 0 : i32
    %dma_start3A_94 = tpu.memref_slice %arg8[%dma_start3A_92, %dma_start3A_93] : memref<125x80xi32, #tpu.memory_space<vmem>> -> memref<1x80xi32, #tpu.memory_space<vmem>>
    %dma_start3A_95 = tpu.memref_squeeze %dma_start3A_94 : memref<1x80xi32, #tpu.memory_space<vmem>> -> memref<80xi32, #tpu.memory_space<vmem>>
    %dma_start3A_96 = arith.constant 0 : i32
    %dma_start3A_97 = arith.constant 0 : i32
    %dma_start3A_98 = tpu.memref_slice %arg14[%dma_start3A_96, %dma_start3A_97] : memref<10000x64xbf16, #tpu.memory_space<vmem_shared>> -> memref<10000x64xbf16, #tpu.memory_space<vmem_shared>>
    tpu.enqueue_indirect_dma source(%arg12 : memref<80x64xbf16, #tpu.memory_space<vmem>>) target(%dma_start3A_98 : memref<10000x64xbf16, #tpu.memory_space<vmem_shared>>) offsets(%dma_start3A_95 : memref<80xi32, #tpu.memory_space<vmem>>) semaphore(%arg23 : memref<!tpu.dma_semaphore, #tpu.memory_space<semaphore_mem>>) {add = true}
    %dma_wait3A_99 = arith.constant 124 : i32
    %dma_wait3A_100 = arith.constant 0 : i32
    %dma_wait3A_101 = tpu.memref_slice %arg7[%dma_wait3A_99, %dma_wait3A_100] : memref<125x80xi32, #tpu.memory_space<vmem>> -> memref<1x80xi32, #tpu.memory_space<vmem>>
    %dma_wait3A_102 = tpu.memref_squeeze %dma_wait3A_101 : memref<1x80xi32, #tpu.memory_space<vmem>> -> memref<80xi32, #tpu.memory_space<vmem>>
    %dma_wait3A_103 = arith.constant 0 : i32
    %dma_wait3A_104 = arith.constant 0 : i32
    %dma_wait3A_105 = tpu.memref_slice %arg2[%dma_wait3A_103, %dma_wait3A_104] : memref<10000x64xbf16, #tpu.memory_space<hbm>> -> memref<10000x64xbf16, #tpu.memory_space<hbm>>
    tpu.wait_indirect_dma semaphore(%arg19 : memref<!tpu.dma_semaphore, #tpu.memory_space<semaphore_mem>>) src(%dma_wait3A_105 : memref<10000x64xbf16, #tpu.memory_space<hbm>>) dst(%arg13 : memref<80x64xbf16, #tpu.memory_space<vmem>>)
    %dma_start3A_106 = arith.constant 124 : i32
    %dma_start3A_107 = arith.constant 0 : i32
    %dma_start3A_108 = tpu.memref_slice %arg8[%dma_start3A_106, %dma_start3A_107] : memref<125x80xi32, #tpu.memory_space<vmem>> -> memref<1x80xi32, #tpu.memory_space<vmem>>
    %dma_start3A_109 = tpu.memref_squeeze %dma_start3A_108 : memref<1x80xi32, #tpu.memory_space<vmem>> -> memref<80xi32, #tpu.memory_space<vmem>>
    %dma_start3A_110 = arith.constant 0 : i32
    %dma_start3A_111 = arith.constant 0 : i32
    %dma_start3A_112 = tpu.memref_slice %arg14[%dma_start3A_110, %dma_start3A_111] : memref<10000x64xbf16, #tpu.memory_space<vmem_shared>> -> memref<10000x64xbf16, #tpu.memory_space<vmem_shared>>
    tpu.enqueue_indirect_dma source(%arg13 : memref<80x64xbf16, #tpu.memory_space<vmem>>) target(%dma_start3A_112 : memref<10000x64xbf16, #tpu.memory_space<vmem_shared>>) offsets(%dma_start3A_109 : memref<80xi32, #tpu.memory_space<vmem>>) semaphore(%arg24 : memref<!tpu.dma_semaphore, #tpu.memory_space<semaphore_mem>>) {add = true}
    %dma_wait3A_113 = arith.constant 120 : i32
    %dma_wait3A_114 = arith.constant 0 : i32
    %dma_wait3A_115 = tpu.memref_slice %arg8[%dma_wait3A_113, %dma_wait3A_114] : memref<125x80xi32, #tpu.memory_space<vmem>> -> memref<1x80xi32, #tpu.memory_space<vmem>>
    %dma_wait3A_116 = tpu.memref_squeeze %dma_wait3A_115 : memref<1x80xi32, #tpu.memory_space<vmem>> -> memref<80xi32, #tpu.memory_space<vmem>>
    %dma_wait3A_117 = arith.constant 0 : i32
    %dma_wait3A_118 = arith.constant 0 : i32
    %dma_wait3A_119 = tpu.memref_slice %arg14[%dma_wait3A_117, %dma_wait3A_118] : memref<10000x64xbf16, #tpu.memory_space<vmem_shared>> -> memref<10000x64xbf16, #tpu.memory_space<vmem_shared>>
    tpu.wait_indirect_dma semaphore(%arg20 : memref<!tpu.dma_semaphore, #tpu.memory_space<semaphore_mem>>) src(%arg9 : memref<80x64xbf16, #tpu.memory_space<vmem>>) dst(%dma_wait3A_119 : memref<10000x64xbf16, #tpu.memory_space<vmem_shared>>)
    %dma_wait3A_120 = arith.constant 121 : i32
    %dma_wait3A_121 = arith.constant 0 : i32
    %dma_wait3A_122 = tpu.memref_slice %arg8[%dma_wait3A_120, %dma_wait3A_121] : memref<125x80xi32, #tpu.memory_space<vmem>> -> memref<1x80xi32, #tpu.memory_space<vmem>>
    %dma_wait3A_123 = tpu.memref_squeeze %dma_wait3A_122 : memref<1x80xi32, #tpu.memory_space<vmem>> -> memref<80xi32, #tpu.memory_space<vmem>>
    %dma_wait3A_124 = arith.constant 0 : i32
    %dma_wait3A_125 = arith.constant 0 : i32
    %dma_wait3A_126 = tpu.memref_slice %arg14[%dma_wait3A_124, %dma_wait3A_125] : memref<10000x64xbf16, #tpu.memory_space<vmem_shared>> -> memref<10000x64xbf16, #tpu.memory_space<vmem_shared>>
    tpu.wait_indirect_dma semaphore(%arg21 : memref<!tpu.dma_semaphore, #tpu.memory_space<semaphore_mem>>) src(%arg10 : memref<80x64xbf16, #tpu.memory_space<vmem>>) dst(%dma_wait3A_126 : memref<10000x64xbf16, #tpu.memory_space<vmem_shared>>)
    %dma_wait3A_127 = arith.constant 122 : i32
    %dma_wait3A_128 = arith.constant 0 : i32
    %dma_wait3A_129 = tpu.memref_slice %arg8[%dma_wait3A_127, %dma_wait3A_128] : memref<125x80xi32, #tpu.memory_space<vmem>> -> memref<1x80xi32, #tpu.memory_space<vmem>>
    %dma_wait3A_130 = tpu.memref_squeeze %dma_wait3A_129 : memref<1x80xi32, #tpu.memory_space<vmem>> -> memref<80xi32, #tpu.memory_space<vmem>>
    %dma_wait3A_131 = arith.constant 0 : i32
    %dma_wait3A_132 = arith.constant 0 : i32
    %dma_wait3A_133 = tpu.memref_slice %arg14[%dma_wait3A_131, %dma_wait3A_132] : memref<10000x64xbf16, #tpu.memory_space<vmem_shared>> -> memref<10000x64xbf16, #tpu.memory_space<vmem_shared>>
    tpu.wait_indirect_dma semaphore(%arg22 : memref<!tpu.dma_semaphore, #tpu.memory_space<semaphore_mem>>) src(%arg11 : memref<80x64xbf16, #tpu.memory_space<vmem>>) dst(%dma_wait3A_133 : memref<10000x64xbf16, #tpu.memory_space<vmem_shared>>)
    %dma_wait3A_134 = arith.constant 123 : i32
    %dma_wait3A_135 = arith.constant 0 : i32
    %dma_wait3A_136 = tpu.memref_slice %arg8[%dma_wait3A_134, %dma_wait3A_135] : memref<125x80xi32, #tpu.memory_space<vmem>> -> memref<1x80xi32, #tpu.memory_space<vmem>>
    %dma_wait3A_137 = tpu.memref_squeeze %dma_wait3A_136 : memref<1x80xi32, #tpu.memory_space<vmem>> -> memref<80xi32, #tpu.memory_space<vmem>>
    %dma_wait3A_138 = arith.constant 0 : i32
    %dma_wait3A_139 = arith.constant 0 : i32
    %dma_wait3A_140 = tpu.memref_slice %arg14[%dma_wait3A_138, %dma_wait3A_139] : memref<10000x64xbf16, #tpu.memory_space<vmem_shared>> -> memref<10000x64xbf16, #tpu.memory_space<vmem_shared>>
    tpu.wait_indirect_dma semaphore(%arg23 : memref<!tpu.dma_semaphore, #tpu.memory_space<semaphore_mem>>) src(%arg12 : memref<80x64xbf16, #tpu.memory_space<vmem>>) dst(%dma_wait3A_140 : memref<10000x64xbf16, #tpu.memory_space<vmem_shared>>)
    %dma_wait3A_141 = arith.constant 124 : i32
    %dma_wait3A_142 = arith.constant 0 : i32
    %dma_wait3A_143 = tpu.memref_slice %arg8[%dma_wait3A_141, %dma_wait3A_142] : memref<125x80xi32, #tpu.memory_space<vmem>> -> memref<1x80xi32, #tpu.memory_space<vmem>>
    %dma_wait3A_144 = tpu.memref_squeeze %dma_wait3A_143 : memref<1x80xi32, #tpu.memory_space<vmem>> -> memref<80xi32, #tpu.memory_space<vmem>>
    %dma_wait3A_145 = arith.constant 0 : i32
    %dma_wait3A_146 = arith.constant 0 : i32
    %dma_wait3A_147 = tpu.memref_slice %arg14[%dma_wait3A_145, %dma_wait3A_146] : memref<10000x64xbf16, #tpu.memory_space<vmem_shared>> -> memref<10000x64xbf16, #tpu.memory_space<vmem_shared>>
    tpu.wait_indirect_dma semaphore(%arg24 : memref<!tpu.dma_semaphore, #tpu.memory_space<semaphore_mem>>) src(%arg13 : memref<80x64xbf16, #tpu.memory_space<vmem>>) dst(%dma_wait3A_147 : memref<10000x64xbf16, #tpu.memory_space<vmem_shared>>)
    %barrier3A_148 = arith.constant 0 : index
    tpu.barrier barrier_id(%barrier3A_148)
    %mul3A_149 = arith.constant 625 : i32
    %mul3A_150 = arith.muli %arg1, %mul3A_149 : i32
    %mul3A_151 = arith.constant 625 : i32
    %mul3A_152 = arith.muli %arg1, %mul3A_151 : i32
    "tpu.region"() ({
      %run_scoped3A = tpu.sem_alloc : memref<!tpu.dma_semaphore, #tpu.memory_space<semaphore_mem>>
      %dma_start3A_153 = arith.constant 0 : i32
      %dma_start3A_154 = tpu.memref_slice %arg6[%arg0, %mul3A_152, %dma_start3A_153] : memref<2x10000x64xbf16, #tpu.memory_space<hbm>> -> memref<1x625x64xbf16, #tpu.memory_space<hbm>>
      %dma_start3A_155 = tpu.memref_squeeze %dma_start3A_154 : memref<1x625x64xbf16, #tpu.memory_space<hbm>> -> memref<625x64xbf16, #tpu.memory_space<hbm>>
      %dma_start3A_156 = arith.constant 0 : i32
      %dma_start3A_157 = tpu.memref_slice %arg14[%mul3A_150, %dma_start3A_156] : memref<10000x64xbf16, #tpu.memory_space<vmem_shared>> -> memref<625x64xbf16, #tpu.memory_space<vmem_shared>>
      tpu.enqueue_dma source(%dma_start3A_157 : memref<625x64xbf16, #tpu.memory_space<vmem_shared>>) target(%dma_start3A_155 : memref<625x64xbf16, #tpu.memory_space<hbm>>) target_semaphore(%run_scoped3A : memref<!tpu.dma_semaphore, #tpu.memory_space<semaphore_mem>>)
      %dma_wait3A_158 = arith.constant 0 : i32
      %dma_wait3A_159 = tpu.memref_slice %arg6[%arg0, %mul3A_152, %dma_wait3A_158] : memref<2x10000x64xbf16, #tpu.memory_space<hbm>> -> memref<1x625x64xbf16, #tpu.memory_space<hbm>>
      %dma_wait3A_160 = tpu.memref_squeeze %dma_wait3A_159 : memref<1x625x64xbf16, #tpu.memory_space<hbm>> -> memref<625x64xbf16, #tpu.memory_space<hbm>>
      %dma_wait3A_161 = arith.constant 0 : i32
      %dma_wait3A_162 = tpu.memref_slice %arg14[%mul3A_150, %dma_wait3A_161] : memref<10000x64xbf16, #tpu.memory_space<vmem_shared>> -> memref<625x64xbf16, #tpu.memory_space<vmem_shared>>
      tpu.wait_dma2 semaphore(%run_scoped3A : memref<!tpu.dma_semaphore, #tpu.memory_space<semaphore_mem>>) src(%dma_wait3A_162 : memref<625x64xbf16, #tpu.memory_space<vmem_shared>>) dst(%dma_wait3A_160 : memref<625x64xbf16, #tpu.memory_space<hbm>>)
      tpu.yield
    }) : () -> ()
    return
  }
}

#map = affine_map<(d0, d1) -> (0, 0)>
#map1 = affine_map<(d0, d1) -> (0, 0, 0)>
module attributes {stable_mosaic.version = 14 : i64} {
  func.func @_seg_body(%arg0: i32, %arg1: i32, %arg2: memref<10000x64xbf16, #tpu.memory_space<hbm>>, %arg3: memref<4000x80xi32, #tpu.memory_space<hbm>>, %arg4: memref<4000x80xi32, #tpu.memory_space<hbm>>, %arg5: memref<625x64xbf16, #tpu.memory_space<hbm>>, %arg6: memref<2x10000x64xbf16, #tpu.memory_space<hbm>>, %arg7: memref<125x80xi32, #tpu.memory_space<vmem>>, %arg8: memref<125x80xi32, #tpu.memory_space<vmem>>, %arg9: memref<80x64xbf16, #tpu.memory_space<vmem>>, %arg10: memref<80x64xbf16, #tpu.memory_space<vmem>>, %arg11: memref<80x64xbf16, #tpu.memory_space<vmem>>, %arg12: memref<80x64xbf16, #tpu.memory_space<vmem>>, %arg13: memref<80x64xbf16, #tpu.memory_space<vmem>>, %arg14: memref<10000x64xbf16, #tpu.memory_space<vmem_shared>>, %arg15: memref<!tpu.dma_semaphore, #tpu.memory_space<semaphore_mem>>, %arg16: memref<!tpu.dma_semaphore, #tpu.memory_space<semaphore_mem>>, %arg17: memref<!tpu.dma_semaphore, #tpu.memory_space<semaphore_mem>>, %arg18: memref<!tpu.dma_semaphore, #tpu.memory_space<semaphore_mem>>, %arg19: memref<!tpu.dma_semaphore, #tpu.memory_space<semaphore_mem>>, %arg20: memref<!tpu.dma_semaphore, #tpu.memory_space<semaphore_mem>>, %arg21: memref<!tpu.dma_semaphore, #tpu.memory_space<semaphore_mem>>, %arg22: memref<!tpu.dma_semaphore, #tpu.memory_space<semaphore_mem>>, %arg23: memref<!tpu.dma_semaphore, #tpu.memory_space<semaphore_mem>>, %arg24: memref<!tpu.dma_semaphore, #tpu.memory_space<semaphore_mem>>) attributes {dimension_semantics = [#tpu.dimension_semantics<core_parallel>, #tpu.dimension_semantics<subcore_parallel>], iteration_bounds = array<i64: 2, 16>, scalar_prefetch = 0 : i64, scratch_operands = 18 : i64, tpu.core_type = #tpu.core_type<sc_vector_subcore>, window_params = [{transform_indices = #map}, {transform_indices = #map}, {transform_indices = #map}, {transform_indices = #map}, {transform_indices = #map1}]} {
    %mul3A = arith.constant 625 : i32
    %mul3A_0 = arith.muli %arg1, %mul3A : i32
    "tpu.region"() ({
      %run_scoped3A = tpu.sem_alloc : memref<!tpu.dma_semaphore, #tpu.memory_space<semaphore_mem>>
      %dma_start3A_153 = arith.constant 0 : i32
      %dma_start3A_154 = tpu.memref_slice %arg14[%mul3A_0, %dma_start3A_153] : memref<10000x64xbf16, #tpu.memory_space<vmem_shared>> -> memref<625x64xbf16, #tpu.memory_space<vmem_shared>>
      tpu.enqueue_dma source(%arg5 : memref<625x64xbf16, #tpu.memory_space<hbm>>) target(%dma_start3A_154 : memref<625x64xbf16, #tpu.memory_space<vmem_shared>>) target_semaphore(%run_scoped3A : memref<!tpu.dma_semaphore, #tpu.memory_space<semaphore_mem>>)
      %dma_wait3A_155 = arith.constant 0 : i32
      %dma_wait3A_156 = tpu.memref_slice %arg14[%mul3A_0, %dma_wait3A_155] : memref<10000x64xbf16, #tpu.memory_space<vmem_shared>> -> memref<625x64xbf16, #tpu.memory_space<vmem_shared>>
      tpu.wait_dma2 semaphore(%run_scoped3A : memref<!tpu.dma_semaphore, #tpu.memory_space<semaphore_mem>>) src(%arg5 : memref<625x64xbf16, #tpu.memory_space<hbm>>) dst(%dma_wait3A_156 : memref<625x64xbf16, #tpu.memory_space<vmem_shared>>)
      tpu.yield
    }) : () -> ()
    %mul3A_1 = arith.constant 16 : i32
    %mul3A_2 = arith.muli %arg0, %mul3A_1 : i32
    %add3A = arith.addi %mul3A_2, %arg1 : i32
    %mul3A_3 = arith.constant 125 : i32
    %mul3A_4 = arith.muli %add3A, %mul3A_3 : i32
    "tpu.region"() ({
      %run_scoped3A = tpu.sem_alloc : memref<!tpu.dma_semaphore, #tpu.memory_space<semaphore_mem>>
      %dma_start3A_153 = arith.constant 0 : i32
      %dma_start3A_154 = tpu.memref_slice %arg3[%mul3A_4, %dma_start3A_153] : memref<4000x80xi32, #tpu.memory_space<hbm>> -> memref<125x80xi32, #tpu.memory_space<hbm>>
      %dma_start3A_155 = arith.constant 0 : i32
      %dma_start3A_156 = tpu.memref_slice %arg3[%mul3A_4, %dma_start3A_155] : memref<4000x80xi32, #tpu.memory_space<hbm>> -> memref<125x80xi32, #tpu.memory_space<hbm>>
      tpu.enqueue_dma source(%dma_start3A_156 : memref<125x80xi32, #tpu.memory_space<hbm>>) target(%arg7 : memref<125x80xi32, #tpu.memory_space<vmem>>) target_semaphore(%run_scoped3A : memref<!tpu.dma_semaphore, #tpu.memory_space<semaphore_mem>>)
      %dma_wait3A_157 = arith.constant 0 : i32
      %dma_wait3A_158 = tpu.memref_slice %arg3[%mul3A_4, %dma_wait3A_157] : memref<4000x80xi32, #tpu.memory_space<hbm>> -> memref<125x80xi32, #tpu.memory_space<hbm>>
      %dma_wait3A_159 = arith.constant 0 : i32
      %dma_wait3A_160 = tpu.memref_slice %arg3[%mul3A_4, %dma_wait3A_159] : memref<4000x80xi32, #tpu.memory_space<hbm>> -> memref<125x80xi32, #tpu.memory_space<hbm>>
      tpu.wait_dma2 semaphore(%run_scoped3A : memref<!tpu.dma_semaphore, #tpu.memory_space<semaphore_mem>>) src(%dma_wait3A_160 : memref<125x80xi32, #tpu.memory_space<hbm>>) dst(%arg7 : memref<125x80xi32, #tpu.memory_space<vmem>>)
      tpu.yield
    }) : () -> ()
    "tpu.region"() ({
      %run_scoped3A = tpu.sem_alloc : memref<!tpu.dma_semaphore, #tpu.memory_space<semaphore_mem>>
      %dma_start3A_153 = arith.constant 0 : i32
      %dma_start3A_154 = tpu.memref_slice %arg4[%mul3A_4, %dma_start3A_153] : memref<4000x80xi32, #tpu.memory_space<hbm>> -> memref<125x80xi32, #tpu.memory_space<hbm>>
      %dma_start3A_155 = arith.constant 0 : i32
      %dma_start3A_156 = tpu.memref_slice %arg4[%mul3A_4, %dma_start3A_155] : memref<4000x80xi32, #tpu.memory_space<hbm>> -> memref<125x80xi32, #tpu.memory_space<hbm>>
      tpu.enqueue_dma source(%dma_start3A_156 : memref<125x80xi32, #tpu.memory_space<hbm>>) target(%arg8 : memref<125x80xi32, #tpu.memory_space<vmem>>) target_semaphore(%run_scoped3A : memref<!tpu.dma_semaphore, #tpu.memory_space<semaphore_mem>>)
      %dma_wait3A_157 = arith.constant 0 : i32
      %dma_wait3A_158 = tpu.memref_slice %arg4[%mul3A_4, %dma_wait3A_157] : memref<4000x80xi32, #tpu.memory_space<hbm>> -> memref<125x80xi32, #tpu.memory_space<hbm>>
      %dma_wait3A_159 = arith.constant 0 : i32
      %dma_wait3A_160 = tpu.memref_slice %arg4[%mul3A_4, %dma_wait3A_159] : memref<4000x80xi32, #tpu.memory_space<hbm>> -> memref<125x80xi32, #tpu.memory_space<hbm>>
      tpu.wait_dma2 semaphore(%run_scoped3A : memref<!tpu.dma_semaphore, #tpu.memory_space<semaphore_mem>>) src(%dma_wait3A_160 : memref<125x80xi32, #tpu.memory_space<hbm>>) dst(%arg8 : memref<125x80xi32, #tpu.memory_space<vmem>>)
      tpu.yield
    }) : () -> ()
    %barrier3A = arith.constant 0 : index
    tpu.barrier barrier_id(%barrier3A)
    %dma_start3A = arith.constant 0 : i32
    %dma_start3A_5 = arith.constant 0 : i32
    %dma_start3A_6 = tpu.memref_slice %arg7[%dma_start3A, %dma_start3A_5] : memref<125x80xi32, #tpu.memory_space<vmem>> -> memref<1x80xi32, #tpu.memory_space<vmem>>
    %dma_start3A_7 = tpu.memref_squeeze %dma_start3A_6 : memref<1x80xi32, #tpu.memory_space<vmem>> -> memref<80xi32, #tpu.memory_space<vmem>>
    %dma_start3A_8 = arith.constant 0 : i32
    %dma_start3A_9 = arith.constant 0 : i32
    %dma_start3A_10 = tpu.memref_slice %arg2[%dma_start3A_8, %dma_start3A_9] : memref<10000x64xbf16, #tpu.memory_space<hbm>> -> memref<10000x64xbf16, #tpu.memory_space<hbm>>
    tpu.enqueue_indirect_dma source(%dma_start3A_10 : memref<10000x64xbf16, #tpu.memory_space<hbm>>) target(%arg9 : memref<80x64xbf16, #tpu.memory_space<vmem>>) offsets(%dma_start3A_7 : memref<80xi32, #tpu.memory_space<vmem>>) semaphore(%arg15 : memref<!tpu.dma_semaphore, #tpu.memory_space<semaphore_mem>>)
    %dma_start3A_11 = arith.constant 1 : i32
    %dma_start3A_12 = arith.constant 0 : i32
    %dma_start3A_13 = tpu.memref_slice %arg7[%dma_start3A_11, %dma_start3A_12] : memref<125x80xi32, #tpu.memory_space<vmem>> -> memref<1x80xi32, #tpu.memory_space<vmem>>
    %dma_start3A_14 = tpu.memref_squeeze %dma_start3A_13 : memref<1x80xi32, #tpu.memory_space<vmem>> -> memref<80xi32, #tpu.memory_space<vmem>>
    %dma_start3A_15 = arith.constant 0 : i32
    %dma_start3A_16 = arith.constant 0 : i32
    %dma_start3A_17 = tpu.memref_slice %arg2[%dma_start3A_15, %dma_start3A_16] : memref<10000x64xbf16, #tpu.memory_space<hbm>> -> memref<10000x64xbf16, #tpu.memory_space<hbm>>
    tpu.enqueue_indirect_dma source(%dma_start3A_17 : memref<10000x64xbf16, #tpu.memory_space<hbm>>) target(%arg10 : memref<80x64xbf16, #tpu.memory_space<vmem>>) offsets(%dma_start3A_14 : memref<80xi32, #tpu.memory_space<vmem>>) semaphore(%arg16 : memref<!tpu.dma_semaphore, #tpu.memory_space<semaphore_mem>>)
    %dma_start3A_18 = arith.constant 2 : i32
    %dma_start3A_19 = arith.constant 0 : i32
    %dma_start3A_20 = tpu.memref_slice %arg7[%dma_start3A_18, %dma_start3A_19] : memref<125x80xi32, #tpu.memory_space<vmem>> -> memref<1x80xi32, #tpu.memory_space<vmem>>
    %dma_start3A_21 = tpu.memref_squeeze %dma_start3A_20 : memref<1x80xi32, #tpu.memory_space<vmem>> -> memref<80xi32, #tpu.memory_space<vmem>>
    %dma_start3A_22 = arith.constant 0 : i32
    %dma_start3A_23 = arith.constant 0 : i32
    %dma_start3A_24 = tpu.memref_slice %arg2[%dma_start3A_22, %dma_start3A_23] : memref<10000x64xbf16, #tpu.memory_space<hbm>> -> memref<10000x64xbf16, #tpu.memory_space<hbm>>
    tpu.enqueue_indirect_dma source(%dma_start3A_24 : memref<10000x64xbf16, #tpu.memory_space<hbm>>) target(%arg11 : memref<80x64xbf16, #tpu.memory_space<vmem>>) offsets(%dma_start3A_21 : memref<80xi32, #tpu.memory_space<vmem>>) semaphore(%arg17 : memref<!tpu.dma_semaphore, #tpu.memory_space<semaphore_mem>>)
    %dma_start3A_25 = arith.constant 3 : i32
    %dma_start3A_26 = arith.constant 0 : i32
    %dma_start3A_27 = tpu.memref_slice %arg7[%dma_start3A_25, %dma_start3A_26] : memref<125x80xi32, #tpu.memory_space<vmem>> -> memref<1x80xi32, #tpu.memory_space<vmem>>
    %dma_start3A_28 = tpu.memref_squeeze %dma_start3A_27 : memref<1x80xi32, #tpu.memory_space<vmem>> -> memref<80xi32, #tpu.memory_space<vmem>>
    %dma_start3A_29 = arith.constant 0 : i32
    %dma_start3A_30 = arith.constant 0 : i32
    %dma_start3A_31 = tpu.memref_slice %arg2[%dma_start3A_29, %dma_start3A_30] : memref<10000x64xbf16, #tpu.memory_space<hbm>> -> memref<10000x64xbf16, #tpu.memory_space<hbm>>
    tpu.enqueue_indirect_dma source(%dma_start3A_31 : memref<10000x64xbf16, #tpu.memory_space<hbm>>) target(%arg12 : memref<80x64xbf16, #tpu.memory_space<vmem>>) offsets(%dma_start3A_28 : memref<80xi32, #tpu.memory_space<vmem>>) semaphore(%arg18 : memref<!tpu.dma_semaphore, #tpu.memory_space<semaphore_mem>>)
    %dma_start3A_32 = arith.constant 4 : i32
    %dma_start3A_33 = arith.constant 0 : i32
    %dma_start3A_34 = tpu.memref_slice %arg7[%dma_start3A_32, %dma_start3A_33] : memref<125x80xi32, #tpu.memory_space<vmem>> -> memref<1x80xi32, #tpu.memory_space<vmem>>
    %dma_start3A_35 = tpu.memref_squeeze %dma_start3A_34 : memref<1x80xi32, #tpu.memory_space<vmem>> -> memref<80xi32, #tpu.memory_space<vmem>>
    %dma_start3A_36 = arith.constant 0 : i32
    %dma_start3A_37 = arith.constant 0 : i32
    %dma_start3A_38 = tpu.memref_slice %arg2[%dma_start3A_36, %dma_start3A_37] : memref<10000x64xbf16, #tpu.memory_space<hbm>> -> memref<10000x64xbf16, #tpu.memory_space<hbm>>
    tpu.enqueue_indirect_dma source(%dma_start3A_38 : memref<10000x64xbf16, #tpu.memory_space<hbm>>) target(%arg13 : memref<80x64xbf16, #tpu.memory_space<vmem>>) offsets(%dma_start3A_35 : memref<80xi32, #tpu.memory_space<vmem>>) semaphore(%arg19 : memref<!tpu.dma_semaphore, #tpu.memory_space<semaphore_mem>>)
    %scan3A = arith.constant 0 : i32
    %scan3A_39 = arith.constant 0 : i32
    %scan3A_40 = arith.constant 24 : i32
    %scan3A_41 = arith.addi %scan3A_39, %scan3A_40 : i32
    %scan3A_42 = arith.constant 1 : i32
    scf.for %scan3A_153 = %scan3A_39 to %scan3A_41 step %scan3A_42  : i32 {
      %mul3A_154 = arith.constant 5 : i32
      %mul3A_155 = arith.muli %mul3A_154, %scan3A_153 : i32
      %add3A_156 = arith.constant 0 : i32
      %add3A_157 = arith.addi %mul3A_155, %add3A_156 : i32
      %dma_wait3A_158 = arith.constant 0 : i32
      %dma_wait3A_159 = tpu.memref_slice %arg7[%add3A_157, %dma_wait3A_158] : memref<125x80xi32, #tpu.memory_space<vmem>> -> memref<1x80xi32, #tpu.memory_space<vmem>>
      %dma_wait3A_160 = tpu.memref_squeeze %dma_wait3A_159 : memref<1x80xi32, #tpu.memory_space<vmem>> -> memref<80xi32, #tpu.memory_space<vmem>>
      %dma_wait3A_161 = arith.constant 0 : i32
      %dma_wait3A_162 = arith.constant 0 : i32
      %dma_wait3A_163 = tpu.memref_slice %arg2[%dma_wait3A_161, %dma_wait3A_162] : memref<10000x64xbf16, #tpu.memory_space<hbm>> -> memref<10000x64xbf16, #tpu.memory_space<hbm>>
      tpu.wait_indirect_dma semaphore(%arg15 : memref<!tpu.dma_semaphore, #tpu.memory_space<semaphore_mem>>) src(%dma_wait3A_163 : memref<10000x64xbf16, #tpu.memory_space<hbm>>) dst(%arg9 : memref<80x64xbf16, #tpu.memory_space<vmem>>)
      %dma_start3A_164 = arith.constant 0 : i32
      %dma_start3A_165 = tpu.memref_slice %arg8[%add3A_157, %dma_start3A_164] : memref<125x80xi32, #tpu.memory_space<vmem>> -> memref<1x80xi32, #tpu.memory_space<vmem>>
      %dma_start3A_166 = tpu.memref_squeeze %dma_start3A_165 : memref<1x80xi32, #tpu.memory_space<vmem>> -> memref<80xi32, #tpu.memory_space<vmem>>
      %dma_start3A_167 = arith.constant 0 : i32
      %dma_start3A_168 = arith.constant 0 : i32
      %dma_start3A_169 = tpu.memref_slice %arg14[%dma_start3A_167, %dma_start3A_168] : memref<10000x64xbf16, #tpu.memory_space<vmem_shared>> -> memref<10000x64xbf16, #tpu.memory_space<vmem_shared>>
      tpu.enqueue_indirect_dma source(%arg9 : memref<80x64xbf16, #tpu.memory_space<vmem>>) target(%dma_start3A_169 : memref<10000x64xbf16, #tpu.memory_space<vmem_shared>>) offsets(%dma_start3A_166 : memref<80xi32, #tpu.memory_space<vmem>>) semaphore(%arg20 : memref<!tpu.dma_semaphore, #tpu.memory_space<semaphore_mem>>) {add = true}
      %dma_wait3A_170 = arith.constant 0 : i32
      %dma_wait3A_171 = tpu.memref_slice %arg8[%add3A_157, %dma_wait3A_170] : memref<125x80xi32, #tpu.memory_space<vmem>> -> memref<1x80xi32, #tpu.memory_space<vmem>>
      %dma_wait3A_172 = tpu.memref_squeeze %dma_wait3A_171 : memref<1x80xi32, #tpu.memory_space<vmem>> -> memref<80xi32, #tpu.memory_space<vmem>>
      %dma_wait3A_173 = arith.constant 0 : i32
      %dma_wait3A_174 = arith.constant 0 : i32
      %dma_wait3A_175 = tpu.memref_slice %arg14[%dma_wait3A_173, %dma_wait3A_174] : memref<10000x64xbf16, #tpu.memory_space<vmem_shared>> -> memref<10000x64xbf16, #tpu.memory_space<vmem_shared>>
      tpu.wait_indirect_dma semaphore(%arg20 : memref<!tpu.dma_semaphore, #tpu.memory_space<semaphore_mem>>) src(%arg9 : memref<80x64xbf16, #tpu.memory_space<vmem>>) dst(%dma_wait3A_175 : memref<10000x64xbf16, #tpu.memory_space<vmem_shared>>)
      %add3A_176 = arith.constant 5 : i32
      %add3A_177 = arith.addi %add3A_157, %add3A_176 : i32
      %dma_start3A_178 = arith.constant 0 : i32
      %dma_start3A_179 = tpu.memref_slice %arg7[%add3A_177, %dma_start3A_178] : memref<125x80xi32, #tpu.memory_space<vmem>> -> memref<1x80xi32, #tpu.memory_space<vmem>>
      %dma_start3A_180 = tpu.memref_squeeze %dma_start3A_179 : memref<1x80xi32, #tpu.memory_space<vmem>> -> memref<80xi32, #tpu.memory_space<vmem>>
      %dma_start3A_181 = arith.constant 0 : i32
      %dma_start3A_182 = arith.constant 0 : i32
      %dma_start3A_183 = tpu.memref_slice %arg2[%dma_start3A_181, %dma_start3A_182] : memref<10000x64xbf16, #tpu.memory_space<hbm>> -> memref<10000x64xbf16, #tpu.memory_space<hbm>>
      tpu.enqueue_indirect_dma source(%dma_start3A_183 : memref<10000x64xbf16, #tpu.memory_space<hbm>>) target(%arg9 : memref<80x64xbf16, #tpu.memory_space<vmem>>) offsets(%dma_start3A_180 : memref<80xi32, #tpu.memory_space<vmem>>) semaphore(%arg15 : memref<!tpu.dma_semaphore, #tpu.memory_space<semaphore_mem>>)
      %add3A_184 = arith.constant 1 : i32
      %add3A_185 = arith.addi %mul3A_155, %add3A_184 : i32
      %dma_wait3A_186 = arith.constant 0 : i32
      %dma_wait3A_187 = tpu.memref_slice %arg7[%add3A_185, %dma_wait3A_186] : memref<125x80xi32, #tpu.memory_space<vmem>> -> memref<1x80xi32, #tpu.memory_space<vmem>>
      %dma_wait3A_188 = tpu.memref_squeeze %dma_wait3A_187 : memref<1x80xi32, #tpu.memory_space<vmem>> -> memref<80xi32, #tpu.memory_space<vmem>>
      %dma_wait3A_189 = arith.constant 0 : i32
      %dma_wait3A_190 = arith.constant 0 : i32
      %dma_wait3A_191 = tpu.memref_slice %arg2[%dma_wait3A_189, %dma_wait3A_190] : memref<10000x64xbf16, #tpu.memory_space<hbm>> -> memref<10000x64xbf16, #tpu.memory_space<hbm>>
      tpu.wait_indirect_dma semaphore(%arg16 : memref<!tpu.dma_semaphore, #tpu.memory_space<semaphore_mem>>) src(%dma_wait3A_191 : memref<10000x64xbf16, #tpu.memory_space<hbm>>) dst(%arg10 : memref<80x64xbf16, #tpu.memory_space<vmem>>)
      %dma_start3A_192 = arith.constant 0 : i32
      %dma_start3A_193 = tpu.memref_slice %arg8[%add3A_185, %dma_start3A_192] : memref<125x80xi32, #tpu.memory_space<vmem>> -> memref<1x80xi32, #tpu.memory_space<vmem>>
      %dma_start3A_194 = tpu.memref_squeeze %dma_start3A_193 : memref<1x80xi32, #tpu.memory_space<vmem>> -> memref<80xi32, #tpu.memory_space<vmem>>
      %dma_start3A_195 = arith.constant 0 : i32
      %dma_start3A_196 = arith.constant 0 : i32
      %dma_start3A_197 = tpu.memref_slice %arg14[%dma_start3A_195, %dma_start3A_196] : memref<10000x64xbf16, #tpu.memory_space<vmem_shared>> -> memref<10000x64xbf16, #tpu.memory_space<vmem_shared>>
      tpu.enqueue_indirect_dma source(%arg10 : memref<80x64xbf16, #tpu.memory_space<vmem>>) target(%dma_start3A_197 : memref<10000x64xbf16, #tpu.memory_space<vmem_shared>>) offsets(%dma_start3A_194 : memref<80xi32, #tpu.memory_space<vmem>>) semaphore(%arg21 : memref<!tpu.dma_semaphore, #tpu.memory_space<semaphore_mem>>) {add = true}
      %dma_wait3A_198 = arith.constant 0 : i32
      %dma_wait3A_199 = tpu.memref_slice %arg8[%add3A_185, %dma_wait3A_198] : memref<125x80xi32, #tpu.memory_space<vmem>> -> memref<1x80xi32, #tpu.memory_space<vmem>>
      %dma_wait3A_200 = tpu.memref_squeeze %dma_wait3A_199 : memref<1x80xi32, #tpu.memory_space<vmem>> -> memref<80xi32, #tpu.memory_space<vmem>>
      %dma_wait3A_201 = arith.constant 0 : i32
      %dma_wait3A_202 = arith.constant 0 : i32
      %dma_wait3A_203 = tpu.memref_slice %arg14[%dma_wait3A_201, %dma_wait3A_202] : memref<10000x64xbf16, #tpu.memory_space<vmem_shared>> -> memref<10000x64xbf16, #tpu.memory_space<vmem_shared>>
      tpu.wait_indirect_dma semaphore(%arg21 : memref<!tpu.dma_semaphore, #tpu.memory_space<semaphore_mem>>) src(%arg10 : memref<80x64xbf16, #tpu.memory_space<vmem>>) dst(%dma_wait3A_203 : memref<10000x64xbf16, #tpu.memory_space<vmem_shared>>)
      %add3A_204 = arith.constant 5 : i32
      %add3A_205 = arith.addi %add3A_185, %add3A_204 : i32
      %dma_start3A_206 = arith.constant 0 : i32
      %dma_start3A_207 = tpu.memref_slice %arg7[%add3A_205, %dma_start3A_206] : memref<125x80xi32, #tpu.memory_space<vmem>> -> memref<1x80xi32, #tpu.memory_space<vmem>>
      %dma_start3A_208 = tpu.memref_squeeze %dma_start3A_207 : memref<1x80xi32, #tpu.memory_space<vmem>> -> memref<80xi32, #tpu.memory_space<vmem>>
      %dma_start3A_209 = arith.constant 0 : i32
      %dma_start3A_210 = arith.constant 0 : i32
      %dma_start3A_211 = tpu.memref_slice %arg2[%dma_start3A_209, %dma_start3A_210] : memref<10000x64xbf16, #tpu.memory_space<hbm>> -> memref<10000x64xbf16, #tpu.memory_space<hbm>>
      tpu.enqueue_indirect_dma source(%dma_start3A_211 : memref<10000x64xbf16, #tpu.memory_space<hbm>>) target(%arg10 : memref<80x64xbf16, #tpu.memory_space<vmem>>) offsets(%dma_start3A_208 : memref<80xi32, #tpu.memory_space<vmem>>) semaphore(%arg16 : memref<!tpu.dma_semaphore, #tpu.memory_space<semaphore_mem>>)
      %add3A_212 = arith.constant 2 : i32
      %add3A_213 = arith.addi %mul3A_155, %add3A_212 : i32
      %dma_wait3A_214 = arith.constant 0 : i32
      %dma_wait3A_215 = tpu.memref_slice %arg7[%add3A_213, %dma_wait3A_214] : memref<125x80xi32, #tpu.memory_space<vmem>> -> memref<1x80xi32, #tpu.memory_space<vmem>>
      %dma_wait3A_216 = tpu.memref_squeeze %dma_wait3A_215 : memref<1x80xi32, #tpu.memory_space<vmem>> -> memref<80xi32, #tpu.memory_space<vmem>>
      %dma_wait3A_217 = arith.constant 0 : i32
      %dma_wait3A_218 = arith.constant 0 : i32
      %dma_wait3A_219 = tpu.memref_slice %arg2[%dma_wait3A_217, %dma_wait3A_218] : memref<10000x64xbf16, #tpu.memory_space<hbm>> -> memref<10000x64xbf16, #tpu.memory_space<hbm>>
      tpu.wait_indirect_dma semaphore(%arg17 : memref<!tpu.dma_semaphore, #tpu.memory_space<semaphore_mem>>) src(%dma_wait3A_219 : memref<10000x64xbf16, #tpu.memory_space<hbm>>) dst(%arg11 : memref<80x64xbf16, #tpu.memory_space<vmem>>)
      %dma_start3A_220 = arith.constant 0 : i32
      %dma_start3A_221 = tpu.memref_slice %arg8[%add3A_213, %dma_start3A_220] : memref<125x80xi32, #tpu.memory_space<vmem>> -> memref<1x80xi32, #tpu.memory_space<vmem>>
      %dma_start3A_222 = tpu.memref_squeeze %dma_start3A_221 : memref<1x80xi32, #tpu.memory_space<vmem>> -> memref<80xi32, #tpu.memory_space<vmem>>
      %dma_start3A_223 = arith.constant 0 : i32
      %dma_start3A_224 = arith.constant 0 : i32
      %dma_start3A_225 = tpu.memref_slice %arg14[%dma_start3A_223, %dma_start3A_224] : memref<10000x64xbf16, #tpu.memory_space<vmem_shared>> -> memref<10000x64xbf16, #tpu.memory_space<vmem_shared>>
      tpu.enqueue_indirect_dma source(%arg11 : memref<80x64xbf16, #tpu.memory_space<vmem>>) target(%dma_start3A_225 : memref<10000x64xbf16, #tpu.memory_space<vmem_shared>>) offsets(%dma_start3A_222 : memref<80xi32, #tpu.memory_space<vmem>>) semaphore(%arg22 : memref<!tpu.dma_semaphore, #tpu.memory_space<semaphore_mem>>) {add = true}
      %dma_wait3A_226 = arith.constant 0 : i32
      %dma_wait3A_227 = tpu.memref_slice %arg8[%add3A_213, %dma_wait3A_226] : memref<125x80xi32, #tpu.memory_space<vmem>> -> memref<1x80xi32, #tpu.memory_space<vmem>>
      %dma_wait3A_228 = tpu.memref_squeeze %dma_wait3A_227 : memref<1x80xi32, #tpu.memory_space<vmem>> -> memref<80xi32, #tpu.memory_space<vmem>>
      %dma_wait3A_229 = arith.constant 0 : i32
      %dma_wait3A_230 = arith.constant 0 : i32
      %dma_wait3A_231 = tpu.memref_slice %arg14[%dma_wait3A_229, %dma_wait3A_230] : memref<10000x64xbf16, #tpu.memory_space<vmem_shared>> -> memref<10000x64xbf16, #tpu.memory_space<vmem_shared>>
      tpu.wait_indirect_dma semaphore(%arg22 : memref<!tpu.dma_semaphore, #tpu.memory_space<semaphore_mem>>) src(%arg11 : memref<80x64xbf16, #tpu.memory_space<vmem>>) dst(%dma_wait3A_231 : memref<10000x64xbf16, #tpu.memory_space<vmem_shared>>)
      %add3A_232 = arith.constant 5 : i32
      %add3A_233 = arith.addi %add3A_213, %add3A_232 : i32
      %dma_start3A_234 = arith.constant 0 : i32
      %dma_start3A_235 = tpu.memref_slice %arg7[%add3A_233, %dma_start3A_234] : memref<125x80xi32, #tpu.memory_space<vmem>> -> memref<1x80xi32, #tpu.memory_space<vmem>>
      %dma_start3A_236 = tpu.memref_squeeze %dma_start3A_235 : memref<1x80xi32, #tpu.memory_space<vmem>> -> memref<80xi32, #tpu.memory_space<vmem>>
      %dma_start3A_237 = arith.constant 0 : i32
      %dma_start3A_238 = arith.constant 0 : i32
      %dma_start3A_239 = tpu.memref_slice %arg2[%dma_start3A_237, %dma_start3A_238] : memref<10000x64xbf16, #tpu.memory_space<hbm>> -> memref<10000x64xbf16, #tpu.memory_space<hbm>>
      tpu.enqueue_indirect_dma source(%dma_start3A_239 : memref<10000x64xbf16, #tpu.memory_space<hbm>>) target(%arg11 : memref<80x64xbf16, #tpu.memory_space<vmem>>) offsets(%dma_start3A_236 : memref<80xi32, #tpu.memory_space<vmem>>) semaphore(%arg17 : memref<!tpu.dma_semaphore, #tpu.memory_space<semaphore_mem>>)
      %add3A_240 = arith.constant 3 : i32
      %add3A_241 = arith.addi %mul3A_155, %add3A_240 : i32
      %dma_wait3A_242 = arith.constant 0 : i32
      %dma_wait3A_243 = tpu.memref_slice %arg7[%add3A_241, %dma_wait3A_242] : memref<125x80xi32, #tpu.memory_space<vmem>> -> memref<1x80xi32, #tpu.memory_space<vmem>>
      %dma_wait3A_244 = tpu.memref_squeeze %dma_wait3A_243 : memref<1x80xi32, #tpu.memory_space<vmem>> -> memref<80xi32, #tpu.memory_space<vmem>>
      %dma_wait3A_245 = arith.constant 0 : i32
      %dma_wait3A_246 = arith.constant 0 : i32
      %dma_wait3A_247 = tpu.memref_slice %arg2[%dma_wait3A_245, %dma_wait3A_246] : memref<10000x64xbf16, #tpu.memory_space<hbm>> -> memref<10000x64xbf16, #tpu.memory_space<hbm>>
      tpu.wait_indirect_dma semaphore(%arg18 : memref<!tpu.dma_semaphore, #tpu.memory_space<semaphore_mem>>) src(%dma_wait3A_247 : memref<10000x64xbf16, #tpu.memory_space<hbm>>) dst(%arg12 : memref<80x64xbf16, #tpu.memory_space<vmem>>)
      %dma_start3A_248 = arith.constant 0 : i32
      %dma_start3A_249 = tpu.memref_slice %arg8[%add3A_241, %dma_start3A_248] : memref<125x80xi32, #tpu.memory_space<vmem>> -> memref<1x80xi32, #tpu.memory_space<vmem>>
      %dma_start3A_250 = tpu.memref_squeeze %dma_start3A_249 : memref<1x80xi32, #tpu.memory_space<vmem>> -> memref<80xi32, #tpu.memory_space<vmem>>
      %dma_start3A_251 = arith.constant 0 : i32
      %dma_start3A_252 = arith.constant 0 : i32
      %dma_start3A_253 = tpu.memref_slice %arg14[%dma_start3A_251, %dma_start3A_252] : memref<10000x64xbf16, #tpu.memory_space<vmem_shared>> -> memref<10000x64xbf16, #tpu.memory_space<vmem_shared>>
      tpu.enqueue_indirect_dma source(%arg12 : memref<80x64xbf16, #tpu.memory_space<vmem>>) target(%dma_start3A_253 : memref<10000x64xbf16, #tpu.memory_space<vmem_shared>>) offsets(%dma_start3A_250 : memref<80xi32, #tpu.memory_space<vmem>>) semaphore(%arg23 : memref<!tpu.dma_semaphore, #tpu.memory_space<semaphore_mem>>) {add = true}
      %dma_wait3A_254 = arith.constant 0 : i32
      %dma_wait3A_255 = tpu.memref_slice %arg8[%add3A_241, %dma_wait3A_254] : memref<125x80xi32, #tpu.memory_space<vmem>> -> memref<1x80xi32, #tpu.memory_space<vmem>>
      %dma_wait3A_256 = tpu.memref_squeeze %dma_wait3A_255 : memref<1x80xi32, #tpu.memory_space<vmem>> -> memref<80xi32, #tpu.memory_space<vmem>>
      %dma_wait3A_257 = arith.constant 0 : i32
      %dma_wait3A_258 = arith.constant 0 : i32
      %dma_wait3A_259 = tpu.memref_slice %arg14[%dma_wait3A_257, %dma_wait3A_258] : memref<10000x64xbf16, #tpu.memory_space<vmem_shared>> -> memref<10000x64xbf16, #tpu.memory_space<vmem_shared>>
      tpu.wait_indirect_dma semaphore(%arg23 : memref<!tpu.dma_semaphore, #tpu.memory_space<semaphore_mem>>) src(%arg12 : memref<80x64xbf16, #tpu.memory_space<vmem>>) dst(%dma_wait3A_259 : memref<10000x64xbf16, #tpu.memory_space<vmem_shared>>)
      %add3A_260 = arith.constant 5 : i32
      %add3A_261 = arith.addi %add3A_241, %add3A_260 : i32
      %dma_start3A_262 = arith.constant 0 : i32
      %dma_start3A_263 = tpu.memref_slice %arg7[%add3A_261, %dma_start3A_262] : memref<125x80xi32, #tpu.memory_space<vmem>> -> memref<1x80xi32, #tpu.memory_space<vmem>>
      %dma_start3A_264 = tpu.memref_squeeze %dma_start3A_263 : memref<1x80xi32, #tpu.memory_space<vmem>> -> memref<80xi32, #tpu.memory_space<vmem>>
      %dma_start3A_265 = arith.constant 0 : i32
      %dma_start3A_266 = arith.constant 0 : i32
      %dma_start3A_267 = tpu.memref_slice %arg2[%dma_start3A_265, %dma_start3A_266] : memref<10000x64xbf16, #tpu.memory_space<hbm>> -> memref<10000x64xbf16, #tpu.memory_space<hbm>>
      tpu.enqueue_indirect_dma source(%dma_start3A_267 : memref<10000x64xbf16, #tpu.memory_space<hbm>>) target(%arg12 : memref<80x64xbf16, #tpu.memory_space<vmem>>) offsets(%dma_start3A_264 : memref<80xi32, #tpu.memory_space<vmem>>) semaphore(%arg18 : memref<!tpu.dma_semaphore, #tpu.memory_space<semaphore_mem>>)
      %add3A_268 = arith.constant 4 : i32
      %add3A_269 = arith.addi %mul3A_155, %add3A_268 : i32
      %dma_wait3A_270 = arith.constant 0 : i32
      %dma_wait3A_271 = tpu.memref_slice %arg7[%add3A_269, %dma_wait3A_270] : memref<125x80xi32, #tpu.memory_space<vmem>> -> memref<1x80xi32, #tpu.memory_space<vmem>>
      %dma_wait3A_272 = tpu.memref_squeeze %dma_wait3A_271 : memref<1x80xi32, #tpu.memory_space<vmem>> -> memref<80xi32, #tpu.memory_space<vmem>>
      %dma_wait3A_273 = arith.constant 0 : i32
      %dma_wait3A_274 = arith.constant 0 : i32
      %dma_wait3A_275 = tpu.memref_slice %arg2[%dma_wait3A_273, %dma_wait3A_274] : memref<10000x64xbf16, #tpu.memory_space<hbm>> -> memref<10000x64xbf16, #tpu.memory_space<hbm>>
      tpu.wait_indirect_dma semaphore(%arg19 : memref<!tpu.dma_semaphore, #tpu.memory_space<semaphore_mem>>) src(%dma_wait3A_275 : memref<10000x64xbf16, #tpu.memory_space<hbm>>) dst(%arg13 : memref<80x64xbf16, #tpu.memory_space<vmem>>)
      %dma_start3A_276 = arith.constant 0 : i32
      %dma_start3A_277 = tpu.memref_slice %arg8[%add3A_269, %dma_start3A_276] : memref<125x80xi32, #tpu.memory_space<vmem>> -> memref<1x80xi32, #tpu.memory_space<vmem>>
      %dma_start3A_278 = tpu.memref_squeeze %dma_start3A_277 : memref<1x80xi32, #tpu.memory_space<vmem>> -> memref<80xi32, #tpu.memory_space<vmem>>
      %dma_start3A_279 = arith.constant 0 : i32
      %dma_start3A_280 = arith.constant 0 : i32
      %dma_start3A_281 = tpu.memref_slice %arg14[%dma_start3A_279, %dma_start3A_280] : memref<10000x64xbf16, #tpu.memory_space<vmem_shared>> -> memref<10000x64xbf16, #tpu.memory_space<vmem_shared>>
      tpu.enqueue_indirect_dma source(%arg13 : memref<80x64xbf16, #tpu.memory_space<vmem>>) target(%dma_start3A_281 : memref<10000x64xbf16, #tpu.memory_space<vmem_shared>>) offsets(%dma_start3A_278 : memref<80xi32, #tpu.memory_space<vmem>>) semaphore(%arg24 : memref<!tpu.dma_semaphore, #tpu.memory_space<semaphore_mem>>) {add = true}
      %dma_wait3A_282 = arith.constant 0 : i32
      %dma_wait3A_283 = tpu.memref_slice %arg8[%add3A_269, %dma_wait3A_282] : memref<125x80xi32, #tpu.memory_space<vmem>> -> memref<1x80xi32, #tpu.memory_space<vmem>>
      %dma_wait3A_284 = tpu.memref_squeeze %dma_wait3A_283 : memref<1x80xi32, #tpu.memory_space<vmem>> -> memref<80xi32, #tpu.memory_space<vmem>>
      %dma_wait3A_285 = arith.constant 0 : i32
      %dma_wait3A_286 = arith.constant 0 : i32
      %dma_wait3A_287 = tpu.memref_slice %arg14[%dma_wait3A_285, %dma_wait3A_286] : memref<10000x64xbf16, #tpu.memory_space<vmem_shared>> -> memref<10000x64xbf16, #tpu.memory_space<vmem_shared>>
      tpu.wait_indirect_dma semaphore(%arg24 : memref<!tpu.dma_semaphore, #tpu.memory_space<semaphore_mem>>) src(%arg13 : memref<80x64xbf16, #tpu.memory_space<vmem>>) dst(%dma_wait3A_287 : memref<10000x64xbf16, #tpu.memory_space<vmem_shared>>)
      %add3A_288 = arith.constant 5 : i32
      %add3A_289 = arith.addi %add3A_269, %add3A_288 : i32
      %dma_start3A_290 = arith.constant 0 : i32
      %dma_start3A_291 = tpu.memref_slice %arg7[%add3A_289, %dma_start3A_290] : memref<125x80xi32, #tpu.memory_space<vmem>> -> memref<1x80xi32, #tpu.memory_space<vmem>>
      %dma_start3A_292 = tpu.memref_squeeze %dma_start3A_291 : memref<1x80xi32, #tpu.memory_space<vmem>> -> memref<80xi32, #tpu.memory_space<vmem>>
      %dma_start3A_293 = arith.constant 0 : i32
      %dma_start3A_294 = arith.constant 0 : i32
      %dma_start3A_295 = tpu.memref_slice %arg2[%dma_start3A_293, %dma_start3A_294] : memref<10000x64xbf16, #tpu.memory_space<hbm>> -> memref<10000x64xbf16, #tpu.memory_space<hbm>>
      tpu.enqueue_indirect_dma source(%dma_start3A_295 : memref<10000x64xbf16, #tpu.memory_space<hbm>>) target(%arg13 : memref<80x64xbf16, #tpu.memory_space<vmem>>) offsets(%dma_start3A_292 : memref<80xi32, #tpu.memory_space<vmem>>) semaphore(%arg19 : memref<!tpu.dma_semaphore, #tpu.memory_space<semaphore_mem>>)
    }
    %scan3A_43 = arith.constant 24 : i32
    %dma_wait3A = arith.constant 120 : i32
    %dma_wait3A_44 = arith.constant 0 : i32
    %dma_wait3A_45 = tpu.memref_slice %arg7[%dma_wait3A, %dma_wait3A_44] : memref<125x80xi32, #tpu.memory_space<vmem>> -> memref<1x80xi32, #tpu.memory_space<vmem>>
    %dma_wait3A_46 = tpu.memref_squeeze %dma_wait3A_45 : memref<1x80xi32, #tpu.memory_space<vmem>> -> memref<80xi32, #tpu.memory_space<vmem>>
    %dma_wait3A_47 = arith.constant 0 : i32
    %dma_wait3A_48 = arith.constant 0 : i32
    %dma_wait3A_49 = tpu.memref_slice %arg2[%dma_wait3A_47, %dma_wait3A_48] : memref<10000x64xbf16, #tpu.memory_space<hbm>> -> memref<10000x64xbf16, #tpu.memory_space<hbm>>
    tpu.wait_indirect_dma semaphore(%arg15 : memref<!tpu.dma_semaphore, #tpu.memory_space<semaphore_mem>>) src(%dma_wait3A_49 : memref<10000x64xbf16, #tpu.memory_space<hbm>>) dst(%arg9 : memref<80x64xbf16, #tpu.memory_space<vmem>>)
    %dma_start3A_50 = arith.constant 120 : i32
    %dma_start3A_51 = arith.constant 0 : i32
    %dma_start3A_52 = tpu.memref_slice %arg8[%dma_start3A_50, %dma_start3A_51] : memref<125x80xi32, #tpu.memory_space<vmem>> -> memref<1x80xi32, #tpu.memory_space<vmem>>
    %dma_start3A_53 = tpu.memref_squeeze %dma_start3A_52 : memref<1x80xi32, #tpu.memory_space<vmem>> -> memref<80xi32, #tpu.memory_space<vmem>>
    %dma_start3A_54 = arith.constant 0 : i32
    %dma_start3A_55 = arith.constant 0 : i32
    %dma_start3A_56 = tpu.memref_slice %arg14[%dma_start3A_54, %dma_start3A_55] : memref<10000x64xbf16, #tpu.memory_space<vmem_shared>> -> memref<10000x64xbf16, #tpu.memory_space<vmem_shared>>
    tpu.enqueue_indirect_dma source(%arg9 : memref<80x64xbf16, #tpu.memory_space<vmem>>) target(%dma_start3A_56 : memref<10000x64xbf16, #tpu.memory_space<vmem_shared>>) offsets(%dma_start3A_53 : memref<80xi32, #tpu.memory_space<vmem>>) semaphore(%arg20 : memref<!tpu.dma_semaphore, #tpu.memory_space<semaphore_mem>>) {add = true}
    %dma_wait3A_57 = arith.constant 121 : i32
    %dma_wait3A_58 = arith.constant 0 : i32
    %dma_wait3A_59 = tpu.memref_slice %arg7[%dma_wait3A_57, %dma_wait3A_58] : memref<125x80xi32, #tpu.memory_space<vmem>> -> memref<1x80xi32, #tpu.memory_space<vmem>>
    %dma_wait3A_60 = tpu.memref_squeeze %dma_wait3A_59 : memref<1x80xi32, #tpu.memory_space<vmem>> -> memref<80xi32, #tpu.memory_space<vmem>>
    %dma_wait3A_61 = arith.constant 0 : i32
    %dma_wait3A_62 = arith.constant 0 : i32
    %dma_wait3A_63 = tpu.memref_slice %arg2[%dma_wait3A_61, %dma_wait3A_62] : memref<10000x64xbf16, #tpu.memory_space<hbm>> -> memref<10000x64xbf16, #tpu.memory_space<hbm>>
    tpu.wait_indirect_dma semaphore(%arg16 : memref<!tpu.dma_semaphore, #tpu.memory_space<semaphore_mem>>) src(%dma_wait3A_63 : memref<10000x64xbf16, #tpu.memory_space<hbm>>) dst(%arg10 : memref<80x64xbf16, #tpu.memory_space<vmem>>)
    %dma_start3A_64 = arith.constant 121 : i32
    %dma_start3A_65 = arith.constant 0 : i32
    %dma_start3A_66 = tpu.memref_slice %arg8[%dma_start3A_64, %dma_start3A_65] : memref<125x80xi32, #tpu.memory_space<vmem>> -> memref<1x80xi32, #tpu.memory_space<vmem>>
    %dma_start3A_67 = tpu.memref_squeeze %dma_start3A_66 : memref<1x80xi32, #tpu.memory_space<vmem>> -> memref<80xi32, #tpu.memory_space<vmem>>
    %dma_start3A_68 = arith.constant 0 : i32
    %dma_start3A_69 = arith.constant 0 : i32
    %dma_start3A_70 = tpu.memref_slice %arg14[%dma_start3A_68, %dma_start3A_69] : memref<10000x64xbf16, #tpu.memory_space<vmem_shared>> -> memref<10000x64xbf16, #tpu.memory_space<vmem_shared>>
    tpu.enqueue_indirect_dma source(%arg10 : memref<80x64xbf16, #tpu.memory_space<vmem>>) target(%dma_start3A_70 : memref<10000x64xbf16, #tpu.memory_space<vmem_shared>>) offsets(%dma_start3A_67 : memref<80xi32, #tpu.memory_space<vmem>>) semaphore(%arg21 : memref<!tpu.dma_semaphore, #tpu.memory_space<semaphore_mem>>) {add = true}
    %dma_wait3A_71 = arith.constant 122 : i32
    %dma_wait3A_72 = arith.constant 0 : i32
    %dma_wait3A_73 = tpu.memref_slice %arg7[%dma_wait3A_71, %dma_wait3A_72] : memref<125x80xi32, #tpu.memory_space<vmem>> -> memref<1x80xi32, #tpu.memory_space<vmem>>
    %dma_wait3A_74 = tpu.memref_squeeze %dma_wait3A_73 : memref<1x80xi32, #tpu.memory_space<vmem>> -> memref<80xi32, #tpu.memory_space<vmem>>
    %dma_wait3A_75 = arith.constant 0 : i32
    %dma_wait3A_76 = arith.constant 0 : i32
    %dma_wait3A_77 = tpu.memref_slice %arg2[%dma_wait3A_75, %dma_wait3A_76] : memref<10000x64xbf16, #tpu.memory_space<hbm>> -> memref<10000x64xbf16, #tpu.memory_space<hbm>>
    tpu.wait_indirect_dma semaphore(%arg17 : memref<!tpu.dma_semaphore, #tpu.memory_space<semaphore_mem>>) src(%dma_wait3A_77 : memref<10000x64xbf16, #tpu.memory_space<hbm>>) dst(%arg11 : memref<80x64xbf16, #tpu.memory_space<vmem>>)
    %dma_start3A_78 = arith.constant 122 : i32
    %dma_start3A_79 = arith.constant 0 : i32
    %dma_start3A_80 = tpu.memref_slice %arg8[%dma_start3A_78, %dma_start3A_79] : memref<125x80xi32, #tpu.memory_space<vmem>> -> memref<1x80xi32, #tpu.memory_space<vmem>>
    %dma_start3A_81 = tpu.memref_squeeze %dma_start3A_80 : memref<1x80xi32, #tpu.memory_space<vmem>> -> memref<80xi32, #tpu.memory_space<vmem>>
    %dma_start3A_82 = arith.constant 0 : i32
    %dma_start3A_83 = arith.constant 0 : i32
    %dma_start3A_84 = tpu.memref_slice %arg14[%dma_start3A_82, %dma_start3A_83] : memref<10000x64xbf16, #tpu.memory_space<vmem_shared>> -> memref<10000x64xbf16, #tpu.memory_space<vmem_shared>>
    tpu.enqueue_indirect_dma source(%arg11 : memref<80x64xbf16, #tpu.memory_space<vmem>>) target(%dma_start3A_84 : memref<10000x64xbf16, #tpu.memory_space<vmem_shared>>) offsets(%dma_start3A_81 : memref<80xi32, #tpu.memory_space<vmem>>) semaphore(%arg22 : memref<!tpu.dma_semaphore, #tpu.memory_space<semaphore_mem>>) {add = true}
    %dma_wait3A_85 = arith.constant 123 : i32
    %dma_wait3A_86 = arith.constant 0 : i32
    %dma_wait3A_87 = tpu.memref_slice %arg7[%dma_wait3A_85, %dma_wait3A_86] : memref<125x80xi32, #tpu.memory_space<vmem>> -> memref<1x80xi32, #tpu.memory_space<vmem>>
    %dma_wait3A_88 = tpu.memref_squeeze %dma_wait3A_87 : memref<1x80xi32, #tpu.memory_space<vmem>> -> memref<80xi32, #tpu.memory_space<vmem>>
    %dma_wait3A_89 = arith.constant 0 : i32
    %dma_wait3A_90 = arith.constant 0 : i32
    %dma_wait3A_91 = tpu.memref_slice %arg2[%dma_wait3A_89, %dma_wait3A_90] : memref<10000x64xbf16, #tpu.memory_space<hbm>> -> memref<10000x64xbf16, #tpu.memory_space<hbm>>
    tpu.wait_indirect_dma semaphore(%arg18 : memref<!tpu.dma_semaphore, #tpu.memory_space<semaphore_mem>>) src(%dma_wait3A_91 : memref<10000x64xbf16, #tpu.memory_space<hbm>>) dst(%arg12 : memref<80x64xbf16, #tpu.memory_space<vmem>>)
    %dma_start3A_92 = arith.constant 123 : i32
    %dma_start3A_93 = arith.constant 0 : i32
    %dma_start3A_94 = tpu.memref_slice %arg8[%dma_start3A_92, %dma_start3A_93] : memref<125x80xi32, #tpu.memory_space<vmem>> -> memref<1x80xi32, #tpu.memory_space<vmem>>
    %dma_start3A_95 = tpu.memref_squeeze %dma_start3A_94 : memref<1x80xi32, #tpu.memory_space<vmem>> -> memref<80xi32, #tpu.memory_space<vmem>>
    %dma_start3A_96 = arith.constant 0 : i32
    %dma_start3A_97 = arith.constant 0 : i32
    %dma_start3A_98 = tpu.memref_slice %arg14[%dma_start3A_96, %dma_start3A_97] : memref<10000x64xbf16, #tpu.memory_space<vmem_shared>> -> memref<10000x64xbf16, #tpu.memory_space<vmem_shared>>
    tpu.enqueue_indirect_dma source(%arg12 : memref<80x64xbf16, #tpu.memory_space<vmem>>) target(%dma_start3A_98 : memref<10000x64xbf16, #tpu.memory_space<vmem_shared>>) offsets(%dma_start3A_95 : memref<80xi32, #tpu.memory_space<vmem>>) semaphore(%arg23 : memref<!tpu.dma_semaphore, #tpu.memory_space<semaphore_mem>>) {add = true}
    %dma_wait3A_99 = arith.constant 124 : i32
    %dma_wait3A_100 = arith.constant 0 : i32
    %dma_wait3A_101 = tpu.memref_slice %arg7[%dma_wait3A_99, %dma_wait3A_100] : memref<125x80xi32, #tpu.memory_space<vmem>> -> memref<1x80xi32, #tpu.memory_space<vmem>>
    %dma_wait3A_102 = tpu.memref_squeeze %dma_wait3A_101 : memref<1x80xi32, #tpu.memory_space<vmem>> -> memref<80xi32, #tpu.memory_space<vmem>>
    %dma_wait3A_103 = arith.constant 0 : i32
    %dma_wait3A_104 = arith.constant 0 : i32
    %dma_wait3A_105 = tpu.memref_slice %arg2[%dma_wait3A_103, %dma_wait3A_104] : memref<10000x64xbf16, #tpu.memory_space<hbm>> -> memref<10000x64xbf16, #tpu.memory_space<hbm>>
    tpu.wait_indirect_dma semaphore(%arg19 : memref<!tpu.dma_semaphore, #tpu.memory_space<semaphore_mem>>) src(%dma_wait3A_105 : memref<10000x64xbf16, #tpu.memory_space<hbm>>) dst(%arg13 : memref<80x64xbf16, #tpu.memory_space<vmem>>)
    %dma_start3A_106 = arith.constant 124 : i32
    %dma_start3A_107 = arith.constant 0 : i32
    %dma_start3A_108 = tpu.memref_slice %arg8[%dma_start3A_106, %dma_start3A_107] : memref<125x80xi32, #tpu.memory_space<vmem>> -> memref<1x80xi32, #tpu.memory_space<vmem>>
    %dma_start3A_109 = tpu.memref_squeeze %dma_start3A_108 : memref<1x80xi32, #tpu.memory_space<vmem>> -> memref<80xi32, #tpu.memory_space<vmem>>
    %dma_start3A_110 = arith.constant 0 : i32
    %dma_start3A_111 = arith.constant 0 : i32
    %dma_start3A_112 = tpu.memref_slice %arg14[%dma_start3A_110, %dma_start3A_111] : memref<10000x64xbf16, #tpu.memory_space<vmem_shared>> -> memref<10000x64xbf16, #tpu.memory_space<vmem_shared>>
    tpu.enqueue_indirect_dma source(%arg13 : memref<80x64xbf16, #tpu.memory_space<vmem>>) target(%dma_start3A_112 : memref<10000x64xbf16, #tpu.memory_space<vmem_shared>>) offsets(%dma_start3A_109 : memref<80xi32, #tpu.memory_space<vmem>>) semaphore(%arg24 : memref<!tpu.dma_semaphore, #tpu.memory_space<semaphore_mem>>) {add = true}
    %dma_wait3A_113 = arith.constant 120 : i32
    %dma_wait3A_114 = arith.constant 0 : i32
    %dma_wait3A_115 = tpu.memref_slice %arg8[%dma_wait3A_113, %dma_wait3A_114] : memref<125x80xi32, #tpu.memory_space<vmem>> -> memref<1x80xi32, #tpu.memory_space<vmem>>
    %dma_wait3A_116 = tpu.memref_squeeze %dma_wait3A_115 : memref<1x80xi32, #tpu.memory_space<vmem>> -> memref<80xi32, #tpu.memory_space<vmem>>
    %dma_wait3A_117 = arith.constant 0 : i32
    %dma_wait3A_118 = arith.constant 0 : i32
    %dma_wait3A_119 = tpu.memref_slice %arg14[%dma_wait3A_117, %dma_wait3A_118] : memref<10000x64xbf16, #tpu.memory_space<vmem_shared>> -> memref<10000x64xbf16, #tpu.memory_space<vmem_shared>>
    tpu.wait_indirect_dma semaphore(%arg20 : memref<!tpu.dma_semaphore, #tpu.memory_space<semaphore_mem>>) src(%arg9 : memref<80x64xbf16, #tpu.memory_space<vmem>>) dst(%dma_wait3A_119 : memref<10000x64xbf16, #tpu.memory_space<vmem_shared>>)
    %dma_wait3A_120 = arith.constant 121 : i32
    %dma_wait3A_121 = arith.constant 0 : i32
    %dma_wait3A_122 = tpu.memref_slice %arg8[%dma_wait3A_120, %dma_wait3A_121] : memref<125x80xi32, #tpu.memory_space<vmem>> -> memref<1x80xi32, #tpu.memory_space<vmem>>
    %dma_wait3A_123 = tpu.memref_squeeze %dma_wait3A_122 : memref<1x80xi32, #tpu.memory_space<vmem>> -> memref<80xi32, #tpu.memory_space<vmem>>
    %dma_wait3A_124 = arith.constant 0 : i32
    %dma_wait3A_125 = arith.constant 0 : i32
    %dma_wait3A_126 = tpu.memref_slice %arg14[%dma_wait3A_124, %dma_wait3A_125] : memref<10000x64xbf16, #tpu.memory_space<vmem_shared>> -> memref<10000x64xbf16, #tpu.memory_space<vmem_shared>>
    tpu.wait_indirect_dma semaphore(%arg21 : memref<!tpu.dma_semaphore, #tpu.memory_space<semaphore_mem>>) src(%arg10 : memref<80x64xbf16, #tpu.memory_space<vmem>>) dst(%dma_wait3A_126 : memref<10000x64xbf16, #tpu.memory_space<vmem_shared>>)
    %dma_wait3A_127 = arith.constant 122 : i32
    %dma_wait3A_128 = arith.constant 0 : i32
    %dma_wait3A_129 = tpu.memref_slice %arg8[%dma_wait3A_127, %dma_wait3A_128] : memref<125x80xi32, #tpu.memory_space<vmem>> -> memref<1x80xi32, #tpu.memory_space<vmem>>
    %dma_wait3A_130 = tpu.memref_squeeze %dma_wait3A_129 : memref<1x80xi32, #tpu.memory_space<vmem>> -> memref<80xi32, #tpu.memory_space<vmem>>
    %dma_wait3A_131 = arith.constant 0 : i32
    %dma_wait3A_132 = arith.constant 0 : i32
    %dma_wait3A_133 = tpu.memref_slice %arg14[%dma_wait3A_131, %dma_wait3A_132] : memref<10000x64xbf16, #tpu.memory_space<vmem_shared>> -> memref<10000x64xbf16, #tpu.memory_space<vmem_shared>>
    tpu.wait_indirect_dma semaphore(%arg22 : memref<!tpu.dma_semaphore, #tpu.memory_space<semaphore_mem>>) src(%arg11 : memref<80x64xbf16, #tpu.memory_space<vmem>>) dst(%dma_wait3A_133 : memref<10000x64xbf16, #tpu.memory_space<vmem_shared>>)
    %dma_wait3A_134 = arith.constant 123 : i32
    %dma_wait3A_135 = arith.constant 0 : i32
    %dma_wait3A_136 = tpu.memref_slice %arg8[%dma_wait3A_134, %dma_wait3A_135] : memref<125x80xi32, #tpu.memory_space<vmem>> -> memref<1x80xi32, #tpu.memory_space<vmem>>
    %dma_wait3A_137 = tpu.memref_squeeze %dma_wait3A_136 : memref<1x80xi32, #tpu.memory_space<vmem>> -> memref<80xi32, #tpu.memory_space<vmem>>
    %dma_wait3A_138 = arith.constant 0 : i32
    %dma_wait3A_139 = arith.constant 0 : i32
    %dma_wait3A_140 = tpu.memref_slice %arg14[%dma_wait3A_138, %dma_wait3A_139] : memref<10000x64xbf16, #tpu.memory_space<vmem_shared>> -> memref<10000x64xbf16, #tpu.memory_space<vmem_shared>>
    tpu.wait_indirect_dma semaphore(%arg23 : memref<!tpu.dma_semaphore, #tpu.memory_space<semaphore_mem>>) src(%arg12 : memref<80x64xbf16, #tpu.memory_space<vmem>>) dst(%dma_wait3A_140 : memref<10000x64xbf16, #tpu.memory_space<vmem_shared>>)
    %dma_wait3A_141 = arith.constant 124 : i32
    %dma_wait3A_142 = arith.constant 0 : i32
    %dma_wait3A_143 = tpu.memref_slice %arg8[%dma_wait3A_141, %dma_wait3A_142] : memref<125x80xi32, #tpu.memory_space<vmem>> -> memref<1x80xi32, #tpu.memory_space<vmem>>
    %dma_wait3A_144 = tpu.memref_squeeze %dma_wait3A_143 : memref<1x80xi32, #tpu.memory_space<vmem>> -> memref<80xi32, #tpu.memory_space<vmem>>
    %dma_wait3A_145 = arith.constant 0 : i32
    %dma_wait3A_146 = arith.constant 0 : i32
    %dma_wait3A_147 = tpu.memref_slice %arg14[%dma_wait3A_145, %dma_wait3A_146] : memref<10000x64xbf16, #tpu.memory_space<vmem_shared>> -> memref<10000x64xbf16, #tpu.memory_space<vmem_shared>>
    tpu.wait_indirect_dma semaphore(%arg24 : memref<!tpu.dma_semaphore, #tpu.memory_space<semaphore_mem>>) src(%arg13 : memref<80x64xbf16, #tpu.memory_space<vmem>>) dst(%dma_wait3A_147 : memref<10000x64xbf16, #tpu.memory_space<vmem_shared>>)
    %barrier3A_148 = arith.constant 0 : index
    tpu.barrier barrier_id(%barrier3A_148)
    %mul3A_149 = arith.constant 625 : i32
    %mul3A_150 = arith.muli %arg1, %mul3A_149 : i32
    %mul3A_151 = arith.constant 625 : i32
    %mul3A_152 = arith.muli %arg1, %mul3A_151 : i32
    "tpu.region"() ({
      %run_scoped3A = tpu.sem_alloc : memref<!tpu.dma_semaphore, #tpu.memory_space<semaphore_mem>>
      %dma_start3A_153 = arith.constant 0 : i32
      %dma_start3A_154 = tpu.memref_slice %arg6[%arg0, %mul3A_152, %dma_start3A_153] : memref<2x10000x64xbf16, #tpu.memory_space<hbm>> -> memref<1x625x64xbf16, #tpu.memory_space<hbm>>
      %dma_start3A_155 = tpu.memref_squeeze %dma_start3A_154 : memref<1x625x64xbf16, #tpu.memory_space<hbm>> -> memref<625x64xbf16, #tpu.memory_space<hbm>>
      %dma_start3A_156 = arith.constant 0 : i32
      %dma_start3A_157 = tpu.memref_slice %arg14[%mul3A_150, %dma_start3A_156] : memref<10000x64xbf16, #tpu.memory_space<vmem_shared>> -> memref<625x64xbf16, #tpu.memory_space<vmem_shared>>
      tpu.enqueue_dma source(%dma_start3A_157 : memref<625x64xbf16, #tpu.memory_space<vmem_shared>>) target(%dma_start3A_155 : memref<625x64xbf16, #tpu.memory_space<hbm>>) target_semaphore(%run_scoped3A : memref<!tpu.dma_semaphore, #tpu.memory_space<semaphore_mem>>)
      %dma_wait3A_158 = arith.constant 0 : i32
      %dma_wait3A_159 = tpu.memref_slice %arg6[%arg0, %mul3A_152, %dma_wait3A_158] : memref<2x10000x64xbf16, #tpu.memory_space<hbm>> -> memref<1x625x64xbf16, #tpu.memory_space<hbm>>
      %dma_wait3A_160 = tpu.memref_squeeze %dma_wait3A_159 : memref<1x625x64xbf16, #tpu.memory_space<hbm>> -> memref<625x64xbf16, #tpu.memory_space<hbm>>
      %dma_wait3A_161 = arith.constant 0 : i32
      %dma_wait3A_162 = tpu.memref_slice %arg14[%mul3A_150, %dma_wait3A_161] : memref<10000x64xbf16, #tpu.memory_space<vmem_shared>> -> memref<625x64xbf16, #tpu.memory_space<vmem_shared>>
      tpu.wait_dma2 semaphore(%run_scoped3A : memref<!tpu.dma_semaphore, #tpu.memory_space<semaphore_mem>>) src(%dma_wait3A_162 : memref<625x64xbf16, #tpu.memory_space<vmem_shared>>) dst(%dma_wait3A_160 : memref<625x64xbf16, #tpu.memory_space<hbm>>)
      tpu.yield
    }) : () -> ()
    return
  }
}

#map = affine_map<(d0, d1) -> (0, 0)>
#map1 = affine_map<(d0, d1) -> (0, 0, 0)>
module attributes {stable_mosaic.version = 14 : i64} {
  func.func @_deg_body(%arg0: i32, %arg1: i32, %arg2: memref<4000x80xi32, #tpu.memory_space<hbm>>, %arg3: memref<625x16xbf16, #tpu.memory_space<hbm>>, %arg4: memref<80x16xbf16, #tpu.memory_space<hbm>>, %arg5: memref<2x10000x16xbf16, #tpu.memory_space<hbm>>, %arg6: memref<125x80xi32, #tpu.memory_space<vmem>>, %arg7: memref<80x16xbf16, #tpu.memory_space<vmem>>, %arg8: memref<10000x16xbf16, #tpu.memory_space<vmem_shared>>, %arg9: memref<!tpu.dma_semaphore, #tpu.memory_space<semaphore_mem>>) attributes {dimension_semantics = [#tpu.dimension_semantics<core_parallel>, #tpu.dimension_semantics<subcore_parallel>], iteration_bounds = array<i64: 2, 16>, scalar_prefetch = 0 : i64, scratch_operands = 4 : i64, tpu.core_type = #tpu.core_type<sc_vector_subcore>, window_params = [{transform_indices = #map}, {transform_indices = #map}, {transform_indices = #map}, {transform_indices = #map1}]} {
    %mul3A = arith.constant 625 : i32
    %mul3A_0 = arith.muli %arg1, %mul3A : i32
    "tpu.region"() ({
      %run_scoped3A = tpu.sem_alloc : memref<!tpu.dma_semaphore, #tpu.memory_space<semaphore_mem>>
      %dma_start3A_27 = arith.constant 0 : i32
      %dma_start3A_28 = tpu.memref_slice %arg8[%mul3A_0, %dma_start3A_27] : memref<10000x16xbf16, #tpu.memory_space<vmem_shared>> -> memref<625x16xbf16, #tpu.memory_space<vmem_shared>>
      tpu.enqueue_dma source(%arg3 : memref<625x16xbf16, #tpu.memory_space<hbm>>) target(%dma_start3A_28 : memref<625x16xbf16, #tpu.memory_space<vmem_shared>>) target_semaphore(%run_scoped3A : memref<!tpu.dma_semaphore, #tpu.memory_space<semaphore_mem>>)
      %dma_wait3A_29 = arith.constant 0 : i32
      %dma_wait3A_30 = tpu.memref_slice %arg8[%mul3A_0, %dma_wait3A_29] : memref<10000x16xbf16, #tpu.memory_space<vmem_shared>> -> memref<625x16xbf16, #tpu.memory_space<vmem_shared>>
      tpu.wait_dma2 semaphore(%run_scoped3A : memref<!tpu.dma_semaphore, #tpu.memory_space<semaphore_mem>>) src(%arg3 : memref<625x16xbf16, #tpu.memory_space<hbm>>) dst(%dma_wait3A_30 : memref<625x16xbf16, #tpu.memory_space<vmem_shared>>)
      tpu.yield
    }) : () -> ()
    %mul3A_1 = arith.constant 16 : i32
    %mul3A_2 = arith.muli %arg0, %mul3A_1 : i32
    %add3A = arith.addi %mul3A_2, %arg1 : i32
    %mul3A_3 = arith.constant 125 : i32
    %mul3A_4 = arith.muli %add3A, %mul3A_3 : i32
    "tpu.region"() ({
      %run_scoped3A = tpu.sem_alloc : memref<!tpu.dma_semaphore, #tpu.memory_space<semaphore_mem>>
      %dma_start3A_27 = arith.constant 0 : i32
      %dma_start3A_28 = tpu.memref_slice %arg2[%mul3A_4, %dma_start3A_27] : memref<4000x80xi32, #tpu.memory_space<hbm>> -> memref<125x80xi32, #tpu.memory_space<hbm>>
      %dma_start3A_29 = arith.constant 0 : i32
      %dma_start3A_30 = tpu.memref_slice %arg2[%mul3A_4, %dma_start3A_29] : memref<4000x80xi32, #tpu.memory_space<hbm>> -> memref<125x80xi32, #tpu.memory_space<hbm>>
      tpu.enqueue_dma source(%dma_start3A_30 : memref<125x80xi32, #tpu.memory_space<hbm>>) target(%arg6 : memref<125x80xi32, #tpu.memory_space<vmem>>) target_semaphore(%run_scoped3A : memref<!tpu.dma_semaphore, #tpu.memory_space<semaphore_mem>>)
      %dma_wait3A_31 = arith.constant 0 : i32
      %dma_wait3A_32 = tpu.memref_slice %arg2[%mul3A_4, %dma_wait3A_31] : memref<4000x80xi32, #tpu.memory_space<hbm>> -> memref<125x80xi32, #tpu.memory_space<hbm>>
      %dma_wait3A_33 = arith.constant 0 : i32
      %dma_wait3A_34 = tpu.memref_slice %arg2[%mul3A_4, %dma_wait3A_33] : memref<4000x80xi32, #tpu.memory_space<hbm>> -> memref<125x80xi32, #tpu.memory_space<hbm>>
      tpu.wait_dma2 semaphore(%run_scoped3A : memref<!tpu.dma_semaphore, #tpu.memory_space<semaphore_mem>>) src(%dma_wait3A_34 : memref<125x80xi32, #tpu.memory_space<hbm>>) dst(%arg6 : memref<125x80xi32, #tpu.memory_space<vmem>>)
      tpu.yield
    }) : () -> ()
    "tpu.region"() ({
      %run_scoped3A = tpu.sem_alloc : memref<!tpu.dma_semaphore, #tpu.memory_space<semaphore_mem>>
      tpu.enqueue_dma source(%arg4 : memref<80x16xbf16, #tpu.memory_space<hbm>>) target(%arg7 : memref<80x16xbf16, #tpu.memory_space<vmem>>) target_semaphore(%run_scoped3A : memref<!tpu.dma_semaphore, #tpu.memory_space<semaphore_mem>>)
      tpu.wait_dma2 semaphore(%run_scoped3A : memref<!tpu.dma_semaphore, #tpu.memory_space<semaphore_mem>>) src(%arg4 : memref<80x16xbf16, #tpu.memory_space<hbm>>) dst(%arg7 : memref<80x16xbf16, #tpu.memory_space<vmem>>)
      tpu.yield
    }) : () -> ()
    %barrier3A = arith.constant 0 : index
    tpu.barrier barrier_id(%barrier3A)
    %dma_start3A = arith.constant 0 : i32
    %dma_start3A_5 = arith.constant 0 : i32
    %dma_start3A_6 = tpu.memref_slice %arg6[%dma_start3A, %dma_start3A_5] : memref<125x80xi32, #tpu.memory_space<vmem>> -> memref<1x80xi32, #tpu.memory_space<vmem>>
    %dma_start3A_7 = tpu.memref_squeeze %dma_start3A_6 : memref<1x80xi32, #tpu.memory_space<vmem>> -> memref<80xi32, #tpu.memory_space<vmem>>
    %dma_start3A_8 = arith.constant 0 : i32
    %dma_start3A_9 = arith.constant 0 : i32
    %dma_start3A_10 = tpu.memref_slice %arg8[%dma_start3A_8, %dma_start3A_9] : memref<10000x16xbf16, #tpu.memory_space<vmem_shared>> -> memref<10000x16xbf16, #tpu.memory_space<vmem_shared>>
    tpu.enqueue_indirect_dma source(%arg7 : memref<80x16xbf16, #tpu.memory_space<vmem>>) target(%dma_start3A_10 : memref<10000x16xbf16, #tpu.memory_space<vmem_shared>>) offsets(%dma_start3A_7 : memref<80xi32, #tpu.memory_space<vmem>>) semaphore(%arg9 : memref<!tpu.dma_semaphore, #tpu.memory_space<semaphore_mem>>) {add = true}
    %scan3A = arith.constant 0 : i32
    %scan3A_11 = arith.constant 0 : i32
    %scan3A_12 = arith.constant 124 : i32
    %scan3A_13 = arith.addi %scan3A_11, %scan3A_12 : i32
    %scan3A_14 = arith.constant 1 : i32
    scf.for %scan3A_27 = %scan3A_11 to %scan3A_13 step %scan3A_14  : i32 {
      %add3A_28 = arith.constant 1 : i32
      %add3A_29 = arith.addi %scan3A_27, %add3A_28 : i32
      %dma_start3A_30 = arith.constant 0 : i32
      %dma_start3A_31 = tpu.memref_slice %arg6[%add3A_29, %dma_start3A_30] : memref<125x80xi32, #tpu.memory_space<vmem>> -> memref<1x80xi32, #tpu.memory_space<vmem>>
      %dma_start3A_32 = tpu.memref_squeeze %dma_start3A_31 : memref<1x80xi32, #tpu.memory_space<vmem>> -> memref<80xi32, #tpu.memory_space<vmem>>
      %dma_start3A_33 = arith.constant 0 : i32
      %dma_start3A_34 = arith.constant 0 : i32
      %dma_start3A_35 = tpu.memref_slice %arg8[%dma_start3A_33, %dma_start3A_34] : memref<10000x16xbf16, #tpu.memory_space<vmem_shared>> -> memref<10000x16xbf16, #tpu.memory_space<vmem_shared>>
      tpu.enqueue_indirect_dma source(%arg7 : memref<80x16xbf16, #tpu.memory_space<vmem>>) target(%dma_start3A_35 : memref<10000x16xbf16, #tpu.memory_space<vmem_shared>>) offsets(%dma_start3A_32 : memref<80xi32, #tpu.memory_space<vmem>>) semaphore(%arg9 : memref<!tpu.dma_semaphore, #tpu.memory_space<semaphore_mem>>) {add = true}
      %dma_wait3A_36 = arith.constant 0 : i32
      %dma_wait3A_37 = tpu.memref_slice %arg6[%scan3A_27, %dma_wait3A_36] : memref<125x80xi32, #tpu.memory_space<vmem>> -> memref<1x80xi32, #tpu.memory_space<vmem>>
      %dma_wait3A_38 = tpu.memref_squeeze %dma_wait3A_37 : memref<1x80xi32, #tpu.memory_space<vmem>> -> memref<80xi32, #tpu.memory_space<vmem>>
      %dma_wait3A_39 = arith.constant 0 : i32
      %dma_wait3A_40 = arith.constant 0 : i32
      %dma_wait3A_41 = tpu.memref_slice %arg8[%dma_wait3A_39, %dma_wait3A_40] : memref<10000x16xbf16, #tpu.memory_space<vmem_shared>> -> memref<10000x16xbf16, #tpu.memory_space<vmem_shared>>
      tpu.wait_indirect_dma semaphore(%arg9 : memref<!tpu.dma_semaphore, #tpu.memory_space<semaphore_mem>>) src(%arg7 : memref<80x16xbf16, #tpu.memory_space<vmem>>) dst(%dma_wait3A_41 : memref<10000x16xbf16, #tpu.memory_space<vmem_shared>>)
    }
    %scan3A_15 = arith.constant 124 : i32
    %dma_wait3A = arith.constant 124 : i32
    %dma_wait3A_16 = arith.constant 0 : i32
    %dma_wait3A_17 = tpu.memref_slice %arg6[%dma_wait3A, %dma_wait3A_16] : memref<125x80xi32, #tpu.memory_space<vmem>> -> memref<1x80xi32, #tpu.memory_space<vmem>>
    %dma_wait3A_18 = tpu.memref_squeeze %dma_wait3A_17 : memref<1x80xi32, #tpu.memory_space<vmem>> -> memref<80xi32, #tpu.memory_space<vmem>>
    %dma_wait3A_19 = arith.constant 0 : i32
    %dma_wait3A_20 = arith.constant 0 : i32
    %dma_wait3A_21 = tpu.memref_slice %arg8[%dma_wait3A_19, %dma_wait3A_20] : memref<10000x16xbf16, #tpu.memory_space<vmem_shared>> -> memref<10000x16xbf16, #tpu.memory_space<vmem_shared>>
    tpu.wait_indirect_dma semaphore(%arg9 : memref<!tpu.dma_semaphore, #tpu.memory_space<semaphore_mem>>) src(%arg7 : memref<80x16xbf16, #tpu.memory_space<vmem>>) dst(%dma_wait3A_21 : memref<10000x16xbf16, #tpu.memory_space<vmem_shared>>)
    %barrier3A_22 = arith.constant 0 : index
    tpu.barrier barrier_id(%barrier3A_22)
    %mul3A_23 = arith.constant 625 : i32
    %mul3A_24 = arith.muli %arg1, %mul3A_23 : i32
    %mul3A_25 = arith.constant 625 : i32
    %mul3A_26 = arith.muli %arg1, %mul3A_25 : i32
    "tpu.region"() ({
      %run_scoped3A = tpu.sem_alloc : memref<!tpu.dma_semaphore, #tpu.memory_space<semaphore_mem>>
      %dma_start3A_27 = arith.constant 0 : i32
      %dma_start3A_28 = tpu.memref_slice %arg5[%arg0, %mul3A_26, %dma_start3A_27] : memref<2x10000x16xbf16, #tpu.memory_space<hbm>> -> memref<1x625x16xbf16, #tpu.memory_space<hbm>>
      %dma_start3A_29 = tpu.memref_squeeze %dma_start3A_28 : memref<1x625x16xbf16, #tpu.memory_space<hbm>> -> memref<625x16xbf16, #tpu.memory_space<hbm>>
      %dma_start3A_30 = arith.constant 0 : i32
      %dma_start3A_31 = tpu.memref_slice %arg8[%mul3A_24, %dma_start3A_30] : memref<10000x16xbf16, #tpu.memory_space<vmem_shared>> -> memref<625x16xbf16, #tpu.memory_space<vmem_shared>>
      tpu.enqueue_dma source(%dma_start3A_31 : memref<625x16xbf16, #tpu.memory_space<vmem_shared>>) target(%dma_start3A_29 : memref<625x16xbf16, #tpu.memory_space<hbm>>) target_semaphore(%run_scoped3A : memref<!tpu.dma_semaphore, #tpu.memory_space<semaphore_mem>>)
      %dma_wait3A_32 = arith.constant 0 : i32
      %dma_wait3A_33 = tpu.memref_slice %arg5[%arg0, %mul3A_26, %dma_wait3A_32] : memref<2x10000x16xbf16, #tpu.memory_space<hbm>> -> memref<1x625x16xbf16, #tpu.memory_space<hbm>>
      %dma_wait3A_34 = tpu.memref_squeeze %dma_wait3A_33 : memref<1x625x16xbf16, #tpu.memory_space<hbm>> -> memref<625x16xbf16, #tpu.memory_space<hbm>>
      %dma_wait3A_35 = arith.constant 0 : i32
      %dma_wait3A_36 = tpu.memref_slice %arg8[%mul3A_24, %dma_wait3A_35] : memref<10000x16xbf16, #tpu.memory_space<vmem_shared>> -> memref<625x16xbf16, #tpu.memory_space<vmem_shared>>
      tpu.wait_dma2 semaphore(%run_scoped3A : memref<!tpu.dma_semaphore, #tpu.memory_space<semaphore_mem>>) src(%dma_wait3A_36 : memref<625x16xbf16, #tpu.memory_space<vmem_shared>>) dst(%dma_wait3A_34 : memref<625x16xbf16, #tpu.memory_space<hbm>>)
      tpu.yield
    }) : () -> ()
    return
  }
}

#map = affine_map<(d0, d1) -> (0, 0)>
#map1 = affine_map<(d0, d1) -> (0, 0, 0)>
module attributes {stable_mosaic.version = 14 : i64} {
  func.func @_seg_body(%arg0: i32, %arg1: i32, %arg2: memref<10000x128xbf16, #tpu.memory_space<hbm>>, %arg3: memref<4000x80xi32, #tpu.memory_space<hbm>>, %arg4: memref<4000x80xi32, #tpu.memory_space<hbm>>, %arg5: memref<625x128xbf16, #tpu.memory_space<hbm>>, %arg6: memref<2x10000x128xbf16, #tpu.memory_space<hbm>>, %arg7: memref<125x80xi32, #tpu.memory_space<vmem>>, %arg8: memref<125x80xi32, #tpu.memory_space<vmem>>, %arg9: memref<80x128xbf16, #tpu.memory_space<vmem>>, %arg10: memref<80x128xbf16, #tpu.memory_space<vmem>>, %arg11: memref<80x128xbf16, #tpu.memory_space<vmem>>, %arg12: memref<80x128xbf16, #tpu.memory_space<vmem>>, %arg13: memref<80x128xbf16, #tpu.memory_space<vmem>>, %arg14: memref<10000x128xbf16, #tpu.memory_space<vmem_shared>>, %arg15: memref<!tpu.dma_semaphore, #tpu.memory_space<semaphore_mem>>, %arg16: memref<!tpu.dma_semaphore, #tpu.memory_space<semaphore_mem>>, %arg17: memref<!tpu.dma_semaphore, #tpu.memory_space<semaphore_mem>>, %arg18: memref<!tpu.dma_semaphore, #tpu.memory_space<semaphore_mem>>, %arg19: memref<!tpu.dma_semaphore, #tpu.memory_space<semaphore_mem>>, %arg20: memref<!tpu.dma_semaphore, #tpu.memory_space<semaphore_mem>>, %arg21: memref<!tpu.dma_semaphore, #tpu.memory_space<semaphore_mem>>, %arg22: memref<!tpu.dma_semaphore, #tpu.memory_space<semaphore_mem>>, %arg23: memref<!tpu.dma_semaphore, #tpu.memory_space<semaphore_mem>>, %arg24: memref<!tpu.dma_semaphore, #tpu.memory_space<semaphore_mem>>) attributes {dimension_semantics = [#tpu.dimension_semantics<core_parallel>, #tpu.dimension_semantics<subcore_parallel>], iteration_bounds = array<i64: 2, 16>, scalar_prefetch = 0 : i64, scratch_operands = 18 : i64, tpu.core_type = #tpu.core_type<sc_vector_subcore>, window_params = [{transform_indices = #map}, {transform_indices = #map}, {transform_indices = #map}, {transform_indices = #map}, {transform_indices = #map1}]} {
    %mul3A = arith.constant 625 : i32
    %mul3A_0 = arith.muli %arg1, %mul3A : i32
    "tpu.region"() ({
      %run_scoped3A = tpu.sem_alloc : memref<!tpu.dma_semaphore, #tpu.memory_space<semaphore_mem>>
      %dma_start3A_153 = arith.constant 0 : i32
      %dma_start3A_154 = tpu.memref_slice %arg14[%mul3A_0, %dma_start3A_153] : memref<10000x128xbf16, #tpu.memory_space<vmem_shared>> -> memref<625x128xbf16, #tpu.memory_space<vmem_shared>>
      tpu.enqueue_dma source(%arg5 : memref<625x128xbf16, #tpu.memory_space<hbm>>) target(%dma_start3A_154 : memref<625x128xbf16, #tpu.memory_space<vmem_shared>>) target_semaphore(%run_scoped3A : memref<!tpu.dma_semaphore, #tpu.memory_space<semaphore_mem>>)
      %dma_wait3A_155 = arith.constant 0 : i32
      %dma_wait3A_156 = tpu.memref_slice %arg14[%mul3A_0, %dma_wait3A_155] : memref<10000x128xbf16, #tpu.memory_space<vmem_shared>> -> memref<625x128xbf16, #tpu.memory_space<vmem_shared>>
      tpu.wait_dma2 semaphore(%run_scoped3A : memref<!tpu.dma_semaphore, #tpu.memory_space<semaphore_mem>>) src(%arg5 : memref<625x128xbf16, #tpu.memory_space<hbm>>) dst(%dma_wait3A_156 : memref<625x128xbf16, #tpu.memory_space<vmem_shared>>)
      tpu.yield
    }) : () -> ()
    %mul3A_1 = arith.constant 16 : i32
    %mul3A_2 = arith.muli %arg0, %mul3A_1 : i32
    %add3A = arith.addi %mul3A_2, %arg1 : i32
    %mul3A_3 = arith.constant 125 : i32
    %mul3A_4 = arith.muli %add3A, %mul3A_3 : i32
    "tpu.region"() ({
      %run_scoped3A = tpu.sem_alloc : memref<!tpu.dma_semaphore, #tpu.memory_space<semaphore_mem>>
      %dma_start3A_153 = arith.constant 0 : i32
      %dma_start3A_154 = tpu.memref_slice %arg3[%mul3A_4, %dma_start3A_153] : memref<4000x80xi32, #tpu.memory_space<hbm>> -> memref<125x80xi32, #tpu.memory_space<hbm>>
      %dma_start3A_155 = arith.constant 0 : i32
      %dma_start3A_156 = tpu.memref_slice %arg3[%mul3A_4, %dma_start3A_155] : memref<4000x80xi32, #tpu.memory_space<hbm>> -> memref<125x80xi32, #tpu.memory_space<hbm>>
      tpu.enqueue_dma source(%dma_start3A_156 : memref<125x80xi32, #tpu.memory_space<hbm>>) target(%arg7 : memref<125x80xi32, #tpu.memory_space<vmem>>) target_semaphore(%run_scoped3A : memref<!tpu.dma_semaphore, #tpu.memory_space<semaphore_mem>>)
      %dma_wait3A_157 = arith.constant 0 : i32
      %dma_wait3A_158 = tpu.memref_slice %arg3[%mul3A_4, %dma_wait3A_157] : memref<4000x80xi32, #tpu.memory_space<hbm>> -> memref<125x80xi32, #tpu.memory_space<hbm>>
      %dma_wait3A_159 = arith.constant 0 : i32
      %dma_wait3A_160 = tpu.memref_slice %arg3[%mul3A_4, %dma_wait3A_159] : memref<4000x80xi32, #tpu.memory_space<hbm>> -> memref<125x80xi32, #tpu.memory_space<hbm>>
      tpu.wait_dma2 semaphore(%run_scoped3A : memref<!tpu.dma_semaphore, #tpu.memory_space<semaphore_mem>>) src(%dma_wait3A_160 : memref<125x80xi32, #tpu.memory_space<hbm>>) dst(%arg7 : memref<125x80xi32, #tpu.memory_space<vmem>>)
      tpu.yield
    }) : () -> ()
    "tpu.region"() ({
      %run_scoped3A = tpu.sem_alloc : memref<!tpu.dma_semaphore, #tpu.memory_space<semaphore_mem>>
      %dma_start3A_153 = arith.constant 0 : i32
      %dma_start3A_154 = tpu.memref_slice %arg4[%mul3A_4, %dma_start3A_153] : memref<4000x80xi32, #tpu.memory_space<hbm>> -> memref<125x80xi32, #tpu.memory_space<hbm>>
      %dma_start3A_155 = arith.constant 0 : i32
      %dma_start3A_156 = tpu.memref_slice %arg4[%mul3A_4, %dma_start3A_155] : memref<4000x80xi32, #tpu.memory_space<hbm>> -> memref<125x80xi32, #tpu.memory_space<hbm>>
      tpu.enqueue_dma source(%dma_start3A_156 : memref<125x80xi32, #tpu.memory_space<hbm>>) target(%arg8 : memref<125x80xi32, #tpu.memory_space<vmem>>) target_semaphore(%run_scoped3A : memref<!tpu.dma_semaphore, #tpu.memory_space<semaphore_mem>>)
      %dma_wait3A_157 = arith.constant 0 : i32
      %dma_wait3A_158 = tpu.memref_slice %arg4[%mul3A_4, %dma_wait3A_157] : memref<4000x80xi32, #tpu.memory_space<hbm>> -> memref<125x80xi32, #tpu.memory_space<hbm>>
      %dma_wait3A_159 = arith.constant 0 : i32
      %dma_wait3A_160 = tpu.memref_slice %arg4[%mul3A_4, %dma_wait3A_159] : memref<4000x80xi32, #tpu.memory_space<hbm>> -> memref<125x80xi32, #tpu.memory_space<hbm>>
      tpu.wait_dma2 semaphore(%run_scoped3A : memref<!tpu.dma_semaphore, #tpu.memory_space<semaphore_mem>>) src(%dma_wait3A_160 : memref<125x80xi32, #tpu.memory_space<hbm>>) dst(%arg8 : memref<125x80xi32, #tpu.memory_space<vmem>>)
      tpu.yield
    }) : () -> ()
    %barrier3A = arith.constant 0 : index
    tpu.barrier barrier_id(%barrier3A)
    %dma_start3A = arith.constant 0 : i32
    %dma_start3A_5 = arith.constant 0 : i32
    %dma_start3A_6 = tpu.memref_slice %arg7[%dma_start3A, %dma_start3A_5] : memref<125x80xi32, #tpu.memory_space<vmem>> -> memref<1x80xi32, #tpu.memory_space<vmem>>
    %dma_start3A_7 = tpu.memref_squeeze %dma_start3A_6 : memref<1x80xi32, #tpu.memory_space<vmem>> -> memref<80xi32, #tpu.memory_space<vmem>>
    %dma_start3A_8 = arith.constant 0 : i32
    %dma_start3A_9 = arith.constant 0 : i32
    %dma_start3A_10 = tpu.memref_slice %arg2[%dma_start3A_8, %dma_start3A_9] : memref<10000x128xbf16, #tpu.memory_space<hbm>> -> memref<10000x128xbf16, #tpu.memory_space<hbm>>
    tpu.enqueue_indirect_dma source(%dma_start3A_10 : memref<10000x128xbf16, #tpu.memory_space<hbm>>) target(%arg9 : memref<80x128xbf16, #tpu.memory_space<vmem>>) offsets(%dma_start3A_7 : memref<80xi32, #tpu.memory_space<vmem>>) semaphore(%arg15 : memref<!tpu.dma_semaphore, #tpu.memory_space<semaphore_mem>>)
    %dma_start3A_11 = arith.constant 1 : i32
    %dma_start3A_12 = arith.constant 0 : i32
    %dma_start3A_13 = tpu.memref_slice %arg7[%dma_start3A_11, %dma_start3A_12] : memref<125x80xi32, #tpu.memory_space<vmem>> -> memref<1x80xi32, #tpu.memory_space<vmem>>
    %dma_start3A_14 = tpu.memref_squeeze %dma_start3A_13 : memref<1x80xi32, #tpu.memory_space<vmem>> -> memref<80xi32, #tpu.memory_space<vmem>>
    %dma_start3A_15 = arith.constant 0 : i32
    %dma_start3A_16 = arith.constant 0 : i32
    %dma_start3A_17 = tpu.memref_slice %arg2[%dma_start3A_15, %dma_start3A_16] : memref<10000x128xbf16, #tpu.memory_space<hbm>> -> memref<10000x128xbf16, #tpu.memory_space<hbm>>
    tpu.enqueue_indirect_dma source(%dma_start3A_17 : memref<10000x128xbf16, #tpu.memory_space<hbm>>) target(%arg10 : memref<80x128xbf16, #tpu.memory_space<vmem>>) offsets(%dma_start3A_14 : memref<80xi32, #tpu.memory_space<vmem>>) semaphore(%arg16 : memref<!tpu.dma_semaphore, #tpu.memory_space<semaphore_mem>>)
    %dma_start3A_18 = arith.constant 2 : i32
    %dma_start3A_19 = arith.constant 0 : i32
    %dma_start3A_20 = tpu.memref_slice %arg7[%dma_start3A_18, %dma_start3A_19] : memref<125x80xi32, #tpu.memory_space<vmem>> -> memref<1x80xi32, #tpu.memory_space<vmem>>
    %dma_start3A_21 = tpu.memref_squeeze %dma_start3A_20 : memref<1x80xi32, #tpu.memory_space<vmem>> -> memref<80xi32, #tpu.memory_space<vmem>>
    %dma_start3A_22 = arith.constant 0 : i32
    %dma_start3A_23 = arith.constant 0 : i32
    %dma_start3A_24 = tpu.memref_slice %arg2[%dma_start3A_22, %dma_start3A_23] : memref<10000x128xbf16, #tpu.memory_space<hbm>> -> memref<10000x128xbf16, #tpu.memory_space<hbm>>
    tpu.enqueue_indirect_dma source(%dma_start3A_24 : memref<10000x128xbf16, #tpu.memory_space<hbm>>) target(%arg11 : memref<80x128xbf16, #tpu.memory_space<vmem>>) offsets(%dma_start3A_21 : memref<80xi32, #tpu.memory_space<vmem>>) semaphore(%arg17 : memref<!tpu.dma_semaphore, #tpu.memory_space<semaphore_mem>>)
    %dma_start3A_25 = arith.constant 3 : i32
    %dma_start3A_26 = arith.constant 0 : i32
    %dma_start3A_27 = tpu.memref_slice %arg7[%dma_start3A_25, %dma_start3A_26] : memref<125x80xi32, #tpu.memory_space<vmem>> -> memref<1x80xi32, #tpu.memory_space<vmem>>
    %dma_start3A_28 = tpu.memref_squeeze %dma_start3A_27 : memref<1x80xi32, #tpu.memory_space<vmem>> -> memref<80xi32, #tpu.memory_space<vmem>>
    %dma_start3A_29 = arith.constant 0 : i32
    %dma_start3A_30 = arith.constant 0 : i32
    %dma_start3A_31 = tpu.memref_slice %arg2[%dma_start3A_29, %dma_start3A_30] : memref<10000x128xbf16, #tpu.memory_space<hbm>> -> memref<10000x128xbf16, #tpu.memory_space<hbm>>
    tpu.enqueue_indirect_dma source(%dma_start3A_31 : memref<10000x128xbf16, #tpu.memory_space<hbm>>) target(%arg12 : memref<80x128xbf16, #tpu.memory_space<vmem>>) offsets(%dma_start3A_28 : memref<80xi32, #tpu.memory_space<vmem>>) semaphore(%arg18 : memref<!tpu.dma_semaphore, #tpu.memory_space<semaphore_mem>>)
    %dma_start3A_32 = arith.constant 4 : i32
    %dma_start3A_33 = arith.constant 0 : i32
    %dma_start3A_34 = tpu.memref_slice %arg7[%dma_start3A_32, %dma_start3A_33] : memref<125x80xi32, #tpu.memory_space<vmem>> -> memref<1x80xi32, #tpu.memory_space<vmem>>
    %dma_start3A_35 = tpu.memref_squeeze %dma_start3A_34 : memref<1x80xi32, #tpu.memory_space<vmem>> -> memref<80xi32, #tpu.memory_space<vmem>>
    %dma_start3A_36 = arith.constant 0 : i32
    %dma_start3A_37 = arith.constant 0 : i32
    %dma_start3A_38 = tpu.memref_slice %arg2[%dma_start3A_36, %dma_start3A_37] : memref<10000x128xbf16, #tpu.memory_space<hbm>> -> memref<10000x128xbf16, #tpu.memory_space<hbm>>
    tpu.enqueue_indirect_dma source(%dma_start3A_38 : memref<10000x128xbf16, #tpu.memory_space<hbm>>) target(%arg13 : memref<80x128xbf16, #tpu.memory_space<vmem>>) offsets(%dma_start3A_35 : memref<80xi32, #tpu.memory_space<vmem>>) semaphore(%arg19 : memref<!tpu.dma_semaphore, #tpu.memory_space<semaphore_mem>>)
    %scan3A = arith.constant 0 : i32
    %scan3A_39 = arith.constant 0 : i32
    %scan3A_40 = arith.constant 24 : i32
    %scan3A_41 = arith.addi %scan3A_39, %scan3A_40 : i32
    %scan3A_42 = arith.constant 1 : i32
    scf.for %scan3A_153 = %scan3A_39 to %scan3A_41 step %scan3A_42  : i32 {
      %mul3A_154 = arith.constant 5 : i32
      %mul3A_155 = arith.muli %mul3A_154, %scan3A_153 : i32
      %add3A_156 = arith.constant 0 : i32
      %add3A_157 = arith.addi %mul3A_155, %add3A_156 : i32
      %dma_wait3A_158 = arith.constant 0 : i32
      %dma_wait3A_159 = tpu.memref_slice %arg7[%add3A_157, %dma_wait3A_158] : memref<125x80xi32, #tpu.memory_space<vmem>> -> memref<1x80xi32, #tpu.memory_space<vmem>>
      %dma_wait3A_160 = tpu.memref_squeeze %dma_wait3A_159 : memref<1x80xi32, #tpu.memory_space<vmem>> -> memref<80xi32, #tpu.memory_space<vmem>>
      %dma_wait3A_161 = arith.constant 0 : i32
      %dma_wait3A_162 = arith.constant 0 : i32
      %dma_wait3A_163 = tpu.memref_slice %arg2[%dma_wait3A_161, %dma_wait3A_162] : memref<10000x128xbf16, #tpu.memory_space<hbm>> -> memref<10000x128xbf16, #tpu.memory_space<hbm>>
      tpu.wait_indirect_dma semaphore(%arg15 : memref<!tpu.dma_semaphore, #tpu.memory_space<semaphore_mem>>) src(%dma_wait3A_163 : memref<10000x128xbf16, #tpu.memory_space<hbm>>) dst(%arg9 : memref<80x128xbf16, #tpu.memory_space<vmem>>)
      %dma_start3A_164 = arith.constant 0 : i32
      %dma_start3A_165 = tpu.memref_slice %arg8[%add3A_157, %dma_start3A_164] : memref<125x80xi32, #tpu.memory_space<vmem>> -> memref<1x80xi32, #tpu.memory_space<vmem>>
      %dma_start3A_166 = tpu.memref_squeeze %dma_start3A_165 : memref<1x80xi32, #tpu.memory_space<vmem>> -> memref<80xi32, #tpu.memory_space<vmem>>
      %dma_start3A_167 = arith.constant 0 : i32
      %dma_start3A_168 = arith.constant 0 : i32
      %dma_start3A_169 = tpu.memref_slice %arg14[%dma_start3A_167, %dma_start3A_168] : memref<10000x128xbf16, #tpu.memory_space<vmem_shared>> -> memref<10000x128xbf16, #tpu.memory_space<vmem_shared>>
      tpu.enqueue_indirect_dma source(%arg9 : memref<80x128xbf16, #tpu.memory_space<vmem>>) target(%dma_start3A_169 : memref<10000x128xbf16, #tpu.memory_space<vmem_shared>>) offsets(%dma_start3A_166 : memref<80xi32, #tpu.memory_space<vmem>>) semaphore(%arg20 : memref<!tpu.dma_semaphore, #tpu.memory_space<semaphore_mem>>) {add = true}
      %dma_wait3A_170 = arith.constant 0 : i32
      %dma_wait3A_171 = tpu.memref_slice %arg8[%add3A_157, %dma_wait3A_170] : memref<125x80xi32, #tpu.memory_space<vmem>> -> memref<1x80xi32, #tpu.memory_space<vmem>>
      %dma_wait3A_172 = tpu.memref_squeeze %dma_wait3A_171 : memref<1x80xi32, #tpu.memory_space<vmem>> -> memref<80xi32, #tpu.memory_space<vmem>>
      %dma_wait3A_173 = arith.constant 0 : i32
      %dma_wait3A_174 = arith.constant 0 : i32
      %dma_wait3A_175 = tpu.memref_slice %arg14[%dma_wait3A_173, %dma_wait3A_174] : memref<10000x128xbf16, #tpu.memory_space<vmem_shared>> -> memref<10000x128xbf16, #tpu.memory_space<vmem_shared>>
      tpu.wait_indirect_dma semaphore(%arg20 : memref<!tpu.dma_semaphore, #tpu.memory_space<semaphore_mem>>) src(%arg9 : memref<80x128xbf16, #tpu.memory_space<vmem>>) dst(%dma_wait3A_175 : memref<10000x128xbf16, #tpu.memory_space<vmem_shared>>)
      %add3A_176 = arith.constant 5 : i32
      %add3A_177 = arith.addi %add3A_157, %add3A_176 : i32
      %dma_start3A_178 = arith.constant 0 : i32
      %dma_start3A_179 = tpu.memref_slice %arg7[%add3A_177, %dma_start3A_178] : memref<125x80xi32, #tpu.memory_space<vmem>> -> memref<1x80xi32, #tpu.memory_space<vmem>>
      %dma_start3A_180 = tpu.memref_squeeze %dma_start3A_179 : memref<1x80xi32, #tpu.memory_space<vmem>> -> memref<80xi32, #tpu.memory_space<vmem>>
      %dma_start3A_181 = arith.constant 0 : i32
      %dma_start3A_182 = arith.constant 0 : i32
      %dma_start3A_183 = tpu.memref_slice %arg2[%dma_start3A_181, %dma_start3A_182] : memref<10000x128xbf16, #tpu.memory_space<hbm>> -> memref<10000x128xbf16, #tpu.memory_space<hbm>>
      tpu.enqueue_indirect_dma source(%dma_start3A_183 : memref<10000x128xbf16, #tpu.memory_space<hbm>>) target(%arg9 : memref<80x128xbf16, #tpu.memory_space<vmem>>) offsets(%dma_start3A_180 : memref<80xi32, #tpu.memory_space<vmem>>) semaphore(%arg15 : memref<!tpu.dma_semaphore, #tpu.memory_space<semaphore_mem>>)
      %add3A_184 = arith.constant 1 : i32
      %add3A_185 = arith.addi %mul3A_155, %add3A_184 : i32
      %dma_wait3A_186 = arith.constant 0 : i32
      %dma_wait3A_187 = tpu.memref_slice %arg7[%add3A_185, %dma_wait3A_186] : memref<125x80xi32, #tpu.memory_space<vmem>> -> memref<1x80xi32, #tpu.memory_space<vmem>>
      %dma_wait3A_188 = tpu.memref_squeeze %dma_wait3A_187 : memref<1x80xi32, #tpu.memory_space<vmem>> -> memref<80xi32, #tpu.memory_space<vmem>>
      %dma_wait3A_189 = arith.constant 0 : i32
      %dma_wait3A_190 = arith.constant 0 : i32
      %dma_wait3A_191 = tpu.memref_slice %arg2[%dma_wait3A_189, %dma_wait3A_190] : memref<10000x128xbf16, #tpu.memory_space<hbm>> -> memref<10000x128xbf16, #tpu.memory_space<hbm>>
      tpu.wait_indirect_dma semaphore(%arg16 : memref<!tpu.dma_semaphore, #tpu.memory_space<semaphore_mem>>) src(%dma_wait3A_191 : memref<10000x128xbf16, #tpu.memory_space<hbm>>) dst(%arg10 : memref<80x128xbf16, #tpu.memory_space<vmem>>)
      %dma_start3A_192 = arith.constant 0 : i32
      %dma_start3A_193 = tpu.memref_slice %arg8[%add3A_185, %dma_start3A_192] : memref<125x80xi32, #tpu.memory_space<vmem>> -> memref<1x80xi32, #tpu.memory_space<vmem>>
      %dma_start3A_194 = tpu.memref_squeeze %dma_start3A_193 : memref<1x80xi32, #tpu.memory_space<vmem>> -> memref<80xi32, #tpu.memory_space<vmem>>
      %dma_start3A_195 = arith.constant 0 : i32
      %dma_start3A_196 = arith.constant 0 : i32
      %dma_start3A_197 = tpu.memref_slice %arg14[%dma_start3A_195, %dma_start3A_196] : memref<10000x128xbf16, #tpu.memory_space<vmem_shared>> -> memref<10000x128xbf16, #tpu.memory_space<vmem_shared>>
      tpu.enqueue_indirect_dma source(%arg10 : memref<80x128xbf16, #tpu.memory_space<vmem>>) target(%dma_start3A_197 : memref<10000x128xbf16, #tpu.memory_space<vmem_shared>>) offsets(%dma_start3A_194 : memref<80xi32, #tpu.memory_space<vmem>>) semaphore(%arg21 : memref<!tpu.dma_semaphore, #tpu.memory_space<semaphore_mem>>) {add = true}
      %dma_wait3A_198 = arith.constant 0 : i32
      %dma_wait3A_199 = tpu.memref_slice %arg8[%add3A_185, %dma_wait3A_198] : memref<125x80xi32, #tpu.memory_space<vmem>> -> memref<1x80xi32, #tpu.memory_space<vmem>>
      %dma_wait3A_200 = tpu.memref_squeeze %dma_wait3A_199 : memref<1x80xi32, #tpu.memory_space<vmem>> -> memref<80xi32, #tpu.memory_space<vmem>>
      %dma_wait3A_201 = arith.constant 0 : i32
      %dma_wait3A_202 = arith.constant 0 : i32
      %dma_wait3A_203 = tpu.memref_slice %arg14[%dma_wait3A_201, %dma_wait3A_202] : memref<10000x128xbf16, #tpu.memory_space<vmem_shared>> -> memref<10000x128xbf16, #tpu.memory_space<vmem_shared>>
      tpu.wait_indirect_dma semaphore(%arg21 : memref<!tpu.dma_semaphore, #tpu.memory_space<semaphore_mem>>) src(%arg10 : memref<80x128xbf16, #tpu.memory_space<vmem>>) dst(%dma_wait3A_203 : memref<10000x128xbf16, #tpu.memory_space<vmem_shared>>)
      %add3A_204 = arith.constant 5 : i32
      %add3A_205 = arith.addi %add3A_185, %add3A_204 : i32
      %dma_start3A_206 = arith.constant 0 : i32
      %dma_start3A_207 = tpu.memref_slice %arg7[%add3A_205, %dma_start3A_206] : memref<125x80xi32, #tpu.memory_space<vmem>> -> memref<1x80xi32, #tpu.memory_space<vmem>>
      %dma_start3A_208 = tpu.memref_squeeze %dma_start3A_207 : memref<1x80xi32, #tpu.memory_space<vmem>> -> memref<80xi32, #tpu.memory_space<vmem>>
      %dma_start3A_209 = arith.constant 0 : i32
      %dma_start3A_210 = arith.constant 0 : i32
      %dma_start3A_211 = tpu.memref_slice %arg2[%dma_start3A_209, %dma_start3A_210] : memref<10000x128xbf16, #tpu.memory_space<hbm>> -> memref<10000x128xbf16, #tpu.memory_space<hbm>>
      tpu.enqueue_indirect_dma source(%dma_start3A_211 : memref<10000x128xbf16, #tpu.memory_space<hbm>>) target(%arg10 : memref<80x128xbf16, #tpu.memory_space<vmem>>) offsets(%dma_start3A_208 : memref<80xi32, #tpu.memory_space<vmem>>) semaphore(%arg16 : memref<!tpu.dma_semaphore, #tpu.memory_space<semaphore_mem>>)
      %add3A_212 = arith.constant 2 : i32
      %add3A_213 = arith.addi %mul3A_155, %add3A_212 : i32
      %dma_wait3A_214 = arith.constant 0 : i32
      %dma_wait3A_215 = tpu.memref_slice %arg7[%add3A_213, %dma_wait3A_214] : memref<125x80xi32, #tpu.memory_space<vmem>> -> memref<1x80xi32, #tpu.memory_space<vmem>>
      %dma_wait3A_216 = tpu.memref_squeeze %dma_wait3A_215 : memref<1x80xi32, #tpu.memory_space<vmem>> -> memref<80xi32, #tpu.memory_space<vmem>>
      %dma_wait3A_217 = arith.constant 0 : i32
      %dma_wait3A_218 = arith.constant 0 : i32
      %dma_wait3A_219 = tpu.memref_slice %arg2[%dma_wait3A_217, %dma_wait3A_218] : memref<10000x128xbf16, #tpu.memory_space<hbm>> -> memref<10000x128xbf16, #tpu.memory_space<hbm>>
      tpu.wait_indirect_dma semaphore(%arg17 : memref<!tpu.dma_semaphore, #tpu.memory_space<semaphore_mem>>) src(%dma_wait3A_219 : memref<10000x128xbf16, #tpu.memory_space<hbm>>) dst(%arg11 : memref<80x128xbf16, #tpu.memory_space<vmem>>)
      %dma_start3A_220 = arith.constant 0 : i32
      %dma_start3A_221 = tpu.memref_slice %arg8[%add3A_213, %dma_start3A_220] : memref<125x80xi32, #tpu.memory_space<vmem>> -> memref<1x80xi32, #tpu.memory_space<vmem>>
      %dma_start3A_222 = tpu.memref_squeeze %dma_start3A_221 : memref<1x80xi32, #tpu.memory_space<vmem>> -> memref<80xi32, #tpu.memory_space<vmem>>
      %dma_start3A_223 = arith.constant 0 : i32
      %dma_start3A_224 = arith.constant 0 : i32
      %dma_start3A_225 = tpu.memref_slice %arg14[%dma_start3A_223, %dma_start3A_224] : memref<10000x128xbf16, #tpu.memory_space<vmem_shared>> -> memref<10000x128xbf16, #tpu.memory_space<vmem_shared>>
      tpu.enqueue_indirect_dma source(%arg11 : memref<80x128xbf16, #tpu.memory_space<vmem>>) target(%dma_start3A_225 : memref<10000x128xbf16, #tpu.memory_space<vmem_shared>>) offsets(%dma_start3A_222 : memref<80xi32, #tpu.memory_space<vmem>>) semaphore(%arg22 : memref<!tpu.dma_semaphore, #tpu.memory_space<semaphore_mem>>) {add = true}
      %dma_wait3A_226 = arith.constant 0 : i32
      %dma_wait3A_227 = tpu.memref_slice %arg8[%add3A_213, %dma_wait3A_226] : memref<125x80xi32, #tpu.memory_space<vmem>> -> memref<1x80xi32, #tpu.memory_space<vmem>>
      %dma_wait3A_228 = tpu.memref_squeeze %dma_wait3A_227 : memref<1x80xi32, #tpu.memory_space<vmem>> -> memref<80xi32, #tpu.memory_space<vmem>>
      %dma_wait3A_229 = arith.constant 0 : i32
      %dma_wait3A_230 = arith.constant 0 : i32
      %dma_wait3A_231 = tpu.memref_slice %arg14[%dma_wait3A_229, %dma_wait3A_230] : memref<10000x128xbf16, #tpu.memory_space<vmem_shared>> -> memref<10000x128xbf16, #tpu.memory_space<vmem_shared>>
      tpu.wait_indirect_dma semaphore(%arg22 : memref<!tpu.dma_semaphore, #tpu.memory_space<semaphore_mem>>) src(%arg11 : memref<80x128xbf16, #tpu.memory_space<vmem>>) dst(%dma_wait3A_231 : memref<10000x128xbf16, #tpu.memory_space<vmem_shared>>)
      %add3A_232 = arith.constant 5 : i32
      %add3A_233 = arith.addi %add3A_213, %add3A_232 : i32
      %dma_start3A_234 = arith.constant 0 : i32
      %dma_start3A_235 = tpu.memref_slice %arg7[%add3A_233, %dma_start3A_234] : memref<125x80xi32, #tpu.memory_space<vmem>> -> memref<1x80xi32, #tpu.memory_space<vmem>>
      %dma_start3A_236 = tpu.memref_squeeze %dma_start3A_235 : memref<1x80xi32, #tpu.memory_space<vmem>> -> memref<80xi32, #tpu.memory_space<vmem>>
      %dma_start3A_237 = arith.constant 0 : i32
      %dma_start3A_238 = arith.constant 0 : i32
      %dma_start3A_239 = tpu.memref_slice %arg2[%dma_start3A_237, %dma_start3A_238] : memref<10000x128xbf16, #tpu.memory_space<hbm>> -> memref<10000x128xbf16, #tpu.memory_space<hbm>>
      tpu.enqueue_indirect_dma source(%dma_start3A_239 : memref<10000x128xbf16, #tpu.memory_space<hbm>>) target(%arg11 : memref<80x128xbf16, #tpu.memory_space<vmem>>) offsets(%dma_start3A_236 : memref<80xi32, #tpu.memory_space<vmem>>) semaphore(%arg17 : memref<!tpu.dma_semaphore, #tpu.memory_space<semaphore_mem>>)
      %add3A_240 = arith.constant 3 : i32
      %add3A_241 = arith.addi %mul3A_155, %add3A_240 : i32
      %dma_wait3A_242 = arith.constant 0 : i32
      %dma_wait3A_243 = tpu.memref_slice %arg7[%add3A_241, %dma_wait3A_242] : memref<125x80xi32, #tpu.memory_space<vmem>> -> memref<1x80xi32, #tpu.memory_space<vmem>>
      %dma_wait3A_244 = tpu.memref_squeeze %dma_wait3A_243 : memref<1x80xi32, #tpu.memory_space<vmem>> -> memref<80xi32, #tpu.memory_space<vmem>>
      %dma_wait3A_245 = arith.constant 0 : i32
      %dma_wait3A_246 = arith.constant 0 : i32
      %dma_wait3A_247 = tpu.memref_slice %arg2[%dma_wait3A_245, %dma_wait3A_246] : memref<10000x128xbf16, #tpu.memory_space<hbm>> -> memref<10000x128xbf16, #tpu.memory_space<hbm>>
      tpu.wait_indirect_dma semaphore(%arg18 : memref<!tpu.dma_semaphore, #tpu.memory_space<semaphore_mem>>) src(%dma_wait3A_247 : memref<10000x128xbf16, #tpu.memory_space<hbm>>) dst(%arg12 : memref<80x128xbf16, #tpu.memory_space<vmem>>)
      %dma_start3A_248 = arith.constant 0 : i32
      %dma_start3A_249 = tpu.memref_slice %arg8[%add3A_241, %dma_start3A_248] : memref<125x80xi32, #tpu.memory_space<vmem>> -> memref<1x80xi32, #tpu.memory_space<vmem>>
      %dma_start3A_250 = tpu.memref_squeeze %dma_start3A_249 : memref<1x80xi32, #tpu.memory_space<vmem>> -> memref<80xi32, #tpu.memory_space<vmem>>
      %dma_start3A_251 = arith.constant 0 : i32
      %dma_start3A_252 = arith.constant 0 : i32
      %dma_start3A_253 = tpu.memref_slice %arg14[%dma_start3A_251, %dma_start3A_252] : memref<10000x128xbf16, #tpu.memory_space<vmem_shared>> -> memref<10000x128xbf16, #tpu.memory_space<vmem_shared>>
      tpu.enqueue_indirect_dma source(%arg12 : memref<80x128xbf16, #tpu.memory_space<vmem>>) target(%dma_start3A_253 : memref<10000x128xbf16, #tpu.memory_space<vmem_shared>>) offsets(%dma_start3A_250 : memref<80xi32, #tpu.memory_space<vmem>>) semaphore(%arg23 : memref<!tpu.dma_semaphore, #tpu.memory_space<semaphore_mem>>) {add = true}
      %dma_wait3A_254 = arith.constant 0 : i32
      %dma_wait3A_255 = tpu.memref_slice %arg8[%add3A_241, %dma_wait3A_254] : memref<125x80xi32, #tpu.memory_space<vmem>> -> memref<1x80xi32, #tpu.memory_space<vmem>>
      %dma_wait3A_256 = tpu.memref_squeeze %dma_wait3A_255 : memref<1x80xi32, #tpu.memory_space<vmem>> -> memref<80xi32, #tpu.memory_space<vmem>>
      %dma_wait3A_257 = arith.constant 0 : i32
      %dma_wait3A_258 = arith.constant 0 : i32
      %dma_wait3A_259 = tpu.memref_slice %arg14[%dma_wait3A_257, %dma_wait3A_258] : memref<10000x128xbf16, #tpu.memory_space<vmem_shared>> -> memref<10000x128xbf16, #tpu.memory_space<vmem_shared>>
      tpu.wait_indirect_dma semaphore(%arg23 : memref<!tpu.dma_semaphore, #tpu.memory_space<semaphore_mem>>) src(%arg12 : memref<80x128xbf16, #tpu.memory_space<vmem>>) dst(%dma_wait3A_259 : memref<10000x128xbf16, #tpu.memory_space<vmem_shared>>)
      %add3A_260 = arith.constant 5 : i32
      %add3A_261 = arith.addi %add3A_241, %add3A_260 : i32
      %dma_start3A_262 = arith.constant 0 : i32
      %dma_start3A_263 = tpu.memref_slice %arg7[%add3A_261, %dma_start3A_262] : memref<125x80xi32, #tpu.memory_space<vmem>> -> memref<1x80xi32, #tpu.memory_space<vmem>>
      %dma_start3A_264 = tpu.memref_squeeze %dma_start3A_263 : memref<1x80xi32, #tpu.memory_space<vmem>> -> memref<80xi32, #tpu.memory_space<vmem>>
      %dma_start3A_265 = arith.constant 0 : i32
      %dma_start3A_266 = arith.constant 0 : i32
      %dma_start3A_267 = tpu.memref_slice %arg2[%dma_start3A_265, %dma_start3A_266] : memref<10000x128xbf16, #tpu.memory_space<hbm>> -> memref<10000x128xbf16, #tpu.memory_space<hbm>>
      tpu.enqueue_indirect_dma source(%dma_start3A_267 : memref<10000x128xbf16, #tpu.memory_space<hbm>>) target(%arg12 : memref<80x128xbf16, #tpu.memory_space<vmem>>) offsets(%dma_start3A_264 : memref<80xi32, #tpu.memory_space<vmem>>) semaphore(%arg18 : memref<!tpu.dma_semaphore, #tpu.memory_space<semaphore_mem>>)
      %add3A_268 = arith.constant 4 : i32
      %add3A_269 = arith.addi %mul3A_155, %add3A_268 : i32
      %dma_wait3A_270 = arith.constant 0 : i32
      %dma_wait3A_271 = tpu.memref_slice %arg7[%add3A_269, %dma_wait3A_270] : memref<125x80xi32, #tpu.memory_space<vmem>> -> memref<1x80xi32, #tpu.memory_space<vmem>>
      %dma_wait3A_272 = tpu.memref_squeeze %dma_wait3A_271 : memref<1x80xi32, #tpu.memory_space<vmem>> -> memref<80xi32, #tpu.memory_space<vmem>>
      %dma_wait3A_273 = arith.constant 0 : i32
      %dma_wait3A_274 = arith.constant 0 : i32
      %dma_wait3A_275 = tpu.memref_slice %arg2[%dma_wait3A_273, %dma_wait3A_274] : memref<10000x128xbf16, #tpu.memory_space<hbm>> -> memref<10000x128xbf16, #tpu.memory_space<hbm>>
      tpu.wait_indirect_dma semaphore(%arg19 : memref<!tpu.dma_semaphore, #tpu.memory_space<semaphore_mem>>) src(%dma_wait3A_275 : memref<10000x128xbf16, #tpu.memory_space<hbm>>) dst(%arg13 : memref<80x128xbf16, #tpu.memory_space<vmem>>)
      %dma_start3A_276 = arith.constant 0 : i32
      %dma_start3A_277 = tpu.memref_slice %arg8[%add3A_269, %dma_start3A_276] : memref<125x80xi32, #tpu.memory_space<vmem>> -> memref<1x80xi32, #tpu.memory_space<vmem>>
      %dma_start3A_278 = tpu.memref_squeeze %dma_start3A_277 : memref<1x80xi32, #tpu.memory_space<vmem>> -> memref<80xi32, #tpu.memory_space<vmem>>
      %dma_start3A_279 = arith.constant 0 : i32
      %dma_start3A_280 = arith.constant 0 : i32
      %dma_start3A_281 = tpu.memref_slice %arg14[%dma_start3A_279, %dma_start3A_280] : memref<10000x128xbf16, #tpu.memory_space<vmem_shared>> -> memref<10000x128xbf16, #tpu.memory_space<vmem_shared>>
      tpu.enqueue_indirect_dma source(%arg13 : memref<80x128xbf16, #tpu.memory_space<vmem>>) target(%dma_start3A_281 : memref<10000x128xbf16, #tpu.memory_space<vmem_shared>>) offsets(%dma_start3A_278 : memref<80xi32, #tpu.memory_space<vmem>>) semaphore(%arg24 : memref<!tpu.dma_semaphore, #tpu.memory_space<semaphore_mem>>) {add = true}
      %dma_wait3A_282 = arith.constant 0 : i32
      %dma_wait3A_283 = tpu.memref_slice %arg8[%add3A_269, %dma_wait3A_282] : memref<125x80xi32, #tpu.memory_space<vmem>> -> memref<1x80xi32, #tpu.memory_space<vmem>>
      %dma_wait3A_284 = tpu.memref_squeeze %dma_wait3A_283 : memref<1x80xi32, #tpu.memory_space<vmem>> -> memref<80xi32, #tpu.memory_space<vmem>>
      %dma_wait3A_285 = arith.constant 0 : i32
      %dma_wait3A_286 = arith.constant 0 : i32
      %dma_wait3A_287 = tpu.memref_slice %arg14[%dma_wait3A_285, %dma_wait3A_286] : memref<10000x128xbf16, #tpu.memory_space<vmem_shared>> -> memref<10000x128xbf16, #tpu.memory_space<vmem_shared>>
      tpu.wait_indirect_dma semaphore(%arg24 : memref<!tpu.dma_semaphore, #tpu.memory_space<semaphore_mem>>) src(%arg13 : memref<80x128xbf16, #tpu.memory_space<vmem>>) dst(%dma_wait3A_287 : memref<10000x128xbf16, #tpu.memory_space<vmem_shared>>)
      %add3A_288 = arith.constant 5 : i32
      %add3A_289 = arith.addi %add3A_269, %add3A_288 : i32
      %dma_start3A_290 = arith.constant 0 : i32
      %dma_start3A_291 = tpu.memref_slice %arg7[%add3A_289, %dma_start3A_290] : memref<125x80xi32, #tpu.memory_space<vmem>> -> memref<1x80xi32, #tpu.memory_space<vmem>>
      %dma_start3A_292 = tpu.memref_squeeze %dma_start3A_291 : memref<1x80xi32, #tpu.memory_space<vmem>> -> memref<80xi32, #tpu.memory_space<vmem>>
      %dma_start3A_293 = arith.constant 0 : i32
      %dma_start3A_294 = arith.constant 0 : i32
      %dma_start3A_295 = tpu.memref_slice %arg2[%dma_start3A_293, %dma_start3A_294] : memref<10000x128xbf16, #tpu.memory_space<hbm>> -> memref<10000x128xbf16, #tpu.memory_space<hbm>>
      tpu.enqueue_indirect_dma source(%dma_start3A_295 : memref<10000x128xbf16, #tpu.memory_space<hbm>>) target(%arg13 : memref<80x128xbf16, #tpu.memory_space<vmem>>) offsets(%dma_start3A_292 : memref<80xi32, #tpu.memory_space<vmem>>) semaphore(%arg19 : memref<!tpu.dma_semaphore, #tpu.memory_space<semaphore_mem>>)
    }
    %scan3A_43 = arith.constant 24 : i32
    %dma_wait3A = arith.constant 120 : i32
    %dma_wait3A_44 = arith.constant 0 : i32
    %dma_wait3A_45 = tpu.memref_slice %arg7[%dma_wait3A, %dma_wait3A_44] : memref<125x80xi32, #tpu.memory_space<vmem>> -> memref<1x80xi32, #tpu.memory_space<vmem>>
    %dma_wait3A_46 = tpu.memref_squeeze %dma_wait3A_45 : memref<1x80xi32, #tpu.memory_space<vmem>> -> memref<80xi32, #tpu.memory_space<vmem>>
    %dma_wait3A_47 = arith.constant 0 : i32
    %dma_wait3A_48 = arith.constant 0 : i32
    %dma_wait3A_49 = tpu.memref_slice %arg2[%dma_wait3A_47, %dma_wait3A_48] : memref<10000x128xbf16, #tpu.memory_space<hbm>> -> memref<10000x128xbf16, #tpu.memory_space<hbm>>
    tpu.wait_indirect_dma semaphore(%arg15 : memref<!tpu.dma_semaphore, #tpu.memory_space<semaphore_mem>>) src(%dma_wait3A_49 : memref<10000x128xbf16, #tpu.memory_space<hbm>>) dst(%arg9 : memref<80x128xbf16, #tpu.memory_space<vmem>>)
    %dma_start3A_50 = arith.constant 120 : i32
    %dma_start3A_51 = arith.constant 0 : i32
    %dma_start3A_52 = tpu.memref_slice %arg8[%dma_start3A_50, %dma_start3A_51] : memref<125x80xi32, #tpu.memory_space<vmem>> -> memref<1x80xi32, #tpu.memory_space<vmem>>
    %dma_start3A_53 = tpu.memref_squeeze %dma_start3A_52 : memref<1x80xi32, #tpu.memory_space<vmem>> -> memref<80xi32, #tpu.memory_space<vmem>>
    %dma_start3A_54 = arith.constant 0 : i32
    %dma_start3A_55 = arith.constant 0 : i32
    %dma_start3A_56 = tpu.memref_slice %arg14[%dma_start3A_54, %dma_start3A_55] : memref<10000x128xbf16, #tpu.memory_space<vmem_shared>> -> memref<10000x128xbf16, #tpu.memory_space<vmem_shared>>
    tpu.enqueue_indirect_dma source(%arg9 : memref<80x128xbf16, #tpu.memory_space<vmem>>) target(%dma_start3A_56 : memref<10000x128xbf16, #tpu.memory_space<vmem_shared>>) offsets(%dma_start3A_53 : memref<80xi32, #tpu.memory_space<vmem>>) semaphore(%arg20 : memref<!tpu.dma_semaphore, #tpu.memory_space<semaphore_mem>>) {add = true}
    %dma_wait3A_57 = arith.constant 121 : i32
    %dma_wait3A_58 = arith.constant 0 : i32
    %dma_wait3A_59 = tpu.memref_slice %arg7[%dma_wait3A_57, %dma_wait3A_58] : memref<125x80xi32, #tpu.memory_space<vmem>> -> memref<1x80xi32, #tpu.memory_space<vmem>>
    %dma_wait3A_60 = tpu.memref_squeeze %dma_wait3A_59 : memref<1x80xi32, #tpu.memory_space<vmem>> -> memref<80xi32, #tpu.memory_space<vmem>>
    %dma_wait3A_61 = arith.constant 0 : i32
    %dma_wait3A_62 = arith.constant 0 : i32
    %dma_wait3A_63 = tpu.memref_slice %arg2[%dma_wait3A_61, %dma_wait3A_62] : memref<10000x128xbf16, #tpu.memory_space<hbm>> -> memref<10000x128xbf16, #tpu.memory_space<hbm>>
    tpu.wait_indirect_dma semaphore(%arg16 : memref<!tpu.dma_semaphore, #tpu.memory_space<semaphore_mem>>) src(%dma_wait3A_63 : memref<10000x128xbf16, #tpu.memory_space<hbm>>) dst(%arg10 : memref<80x128xbf16, #tpu.memory_space<vmem>>)
    %dma_start3A_64 = arith.constant 121 : i32
    %dma_start3A_65 = arith.constant 0 : i32
    %dma_start3A_66 = tpu.memref_slice %arg8[%dma_start3A_64, %dma_start3A_65] : memref<125x80xi32, #tpu.memory_space<vmem>> -> memref<1x80xi32, #tpu.memory_space<vmem>>
    %dma_start3A_67 = tpu.memref_squeeze %dma_start3A_66 : memref<1x80xi32, #tpu.memory_space<vmem>> -> memref<80xi32, #tpu.memory_space<vmem>>
    %dma_start3A_68 = arith.constant 0 : i32
    %dma_start3A_69 = arith.constant 0 : i32
    %dma_start3A_70 = tpu.memref_slice %arg14[%dma_start3A_68, %dma_start3A_69] : memref<10000x128xbf16, #tpu.memory_space<vmem_shared>> -> memref<10000x128xbf16, #tpu.memory_space<vmem_shared>>
    tpu.enqueue_indirect_dma source(%arg10 : memref<80x128xbf16, #tpu.memory_space<vmem>>) target(%dma_start3A_70 : memref<10000x128xbf16, #tpu.memory_space<vmem_shared>>) offsets(%dma_start3A_67 : memref<80xi32, #tpu.memory_space<vmem>>) semaphore(%arg21 : memref<!tpu.dma_semaphore, #tpu.memory_space<semaphore_mem>>) {add = true}
    %dma_wait3A_71 = arith.constant 122 : i32
    %dma_wait3A_72 = arith.constant 0 : i32
    %dma_wait3A_73 = tpu.memref_slice %arg7[%dma_wait3A_71, %dma_wait3A_72] : memref<125x80xi32, #tpu.memory_space<vmem>> -> memref<1x80xi32, #tpu.memory_space<vmem>>
    %dma_wait3A_74 = tpu.memref_squeeze %dma_wait3A_73 : memref<1x80xi32, #tpu.memory_space<vmem>> -> memref<80xi32, #tpu.memory_space<vmem>>
    %dma_wait3A_75 = arith.constant 0 : i32
    %dma_wait3A_76 = arith.constant 0 : i32
    %dma_wait3A_77 = tpu.memref_slice %arg2[%dma_wait3A_75, %dma_wait3A_76] : memref<10000x128xbf16, #tpu.memory_space<hbm>> -> memref<10000x128xbf16, #tpu.memory_space<hbm>>
    tpu.wait_indirect_dma semaphore(%arg17 : memref<!tpu.dma_semaphore, #tpu.memory_space<semaphore_mem>>) src(%dma_wait3A_77 : memref<10000x128xbf16, #tpu.memory_space<hbm>>) dst(%arg11 : memref<80x128xbf16, #tpu.memory_space<vmem>>)
    %dma_start3A_78 = arith.constant 122 : i32
    %dma_start3A_79 = arith.constant 0 : i32
    %dma_start3A_80 = tpu.memref_slice %arg8[%dma_start3A_78, %dma_start3A_79] : memref<125x80xi32, #tpu.memory_space<vmem>> -> memref<1x80xi32, #tpu.memory_space<vmem>>
    %dma_start3A_81 = tpu.memref_squeeze %dma_start3A_80 : memref<1x80xi32, #tpu.memory_space<vmem>> -> memref<80xi32, #tpu.memory_space<vmem>>
    %dma_start3A_82 = arith.constant 0 : i32
    %dma_start3A_83 = arith.constant 0 : i32
    %dma_start3A_84 = tpu.memref_slice %arg14[%dma_start3A_82, %dma_start3A_83] : memref<10000x128xbf16, #tpu.memory_space<vmem_shared>> -> memref<10000x128xbf16, #tpu.memory_space<vmem_shared>>
    tpu.enqueue_indirect_dma source(%arg11 : memref<80x128xbf16, #tpu.memory_space<vmem>>) target(%dma_start3A_84 : memref<10000x128xbf16, #tpu.memory_space<vmem_shared>>) offsets(%dma_start3A_81 : memref<80xi32, #tpu.memory_space<vmem>>) semaphore(%arg22 : memref<!tpu.dma_semaphore, #tpu.memory_space<semaphore_mem>>) {add = true}
    %dma_wait3A_85 = arith.constant 123 : i32
    %dma_wait3A_86 = arith.constant 0 : i32
    %dma_wait3A_87 = tpu.memref_slice %arg7[%dma_wait3A_85, %dma_wait3A_86] : memref<125x80xi32, #tpu.memory_space<vmem>> -> memref<1x80xi32, #tpu.memory_space<vmem>>
    %dma_wait3A_88 = tpu.memref_squeeze %dma_wait3A_87 : memref<1x80xi32, #tpu.memory_space<vmem>> -> memref<80xi32, #tpu.memory_space<vmem>>
    %dma_wait3A_89 = arith.constant 0 : i32
    %dma_wait3A_90 = arith.constant 0 : i32
    %dma_wait3A_91 = tpu.memref_slice %arg2[%dma_wait3A_89, %dma_wait3A_90] : memref<10000x128xbf16, #tpu.memory_space<hbm>> -> memref<10000x128xbf16, #tpu.memory_space<hbm>>
    tpu.wait_indirect_dma semaphore(%arg18 : memref<!tpu.dma_semaphore, #tpu.memory_space<semaphore_mem>>) src(%dma_wait3A_91 : memref<10000x128xbf16, #tpu.memory_space<hbm>>) dst(%arg12 : memref<80x128xbf16, #tpu.memory_space<vmem>>)
    %dma_start3A_92 = arith.constant 123 : i32
    %dma_start3A_93 = arith.constant 0 : i32
    %dma_start3A_94 = tpu.memref_slice %arg8[%dma_start3A_92, %dma_start3A_93] : memref<125x80xi32, #tpu.memory_space<vmem>> -> memref<1x80xi32, #tpu.memory_space<vmem>>
    %dma_start3A_95 = tpu.memref_squeeze %dma_start3A_94 : memref<1x80xi32, #tpu.memory_space<vmem>> -> memref<80xi32, #tpu.memory_space<vmem>>
    %dma_start3A_96 = arith.constant 0 : i32
    %dma_start3A_97 = arith.constant 0 : i32
    %dma_start3A_98 = tpu.memref_slice %arg14[%dma_start3A_96, %dma_start3A_97] : memref<10000x128xbf16, #tpu.memory_space<vmem_shared>> -> memref<10000x128xbf16, #tpu.memory_space<vmem_shared>>
    tpu.enqueue_indirect_dma source(%arg12 : memref<80x128xbf16, #tpu.memory_space<vmem>>) target(%dma_start3A_98 : memref<10000x128xbf16, #tpu.memory_space<vmem_shared>>) offsets(%dma_start3A_95 : memref<80xi32, #tpu.memory_space<vmem>>) semaphore(%arg23 : memref<!tpu.dma_semaphore, #tpu.memory_space<semaphore_mem>>) {add = true}
    %dma_wait3A_99 = arith.constant 124 : i32
    %dma_wait3A_100 = arith.constant 0 : i32
    %dma_wait3A_101 = tpu.memref_slice %arg7[%dma_wait3A_99, %dma_wait3A_100] : memref<125x80xi32, #tpu.memory_space<vmem>> -> memref<1x80xi32, #tpu.memory_space<vmem>>
    %dma_wait3A_102 = tpu.memref_squeeze %dma_wait3A_101 : memref<1x80xi32, #tpu.memory_space<vmem>> -> memref<80xi32, #tpu.memory_space<vmem>>
    %dma_wait3A_103 = arith.constant 0 : i32
    %dma_wait3A_104 = arith.constant 0 : i32
    %dma_wait3A_105 = tpu.memref_slice %arg2[%dma_wait3A_103, %dma_wait3A_104] : memref<10000x128xbf16, #tpu.memory_space<hbm>> -> memref<10000x128xbf16, #tpu.memory_space<hbm>>
    tpu.wait_indirect_dma semaphore(%arg19 : memref<!tpu.dma_semaphore, #tpu.memory_space<semaphore_mem>>) src(%dma_wait3A_105 : memref<10000x128xbf16, #tpu.memory_space<hbm>>) dst(%arg13 : memref<80x128xbf16, #tpu.memory_space<vmem>>)
    %dma_start3A_106 = arith.constant 124 : i32
    %dma_start3A_107 = arith.constant 0 : i32
    %dma_start3A_108 = tpu.memref_slice %arg8[%dma_start3A_106, %dma_start3A_107] : memref<125x80xi32, #tpu.memory_space<vmem>> -> memref<1x80xi32, #tpu.memory_space<vmem>>
    %dma_start3A_109 = tpu.memref_squeeze %dma_start3A_108 : memref<1x80xi32, #tpu.memory_space<vmem>> -> memref<80xi32, #tpu.memory_space<vmem>>
    %dma_start3A_110 = arith.constant 0 : i32
    %dma_start3A_111 = arith.constant 0 : i32
    %dma_start3A_112 = tpu.memref_slice %arg14[%dma_start3A_110, %dma_start3A_111] : memref<10000x128xbf16, #tpu.memory_space<vmem_shared>> -> memref<10000x128xbf16, #tpu.memory_space<vmem_shared>>
    tpu.enqueue_indirect_dma source(%arg13 : memref<80x128xbf16, #tpu.memory_space<vmem>>) target(%dma_start3A_112 : memref<10000x128xbf16, #tpu.memory_space<vmem_shared>>) offsets(%dma_start3A_109 : memref<80xi32, #tpu.memory_space<vmem>>) semaphore(%arg24 : memref<!tpu.dma_semaphore, #tpu.memory_space<semaphore_mem>>) {add = true}
    %dma_wait3A_113 = arith.constant 120 : i32
    %dma_wait3A_114 = arith.constant 0 : i32
    %dma_wait3A_115 = tpu.memref_slice %arg8[%dma_wait3A_113, %dma_wait3A_114] : memref<125x80xi32, #tpu.memory_space<vmem>> -> memref<1x80xi32, #tpu.memory_space<vmem>>
    %dma_wait3A_116 = tpu.memref_squeeze %dma_wait3A_115 : memref<1x80xi32, #tpu.memory_space<vmem>> -> memref<80xi32, #tpu.memory_space<vmem>>
    %dma_wait3A_117 = arith.constant 0 : i32
    %dma_wait3A_118 = arith.constant 0 : i32
    %dma_wait3A_119 = tpu.memref_slice %arg14[%dma_wait3A_117, %dma_wait3A_118] : memref<10000x128xbf16, #tpu.memory_space<vmem_shared>> -> memref<10000x128xbf16, #tpu.memory_space<vmem_shared>>
    tpu.wait_indirect_dma semaphore(%arg20 : memref<!tpu.dma_semaphore, #tpu.memory_space<semaphore_mem>>) src(%arg9 : memref<80x128xbf16, #tpu.memory_space<vmem>>) dst(%dma_wait3A_119 : memref<10000x128xbf16, #tpu.memory_space<vmem_shared>>)
    %dma_wait3A_120 = arith.constant 121 : i32
    %dma_wait3A_121 = arith.constant 0 : i32
    %dma_wait3A_122 = tpu.memref_slice %arg8[%dma_wait3A_120, %dma_wait3A_121] : memref<125x80xi32, #tpu.memory_space<vmem>> -> memref<1x80xi32, #tpu.memory_space<vmem>>
    %dma_wait3A_123 = tpu.memref_squeeze %dma_wait3A_122 : memref<1x80xi32, #tpu.memory_space<vmem>> -> memref<80xi32, #tpu.memory_space<vmem>>
    %dma_wait3A_124 = arith.constant 0 : i32
    %dma_wait3A_125 = arith.constant 0 : i32
    %dma_wait3A_126 = tpu.memref_slice %arg14[%dma_wait3A_124, %dma_wait3A_125] : memref<10000x128xbf16, #tpu.memory_space<vmem_shared>> -> memref<10000x128xbf16, #tpu.memory_space<vmem_shared>>
    tpu.wait_indirect_dma semaphore(%arg21 : memref<!tpu.dma_semaphore, #tpu.memory_space<semaphore_mem>>) src(%arg10 : memref<80x128xbf16, #tpu.memory_space<vmem>>) dst(%dma_wait3A_126 : memref<10000x128xbf16, #tpu.memory_space<vmem_shared>>)
    %dma_wait3A_127 = arith.constant 122 : i32
    %dma_wait3A_128 = arith.constant 0 : i32
    %dma_wait3A_129 = tpu.memref_slice %arg8[%dma_wait3A_127, %dma_wait3A_128] : memref<125x80xi32, #tpu.memory_space<vmem>> -> memref<1x80xi32, #tpu.memory_space<vmem>>
    %dma_wait3A_130 = tpu.memref_squeeze %dma_wait3A_129 : memref<1x80xi32, #tpu.memory_space<vmem>> -> memref<80xi32, #tpu.memory_space<vmem>>
    %dma_wait3A_131 = arith.constant 0 : i32
    %dma_wait3A_132 = arith.constant 0 : i32
    %dma_wait3A_133 = tpu.memref_slice %arg14[%dma_wait3A_131, %dma_wait3A_132] : memref<10000x128xbf16, #tpu.memory_space<vmem_shared>> -> memref<10000x128xbf16, #tpu.memory_space<vmem_shared>>
    tpu.wait_indirect_dma semaphore(%arg22 : memref<!tpu.dma_semaphore, #tpu.memory_space<semaphore_mem>>) src(%arg11 : memref<80x128xbf16, #tpu.memory_space<vmem>>) dst(%dma_wait3A_133 : memref<10000x128xbf16, #tpu.memory_space<vmem_shared>>)
    %dma_wait3A_134 = arith.constant 123 : i32
    %dma_wait3A_135 = arith.constant 0 : i32
    %dma_wait3A_136 = tpu.memref_slice %arg8[%dma_wait3A_134, %dma_wait3A_135] : memref<125x80xi32, #tpu.memory_space<vmem>> -> memref<1x80xi32, #tpu.memory_space<vmem>>
    %dma_wait3A_137 = tpu.memref_squeeze %dma_wait3A_136 : memref<1x80xi32, #tpu.memory_space<vmem>> -> memref<80xi32, #tpu.memory_space<vmem>>
    %dma_wait3A_138 = arith.constant 0 : i32
    %dma_wait3A_139 = arith.constant 0 : i32
    %dma_wait3A_140 = tpu.memref_slice %arg14[%dma_wait3A_138, %dma_wait3A_139] : memref<10000x128xbf16, #tpu.memory_space<vmem_shared>> -> memref<10000x128xbf16, #tpu.memory_space<vmem_shared>>
    tpu.wait_indirect_dma semaphore(%arg23 : memref<!tpu.dma_semaphore, #tpu.memory_space<semaphore_mem>>) src(%arg12 : memref<80x128xbf16, #tpu.memory_space<vmem>>) dst(%dma_wait3A_140 : memref<10000x128xbf16, #tpu.memory_space<vmem_shared>>)
    %dma_wait3A_141 = arith.constant 124 : i32
    %dma_wait3A_142 = arith.constant 0 : i32
    %dma_wait3A_143 = tpu.memref_slice %arg8[%dma_wait3A_141, %dma_wait3A_142] : memref<125x80xi32, #tpu.memory_space<vmem>> -> memref<1x80xi32, #tpu.memory_space<vmem>>
    %dma_wait3A_144 = tpu.memref_squeeze %dma_wait3A_143 : memref<1x80xi32, #tpu.memory_space<vmem>> -> memref<80xi32, #tpu.memory_space<vmem>>
    %dma_wait3A_145 = arith.constant 0 : i32
    %dma_wait3A_146 = arith.constant 0 : i32
    %dma_wait3A_147 = tpu.memref_slice %arg14[%dma_wait3A_145, %dma_wait3A_146] : memref<10000x128xbf16, #tpu.memory_space<vmem_shared>> -> memref<10000x128xbf16, #tpu.memory_space<vmem_shared>>
    tpu.wait_indirect_dma semaphore(%arg24 : memref<!tpu.dma_semaphore, #tpu.memory_space<semaphore_mem>>) src(%arg13 : memref<80x128xbf16, #tpu.memory_space<vmem>>) dst(%dma_wait3A_147 : memref<10000x128xbf16, #tpu.memory_space<vmem_shared>>)
    %barrier3A_148 = arith.constant 0 : index
    tpu.barrier barrier_id(%barrier3A_148)
    %mul3A_149 = arith.constant 625 : i32
    %mul3A_150 = arith.muli %arg1, %mul3A_149 : i32
    %mul3A_151 = arith.constant 625 : i32
    %mul3A_152 = arith.muli %arg1, %mul3A_151 : i32
    "tpu.region"() ({
      %run_scoped3A = tpu.sem_alloc : memref<!tpu.dma_semaphore, #tpu.memory_space<semaphore_mem>>
      %dma_start3A_153 = arith.constant 0 : i32
      %dma_start3A_154 = tpu.memref_slice %arg6[%arg0, %mul3A_152, %dma_start3A_153] : memref<2x10000x128xbf16, #tpu.memory_space<hbm>> -> memref<1x625x128xbf16, #tpu.memory_space<hbm>>
      %dma_start3A_155 = tpu.memref_squeeze %dma_start3A_154 : memref<1x625x128xbf16, #tpu.memory_space<hbm>> -> memref<625x128xbf16, #tpu.memory_space<hbm>>
      %dma_start3A_156 = arith.constant 0 : i32
      %dma_start3A_157 = tpu.memref_slice %arg14[%mul3A_150, %dma_start3A_156] : memref<10000x128xbf16, #tpu.memory_space<vmem_shared>> -> memref<625x128xbf16, #tpu.memory_space<vmem_shared>>
      tpu.enqueue_dma source(%dma_start3A_157 : memref<625x128xbf16, #tpu.memory_space<vmem_shared>>) target(%dma_start3A_155 : memref<625x128xbf16, #tpu.memory_space<hbm>>) target_semaphore(%run_scoped3A : memref<!tpu.dma_semaphore, #tpu.memory_space<semaphore_mem>>)
      %dma_wait3A_158 = arith.constant 0 : i32
      %dma_wait3A_159 = tpu.memref_slice %arg6[%arg0, %mul3A_152, %dma_wait3A_158] : memref<2x10000x128xbf16, #tpu.memory_space<hbm>> -> memref<1x625x128xbf16, #tpu.memory_space<hbm>>
      %dma_wait3A_160 = tpu.memref_squeeze %dma_wait3A_159 : memref<1x625x128xbf16, #tpu.memory_space<hbm>> -> memref<625x128xbf16, #tpu.memory_space<hbm>>
      %dma_wait3A_161 = arith.constant 0 : i32
      %dma_wait3A_162 = tpu.memref_slice %arg14[%mul3A_150, %dma_wait3A_161] : memref<10000x128xbf16, #tpu.memory_space<vmem_shared>> -> memref<625x128xbf16, #tpu.memory_space<vmem_shared>>
      tpu.wait_dma2 semaphore(%run_scoped3A : memref<!tpu.dma_semaphore, #tpu.memory_space<semaphore_mem>>) src(%dma_wait3A_162 : memref<625x128xbf16, #tpu.memory_space<vmem_shared>>) dst(%dma_wait3A_160 : memref<625x128xbf16, #tpu.memory_space<hbm>>)
      tpu.yield
    }) : () -> ()
    return
  }
}

#map = affine_map<(d0, d1) -> (0, 0)>
#map1 = affine_map<(d0, d1) -> (0, 0, 0)>
module attributes {stable_mosaic.version = 14 : i64} {
  func.func @_seg_body(%arg0: i32, %arg1: i32, %arg2: memref<10000x128xbf16, #tpu.memory_space<hbm>>, %arg3: memref<4000x80xi32, #tpu.memory_space<hbm>>, %arg4: memref<4000x80xi32, #tpu.memory_space<hbm>>, %arg5: memref<625x128xbf16, #tpu.memory_space<hbm>>, %arg6: memref<2x10000x128xbf16, #tpu.memory_space<hbm>>, %arg7: memref<125x80xi32, #tpu.memory_space<vmem>>, %arg8: memref<125x80xi32, #tpu.memory_space<vmem>>, %arg9: memref<80x128xbf16, #tpu.memory_space<vmem>>, %arg10: memref<80x128xbf16, #tpu.memory_space<vmem>>, %arg11: memref<80x128xbf16, #tpu.memory_space<vmem>>, %arg12: memref<80x128xbf16, #tpu.memory_space<vmem>>, %arg13: memref<80x128xbf16, #tpu.memory_space<vmem>>, %arg14: memref<10000x128xbf16, #tpu.memory_space<vmem_shared>>, %arg15: memref<!tpu.dma_semaphore, #tpu.memory_space<semaphore_mem>>, %arg16: memref<!tpu.dma_semaphore, #tpu.memory_space<semaphore_mem>>, %arg17: memref<!tpu.dma_semaphore, #tpu.memory_space<semaphore_mem>>, %arg18: memref<!tpu.dma_semaphore, #tpu.memory_space<semaphore_mem>>, %arg19: memref<!tpu.dma_semaphore, #tpu.memory_space<semaphore_mem>>, %arg20: memref<!tpu.dma_semaphore, #tpu.memory_space<semaphore_mem>>, %arg21: memref<!tpu.dma_semaphore, #tpu.memory_space<semaphore_mem>>, %arg22: memref<!tpu.dma_semaphore, #tpu.memory_space<semaphore_mem>>, %arg23: memref<!tpu.dma_semaphore, #tpu.memory_space<semaphore_mem>>, %arg24: memref<!tpu.dma_semaphore, #tpu.memory_space<semaphore_mem>>) attributes {dimension_semantics = [#tpu.dimension_semantics<core_parallel>, #tpu.dimension_semantics<subcore_parallel>], iteration_bounds = array<i64: 2, 16>, scalar_prefetch = 0 : i64, scratch_operands = 18 : i64, tpu.core_type = #tpu.core_type<sc_vector_subcore>, window_params = [{transform_indices = #map}, {transform_indices = #map}, {transform_indices = #map}, {transform_indices = #map}, {transform_indices = #map1}]} {
    %mul3A = arith.constant 625 : i32
    %mul3A_0 = arith.muli %arg1, %mul3A : i32
    "tpu.region"() ({
      %run_scoped3A = tpu.sem_alloc : memref<!tpu.dma_semaphore, #tpu.memory_space<semaphore_mem>>
      %dma_start3A_153 = arith.constant 0 : i32
      %dma_start3A_154 = tpu.memref_slice %arg14[%mul3A_0, %dma_start3A_153] : memref<10000x128xbf16, #tpu.memory_space<vmem_shared>> -> memref<625x128xbf16, #tpu.memory_space<vmem_shared>>
      tpu.enqueue_dma source(%arg5 : memref<625x128xbf16, #tpu.memory_space<hbm>>) target(%dma_start3A_154 : memref<625x128xbf16, #tpu.memory_space<vmem_shared>>) target_semaphore(%run_scoped3A : memref<!tpu.dma_semaphore, #tpu.memory_space<semaphore_mem>>)
      %dma_wait3A_155 = arith.constant 0 : i32
      %dma_wait3A_156 = tpu.memref_slice %arg14[%mul3A_0, %dma_wait3A_155] : memref<10000x128xbf16, #tpu.memory_space<vmem_shared>> -> memref<625x128xbf16, #tpu.memory_space<vmem_shared>>
      tpu.wait_dma2 semaphore(%run_scoped3A : memref<!tpu.dma_semaphore, #tpu.memory_space<semaphore_mem>>) src(%arg5 : memref<625x128xbf16, #tpu.memory_space<hbm>>) dst(%dma_wait3A_156 : memref<625x128xbf16, #tpu.memory_space<vmem_shared>>)
      tpu.yield
    }) : () -> ()
    %mul3A_1 = arith.constant 16 : i32
    %mul3A_2 = arith.muli %arg0, %mul3A_1 : i32
    %add3A = arith.addi %mul3A_2, %arg1 : i32
    %mul3A_3 = arith.constant 125 : i32
    %mul3A_4 = arith.muli %add3A, %mul3A_3 : i32
    "tpu.region"() ({
      %run_scoped3A = tpu.sem_alloc : memref<!tpu.dma_semaphore, #tpu.memory_space<semaphore_mem>>
      %dma_start3A_153 = arith.constant 0 : i32
      %dma_start3A_154 = tpu.memref_slice %arg3[%mul3A_4, %dma_start3A_153] : memref<4000x80xi32, #tpu.memory_space<hbm>> -> memref<125x80xi32, #tpu.memory_space<hbm>>
      %dma_start3A_155 = arith.constant 0 : i32
      %dma_start3A_156 = tpu.memref_slice %arg3[%mul3A_4, %dma_start3A_155] : memref<4000x80xi32, #tpu.memory_space<hbm>> -> memref<125x80xi32, #tpu.memory_space<hbm>>
      tpu.enqueue_dma source(%dma_start3A_156 : memref<125x80xi32, #tpu.memory_space<hbm>>) target(%arg7 : memref<125x80xi32, #tpu.memory_space<vmem>>) target_semaphore(%run_scoped3A : memref<!tpu.dma_semaphore, #tpu.memory_space<semaphore_mem>>)
      %dma_wait3A_157 = arith.constant 0 : i32
      %dma_wait3A_158 = tpu.memref_slice %arg3[%mul3A_4, %dma_wait3A_157] : memref<4000x80xi32, #tpu.memory_space<hbm>> -> memref<125x80xi32, #tpu.memory_space<hbm>>
      %dma_wait3A_159 = arith.constant 0 : i32
      %dma_wait3A_160 = tpu.memref_slice %arg3[%mul3A_4, %dma_wait3A_159] : memref<4000x80xi32, #tpu.memory_space<hbm>> -> memref<125x80xi32, #tpu.memory_space<hbm>>
      tpu.wait_dma2 semaphore(%run_scoped3A : memref<!tpu.dma_semaphore, #tpu.memory_space<semaphore_mem>>) src(%dma_wait3A_160 : memref<125x80xi32, #tpu.memory_space<hbm>>) dst(%arg7 : memref<125x80xi32, #tpu.memory_space<vmem>>)
      tpu.yield
    }) : () -> ()
    "tpu.region"() ({
      %run_scoped3A = tpu.sem_alloc : memref<!tpu.dma_semaphore, #tpu.memory_space<semaphore_mem>>
      %dma_start3A_153 = arith.constant 0 : i32
      %dma_start3A_154 = tpu.memref_slice %arg4[%mul3A_4, %dma_start3A_153] : memref<4000x80xi32, #tpu.memory_space<hbm>> -> memref<125x80xi32, #tpu.memory_space<hbm>>
      %dma_start3A_155 = arith.constant 0 : i32
      %dma_start3A_156 = tpu.memref_slice %arg4[%mul3A_4, %dma_start3A_155] : memref<4000x80xi32, #tpu.memory_space<hbm>> -> memref<125x80xi32, #tpu.memory_space<hbm>>
      tpu.enqueue_dma source(%dma_start3A_156 : memref<125x80xi32, #tpu.memory_space<hbm>>) target(%arg8 : memref<125x80xi32, #tpu.memory_space<vmem>>) target_semaphore(%run_scoped3A : memref<!tpu.dma_semaphore, #tpu.memory_space<semaphore_mem>>)
      %dma_wait3A_157 = arith.constant 0 : i32
      %dma_wait3A_158 = tpu.memref_slice %arg4[%mul3A_4, %dma_wait3A_157] : memref<4000x80xi32, #tpu.memory_space<hbm>> -> memref<125x80xi32, #tpu.memory_space<hbm>>
      %dma_wait3A_159 = arith.constant 0 : i32
      %dma_wait3A_160 = tpu.memref_slice %arg4[%mul3A_4, %dma_wait3A_159] : memref<4000x80xi32, #tpu.memory_space<hbm>> -> memref<125x80xi32, #tpu.memory_space<hbm>>
      tpu.wait_dma2 semaphore(%run_scoped3A : memref<!tpu.dma_semaphore, #tpu.memory_space<semaphore_mem>>) src(%dma_wait3A_160 : memref<125x80xi32, #tpu.memory_space<hbm>>) dst(%arg8 : memref<125x80xi32, #tpu.memory_space<vmem>>)
      tpu.yield
    }) : () -> ()
    %barrier3A = arith.constant 0 : index
    tpu.barrier barrier_id(%barrier3A)
    %dma_start3A = arith.constant 0 : i32
    %dma_start3A_5 = arith.constant 0 : i32
    %dma_start3A_6 = tpu.memref_slice %arg7[%dma_start3A, %dma_start3A_5] : memref<125x80xi32, #tpu.memory_space<vmem>> -> memref<1x80xi32, #tpu.memory_space<vmem>>
    %dma_start3A_7 = tpu.memref_squeeze %dma_start3A_6 : memref<1x80xi32, #tpu.memory_space<vmem>> -> memref<80xi32, #tpu.memory_space<vmem>>
    %dma_start3A_8 = arith.constant 0 : i32
    %dma_start3A_9 = arith.constant 0 : i32
    %dma_start3A_10 = tpu.memref_slice %arg2[%dma_start3A_8, %dma_start3A_9] : memref<10000x128xbf16, #tpu.memory_space<hbm>> -> memref<10000x128xbf16, #tpu.memory_space<hbm>>
    tpu.enqueue_indirect_dma source(%dma_start3A_10 : memref<10000x128xbf16, #tpu.memory_space<hbm>>) target(%arg9 : memref<80x128xbf16, #tpu.memory_space<vmem>>) offsets(%dma_start3A_7 : memref<80xi32, #tpu.memory_space<vmem>>) semaphore(%arg15 : memref<!tpu.dma_semaphore, #tpu.memory_space<semaphore_mem>>)
    %dma_start3A_11 = arith.constant 1 : i32
    %dma_start3A_12 = arith.constant 0 : i32
    %dma_start3A_13 = tpu.memref_slice %arg7[%dma_start3A_11, %dma_start3A_12] : memref<125x80xi32, #tpu.memory_space<vmem>> -> memref<1x80xi32, #tpu.memory_space<vmem>>
    %dma_start3A_14 = tpu.memref_squeeze %dma_start3A_13 : memref<1x80xi32, #tpu.memory_space<vmem>> -> memref<80xi32, #tpu.memory_space<vmem>>
    %dma_start3A_15 = arith.constant 0 : i32
    %dma_start3A_16 = arith.constant 0 : i32
    %dma_start3A_17 = tpu.memref_slice %arg2[%dma_start3A_15, %dma_start3A_16] : memref<10000x128xbf16, #tpu.memory_space<hbm>> -> memref<10000x128xbf16, #tpu.memory_space<hbm>>
    tpu.enqueue_indirect_dma source(%dma_start3A_17 : memref<10000x128xbf16, #tpu.memory_space<hbm>>) target(%arg10 : memref<80x128xbf16, #tpu.memory_space<vmem>>) offsets(%dma_start3A_14 : memref<80xi32, #tpu.memory_space<vmem>>) semaphore(%arg16 : memref<!tpu.dma_semaphore, #tpu.memory_space<semaphore_mem>>)
    %dma_start3A_18 = arith.constant 2 : i32
    %dma_start3A_19 = arith.constant 0 : i32
    %dma_start3A_20 = tpu.memref_slice %arg7[%dma_start3A_18, %dma_start3A_19] : memref<125x80xi32, #tpu.memory_space<vmem>> -> memref<1x80xi32, #tpu.memory_space<vmem>>
    %dma_start3A_21 = tpu.memref_squeeze %dma_start3A_20 : memref<1x80xi32, #tpu.memory_space<vmem>> -> memref<80xi32, #tpu.memory_space<vmem>>
    %dma_start3A_22 = arith.constant 0 : i32
    %dma_start3A_23 = arith.constant 0 : i32
    %dma_start3A_24 = tpu.memref_slice %arg2[%dma_start3A_22, %dma_start3A_23] : memref<10000x128xbf16, #tpu.memory_space<hbm>> -> memref<10000x128xbf16, #tpu.memory_space<hbm>>
    tpu.enqueue_indirect_dma source(%dma_start3A_24 : memref<10000x128xbf16, #tpu.memory_space<hbm>>) target(%arg11 : memref<80x128xbf16, #tpu.memory_space<vmem>>) offsets(%dma_start3A_21 : memref<80xi32, #tpu.memory_space<vmem>>) semaphore(%arg17 : memref<!tpu.dma_semaphore, #tpu.memory_space<semaphore_mem>>)
    %dma_start3A_25 = arith.constant 3 : i32
    %dma_start3A_26 = arith.constant 0 : i32
    %dma_start3A_27 = tpu.memref_slice %arg7[%dma_start3A_25, %dma_start3A_26] : memref<125x80xi32, #tpu.memory_space<vmem>> -> memref<1x80xi32, #tpu.memory_space<vmem>>
    %dma_start3A_28 = tpu.memref_squeeze %dma_start3A_27 : memref<1x80xi32, #tpu.memory_space<vmem>> -> memref<80xi32, #tpu.memory_space<vmem>>
    %dma_start3A_29 = arith.constant 0 : i32
    %dma_start3A_30 = arith.constant 0 : i32
    %dma_start3A_31 = tpu.memref_slice %arg2[%dma_start3A_29, %dma_start3A_30] : memref<10000x128xbf16, #tpu.memory_space<hbm>> -> memref<10000x128xbf16, #tpu.memory_space<hbm>>
    tpu.enqueue_indirect_dma source(%dma_start3A_31 : memref<10000x128xbf16, #tpu.memory_space<hbm>>) target(%arg12 : memref<80x128xbf16, #tpu.memory_space<vmem>>) offsets(%dma_start3A_28 : memref<80xi32, #tpu.memory_space<vmem>>) semaphore(%arg18 : memref<!tpu.dma_semaphore, #tpu.memory_space<semaphore_mem>>)
    %dma_start3A_32 = arith.constant 4 : i32
    %dma_start3A_33 = arith.constant 0 : i32
    %dma_start3A_34 = tpu.memref_slice %arg7[%dma_start3A_32, %dma_start3A_33] : memref<125x80xi32, #tpu.memory_space<vmem>> -> memref<1x80xi32, #tpu.memory_space<vmem>>
    %dma_start3A_35 = tpu.memref_squeeze %dma_start3A_34 : memref<1x80xi32, #tpu.memory_space<vmem>> -> memref<80xi32, #tpu.memory_space<vmem>>
    %dma_start3A_36 = arith.constant 0 : i32
    %dma_start3A_37 = arith.constant 0 : i32
    %dma_start3A_38 = tpu.memref_slice %arg2[%dma_start3A_36, %dma_start3A_37] : memref<10000x128xbf16, #tpu.memory_space<hbm>> -> memref<10000x128xbf16, #tpu.memory_space<hbm>>
    tpu.enqueue_indirect_dma source(%dma_start3A_38 : memref<10000x128xbf16, #tpu.memory_space<hbm>>) target(%arg13 : memref<80x128xbf16, #tpu.memory_space<vmem>>) offsets(%dma_start3A_35 : memref<80xi32, #tpu.memory_space<vmem>>) semaphore(%arg19 : memref<!tpu.dma_semaphore, #tpu.memory_space<semaphore_mem>>)
    %scan3A = arith.constant 0 : i32
    %scan3A_39 = arith.constant 0 : i32
    %scan3A_40 = arith.constant 24 : i32
    %scan3A_41 = arith.addi %scan3A_39, %scan3A_40 : i32
    %scan3A_42 = arith.constant 1 : i32
    scf.for %scan3A_153 = %scan3A_39 to %scan3A_41 step %scan3A_42  : i32 {
      %mul3A_154 = arith.constant 5 : i32
      %mul3A_155 = arith.muli %mul3A_154, %scan3A_153 : i32
      %add3A_156 = arith.constant 0 : i32
      %add3A_157 = arith.addi %mul3A_155, %add3A_156 : i32
      %dma_wait3A_158 = arith.constant 0 : i32
      %dma_wait3A_159 = tpu.memref_slice %arg7[%add3A_157, %dma_wait3A_158] : memref<125x80xi32, #tpu.memory_space<vmem>> -> memref<1x80xi32, #tpu.memory_space<vmem>>
      %dma_wait3A_160 = tpu.memref_squeeze %dma_wait3A_159 : memref<1x80xi32, #tpu.memory_space<vmem>> -> memref<80xi32, #tpu.memory_space<vmem>>
      %dma_wait3A_161 = arith.constant 0 : i32
      %dma_wait3A_162 = arith.constant 0 : i32
      %dma_wait3A_163 = tpu.memref_slice %arg2[%dma_wait3A_161, %dma_wait3A_162] : memref<10000x128xbf16, #tpu.memory_space<hbm>> -> memref<10000x128xbf16, #tpu.memory_space<hbm>>
      tpu.wait_indirect_dma semaphore(%arg15 : memref<!tpu.dma_semaphore, #tpu.memory_space<semaphore_mem>>) src(%dma_wait3A_163 : memref<10000x128xbf16, #tpu.memory_space<hbm>>) dst(%arg9 : memref<80x128xbf16, #tpu.memory_space<vmem>>)
      %dma_start3A_164 = arith.constant 0 : i32
      %dma_start3A_165 = tpu.memref_slice %arg8[%add3A_157, %dma_start3A_164] : memref<125x80xi32, #tpu.memory_space<vmem>> -> memref<1x80xi32, #tpu.memory_space<vmem>>
      %dma_start3A_166 = tpu.memref_squeeze %dma_start3A_165 : memref<1x80xi32, #tpu.memory_space<vmem>> -> memref<80xi32, #tpu.memory_space<vmem>>
      %dma_start3A_167 = arith.constant 0 : i32
      %dma_start3A_168 = arith.constant 0 : i32
      %dma_start3A_169 = tpu.memref_slice %arg14[%dma_start3A_167, %dma_start3A_168] : memref<10000x128xbf16, #tpu.memory_space<vmem_shared>> -> memref<10000x128xbf16, #tpu.memory_space<vmem_shared>>
      tpu.enqueue_indirect_dma source(%arg9 : memref<80x128xbf16, #tpu.memory_space<vmem>>) target(%dma_start3A_169 : memref<10000x128xbf16, #tpu.memory_space<vmem_shared>>) offsets(%dma_start3A_166 : memref<80xi32, #tpu.memory_space<vmem>>) semaphore(%arg20 : memref<!tpu.dma_semaphore, #tpu.memory_space<semaphore_mem>>) {add = true}
      %dma_wait3A_170 = arith.constant 0 : i32
      %dma_wait3A_171 = tpu.memref_slice %arg8[%add3A_157, %dma_wait3A_170] : memref<125x80xi32, #tpu.memory_space<vmem>> -> memref<1x80xi32, #tpu.memory_space<vmem>>
      %dma_wait3A_172 = tpu.memref_squeeze %dma_wait3A_171 : memref<1x80xi32, #tpu.memory_space<vmem>> -> memref<80xi32, #tpu.memory_space<vmem>>
      %dma_wait3A_173 = arith.constant 0 : i32
      %dma_wait3A_174 = arith.constant 0 : i32
      %dma_wait3A_175 = tpu.memref_slice %arg14[%dma_wait3A_173, %dma_wait3A_174] : memref<10000x128xbf16, #tpu.memory_space<vmem_shared>> -> memref<10000x128xbf16, #tpu.memory_space<vmem_shared>>
      tpu.wait_indirect_dma semaphore(%arg20 : memref<!tpu.dma_semaphore, #tpu.memory_space<semaphore_mem>>) src(%arg9 : memref<80x128xbf16, #tpu.memory_space<vmem>>) dst(%dma_wait3A_175 : memref<10000x128xbf16, #tpu.memory_space<vmem_shared>>)
      %add3A_176 = arith.constant 5 : i32
      %add3A_177 = arith.addi %add3A_157, %add3A_176 : i32
      %dma_start3A_178 = arith.constant 0 : i32
      %dma_start3A_179 = tpu.memref_slice %arg7[%add3A_177, %dma_start3A_178] : memref<125x80xi32, #tpu.memory_space<vmem>> -> memref<1x80xi32, #tpu.memory_space<vmem>>
      %dma_start3A_180 = tpu.memref_squeeze %dma_start3A_179 : memref<1x80xi32, #tpu.memory_space<vmem>> -> memref<80xi32, #tpu.memory_space<vmem>>
      %dma_start3A_181 = arith.constant 0 : i32
      %dma_start3A_182 = arith.constant 0 : i32
      %dma_start3A_183 = tpu.memref_slice %arg2[%dma_start3A_181, %dma_start3A_182] : memref<10000x128xbf16, #tpu.memory_space<hbm>> -> memref<10000x128xbf16, #tpu.memory_space<hbm>>
      tpu.enqueue_indirect_dma source(%dma_start3A_183 : memref<10000x128xbf16, #tpu.memory_space<hbm>>) target(%arg9 : memref<80x128xbf16, #tpu.memory_space<vmem>>) offsets(%dma_start3A_180 : memref<80xi32, #tpu.memory_space<vmem>>) semaphore(%arg15 : memref<!tpu.dma_semaphore, #tpu.memory_space<semaphore_mem>>)
      %add3A_184 = arith.constant 1 : i32
      %add3A_185 = arith.addi %mul3A_155, %add3A_184 : i32
      %dma_wait3A_186 = arith.constant 0 : i32
      %dma_wait3A_187 = tpu.memref_slice %arg7[%add3A_185, %dma_wait3A_186] : memref<125x80xi32, #tpu.memory_space<vmem>> -> memref<1x80xi32, #tpu.memory_space<vmem>>
      %dma_wait3A_188 = tpu.memref_squeeze %dma_wait3A_187 : memref<1x80xi32, #tpu.memory_space<vmem>> -> memref<80xi32, #tpu.memory_space<vmem>>
      %dma_wait3A_189 = arith.constant 0 : i32
      %dma_wait3A_190 = arith.constant 0 : i32
      %dma_wait3A_191 = tpu.memref_slice %arg2[%dma_wait3A_189, %dma_wait3A_190] : memref<10000x128xbf16, #tpu.memory_space<hbm>> -> memref<10000x128xbf16, #tpu.memory_space<hbm>>
      tpu.wait_indirect_dma semaphore(%arg16 : memref<!tpu.dma_semaphore, #tpu.memory_space<semaphore_mem>>) src(%dma_wait3A_191 : memref<10000x128xbf16, #tpu.memory_space<hbm>>) dst(%arg10 : memref<80x128xbf16, #tpu.memory_space<vmem>>)
      %dma_start3A_192 = arith.constant 0 : i32
      %dma_start3A_193 = tpu.memref_slice %arg8[%add3A_185, %dma_start3A_192] : memref<125x80xi32, #tpu.memory_space<vmem>> -> memref<1x80xi32, #tpu.memory_space<vmem>>
      %dma_start3A_194 = tpu.memref_squeeze %dma_start3A_193 : memref<1x80xi32, #tpu.memory_space<vmem>> -> memref<80xi32, #tpu.memory_space<vmem>>
      %dma_start3A_195 = arith.constant 0 : i32
      %dma_start3A_196 = arith.constant 0 : i32
      %dma_start3A_197 = tpu.memref_slice %arg14[%dma_start3A_195, %dma_start3A_196] : memref<10000x128xbf16, #tpu.memory_space<vmem_shared>> -> memref<10000x128xbf16, #tpu.memory_space<vmem_shared>>
      tpu.enqueue_indirect_dma source(%arg10 : memref<80x128xbf16, #tpu.memory_space<vmem>>) target(%dma_start3A_197 : memref<10000x128xbf16, #tpu.memory_space<vmem_shared>>) offsets(%dma_start3A_194 : memref<80xi32, #tpu.memory_space<vmem>>) semaphore(%arg21 : memref<!tpu.dma_semaphore, #tpu.memory_space<semaphore_mem>>) {add = true}
      %dma_wait3A_198 = arith.constant 0 : i32
      %dma_wait3A_199 = tpu.memref_slice %arg8[%add3A_185, %dma_wait3A_198] : memref<125x80xi32, #tpu.memory_space<vmem>> -> memref<1x80xi32, #tpu.memory_space<vmem>>
      %dma_wait3A_200 = tpu.memref_squeeze %dma_wait3A_199 : memref<1x80xi32, #tpu.memory_space<vmem>> -> memref<80xi32, #tpu.memory_space<vmem>>
      %dma_wait3A_201 = arith.constant 0 : i32
      %dma_wait3A_202 = arith.constant 0 : i32
      %dma_wait3A_203 = tpu.memref_slice %arg14[%dma_wait3A_201, %dma_wait3A_202] : memref<10000x128xbf16, #tpu.memory_space<vmem_shared>> -> memref<10000x128xbf16, #tpu.memory_space<vmem_shared>>
      tpu.wait_indirect_dma semaphore(%arg21 : memref<!tpu.dma_semaphore, #tpu.memory_space<semaphore_mem>>) src(%arg10 : memref<80x128xbf16, #tpu.memory_space<vmem>>) dst(%dma_wait3A_203 : memref<10000x128xbf16, #tpu.memory_space<vmem_shared>>)
      %add3A_204 = arith.constant 5 : i32
      %add3A_205 = arith.addi %add3A_185, %add3A_204 : i32
      %dma_start3A_206 = arith.constant 0 : i32
      %dma_start3A_207 = tpu.memref_slice %arg7[%add3A_205, %dma_start3A_206] : memref<125x80xi32, #tpu.memory_space<vmem>> -> memref<1x80xi32, #tpu.memory_space<vmem>>
      %dma_start3A_208 = tpu.memref_squeeze %dma_start3A_207 : memref<1x80xi32, #tpu.memory_space<vmem>> -> memref<80xi32, #tpu.memory_space<vmem>>
      %dma_start3A_209 = arith.constant 0 : i32
      %dma_start3A_210 = arith.constant 0 : i32
      %dma_start3A_211 = tpu.memref_slice %arg2[%dma_start3A_209, %dma_start3A_210] : memref<10000x128xbf16, #tpu.memory_space<hbm>> -> memref<10000x128xbf16, #tpu.memory_space<hbm>>
      tpu.enqueue_indirect_dma source(%dma_start3A_211 : memref<10000x128xbf16, #tpu.memory_space<hbm>>) target(%arg10 : memref<80x128xbf16, #tpu.memory_space<vmem>>) offsets(%dma_start3A_208 : memref<80xi32, #tpu.memory_space<vmem>>) semaphore(%arg16 : memref<!tpu.dma_semaphore, #tpu.memory_space<semaphore_mem>>)
      %add3A_212 = arith.constant 2 : i32
      %add3A_213 = arith.addi %mul3A_155, %add3A_212 : i32
      %dma_wait3A_214 = arith.constant 0 : i32
      %dma_wait3A_215 = tpu.memref_slice %arg7[%add3A_213, %dma_wait3A_214] : memref<125x80xi32, #tpu.memory_space<vmem>> -> memref<1x80xi32, #tpu.memory_space<vmem>>
      %dma_wait3A_216 = tpu.memref_squeeze %dma_wait3A_215 : memref<1x80xi32, #tpu.memory_space<vmem>> -> memref<80xi32, #tpu.memory_space<vmem>>
      %dma_wait3A_217 = arith.constant 0 : i32
      %dma_wait3A_218 = arith.constant 0 : i32
      %dma_wait3A_219 = tpu.memref_slice %arg2[%dma_wait3A_217, %dma_wait3A_218] : memref<10000x128xbf16, #tpu.memory_space<hbm>> -> memref<10000x128xbf16, #tpu.memory_space<hbm>>
      tpu.wait_indirect_dma semaphore(%arg17 : memref<!tpu.dma_semaphore, #tpu.memory_space<semaphore_mem>>) src(%dma_wait3A_219 : memref<10000x128xbf16, #tpu.memory_space<hbm>>) dst(%arg11 : memref<80x128xbf16, #tpu.memory_space<vmem>>)
      %dma_start3A_220 = arith.constant 0 : i32
      %dma_start3A_221 = tpu.memref_slice %arg8[%add3A_213, %dma_start3A_220] : memref<125x80xi32, #tpu.memory_space<vmem>> -> memref<1x80xi32, #tpu.memory_space<vmem>>
      %dma_start3A_222 = tpu.memref_squeeze %dma_start3A_221 : memref<1x80xi32, #tpu.memory_space<vmem>> -> memref<80xi32, #tpu.memory_space<vmem>>
      %dma_start3A_223 = arith.constant 0 : i32
      %dma_start3A_224 = arith.constant 0 : i32
      %dma_start3A_225 = tpu.memref_slice %arg14[%dma_start3A_223, %dma_start3A_224] : memref<10000x128xbf16, #tpu.memory_space<vmem_shared>> -> memref<10000x128xbf16, #tpu.memory_space<vmem_shared>>
      tpu.enqueue_indirect_dma source(%arg11 : memref<80x128xbf16, #tpu.memory_space<vmem>>) target(%dma_start3A_225 : memref<10000x128xbf16, #tpu.memory_space<vmem_shared>>) offsets(%dma_start3A_222 : memref<80xi32, #tpu.memory_space<vmem>>) semaphore(%arg22 : memref<!tpu.dma_semaphore, #tpu.memory_space<semaphore_mem>>) {add = true}
      %dma_wait3A_226 = arith.constant 0 : i32
      %dma_wait3A_227 = tpu.memref_slice %arg8[%add3A_213, %dma_wait3A_226] : memref<125x80xi32, #tpu.memory_space<vmem>> -> memref<1x80xi32, #tpu.memory_space<vmem>>
      %dma_wait3A_228 = tpu.memref_squeeze %dma_wait3A_227 : memref<1x80xi32, #tpu.memory_space<vmem>> -> memref<80xi32, #tpu.memory_space<vmem>>
      %dma_wait3A_229 = arith.constant 0 : i32
      %dma_wait3A_230 = arith.constant 0 : i32
      %dma_wait3A_231 = tpu.memref_slice %arg14[%dma_wait3A_229, %dma_wait3A_230] : memref<10000x128xbf16, #tpu.memory_space<vmem_shared>> -> memref<10000x128xbf16, #tpu.memory_space<vmem_shared>>
      tpu.wait_indirect_dma semaphore(%arg22 : memref<!tpu.dma_semaphore, #tpu.memory_space<semaphore_mem>>) src(%arg11 : memref<80x128xbf16, #tpu.memory_space<vmem>>) dst(%dma_wait3A_231 : memref<10000x128xbf16, #tpu.memory_space<vmem_shared>>)
      %add3A_232 = arith.constant 5 : i32
      %add3A_233 = arith.addi %add3A_213, %add3A_232 : i32
      %dma_start3A_234 = arith.constant 0 : i32
      %dma_start3A_235 = tpu.memref_slice %arg7[%add3A_233, %dma_start3A_234] : memref<125x80xi32, #tpu.memory_space<vmem>> -> memref<1x80xi32, #tpu.memory_space<vmem>>
      %dma_start3A_236 = tpu.memref_squeeze %dma_start3A_235 : memref<1x80xi32, #tpu.memory_space<vmem>> -> memref<80xi32, #tpu.memory_space<vmem>>
      %dma_start3A_237 = arith.constant 0 : i32
      %dma_start3A_238 = arith.constant 0 : i32
      %dma_start3A_239 = tpu.memref_slice %arg2[%dma_start3A_237, %dma_start3A_238] : memref<10000x128xbf16, #tpu.memory_space<hbm>> -> memref<10000x128xbf16, #tpu.memory_space<hbm>>
      tpu.enqueue_indirect_dma source(%dma_start3A_239 : memref<10000x128xbf16, #tpu.memory_space<hbm>>) target(%arg11 : memref<80x128xbf16, #tpu.memory_space<vmem>>) offsets(%dma_start3A_236 : memref<80xi32, #tpu.memory_space<vmem>>) semaphore(%arg17 : memref<!tpu.dma_semaphore, #tpu.memory_space<semaphore_mem>>)
      %add3A_240 = arith.constant 3 : i32
      %add3A_241 = arith.addi %mul3A_155, %add3A_240 : i32
      %dma_wait3A_242 = arith.constant 0 : i32
      %dma_wait3A_243 = tpu.memref_slice %arg7[%add3A_241, %dma_wait3A_242] : memref<125x80xi32, #tpu.memory_space<vmem>> -> memref<1x80xi32, #tpu.memory_space<vmem>>
      %dma_wait3A_244 = tpu.memref_squeeze %dma_wait3A_243 : memref<1x80xi32, #tpu.memory_space<vmem>> -> memref<80xi32, #tpu.memory_space<vmem>>
      %dma_wait3A_245 = arith.constant 0 : i32
      %dma_wait3A_246 = arith.constant 0 : i32
      %dma_wait3A_247 = tpu.memref_slice %arg2[%dma_wait3A_245, %dma_wait3A_246] : memref<10000x128xbf16, #tpu.memory_space<hbm>> -> memref<10000x128xbf16, #tpu.memory_space<hbm>>
      tpu.wait_indirect_dma semaphore(%arg18 : memref<!tpu.dma_semaphore, #tpu.memory_space<semaphore_mem>>) src(%dma_wait3A_247 : memref<10000x128xbf16, #tpu.memory_space<hbm>>) dst(%arg12 : memref<80x128xbf16, #tpu.memory_space<vmem>>)
      %dma_start3A_248 = arith.constant 0 : i32
      %dma_start3A_249 = tpu.memref_slice %arg8[%add3A_241, %dma_start3A_248] : memref<125x80xi32, #tpu.memory_space<vmem>> -> memref<1x80xi32, #tpu.memory_space<vmem>>
      %dma_start3A_250 = tpu.memref_squeeze %dma_start3A_249 : memref<1x80xi32, #tpu.memory_space<vmem>> -> memref<80xi32, #tpu.memory_space<vmem>>
      %dma_start3A_251 = arith.constant 0 : i32
      %dma_start3A_252 = arith.constant 0 : i32
      %dma_start3A_253 = tpu.memref_slice %arg14[%dma_start3A_251, %dma_start3A_252] : memref<10000x128xbf16, #tpu.memory_space<vmem_shared>> -> memref<10000x128xbf16, #tpu.memory_space<vmem_shared>>
      tpu.enqueue_indirect_dma source(%arg12 : memref<80x128xbf16, #tpu.memory_space<vmem>>) target(%dma_start3A_253 : memref<10000x128xbf16, #tpu.memory_space<vmem_shared>>) offsets(%dma_start3A_250 : memref<80xi32, #tpu.memory_space<vmem>>) semaphore(%arg23 : memref<!tpu.dma_semaphore, #tpu.memory_space<semaphore_mem>>) {add = true}
      %dma_wait3A_254 = arith.constant 0 : i32
      %dma_wait3A_255 = tpu.memref_slice %arg8[%add3A_241, %dma_wait3A_254] : memref<125x80xi32, #tpu.memory_space<vmem>> -> memref<1x80xi32, #tpu.memory_space<vmem>>
      %dma_wait3A_256 = tpu.memref_squeeze %dma_wait3A_255 : memref<1x80xi32, #tpu.memory_space<vmem>> -> memref<80xi32, #tpu.memory_space<vmem>>
      %dma_wait3A_257 = arith.constant 0 : i32
      %dma_wait3A_258 = arith.constant 0 : i32
      %dma_wait3A_259 = tpu.memref_slice %arg14[%dma_wait3A_257, %dma_wait3A_258] : memref<10000x128xbf16, #tpu.memory_space<vmem_shared>> -> memref<10000x128xbf16, #tpu.memory_space<vmem_shared>>
      tpu.wait_indirect_dma semaphore(%arg23 : memref<!tpu.dma_semaphore, #tpu.memory_space<semaphore_mem>>) src(%arg12 : memref<80x128xbf16, #tpu.memory_space<vmem>>) dst(%dma_wait3A_259 : memref<10000x128xbf16, #tpu.memory_space<vmem_shared>>)
      %add3A_260 = arith.constant 5 : i32
      %add3A_261 = arith.addi %add3A_241, %add3A_260 : i32
      %dma_start3A_262 = arith.constant 0 : i32
      %dma_start3A_263 = tpu.memref_slice %arg7[%add3A_261, %dma_start3A_262] : memref<125x80xi32, #tpu.memory_space<vmem>> -> memref<1x80xi32, #tpu.memory_space<vmem>>
      %dma_start3A_264 = tpu.memref_squeeze %dma_start3A_263 : memref<1x80xi32, #tpu.memory_space<vmem>> -> memref<80xi32, #tpu.memory_space<vmem>>
      %dma_start3A_265 = arith.constant 0 : i32
      %dma_start3A_266 = arith.constant 0 : i32
      %dma_start3A_267 = tpu.memref_slice %arg2[%dma_start3A_265, %dma_start3A_266] : memref<10000x128xbf16, #tpu.memory_space<hbm>> -> memref<10000x128xbf16, #tpu.memory_space<hbm>>
      tpu.enqueue_indirect_dma source(%dma_start3A_267 : memref<10000x128xbf16, #tpu.memory_space<hbm>>) target(%arg12 : memref<80x128xbf16, #tpu.memory_space<vmem>>) offsets(%dma_start3A_264 : memref<80xi32, #tpu.memory_space<vmem>>) semaphore(%arg18 : memref<!tpu.dma_semaphore, #tpu.memory_space<semaphore_mem>>)
      %add3A_268 = arith.constant 4 : i32
      %add3A_269 = arith.addi %mul3A_155, %add3A_268 : i32
      %dma_wait3A_270 = arith.constant 0 : i32
      %dma_wait3A_271 = tpu.memref_slice %arg7[%add3A_269, %dma_wait3A_270] : memref<125x80xi32, #tpu.memory_space<vmem>> -> memref<1x80xi32, #tpu.memory_space<vmem>>
      %dma_wait3A_272 = tpu.memref_squeeze %dma_wait3A_271 : memref<1x80xi32, #tpu.memory_space<vmem>> -> memref<80xi32, #tpu.memory_space<vmem>>
      %dma_wait3A_273 = arith.constant 0 : i32
      %dma_wait3A_274 = arith.constant 0 : i32
      %dma_wait3A_275 = tpu.memref_slice %arg2[%dma_wait3A_273, %dma_wait3A_274] : memref<10000x128xbf16, #tpu.memory_space<hbm>> -> memref<10000x128xbf16, #tpu.memory_space<hbm>>
      tpu.wait_indirect_dma semaphore(%arg19 : memref<!tpu.dma_semaphore, #tpu.memory_space<semaphore_mem>>) src(%dma_wait3A_275 : memref<10000x128xbf16, #tpu.memory_space<hbm>>) dst(%arg13 : memref<80x128xbf16, #tpu.memory_space<vmem>>)
      %dma_start3A_276 = arith.constant 0 : i32
      %dma_start3A_277 = tpu.memref_slice %arg8[%add3A_269, %dma_start3A_276] : memref<125x80xi32, #tpu.memory_space<vmem>> -> memref<1x80xi32, #tpu.memory_space<vmem>>
      %dma_start3A_278 = tpu.memref_squeeze %dma_start3A_277 : memref<1x80xi32, #tpu.memory_space<vmem>> -> memref<80xi32, #tpu.memory_space<vmem>>
      %dma_start3A_279 = arith.constant 0 : i32
      %dma_start3A_280 = arith.constant 0 : i32
      %dma_start3A_281 = tpu.memref_slice %arg14[%dma_start3A_279, %dma_start3A_280] : memref<10000x128xbf16, #tpu.memory_space<vmem_shared>> -> memref<10000x128xbf16, #tpu.memory_space<vmem_shared>>
      tpu.enqueue_indirect_dma source(%arg13 : memref<80x128xbf16, #tpu.memory_space<vmem>>) target(%dma_start3A_281 : memref<10000x128xbf16, #tpu.memory_space<vmem_shared>>) offsets(%dma_start3A_278 : memref<80xi32, #tpu.memory_space<vmem>>) semaphore(%arg24 : memref<!tpu.dma_semaphore, #tpu.memory_space<semaphore_mem>>) {add = true}
      %dma_wait3A_282 = arith.constant 0 : i32
      %dma_wait3A_283 = tpu.memref_slice %arg8[%add3A_269, %dma_wait3A_282] : memref<125x80xi32, #tpu.memory_space<vmem>> -> memref<1x80xi32, #tpu.memory_space<vmem>>
      %dma_wait3A_284 = tpu.memref_squeeze %dma_wait3A_283 : memref<1x80xi32, #tpu.memory_space<vmem>> -> memref<80xi32, #tpu.memory_space<vmem>>
      %dma_wait3A_285 = arith.constant 0 : i32
      %dma_wait3A_286 = arith.constant 0 : i32
      %dma_wait3A_287 = tpu.memref_slice %arg14[%dma_wait3A_285, %dma_wait3A_286] : memref<10000x128xbf16, #tpu.memory_space<vmem_shared>> -> memref<10000x128xbf16, #tpu.memory_space<vmem_shared>>
      tpu.wait_indirect_dma semaphore(%arg24 : memref<!tpu.dma_semaphore, #tpu.memory_space<semaphore_mem>>) src(%arg13 : memref<80x128xbf16, #tpu.memory_space<vmem>>) dst(%dma_wait3A_287 : memref<10000x128xbf16, #tpu.memory_space<vmem_shared>>)
      %add3A_288 = arith.constant 5 : i32
      %add3A_289 = arith.addi %add3A_269, %add3A_288 : i32
      %dma_start3A_290 = arith.constant 0 : i32
      %dma_start3A_291 = tpu.memref_slice %arg7[%add3A_289, %dma_start3A_290] : memref<125x80xi32, #tpu.memory_space<vmem>> -> memref<1x80xi32, #tpu.memory_space<vmem>>
      %dma_start3A_292 = tpu.memref_squeeze %dma_start3A_291 : memref<1x80xi32, #tpu.memory_space<vmem>> -> memref<80xi32, #tpu.memory_space<vmem>>
      %dma_start3A_293 = arith.constant 0 : i32
      %dma_start3A_294 = arith.constant 0 : i32
      %dma_start3A_295 = tpu.memref_slice %arg2[%dma_start3A_293, %dma_start3A_294] : memref<10000x128xbf16, #tpu.memory_space<hbm>> -> memref<10000x128xbf16, #tpu.memory_space<hbm>>
      tpu.enqueue_indirect_dma source(%dma_start3A_295 : memref<10000x128xbf16, #tpu.memory_space<hbm>>) target(%arg13 : memref<80x128xbf16, #tpu.memory_space<vmem>>) offsets(%dma_start3A_292 : memref<80xi32, #tpu.memory_space<vmem>>) semaphore(%arg19 : memref<!tpu.dma_semaphore, #tpu.memory_space<semaphore_mem>>)
    }
    %scan3A_43 = arith.constant 24 : i32
    %dma_wait3A = arith.constant 120 : i32
    %dma_wait3A_44 = arith.constant 0 : i32
    %dma_wait3A_45 = tpu.memref_slice %arg7[%dma_wait3A, %dma_wait3A_44] : memref<125x80xi32, #tpu.memory_space<vmem>> -> memref<1x80xi32, #tpu.memory_space<vmem>>
    %dma_wait3A_46 = tpu.memref_squeeze %dma_wait3A_45 : memref<1x80xi32, #tpu.memory_space<vmem>> -> memref<80xi32, #tpu.memory_space<vmem>>
    %dma_wait3A_47 = arith.constant 0 : i32
    %dma_wait3A_48 = arith.constant 0 : i32
    %dma_wait3A_49 = tpu.memref_slice %arg2[%dma_wait3A_47, %dma_wait3A_48] : memref<10000x128xbf16, #tpu.memory_space<hbm>> -> memref<10000x128xbf16, #tpu.memory_space<hbm>>
    tpu.wait_indirect_dma semaphore(%arg15 : memref<!tpu.dma_semaphore, #tpu.memory_space<semaphore_mem>>) src(%dma_wait3A_49 : memref<10000x128xbf16, #tpu.memory_space<hbm>>) dst(%arg9 : memref<80x128xbf16, #tpu.memory_space<vmem>>)
    %dma_start3A_50 = arith.constant 120 : i32
    %dma_start3A_51 = arith.constant 0 : i32
    %dma_start3A_52 = tpu.memref_slice %arg8[%dma_start3A_50, %dma_start3A_51] : memref<125x80xi32, #tpu.memory_space<vmem>> -> memref<1x80xi32, #tpu.memory_space<vmem>>
    %dma_start3A_53 = tpu.memref_squeeze %dma_start3A_52 : memref<1x80xi32, #tpu.memory_space<vmem>> -> memref<80xi32, #tpu.memory_space<vmem>>
    %dma_start3A_54 = arith.constant 0 : i32
    %dma_start3A_55 = arith.constant 0 : i32
    %dma_start3A_56 = tpu.memref_slice %arg14[%dma_start3A_54, %dma_start3A_55] : memref<10000x128xbf16, #tpu.memory_space<vmem_shared>> -> memref<10000x128xbf16, #tpu.memory_space<vmem_shared>>
    tpu.enqueue_indirect_dma source(%arg9 : memref<80x128xbf16, #tpu.memory_space<vmem>>) target(%dma_start3A_56 : memref<10000x128xbf16, #tpu.memory_space<vmem_shared>>) offsets(%dma_start3A_53 : memref<80xi32, #tpu.memory_space<vmem>>) semaphore(%arg20 : memref<!tpu.dma_semaphore, #tpu.memory_space<semaphore_mem>>) {add = true}
    %dma_wait3A_57 = arith.constant 121 : i32
    %dma_wait3A_58 = arith.constant 0 : i32
    %dma_wait3A_59 = tpu.memref_slice %arg7[%dma_wait3A_57, %dma_wait3A_58] : memref<125x80xi32, #tpu.memory_space<vmem>> -> memref<1x80xi32, #tpu.memory_space<vmem>>
    %dma_wait3A_60 = tpu.memref_squeeze %dma_wait3A_59 : memref<1x80xi32, #tpu.memory_space<vmem>> -> memref<80xi32, #tpu.memory_space<vmem>>
    %dma_wait3A_61 = arith.constant 0 : i32
    %dma_wait3A_62 = arith.constant 0 : i32
    %dma_wait3A_63 = tpu.memref_slice %arg2[%dma_wait3A_61, %dma_wait3A_62] : memref<10000x128xbf16, #tpu.memory_space<hbm>> -> memref<10000x128xbf16, #tpu.memory_space<hbm>>
    tpu.wait_indirect_dma semaphore(%arg16 : memref<!tpu.dma_semaphore, #tpu.memory_space<semaphore_mem>>) src(%dma_wait3A_63 : memref<10000x128xbf16, #tpu.memory_space<hbm>>) dst(%arg10 : memref<80x128xbf16, #tpu.memory_space<vmem>>)
    %dma_start3A_64 = arith.constant 121 : i32
    %dma_start3A_65 = arith.constant 0 : i32
    %dma_start3A_66 = tpu.memref_slice %arg8[%dma_start3A_64, %dma_start3A_65] : memref<125x80xi32, #tpu.memory_space<vmem>> -> memref<1x80xi32, #tpu.memory_space<vmem>>
    %dma_start3A_67 = tpu.memref_squeeze %dma_start3A_66 : memref<1x80xi32, #tpu.memory_space<vmem>> -> memref<80xi32, #tpu.memory_space<vmem>>
    %dma_start3A_68 = arith.constant 0 : i32
    %dma_start3A_69 = arith.constant 0 : i32
    %dma_start3A_70 = tpu.memref_slice %arg14[%dma_start3A_68, %dma_start3A_69] : memref<10000x128xbf16, #tpu.memory_space<vmem_shared>> -> memref<10000x128xbf16, #tpu.memory_space<vmem_shared>>
    tpu.enqueue_indirect_dma source(%arg10 : memref<80x128xbf16, #tpu.memory_space<vmem>>) target(%dma_start3A_70 : memref<10000x128xbf16, #tpu.memory_space<vmem_shared>>) offsets(%dma_start3A_67 : memref<80xi32, #tpu.memory_space<vmem>>) semaphore(%arg21 : memref<!tpu.dma_semaphore, #tpu.memory_space<semaphore_mem>>) {add = true}
    %dma_wait3A_71 = arith.constant 122 : i32
    %dma_wait3A_72 = arith.constant 0 : i32
    %dma_wait3A_73 = tpu.memref_slice %arg7[%dma_wait3A_71, %dma_wait3A_72] : memref<125x80xi32, #tpu.memory_space<vmem>> -> memref<1x80xi32, #tpu.memory_space<vmem>>
    %dma_wait3A_74 = tpu.memref_squeeze %dma_wait3A_73 : memref<1x80xi32, #tpu.memory_space<vmem>> -> memref<80xi32, #tpu.memory_space<vmem>>
    %dma_wait3A_75 = arith.constant 0 : i32
    %dma_wait3A_76 = arith.constant 0 : i32
    %dma_wait3A_77 = tpu.memref_slice %arg2[%dma_wait3A_75, %dma_wait3A_76] : memref<10000x128xbf16, #tpu.memory_space<hbm>> -> memref<10000x128xbf16, #tpu.memory_space<hbm>>
    tpu.wait_indirect_dma semaphore(%arg17 : memref<!tpu.dma_semaphore, #tpu.memory_space<semaphore_mem>>) src(%dma_wait3A_77 : memref<10000x128xbf16, #tpu.memory_space<hbm>>) dst(%arg11 : memref<80x128xbf16, #tpu.memory_space<vmem>>)
    %dma_start3A_78 = arith.constant 122 : i32
    %dma_start3A_79 = arith.constant 0 : i32
    %dma_start3A_80 = tpu.memref_slice %arg8[%dma_start3A_78, %dma_start3A_79] : memref<125x80xi32, #tpu.memory_space<vmem>> -> memref<1x80xi32, #tpu.memory_space<vmem>>
    %dma_start3A_81 = tpu.memref_squeeze %dma_start3A_80 : memref<1x80xi32, #tpu.memory_space<vmem>> -> memref<80xi32, #tpu.memory_space<vmem>>
    %dma_start3A_82 = arith.constant 0 : i32
    %dma_start3A_83 = arith.constant 0 : i32
    %dma_start3A_84 = tpu.memref_slice %arg14[%dma_start3A_82, %dma_start3A_83] : memref<10000x128xbf16, #tpu.memory_space<vmem_shared>> -> memref<10000x128xbf16, #tpu.memory_space<vmem_shared>>
    tpu.enqueue_indirect_dma source(%arg11 : memref<80x128xbf16, #tpu.memory_space<vmem>>) target(%dma_start3A_84 : memref<10000x128xbf16, #tpu.memory_space<vmem_shared>>) offsets(%dma_start3A_81 : memref<80xi32, #tpu.memory_space<vmem>>) semaphore(%arg22 : memref<!tpu.dma_semaphore, #tpu.memory_space<semaphore_mem>>) {add = true}
    %dma_wait3A_85 = arith.constant 123 : i32
    %dma_wait3A_86 = arith.constant 0 : i32
    %dma_wait3A_87 = tpu.memref_slice %arg7[%dma_wait3A_85, %dma_wait3A_86] : memref<125x80xi32, #tpu.memory_space<vmem>> -> memref<1x80xi32, #tpu.memory_space<vmem>>
    %dma_wait3A_88 = tpu.memref_squeeze %dma_wait3A_87 : memref<1x80xi32, #tpu.memory_space<vmem>> -> memref<80xi32, #tpu.memory_space<vmem>>
    %dma_wait3A_89 = arith.constant 0 : i32
    %dma_wait3A_90 = arith.constant 0 : i32
    %dma_wait3A_91 = tpu.memref_slice %arg2[%dma_wait3A_89, %dma_wait3A_90] : memref<10000x128xbf16, #tpu.memory_space<hbm>> -> memref<10000x128xbf16, #tpu.memory_space<hbm>>
    tpu.wait_indirect_dma semaphore(%arg18 : memref<!tpu.dma_semaphore, #tpu.memory_space<semaphore_mem>>) src(%dma_wait3A_91 : memref<10000x128xbf16, #tpu.memory_space<hbm>>) dst(%arg12 : memref<80x128xbf16, #tpu.memory_space<vmem>>)
    %dma_start3A_92 = arith.constant 123 : i32
    %dma_start3A_93 = arith.constant 0 : i32
    %dma_start3A_94 = tpu.memref_slice %arg8[%dma_start3A_92, %dma_start3A_93] : memref<125x80xi32, #tpu.memory_space<vmem>> -> memref<1x80xi32, #tpu.memory_space<vmem>>
    %dma_start3A_95 = tpu.memref_squeeze %dma_start3A_94 : memref<1x80xi32, #tpu.memory_space<vmem>> -> memref<80xi32, #tpu.memory_space<vmem>>
    %dma_start3A_96 = arith.constant 0 : i32
    %dma_start3A_97 = arith.constant 0 : i32
    %dma_start3A_98 = tpu.memref_slice %arg14[%dma_start3A_96, %dma_start3A_97] : memref<10000x128xbf16, #tpu.memory_space<vmem_shared>> -> memref<10000x128xbf16, #tpu.memory_space<vmem_shared>>
    tpu.enqueue_indirect_dma source(%arg12 : memref<80x128xbf16, #tpu.memory_space<vmem>>) target(%dma_start3A_98 : memref<10000x128xbf16, #tpu.memory_space<vmem_shared>>) offsets(%dma_start3A_95 : memref<80xi32, #tpu.memory_space<vmem>>) semaphore(%arg23 : memref<!tpu.dma_semaphore, #tpu.memory_space<semaphore_mem>>) {add = true}
    %dma_wait3A_99 = arith.constant 124 : i32
    %dma_wait3A_100 = arith.constant 0 : i32
    %dma_wait3A_101 = tpu.memref_slice %arg7[%dma_wait3A_99, %dma_wait3A_100] : memref<125x80xi32, #tpu.memory_space<vmem>> -> memref<1x80xi32, #tpu.memory_space<vmem>>
    %dma_wait3A_102 = tpu.memref_squeeze %dma_wait3A_101 : memref<1x80xi32, #tpu.memory_space<vmem>> -> memref<80xi32, #tpu.memory_space<vmem>>
    %dma_wait3A_103 = arith.constant 0 : i32
    %dma_wait3A_104 = arith.constant 0 : i32
    %dma_wait3A_105 = tpu.memref_slice %arg2[%dma_wait3A_103, %dma_wait3A_104] : memref<10000x128xbf16, #tpu.memory_space<hbm>> -> memref<10000x128xbf16, #tpu.memory_space<hbm>>
    tpu.wait_indirect_dma semaphore(%arg19 : memref<!tpu.dma_semaphore, #tpu.memory_space<semaphore_mem>>) src(%dma_wait3A_105 : memref<10000x128xbf16, #tpu.memory_space<hbm>>) dst(%arg13 : memref<80x128xbf16, #tpu.memory_space<vmem>>)
    %dma_start3A_106 = arith.constant 124 : i32
    %dma_start3A_107 = arith.constant 0 : i32
    %dma_start3A_108 = tpu.memref_slice %arg8[%dma_start3A_106, %dma_start3A_107] : memref<125x80xi32, #tpu.memory_space<vmem>> -> memref<1x80xi32, #tpu.memory_space<vmem>>
    %dma_start3A_109 = tpu.memref_squeeze %dma_start3A_108 : memref<1x80xi32, #tpu.memory_space<vmem>> -> memref<80xi32, #tpu.memory_space<vmem>>
    %dma_start3A_110 = arith.constant 0 : i32
    %dma_start3A_111 = arith.constant 0 : i32
    %dma_start3A_112 = tpu.memref_slice %arg14[%dma_start3A_110, %dma_start3A_111] : memref<10000x128xbf16, #tpu.memory_space<vmem_shared>> -> memref<10000x128xbf16, #tpu.memory_space<vmem_shared>>
    tpu.enqueue_indirect_dma source(%arg13 : memref<80x128xbf16, #tpu.memory_space<vmem>>) target(%dma_start3A_112 : memref<10000x128xbf16, #tpu.memory_space<vmem_shared>>) offsets(%dma_start3A_109 : memref<80xi32, #tpu.memory_space<vmem>>) semaphore(%arg24 : memref<!tpu.dma_semaphore, #tpu.memory_space<semaphore_mem>>) {add = true}
    %dma_wait3A_113 = arith.constant 120 : i32
    %dma_wait3A_114 = arith.constant 0 : i32
    %dma_wait3A_115 = tpu.memref_slice %arg8[%dma_wait3A_113, %dma_wait3A_114] : memref<125x80xi32, #tpu.memory_space<vmem>> -> memref<1x80xi32, #tpu.memory_space<vmem>>
    %dma_wait3A_116 = tpu.memref_squeeze %dma_wait3A_115 : memref<1x80xi32, #tpu.memory_space<vmem>> -> memref<80xi32, #tpu.memory_space<vmem>>
    %dma_wait3A_117 = arith.constant 0 : i32
    %dma_wait3A_118 = arith.constant 0 : i32
    %dma_wait3A_119 = tpu.memref_slice %arg14[%dma_wait3A_117, %dma_wait3A_118] : memref<10000x128xbf16, #tpu.memory_space<vmem_shared>> -> memref<10000x128xbf16, #tpu.memory_space<vmem_shared>>
    tpu.wait_indirect_dma semaphore(%arg20 : memref<!tpu.dma_semaphore, #tpu.memory_space<semaphore_mem>>) src(%arg9 : memref<80x128xbf16, #tpu.memory_space<vmem>>) dst(%dma_wait3A_119 : memref<10000x128xbf16, #tpu.memory_space<vmem_shared>>)
    %dma_wait3A_120 = arith.constant 121 : i32
    %dma_wait3A_121 = arith.constant 0 : i32
    %dma_wait3A_122 = tpu.memref_slice %arg8[%dma_wait3A_120, %dma_wait3A_121] : memref<125x80xi32, #tpu.memory_space<vmem>> -> memref<1x80xi32, #tpu.memory_space<vmem>>
    %dma_wait3A_123 = tpu.memref_squeeze %dma_wait3A_122 : memref<1x80xi32, #tpu.memory_space<vmem>> -> memref<80xi32, #tpu.memory_space<vmem>>
    %dma_wait3A_124 = arith.constant 0 : i32
    %dma_wait3A_125 = arith.constant 0 : i32
    %dma_wait3A_126 = tpu.memref_slice %arg14[%dma_wait3A_124, %dma_wait3A_125] : memref<10000x128xbf16, #tpu.memory_space<vmem_shared>> -> memref<10000x128xbf16, #tpu.memory_space<vmem_shared>>
    tpu.wait_indirect_dma semaphore(%arg21 : memref<!tpu.dma_semaphore, #tpu.memory_space<semaphore_mem>>) src(%arg10 : memref<80x128xbf16, #tpu.memory_space<vmem>>) dst(%dma_wait3A_126 : memref<10000x128xbf16, #tpu.memory_space<vmem_shared>>)
    %dma_wait3A_127 = arith.constant 122 : i32
    %dma_wait3A_128 = arith.constant 0 : i32
    %dma_wait3A_129 = tpu.memref_slice %arg8[%dma_wait3A_127, %dma_wait3A_128] : memref<125x80xi32, #tpu.memory_space<vmem>> -> memref<1x80xi32, #tpu.memory_space<vmem>>
    %dma_wait3A_130 = tpu.memref_squeeze %dma_wait3A_129 : memref<1x80xi32, #tpu.memory_space<vmem>> -> memref<80xi32, #tpu.memory_space<vmem>>
    %dma_wait3A_131 = arith.constant 0 : i32
    %dma_wait3A_132 = arith.constant 0 : i32
    %dma_wait3A_133 = tpu.memref_slice %arg14[%dma_wait3A_131, %dma_wait3A_132] : memref<10000x128xbf16, #tpu.memory_space<vmem_shared>> -> memref<10000x128xbf16, #tpu.memory_space<vmem_shared>>
    tpu.wait_indirect_dma semaphore(%arg22 : memref<!tpu.dma_semaphore, #tpu.memory_space<semaphore_mem>>) src(%arg11 : memref<80x128xbf16, #tpu.memory_space<vmem>>) dst(%dma_wait3A_133 : memref<10000x128xbf16, #tpu.memory_space<vmem_shared>>)
    %dma_wait3A_134 = arith.constant 123 : i32
    %dma_wait3A_135 = arith.constant 0 : i32
    %dma_wait3A_136 = tpu.memref_slice %arg8[%dma_wait3A_134, %dma_wait3A_135] : memref<125x80xi32, #tpu.memory_space<vmem>> -> memref<1x80xi32, #tpu.memory_space<vmem>>
    %dma_wait3A_137 = tpu.memref_squeeze %dma_wait3A_136 : memref<1x80xi32, #tpu.memory_space<vmem>> -> memref<80xi32, #tpu.memory_space<vmem>>
    %dma_wait3A_138 = arith.constant 0 : i32
    %dma_wait3A_139 = arith.constant 0 : i32
    %dma_wait3A_140 = tpu.memref_slice %arg14[%dma_wait3A_138, %dma_wait3A_139] : memref<10000x128xbf16, #tpu.memory_space<vmem_shared>> -> memref<10000x128xbf16, #tpu.memory_space<vmem_shared>>
    tpu.wait_indirect_dma semaphore(%arg23 : memref<!tpu.dma_semaphore, #tpu.memory_space<semaphore_mem>>) src(%arg12 : memref<80x128xbf16, #tpu.memory_space<vmem>>) dst(%dma_wait3A_140 : memref<10000x128xbf16, #tpu.memory_space<vmem_shared>>)
    %dma_wait3A_141 = arith.constant 124 : i32
    %dma_wait3A_142 = arith.constant 0 : i32
    %dma_wait3A_143 = tpu.memref_slice %arg8[%dma_wait3A_141, %dma_wait3A_142] : memref<125x80xi32, #tpu.memory_space<vmem>> -> memref<1x80xi32, #tpu.memory_space<vmem>>
    %dma_wait3A_144 = tpu.memref_squeeze %dma_wait3A_143 : memref<1x80xi32, #tpu.memory_space<vmem>> -> memref<80xi32, #tpu.memory_space<vmem>>
    %dma_wait3A_145 = arith.constant 0 : i32
    %dma_wait3A_146 = arith.constant 0 : i32
    %dma_wait3A_147 = tpu.memref_slice %arg14[%dma_wait3A_145, %dma_wait3A_146] : memref<10000x128xbf16, #tpu.memory_space<vmem_shared>> -> memref<10000x128xbf16, #tpu.memory_space<vmem_shared>>
    tpu.wait_indirect_dma semaphore(%arg24 : memref<!tpu.dma_semaphore, #tpu.memory_space<semaphore_mem>>) src(%arg13 : memref<80x128xbf16, #tpu.memory_space<vmem>>) dst(%dma_wait3A_147 : memref<10000x128xbf16, #tpu.memory_space<vmem_shared>>)
    %barrier3A_148 = arith.constant 0 : index
    tpu.barrier barrier_id(%barrier3A_148)
    %mul3A_149 = arith.constant 625 : i32
    %mul3A_150 = arith.muli %arg1, %mul3A_149 : i32
    %mul3A_151 = arith.constant 625 : i32
    %mul3A_152 = arith.muli %arg1, %mul3A_151 : i32
    "tpu.region"() ({
      %run_scoped3A = tpu.sem_alloc : memref<!tpu.dma_semaphore, #tpu.memory_space<semaphore_mem>>
      %dma_start3A_153 = arith.constant 0 : i32
      %dma_start3A_154 = tpu.memref_slice %arg6[%arg0, %mul3A_152, %dma_start3A_153] : memref<2x10000x128xbf16, #tpu.memory_space<hbm>> -> memref<1x625x128xbf16, #tpu.memory_space<hbm>>
      %dma_start3A_155 = tpu.memref_squeeze %dma_start3A_154 : memref<1x625x128xbf16, #tpu.memory_space<hbm>> -> memref<625x128xbf16, #tpu.memory_space<hbm>>
      %dma_start3A_156 = arith.constant 0 : i32
      %dma_start3A_157 = tpu.memref_slice %arg14[%mul3A_150, %dma_start3A_156] : memref<10000x128xbf16, #tpu.memory_space<vmem_shared>> -> memref<625x128xbf16, #tpu.memory_space<vmem_shared>>
      tpu.enqueue_dma source(%dma_start3A_157 : memref<625x128xbf16, #tpu.memory_space<vmem_shared>>) target(%dma_start3A_155 : memref<625x128xbf16, #tpu.memory_space<hbm>>) target_semaphore(%run_scoped3A : memref<!tpu.dma_semaphore, #tpu.memory_space<semaphore_mem>>)
      %dma_wait3A_158 = arith.constant 0 : i32
      %dma_wait3A_159 = tpu.memref_slice %arg6[%arg0, %mul3A_152, %dma_wait3A_158] : memref<2x10000x128xbf16, #tpu.memory_space<hbm>> -> memref<1x625x128xbf16, #tpu.memory_space<hbm>>
      %dma_wait3A_160 = tpu.memref_squeeze %dma_wait3A_159 : memref<1x625x128xbf16, #tpu.memory_space<hbm>> -> memref<625x128xbf16, #tpu.memory_space<hbm>>
      %dma_wait3A_161 = arith.constant 0 : i32
      %dma_wait3A_162 = tpu.memref_slice %arg14[%mul3A_150, %dma_wait3A_161] : memref<10000x128xbf16, #tpu.memory_space<vmem_shared>> -> memref<625x128xbf16, #tpu.memory_space<vmem_shared>>
      tpu.wait_dma2 semaphore(%run_scoped3A : memref<!tpu.dma_semaphore, #tpu.memory_space<semaphore_mem>>) src(%dma_wait3A_162 : memref<625x128xbf16, #tpu.memory_space<vmem_shared>>) dst(%dma_wait3A_160 : memref<625x128xbf16, #tpu.memory_space<hbm>>)
      tpu.yield
    }) : () -> ()
    return
  }
}

module attributes {stable_mosaic.version = 14 : i64} {
  func.func @_k1_body(%arg0: i32, %arg1: memref<2000x128xf32, #tpu.memory_space<vmem>>, %arg2: memref<128x64xf32, #tpu.memory_space<vmem>>, %arg3: memref<1x64xf32, #tpu.memory_space<vmem>>, %arg4: memref<2x2000x16xbf16, #tpu.memory_space<vmem>>, %arg5: memref<2000x64xbf16, #tpu.memory_space<vmem>>, %arg6: memref<2000x64xbf16, #tpu.memory_space<vmem>>, %arg7: memref<2000x128xf32, #tpu.memory_space<vmem>>) attributes {dimension_semantics = [#tpu.dimension_semantics<arbitrary>], iteration_bounds = array<i64: 5>, scalar_prefetch = 0 : i64, scratch_operands = 0 : i64, tpu.core_type = #tpu.core_type<tc>, window_params = [{transform_indices = @transform_0, window_bounds = array<i64: 2000, 128>}, {pipeline_mode = #tpu.pipeline_mode<synchronous>, transform_indices = @transform_1, window_bounds = array<i64: 128, 64>}, {pipeline_mode = #tpu.pipeline_mode<synchronous>, transform_indices = @transform_2, window_bounds = array<i64: 1, 64>}, {transform_indices = @transform_3, window_bounds = array<i64: 2, 2000, 16>}, {transform_indices = @transform_4, window_bounds = array<i64: 2000, 64>}, {transform_indices = @transform_5, window_bounds = array<i64: 2000, 64>}, {transform_indices = @transform_6, window_bounds = array<i64: 2000, 128>}]} {
    %get3A = arith.constant 0 : index
    %get3A_0 = arith.constant 0 : index
    %get3A_1 = arith.constant 0 : index
    %get3A_2 = vector.load %arg4[%get3A, %get3A_0, %get3A_1] : memref<2x2000x16xbf16, #tpu.memory_space<vmem>>, vector<1x2000x16xbf16>
    %get3A_3 = vector.shape_cast %get3A_2 : vector<1x2000x16xbf16> to vector<2000x16xbf16>
    %convert_element_type3A = arith.extf %get3A_3 : vector<2000x16xbf16> to vector<2000x16xf32>
    %get3A_4 = arith.constant 1 : index
    %get3A_5 = arith.constant 0 : index
    %get3A_6 = arith.constant 0 : index
    %get3A_7 = vector.load %arg4[%get3A_4, %get3A_5, %get3A_6] : memref<2x2000x16xbf16, #tpu.memory_space<vmem>>, vector<1x2000x16xbf16>
    %get3A_8 = vector.shape_cast %get3A_7 : vector<1x2000x16xbf16> to vector<2000x16xbf16>
    %convert_element_type3A_9 = arith.extf %get3A_8 : vector<2000x16xbf16> to vector<2000x16xf32>
    %add3A = arith.addf %convert_element_type3A, %convert_element_type3A_9 : vector<2000x16xf32>
    %slice3A = vector.extract_strided_slice %add3A {offsets = [0, 0], sizes = [2000, 1], strides = [1, 1]} : vector<2000x16xf32> to vector<2000x1xf32>
    %max3A = arith.constant 1.000000e+00 : f32
    %max3A_10 = vector.broadcast %max3A : f32 to vector<2000x1xf32>
    %max3A_11 = arith.maximumf %slice3A, %max3A_10 : vector<2000x1xf32>
    %rsqrt3A = math.rsqrt %max3A_11 : vector<2000x1xf32>
    %get3A_12 = arith.constant 0 : index
    %get3A_13 = arith.constant 0 : index
    %get3A_14 = vector.load %arg1[%get3A_12, %get3A_13] : memref<2000x128xf32, #tpu.memory_space<vmem>>, vector<2000x128xf32>
    %get3A_15 = arith.constant 0 : index
    %get3A_16 = arith.constant 0 : index
    %get3A_17 = vector.load %arg2[%get3A_15, %get3A_16] : memref<128x64xf32, #tpu.memory_space<vmem>>, vector<128x64xf32>
    %convert_element_type3A_18 = arith.truncf %get3A_14 : vector<2000x128xf32> to vector<2000x128xbf16>
    %convert_element_type3A_19 = arith.truncf %get3A_17 : vector<128x64xf32> to vector<128x64xbf16>
    %dot_general3A = arith.constant dense<0.000000e+00> : vector<2000x64xf32>
    %dot_general3A_20 = tpu.matmul %convert_element_type3A_18, %convert_element_type3A_19, %dot_general3A {dimension_numbers = #tpu.dot_dimension_numbers<[1], [0], [0], [1], [0, 0, 1, 1], [], []>, transpose_lhs_hint = false} : vector<2000x128xbf16>, vector<128x64xbf16>, vector<2000x64xf32> -> vector<2000x64xf32>
    %get3A_21 = arith.constant 0 : index
    %get3A_22 = arith.constant 0 : index
    %get3A_23 = vector.load %arg3[%get3A_21, %get3A_22] : memref<1x64xf32, #tpu.memory_space<vmem>>, vector<1x64xf32>
    %add3A_24 = vector.broadcast %get3A_23 : vector<1x64xf32> to vector<2000x64xf32>
    %add3A_25 = arith.addf %dot_general3A_20, %add3A_24 : vector<2000x64xf32>
    %max3A_26 = arith.constant 0.000000e+00 : f32
    %max3A_27 = vector.broadcast %max3A_26 : f32 to vector<2000x64xf32>
    %max3A_28 = arith.maximumf %add3A_25, %max3A_27 : vector<2000x64xf32>
    %convert_element_type3A_29 = arith.truncf %max3A_28 : vector<2000x64xf32> to vector<2000x64xbf16>
    %swap3A = arith.constant 0 : index
    %swap3A_30 = arith.constant 0 : index
    %swap3A_31 = vector.load %arg5[%swap3A, %swap3A_30] : memref<2000x64xbf16, #tpu.memory_space<vmem>>, vector<2000x64xbf16>
    tpu.vector_store %arg5[%swap3A, %swap3A_30], %convert_element_type3A_29 {strides = array<i32>} : memref<2000x64xbf16, #tpu.memory_space<vmem>>, vector<2000x64xbf16>,
    %mul3A = vector.broadcast %rsqrt3A : vector<2000x1xf32> to vector<2000x64xf32>
    %mul3A_32 = arith.mulf %max3A_28, %mul3A : vector<2000x64xf32>
    %convert_element_type3A_33 = arith.truncf %mul3A_32 : vector<2000x64xf32> to vector<2000x64xbf16>
    %swap3A_34 = arith.constant 0 : index
    %swap3A_35 = arith.constant 0 : index
    %swap3A_36 = vector.load %arg6[%swap3A_34, %swap3A_35] : memref<2000x64xbf16, #tpu.memory_space<vmem>>, vector<2000x64xbf16>
    tpu.vector_store %arg6[%swap3A_34, %swap3A_35], %convert_element_type3A_33 {strides = array<i32>} : memref<2000x64xbf16, #tpu.memory_space<vmem>>, vector<2000x64xbf16>,
    %broadcast_in_dim3A = vector.shape_cast %rsqrt3A : vector<2000x1xf32> to vector<2000x1xf32>
    %broadcast_in_dim3A_37 = vector.broadcast %broadcast_in_dim3A : vector<2000x1xf32> to vector<2000x128xf32>
    %swap3A_38 = arith.constant 0 : index
    %swap3A_39 = arith.constant 0 : index
    %swap3A_40 = vector.load %arg7[%swap3A_38, %swap3A_39] : memref<2000x128xf32, #tpu.memory_space<vmem>>, vector<2000x128xf32>
    tpu.vector_store %arg7[%swap3A_38, %swap3A_39], %broadcast_in_dim3A_37 {strides = array<i32>} : memref<2000x128xf32, #tpu.memory_space<vmem>>, vector<2000x128xf32>,
    return
  }
  func.func @transform_0(%arg0: i32) -> (i32, i32) {
    %c0_i32 = arith.constant 0 : i32
    %c0_i32_0 = arith.constant 0 : i32
    return %arg0, %c0_i32 : i32, i32
  }
  func.func @transform_1(%arg0: i32) -> (i32, i32) {
    %c0_i32 = arith.constant 0 : i32
    %c0_i32_0 = arith.constant 0 : i32
    %c0_i32_1 = arith.constant 0 : i32
    return %c0_i32, %c0_i32_0 : i32, i32
  }
  func.func @transform_2(%arg0: i32) -> (i32, i32) {
    %c0_i32 = arith.constant 0 : i32
    %c0_i32_0 = arith.constant 0 : i32
    %c0_i32_1 = arith.constant 0 : i32
    return %c0_i32, %c0_i32_0 : i32, i32
  }
  func.func @transform_3(%arg0: i32) -> (i32, i32, i32) {
    %c0_i32 = arith.constant 0 : i32
    %c0_i32_0 = arith.constant 0 : i32
    %c0_i32_1 = arith.constant 0 : i32
    return %c0_i32, %arg0, %c0_i32_0 : i32, i32, i32
  }
  func.func @transform_4(%arg0: i32) -> (i32, i32) {
    %c0_i32 = arith.constant 0 : i32
    %c0_i32_0 = arith.constant 0 : i32
    return %arg0, %c0_i32 : i32, i32
  }
  func.func @transform_5(%arg0: i32) -> (i32, i32) {
    %c0_i32 = arith.constant 0 : i32
    %c0_i32_0 = arith.constant 0 : i32
    return %arg0, %c0_i32 : i32, i32
  }
  func.func @transform_6(%arg0: i32) -> (i32, i32) {
    %c0_i32 = arith.constant 0 : i32
    %c0_i32_0 = arith.constant 0 : i32
    return %arg0, %c0_i32 : i32, i32
  }
}

module attributes {stable_mosaic.version = 14 : i64} {
  func.func @_k2_body(%arg0: i32, %arg1: memref<2000x64xbf16, #tpu.memory_space<vmem>>, %arg2: memref<2x2000x64xbf16, #tpu.memory_space<vmem>>, %arg3: memref<2000x128xf32, #tpu.memory_space<vmem>>, %arg4: memref<2000x64xbf16, #tpu.memory_space<vmem>>, %arg5: memref<2000x64xbf16, #tpu.memory_space<vmem>>) attributes {dimension_semantics = [#tpu.dimension_semantics<arbitrary>], iteration_bounds = array<i64: 5>, scalar_prefetch = 0 : i64, scratch_operands = 0 : i64, tpu.core_type = #tpu.core_type<tc>, window_params = [{transform_indices = @transform_0, window_bounds = array<i64: 2000, 64>}, {transform_indices = @transform_1, window_bounds = array<i64: 2, 2000, 64>}, {transform_indices = @transform_2, window_bounds = array<i64: 2000, 128>}, {transform_indices = @transform_3, window_bounds = array<i64: 2000, 64>}, {transform_indices = @transform_4, window_bounds = array<i64: 2000, 64>}]} {
    %get3A = arith.constant 0 : index
    %get3A_0 = arith.constant 0 : index
    %get3A_1 = vector.load %arg3[%get3A, %get3A_0] : memref<2000x128xf32, #tpu.memory_space<vmem>>, vector<2000x1xf32>
    %get3A_2 = arith.constant 0 : index
    %get3A_3 = arith.constant 0 : index
    %get3A_4 = vector.load %arg1[%get3A_2, %get3A_3] : memref<2000x64xbf16, #tpu.memory_space<vmem>>, vector<2000x64xbf16>
    %convert_element_type3A = arith.extf %get3A_4 : vector<2000x64xbf16> to vector<2000x64xf32>
    %get3A_5 = arith.constant 0 : index
    %get3A_6 = arith.constant 0 : index
    %get3A_7 = arith.constant 0 : index
    %get3A_8 = vector.load %arg2[%get3A_5, %get3A_6, %get3A_7] : memref<2x2000x64xbf16, #tpu.memory_space<vmem>>, vector<1x2000x64xbf16>
    %get3A_9 = vector.shape_cast %get3A_8 : vector<1x2000x64xbf16> to vector<2000x64xbf16>
    %convert_element_type3A_10 = arith.extf %get3A_9 : vector<2000x64xbf16> to vector<2000x64xf32>
    %get3A_11 = arith.constant 1 : index
    %get3A_12 = arith.constant 0 : index
    %get3A_13 = arith.constant 0 : index
    %get3A_14 = vector.load %arg2[%get3A_11, %get3A_12, %get3A_13] : memref<2x2000x64xbf16, #tpu.memory_space<vmem>>, vector<1x2000x64xbf16>
    %get3A_15 = vector.shape_cast %get3A_14 : vector<1x2000x64xbf16> to vector<2000x64xbf16>
    %convert_element_type3A_16 = arith.extf %get3A_15 : vector<2000x64xbf16> to vector<2000x64xf32>
    %add3A = arith.addf %convert_element_type3A_10, %convert_element_type3A_16 : vector<2000x64xf32>
    %mul3A = vector.broadcast %get3A_1 : vector<2000x1xf32> to vector<2000x64xf32>
    %mul3A_17 = arith.mulf %add3A, %mul3A : vector<2000x64xf32>
    %sub3A = arith.subf %convert_element_type3A, %mul3A_17 : vector<2000x64xf32>
    %convert_element_type3A_18 = arith.truncf %sub3A : vector<2000x64xf32> to vector<2000x64xbf16>
    %swap3A = arith.constant 0 : index
    %swap3A_19 = arith.constant 0 : index
    %swap3A_20 = vector.load %arg4[%swap3A, %swap3A_19] : memref<2000x64xbf16, #tpu.memory_space<vmem>>, vector<2000x64xbf16>
    tpu.vector_store %arg4[%swap3A, %swap3A_19], %convert_element_type3A_18 {strides = array<i32>} : memref<2000x64xbf16, #tpu.memory_space<vmem>>, vector<2000x64xbf16>,
    %mul3A_21 = vector.broadcast %get3A_1 : vector<2000x1xf32> to vector<2000x64xf32>
    %mul3A_22 = arith.mulf %sub3A, %mul3A_21 : vector<2000x64xf32>
    %convert_element_type3A_23 = arith.truncf %mul3A_22 : vector<2000x64xf32> to vector<2000x64xbf16>
    %swap3A_24 = arith.constant 0 : index
    %swap3A_25 = arith.constant 0 : index
    %swap3A_26 = vector.load %arg5[%swap3A_24, %swap3A_25] : memref<2000x64xbf16, #tpu.memory_space<vmem>>, vector<2000x64xbf16>
    tpu.vector_store %arg5[%swap3A_24, %swap3A_25], %convert_element_type3A_23 {strides = array<i32>} : memref<2000x64xbf16, #tpu.memory_space<vmem>>, vector<2000x64xbf16>,
    return
  }
  func.func @transform_0(%arg0: i32) -> (i32, i32) {
    %c0_i32 = arith.constant 0 : i32
    %c0_i32_0 = arith.constant 0 : i32
    return %arg0, %c0_i32 : i32, i32
  }
  func.func @transform_1(%arg0: i32) -> (i32, i32, i32) {
    %c0_i32 = arith.constant 0 : i32
    %c0_i32_0 = arith.constant 0 : i32
    %c0_i32_1 = arith.constant 0 : i32
    return %c0_i32, %arg0, %c0_i32_0 : i32, i32, i32
  }
  func.func @transform_2(%arg0: i32) -> (i32, i32) {
    %c0_i32 = arith.constant 0 : i32
    %c0_i32_0 = arith.constant 0 : i32
    return %arg0, %c0_i32 : i32, i32
  }
  func.func @transform_3(%arg0: i32) -> (i32, i32) {
    %c0_i32 = arith.constant 0 : i32
    %c0_i32_0 = arith.constant 0 : i32
    return %arg0, %c0_i32 : i32, i32
  }
  func.func @transform_4(%arg0: i32) -> (i32, i32) {
    %c0_i32 = arith.constant 0 : i32
    %c0_i32_0 = arith.constant 0 : i32
    return %arg0, %c0_i32 : i32, i32
  }
}

module attributes {stable_mosaic.version = 14 : i64} {
  func.func @_k3_body(%arg0: i32, %arg1: memref<2000x64xbf16, #tpu.memory_space<vmem>>, %arg2: memref<2000x64xbf16, #tpu.memory_space<vmem>>, %arg3: memref<2x2000x64xbf16, #tpu.memory_space<vmem>>, %arg4: memref<2000x128xf32, #tpu.memory_space<vmem>>, %arg5: memref<2000x32xbf16, #tpu.memory_space<vmem>>, %arg6: memref<64x64xf32, #tpu.memory_space<vmem>>, %arg7: memref<64x64xf32, #tpu.memory_space<vmem>>, %arg8: memref<64x64xf32, #tpu.memory_space<vmem>>, %arg9: memref<1x64xf32, #tpu.memory_space<vmem>>, %arg10: memref<64x32xf32, #tpu.memory_space<vmem>>, %arg11: memref<1x32xf32, #tpu.memory_space<vmem>>, %arg12: memref<32x64xf32, #tpu.memory_space<vmem>>, %arg13: memref<1x64xf32, #tpu.memory_space<vmem>>, %arg14: memref<64x128xf32, #tpu.memory_space<vmem>>, %arg15: memref<1x128xf32, #tpu.memory_space<vmem>>, %arg16: memref<2000x128xbf16, #tpu.memory_space<vmem>>, %arg17: memref<2000x128xbf16, #tpu.memory_space<vmem>>, %arg18: memref<1x1xf32, #tpu.memory_space<vmem>>) attributes {dimension_semantics = [#tpu.dimension_semantics<arbitrary>], iteration_bounds = array<i64: 5>, scalar_prefetch = 0 : i64, scratch_operands = 0 : i64, tpu.core_type = #tpu.core_type<tc>, window_params = [{transform_indices = @transform_0, window_bounds = array<i64: 2000, 64>}, {transform_indices = @transform_1, window_bounds = array<i64: 2000, 64>}, {transform_indices = @transform_2, window_bounds = array<i64: 2, 2000, 64>}, {transform_indices = @transform_3, window_bounds = array<i64: 2000, 128>}, {transform_indices = @transform_4, window_bounds = array<i64: 2000, 32>}, {pipeline_mode = #tpu.pipeline_mode<synchronous>, transform_indices = @transform_5, window_bounds = array<i64: 64, 64>}, {pipeline_mode = #tpu.pipeline_mode<synchronous>, transform_indices = @transform_6, window_bounds = array<i64: 64, 64>}, {pipeline_mode = #tpu.pipeline_mode<synchronous>, transform_indices = @transform_7, window_bounds = array<i64: 64, 64>}, {pipeline_mode = #tpu.pipeline_mode<synchronous>, transform_indices = @transform_8, window_bounds = array<i64: 1, 64>}, {pipeline_mode = #tpu.pipeline_mode<synchronous>, transform_indices = @transform_9, window_bounds = array<i64: 64, 32>}, {pipeline_mode = #tpu.pipeline_mode<synchronous>, transform_indices = @transform_10, window_bounds = array<i64: 1, 32>}, {pipeline_mode = #tpu.pipeline_mode<synchronous>, transform_indices = @transform_11, window_bounds = array<i64: 32, 64>}, {pipeline_mode = #tpu.pipeline_mode<synchronous>, transform_indices = @transform_12, window_bounds = array<i64: 1, 64>}, {pipeline_mode = #tpu.pipeline_mode<synchronous>, transform_indices = @transform_13, window_bounds = array<i64: 64, 128>}, {pipeline_mode = #tpu.pipeline_mode<synchronous>, transform_indices = @transform_14, window_bounds = array<i64: 1, 128>}, {transform_indices = @transform_15, window_bounds = array<i64: 2000, 128>}, {transform_indices = @transform_16, window_bounds = array<i64: 2000, 128>}, {pipeline_mode = #tpu.pipeline_mode<synchronous>, transform_indices = @transform_17, window_bounds = array<i64: 1, 1>}]} {
    %get3A = arith.constant 0 : index
    %get3A_0 = arith.constant 0 : index
    %get3A_1 = vector.load %arg4[%get3A, %get3A_0] : memref<2000x128xf32, #tpu.memory_space<vmem>>, vector<2000x1xf32>
    %get3A_2 = arith.constant 0 : index
    %get3A_3 = arith.constant 0 : index
    %get3A_4 = vector.load %arg2[%get3A_2, %get3A_3] : memref<2000x64xbf16, #tpu.memory_space<vmem>>, vector<2000x64xbf16>
    %convert_element_type3A = arith.extf %get3A_4 : vector<2000x64xbf16> to vector<2000x64xf32>
    %get3A_5 = arith.constant 0 : index
    %get3A_6 = arith.constant 0 : index
    %get3A_7 = arith.constant 0 : index
    %get3A_8 = vector.load %arg3[%get3A_5, %get3A_6, %get3A_7] : memref<2x2000x64xbf16, #tpu.memory_space<vmem>>, vector<1x2000x64xbf16>
    %get3A_9 = vector.shape_cast %get3A_8 : vector<1x2000x64xbf16> to vector<2000x64xbf16>
    %convert_element_type3A_10 = arith.extf %get3A_9 : vector<2000x64xbf16> to vector<2000x64xf32>
    %get3A_11 = arith.constant 1 : index
    %get3A_12 = arith.constant 0 : index
    %get3A_13 = arith.constant 0 : index
    %get3A_14 = vector.load %arg3[%get3A_11, %get3A_12, %get3A_13] : memref<2x2000x64xbf16, #tpu.memory_space<vmem>>, vector<1x2000x64xbf16>
    %get3A_15 = vector.shape_cast %get3A_14 : vector<1x2000x64xbf16> to vector<2000x64xbf16>
    %convert_element_type3A_16 = arith.extf %get3A_15 : vector<2000x64xbf16> to vector<2000x64xf32>
    %add3A = arith.addf %convert_element_type3A_10, %convert_element_type3A_16 : vector<2000x64xf32>
    %mul3A = vector.broadcast %get3A_1 : vector<2000x1xf32> to vector<2000x64xf32>
    %mul3A_17 = arith.mulf %add3A, %mul3A : vector<2000x64xf32>
    %sub3A = arith.subf %convert_element_type3A, %mul3A_17 : vector<2000x64xf32>
    %get3A_18 = arith.constant 0 : index
    %get3A_19 = arith.constant 0 : index
    %get3A_20 = vector.load %arg1[%get3A_18, %get3A_19] : memref<2000x64xbf16, #tpu.memory_space<vmem>>, vector<2000x64xbf16>
    %get3A_21 = arith.constant 0 : index
    %get3A_22 = arith.constant 0 : index
    %get3A_23 = vector.load %arg6[%get3A_21, %get3A_22] : memref<64x64xf32, #tpu.memory_space<vmem>>, vector<64x64xf32>
    %convert_element_type3A_24 = arith.truncf %get3A_23 : vector<64x64xf32> to vector<64x64xbf16>
    %dot_general3A = arith.constant dense<0.000000e+00> : vector<2000x64xf32>
    %dot_general3A_25 = tpu.matmul %get3A_20, %convert_element_type3A_24, %dot_general3A {dimension_numbers = #tpu.dot_dimension_numbers<[1], [0], [0], [1], [0, 0, 1, 1], [], []>, transpose_lhs_hint = false} : vector<2000x64xbf16>, vector<64x64xbf16>, vector<2000x64xf32> -> vector<2000x64xf32>
    %get3A_26 = arith.constant 0 : index
    %get3A_27 = arith.constant 0 : index
    %get3A_28 = vector.load %arg2[%get3A_26, %get3A_27] : memref<2000x64xbf16, #tpu.memory_space<vmem>>, vector<2000x64xbf16>
    %get3A_29 = arith.constant 0 : index
    %get3A_30 = arith.constant 0 : index
    %get3A_31 = vector.load %arg7[%get3A_29, %get3A_30] : memref<64x64xf32, #tpu.memory_space<vmem>>, vector<64x64xf32>
    %convert_element_type3A_32 = arith.truncf %get3A_31 : vector<64x64xf32> to vector<64x64xbf16>
    %dot_general3A_33 = arith.constant dense<0.000000e+00> : vector<2000x64xf32>
    %dot_general3A_34 = tpu.matmul %get3A_28, %convert_element_type3A_32, %dot_general3A_33 {dimension_numbers = #tpu.dot_dimension_numbers<[1], [0], [0], [1], [0, 0, 1, 1], [], []>, transpose_lhs_hint = false} : vector<2000x64xbf16>, vector<64x64xbf16>, vector<2000x64xf32> -> vector<2000x64xf32>
    %add3A_35 = arith.addf %dot_general3A_25, %dot_general3A_34 : vector<2000x64xf32>
    %get3A_36 = arith.constant 0 : index
    %get3A_37 = arith.constant 0 : index
    %get3A_38 = vector.load %arg8[%get3A_36, %get3A_37] : memref<64x64xf32, #tpu.memory_space<vmem>>, vector<64x64xf32>
    %convert_element_type3A_39 = arith.truncf %sub3A : vector<2000x64xf32> to vector<2000x64xbf16>
    %convert_element_type3A_40 = arith.truncf %get3A_38 : vector<64x64xf32> to vector<64x64xbf16>
    %dot_general3A_41 = arith.constant dense<0.000000e+00> : vector<2000x64xf32>
    %dot_general3A_42 = tpu.matmul %convert_element_type3A_39, %convert_element_type3A_40, %dot_general3A_41 {dimension_numbers = #tpu.dot_dimension_numbers<[1], [0], [0], [1], [0, 0, 1, 1], [], []>, transpose_lhs_hint = false} : vector<2000x64xbf16>, vector<64x64xbf16>, vector<2000x64xf32> -> vector<2000x64xf32>
    %add3A_43 = arith.addf %add3A_35, %dot_general3A_42 : vector<2000x64xf32>
    %get3A_44 = arith.constant 0 : index
    %get3A_45 = arith.constant 0 : index
    %get3A_46 = vector.load %arg9[%get3A_44, %get3A_45] : memref<1x64xf32, #tpu.memory_space<vmem>>, vector<1x64xf32>
    %add3A_47 = vector.broadcast %get3A_46 : vector<1x64xf32> to vector<2000x64xf32>
    %add3A_48 = arith.addf %add3A_43, %add3A_47 : vector<2000x64xf32>
    %get3A_49 = arith.constant 0 : index
    %get3A_50 = arith.constant 0 : index
    %get3A_51 = vector.load %arg10[%get3A_49, %get3A_50] : memref<64x32xf32, #tpu.memory_space<vmem>>, vector<64x32xf32>
    %convert_element_type3A_52 = arith.truncf %add3A_48 : vector<2000x64xf32> to vector<2000x64xbf16>
    %convert_element_type3A_53 = arith.truncf %get3A_51 : vector<64x32xf32> to vector<64x32xbf16>
    %dot_general3A_54 = arith.constant dense<0.000000e+00> : vector<2000x32xf32>
    %dot_general3A_55 = tpu.matmul %convert_element_type3A_52, %convert_element_type3A_53, %dot_general3A_54 {dimension_numbers = #tpu.dot_dimension_numbers<[1], [0], [0], [1], [0, 0, 1, 1], [], []>, transpose_lhs_hint = false} : vector<2000x64xbf16>, vector<64x32xbf16>, vector<2000x32xf32> -> vector<2000x32xf32>
    %get3A_56 = arith.constant 0 : index
    %get3A_57 = arith.constant 0 : index
    %get3A_58 = vector.load %arg11[%get3A_56, %get3A_57] : memref<1x32xf32, #tpu.memory_space<vmem>>, vector<1x32xf32>
    %add3A_59 = vector.broadcast %get3A_58 : vector<1x32xf32> to vector<2000x32xf32>
    %add3A_60 = arith.addf %dot_general3A_55, %add3A_59 : vector<2000x32xf32>
    %exp3A = math.exp %add3A_60 : vector<2000x32xf32>
    %get3A_61 = arith.constant 0 : index
    %get3A_62 = arith.constant 0 : index
    %get3A_63 = vector.load %arg5[%get3A_61, %get3A_62] : memref<2000x32xbf16, #tpu.memory_space<vmem>>, vector<2000x32xbf16>
    %convert_element_type3A_64 = arith.extf %get3A_63 : vector<2000x32xbf16> to vector<2000x32xf32>
    %mul3A_65 = arith.constant 5.000000e-01 : f32
    %mul3A_66 = vector.broadcast %mul3A_65 : f32 to vector<2000x32xf32>
    %mul3A_67 = arith.mulf %add3A_60, %mul3A_66 : vector<2000x32xf32>
    %exp3A_68 = math.exp %mul3A_67 : vector<2000x32xf32>
    %mul3A_69 = arith.mulf %convert_element_type3A_64, %exp3A_68 : vector<2000x32xf32>
    %add3A_70 = arith.addf %add3A_60, %mul3A_69 : vector<2000x32xf32>
    %get3A_71 = arith.constant 0 : index
    %get3A_72 = arith.constant 0 : index
    %get3A_73 = vector.load %arg12[%get3A_71, %get3A_72] : memref<32x64xf32, #tpu.memory_space<vmem>>, vector<32x64xf32>
    %convert_element_type3A_74 = arith.truncf %add3A_70 : vector<2000x32xf32> to vector<2000x32xbf16>
    %convert_element_type3A_75 = arith.truncf %get3A_73 : vector<32x64xf32> to vector<32x64xbf16>
    %dot_general3A_76 = arith.constant dense<0.000000e+00> : vector<2000x64xf32>
    %dot_general3A_77 = tpu.matmul %convert_element_type3A_74, %convert_element_type3A_75, %dot_general3A_76 {dimension_numbers = #tpu.dot_dimension_numbers<[1], [0], [0], [1], [0, 0, 1, 1], [], []>, transpose_lhs_hint = false} : vector<2000x32xbf16>, vector<32x64xbf16>, vector<2000x64xf32> -> vector<2000x64xf32>
    %get3A_78 = arith.constant 0 : index
    %get3A_79 = arith.constant 0 : index
    %get3A_80 = vector.load %arg13[%get3A_78, %get3A_79] : memref<1x64xf32, #tpu.memory_space<vmem>>, vector<1x64xf32>
    %add3A_81 = vector.broadcast %get3A_80 : vector<1x64xf32> to vector<2000x64xf32>
    %add3A_82 = arith.addf %dot_general3A_77, %add3A_81 : vector<2000x64xf32>
    %get3A_83 = arith.constant 0 : index
    %get3A_84 = arith.constant 0 : index
    %get3A_85 = vector.load %arg14[%get3A_83, %get3A_84] : memref<64x128xf32, #tpu.memory_space<vmem>>, vector<64x128xf32>
    %convert_element_type3A_86 = arith.truncf %add3A_82 : vector<2000x64xf32> to vector<2000x64xbf16>
    %convert_element_type3A_87 = arith.truncf %get3A_85 : vector<64x128xf32> to vector<64x128xbf16>
    %dot_general3A_88 = arith.constant dense<0.000000e+00> : vector<2000x128xf32>
    %dot_general3A_89 = tpu.matmul %convert_element_type3A_86, %convert_element_type3A_87, %dot_general3A_88 {dimension_numbers = #tpu.dot_dimension_numbers<[1], [0], [0], [1], [0, 0, 1, 1], [], []>, transpose_lhs_hint = false} : vector<2000x64xbf16>, vector<64x128xbf16>, vector<2000x128xf32> -> vector<2000x128xf32>
    %get3A_90 = arith.constant 0 : index
    %get3A_91 = arith.constant 0 : index
    %get3A_92 = vector.load %arg15[%get3A_90, %get3A_91] : memref<1x128xf32, #tpu.memory_space<vmem>>, vector<1x128xf32>
    %add3A_93 = vector.broadcast %get3A_92 : vector<1x128xf32> to vector<2000x128xf32>
    %add3A_94 = arith.addf %dot_general3A_89, %add3A_93 : vector<2000x128xf32>
    %max3A = arith.constant 0.000000e+00 : f32
    %max3A_95 = vector.broadcast %max3A : f32 to vector<2000x128xf32>
    %max3A_96 = arith.maximumf %add3A_94, %max3A_95 : vector<2000x128xf32>
    %convert_element_type3A_97 = arith.truncf %max3A_96 : vector<2000x128xf32> to vector<2000x128xbf16>
    %swap3A = arith.constant 0 : index
    %swap3A_98 = arith.constant 0 : index
    %swap3A_99 = vector.load %arg16[%swap3A, %swap3A_98] : memref<2000x128xbf16, #tpu.memory_space<vmem>>, vector<2000x128xbf16>
    tpu.vector_store %arg16[%swap3A, %swap3A_98], %convert_element_type3A_97 {strides = array<i32>} : memref<2000x128xbf16, #tpu.memory_space<vmem>>, vector<2000x128xbf16>,
    %mul3A_100 = vector.broadcast %get3A_1 : vector<2000x1xf32> to vector<2000x128xf32>
    %mul3A_101 = arith.mulf %max3A_96, %mul3A_100 : vector<2000x128xf32>
    %convert_element_type3A_102 = arith.truncf %mul3A_101 : vector<2000x128xf32> to vector<2000x128xbf16>
    %swap3A_103 = arith.constant 0 : index
    %swap3A_104 = arith.constant 0 : index
    %swap3A_105 = vector.load %arg17[%swap3A_103, %swap3A_104] : memref<2000x128xbf16, #tpu.memory_space<vmem>>, vector<2000x128xbf16>
    tpu.vector_store %arg17[%swap3A_103, %swap3A_104], %convert_element_type3A_102 {strides = array<i32>} : memref<2000x128xbf16, #tpu.memory_space<vmem>>, vector<2000x128xbf16>,
    %eq3A = arith.constant 0 : i32
    %eq3A_106 = arith.cmpi eq, %arg0, %eq3A : i32
    %convert_element_type3A_107 = arith.extui %eq3A_106 : i1 to i32
    %cond3A = arith.constant 0 : i32
    %cond3A_108 = arith.cmpi ne, %convert_element_type3A_107, %cond3A : i32
    scf.if %cond3A_108 {
      %broadcast_in_dim3A = arith.constant 0.000000e+00 : f32
      %broadcast_in_dim3A_126 = vector.broadcast %broadcast_in_dim3A : f32 to vector<1x1xf32>
      %swap3A_127 = arith.constant 0 : index
      %swap3A_128 = arith.constant 0 : index
      %swap3A_129 = vector.load %arg18[%swap3A_127, %swap3A_128] : memref<1x1xf32, #tpu.memory_space<vmem>>, vector<1x1xf32>
      tpu.vector_store %arg18[%swap3A_127, %swap3A_128], %broadcast_in_dim3A_126 {strides = array<i32>} : memref<1x1xf32, #tpu.memory_space<vmem>>, vector<1x1xf32>,
    } else {
    }
    %get3A_109 = arith.constant 0 : index
    %get3A_110 = arith.constant 0 : index
    %get3A_111 = vector.load %arg18[%get3A_109, %get3A_110] : memref<1x1xf32, #tpu.memory_space<vmem>>, vector<1x1xf32>
    %add3A_112 = arith.constant 1.000000e+00 : f32
    %add3A_113 = vector.broadcast %add3A_112 : f32 to vector<2000x32xf32>
    %add3A_114 = arith.addf %add3A_113, %add3A_60 : vector<2000x32xf32>
    %mul3A_115 = arith.mulf %add3A_60, %add3A_60 : vector<2000x32xf32>
    %sub3A_116 = arith.subf %add3A_114, %mul3A_115 : vector<2000x32xf32>
    %sub3A_117 = arith.subf %sub3A_116, %exp3A : vector<2000x32xf32>
    %reduce_sum3A = vector.shape_cast %sub3A_117 : vector<2000x32xf32> to vector<1x2000x32xf32>
    %reduce_sum3A_118 = arith.constant dense<0.000000e+00> : vector<1xf32>
    %reduce_sum3A_119 = vector.multi_reduction <add>, %reduce_sum3A, %reduce_sum3A_118 [1, 2] : vector<1x2000x32xf32> to vector<1xf32>
    %reduce_sum3A_120 = vector.shape_cast %reduce_sum3A_119 : vector<1xf32> to vector<1x1x1xf32>
    %reduce_sum3A_121 = vector.extract %reduce_sum3A_120[0, 0, 0] : f32 from vector<1x1x1xf32>
    %reshape3A = vector.broadcast %reduce_sum3A_121 : f32 to vector<1x1xf32>
    %add3A_122 = arith.addf %get3A_111, %reshape3A : vector<1x1xf32>
    %swap3A_123 = arith.constant 0 : index
    %swap3A_124 = arith.constant 0 : index
    %swap3A_125 = vector.load %arg18[%swap3A_123, %swap3A_124] : memref<1x1xf32, #tpu.memory_space<vmem>>, vector<1x1xf32>
    tpu.vector_store %arg18[%swap3A_123, %swap3A_124], %add3A_122 {strides = array<i32>} : memref<1x1xf32, #tpu.memory_space<vmem>>, vector<1x1xf32>,
    return
  }
  func.func @transform_0(%arg0: i32) -> (i32, i32) {
    %c0_i32 = arith.constant 0 : i32
    %c0_i32_0 = arith.constant 0 : i32
    return %arg0, %c0_i32 : i32, i32
  }
  func.func @transform_1(%arg0: i32) -> (i32, i32) {
    %c0_i32 = arith.constant 0 : i32
    %c0_i32_0 = arith.constant 0 : i32
    return %arg0, %c0_i32 : i32, i32
  }
  func.func @transform_2(%arg0: i32) -> (i32, i32, i32) {
    %c0_i32 = arith.constant 0 : i32
    %c0_i32_0 = arith.constant 0 : i32
    %c0_i32_1 = arith.constant 0 : i32
    return %c0_i32, %arg0, %c0_i32_0 : i32, i32, i32
  }
  func.func @transform_3(%arg0: i32) -> (i32, i32) {
    %c0_i32 = arith.constant 0 : i32
    %c0_i32_0 = arith.constant 0 : i32
    return %arg0, %c0_i32 : i32, i32
  }
  func.func @transform_4(%arg0: i32) -> (i32, i32) {
    %c0_i32 = arith.constant 0 : i32
    %c0_i32_0 = arith.constant 0 : i32
    return %arg0, %c0_i32 : i32, i32
  }
  func.func @transform_5(%arg0: i32) -> (i32, i32) {
    %c0_i32 = arith.constant 0 : i32
    %c0_i32_0 = arith.constant 0 : i32
    %c0_i32_1 = arith.constant 0 : i32
    return %c0_i32, %c0_i32_0 : i32, i32
  }
  func.func @transform_6(%arg0: i32) -> (i32, i32) {
    %c0_i32 = arith.constant 0 : i32
    %c0_i32_0 = arith.constant 0 : i32
    %c0_i32_1 = arith.constant 0 : i32
    return %c0_i32, %c0_i32_0 : i32, i32
  }
  func.func @transform_7(%arg0: i32) -> (i32, i32) {
    %c0_i32 = arith.constant 0 : i32
    %c0_i32_0 = arith.constant 0 : i32
    %c0_i32_1 = arith.constant 0 : i32
    return %c0_i32, %c0_i32_0 : i32, i32
  }
  func.func @transform_8(%arg0: i32) -> (i32, i32) {
    %c0_i32 = arith.constant 0 : i32
    %c0_i32_0 = arith.constant 0 : i32
    %c0_i32_1 = arith.constant 0 : i32
    return %c0_i32, %c0_i32_0 : i32, i32
  }
  func.func @transform_9(%arg0: i32) -> (i32, i32) {
    %c0_i32 = arith.constant 0 : i32
    %c0_i32_0 = arith.constant 0 : i32
    %c0_i32_1 = arith.constant 0 : i32
    return %c0_i32, %c0_i32_0 : i32, i32
  }
  func.func @transform_10(%arg0: i32) -> (i32, i32) {
    %c0_i32 = arith.constant 0 : i32
    %c0_i32_0 = arith.constant 0 : i32
    %c0_i32_1 = arith.constant 0 : i32
    return %c0_i32, %c0_i32_0 : i32, i32
  }
  func.func @transform_11(%arg0: i32) -> (i32, i32) {
    %c0_i32 = arith.constant 0 : i32
    %c0_i32_0 = arith.constant 0 : i32
    %c0_i32_1 = arith.constant 0 : i32
    return %c0_i32, %c0_i32_0 : i32, i32
  }
  func.func @transform_12(%arg0: i32) -> (i32, i32) {
    %c0_i32 = arith.constant 0 : i32
    %c0_i32_0 = arith.constant 0 : i32
    %c0_i32_1 = arith.constant 0 : i32
    return %c0_i32, %c0_i32_0 : i32, i32
  }
  func.func @transform_13(%arg0: i32) -> (i32, i32) {
    %c0_i32 = arith.constant 0 : i32
    %c0_i32_0 = arith.constant 0 : i32
    %c0_i32_1 = arith.constant 0 : i32
    return %c0_i32, %c0_i32_0 : i32, i32
  }
  func.func @transform_14(%arg0: i32) -> (i32, i32) {
    %c0_i32 = arith.constant 0 : i32
    %c0_i32_0 = arith.constant 0 : i32
    %c0_i32_1 = arith.constant 0 : i32
    return %c0_i32, %c0_i32_0 : i32, i32
  }
  func.func @transform_15(%arg0: i32) -> (i32, i32) {
    %c0_i32 = arith.constant 0 : i32
    %c0_i32_0 = arith.constant 0 : i32
    return %arg0, %c0_i32 : i32, i32
  }
  func.func @transform_16(%arg0: i32) -> (i32, i32) {
    %c0_i32 = arith.constant 0 : i32
    %c0_i32_0 = arith.constant 0 : i32
    return %arg0, %c0_i32 : i32, i32
  }
  func.func @transform_17(%arg0: i32) -> (i32, i32) {
    %c0_i32 = arith.constant 0 : i32
    %c0_i32_0 = arith.constant 0 : i32
    %c0_i32_1 = arith.constant 0 : i32
    return %c0_i32, %c0_i32_0 : i32, i32
  }
}

module attributes {stable_mosaic.version = 14 : i64} {
  func.func @_k4_body(%arg0: i32, %arg1: memref<2000x128xbf16, #tpu.memory_space<vmem>>, %arg2: memref<2x2000x128xbf16, #tpu.memory_space<vmem>>, %arg3: memref<2000x128xf32, #tpu.memory_space<vmem>>, %arg4: memref<2000x128xbf16, #tpu.memory_space<vmem>>, %arg5: memref<2000x128xbf16, #tpu.memory_space<vmem>>) attributes {dimension_semantics = [#tpu.dimension_semantics<arbitrary>], iteration_bounds = array<i64: 5>, scalar_prefetch = 0 : i64, scratch_operands = 0 : i64, tpu.core_type = #tpu.core_type<tc>, window_params = [{transform_indices = @transform_0, window_bounds = array<i64: 2000, 128>}, {transform_indices = @transform_1, window_bounds = array<i64: 2, 2000, 128>}, {transform_indices = @transform_2, window_bounds = array<i64: 2000, 128>}, {transform_indices = @transform_3, window_bounds = array<i64: 2000, 128>}, {transform_indices = @transform_4, window_bounds = array<i64: 2000, 128>}]} {
    %get3A = arith.constant 0 : index
    %get3A_0 = arith.constant 0 : index
    %get3A_1 = vector.load %arg3[%get3A, %get3A_0] : memref<2000x128xf32, #tpu.memory_space<vmem>>, vector<2000x1xf32>
    %get3A_2 = arith.constant 0 : index
    %get3A_3 = arith.constant 0 : index
    %get3A_4 = vector.load %arg1[%get3A_2, %get3A_3] : memref<2000x128xbf16, #tpu.memory_space<vmem>>, vector<2000x128xbf16>
    %convert_element_type3A = arith.extf %get3A_4 : vector<2000x128xbf16> to vector<2000x128xf32>
    %get3A_5 = arith.constant 0 : index
    %get3A_6 = arith.constant 0 : index
    %get3A_7 = arith.constant 0 : index
    %get3A_8 = vector.load %arg2[%get3A_5, %get3A_6, %get3A_7] : memref<2x2000x128xbf16, #tpu.memory_space<vmem>>, vector<1x2000x128xbf16>
    %get3A_9 = vector.shape_cast %get3A_8 : vector<1x2000x128xbf16> to vector<2000x128xbf16>
    %convert_element_type3A_10 = arith.extf %get3A_9 : vector<2000x128xbf16> to vector<2000x128xf32>
    %get3A_11 = arith.constant 1 : index
    %get3A_12 = arith.constant 0 : index
    %get3A_13 = arith.constant 0 : index
    %get3A_14 = vector.load %arg2[%get3A_11, %get3A_12, %get3A_13] : memref<2x2000x128xbf16, #tpu.memory_space<vmem>>, vector<1x2000x128xbf16>
    %get3A_15 = vector.shape_cast %get3A_14 : vector<1x2000x128xbf16> to vector<2000x128xbf16>
    %convert_element_type3A_16 = arith.extf %get3A_15 : vector<2000x128xbf16> to vector<2000x128xf32>
    %add3A = arith.addf %convert_element_type3A_10, %convert_element_type3A_16 : vector<2000x128xf32>
    %mul3A = vector.broadcast %get3A_1 : vector<2000x1xf32> to vector<2000x128xf32>
    %mul3A_17 = arith.mulf %add3A, %mul3A : vector<2000x128xf32>
    %sub3A = arith.subf %convert_element_type3A, %mul3A_17 : vector<2000x128xf32>
    %convert_element_type3A_18 = arith.truncf %sub3A : vector<2000x128xf32> to vector<2000x128xbf16>
    %swap3A = arith.constant 0 : index
    %swap3A_19 = arith.constant 0 : index
    %swap3A_20 = vector.load %arg4[%swap3A, %swap3A_19] : memref<2000x128xbf16, #tpu.memory_space<vmem>>, vector<2000x128xbf16>
    tpu.vector_store %arg4[%swap3A, %swap3A_19], %convert_element_type3A_18 {strides = array<i32>} : memref<2000x128xbf16, #tpu.memory_space<vmem>>, vector<2000x128xbf16>,
    %mul3A_21 = vector.broadcast %get3A_1 : vector<2000x1xf32> to vector<2000x128xf32>
    %mul3A_22 = arith.mulf %sub3A, %mul3A_21 : vector<2000x128xf32>
    %convert_element_type3A_23 = arith.truncf %mul3A_22 : vector<2000x128xf32> to vector<2000x128xbf16>
    %swap3A_24 = arith.constant 0 : index
    %swap3A_25 = arith.constant 0 : index
    %swap3A_26 = vector.load %arg5[%swap3A_24, %swap3A_25] : memref<2000x128xbf16, #tpu.memory_space<vmem>>, vector<2000x128xbf16>
    tpu.vector_store %arg5[%swap3A_24, %swap3A_25], %convert_element_type3A_23 {strides = array<i32>} : memref<2000x128xbf16, #tpu.memory_space<vmem>>, vector<2000x128xbf16>,
    return
  }
  func.func @transform_0(%arg0: i32) -> (i32, i32) {
    %c0_i32 = arith.constant 0 : i32
    %c0_i32_0 = arith.constant 0 : i32
    return %arg0, %c0_i32 : i32, i32
  }
  func.func @transform_1(%arg0: i32) -> (i32, i32, i32) {
    %c0_i32 = arith.constant 0 : i32
    %c0_i32_0 = arith.constant 0 : i32
    %c0_i32_1 = arith.constant 0 : i32
    return %c0_i32, %arg0, %c0_i32_0 : i32, i32, i32
  }
  func.func @transform_2(%arg0: i32) -> (i32, i32) {
    %c0_i32 = arith.constant 0 : i32
    %c0_i32_0 = arith.constant 0 : i32
    return %arg0, %c0_i32 : i32, i32
  }
  func.func @transform_3(%arg0: i32) -> (i32, i32) {
    %c0_i32 = arith.constant 0 : i32
    %c0_i32_0 = arith.constant 0 : i32
    return %arg0, %c0_i32 : i32, i32
  }
  func.func @transform_4(%arg0: i32) -> (i32, i32) {
    %c0_i32 = arith.constant 0 : i32
    %c0_i32_0 = arith.constant 0 : i32
    return %arg0, %c0_i32 : i32, i32
  }
}

module attributes {stable_mosaic.version = 14 : i64} {
  func.func @_k5_body(%arg0: i32, %arg1: memref<2000x128xbf16, #tpu.memory_space<vmem>>, %arg2: memref<2000x128xbf16, #tpu.memory_space<vmem>>, %arg3: memref<2x2000x128xbf16, #tpu.memory_space<vmem>>, %arg4: memref<2000x128xf32, #tpu.memory_space<vmem>>, %arg5: memref<2000x128xf32, #tpu.memory_space<vmem>>, %arg6: memref<128x128xf32, #tpu.memory_space<vmem>>, %arg7: memref<128x128xf32, #tpu.memory_space<vmem>>, %arg8: memref<128x128xf32, #tpu.memory_space<vmem>>, %arg9: memref<1x128xf32, #tpu.memory_space<vmem>>, %arg10: memref<1x1xf32, #tpu.memory_space<vmem>>) attributes {dimension_semantics = [#tpu.dimension_semantics<arbitrary>], iteration_bounds = array<i64: 5>, scalar_prefetch = 0 : i64, scratch_operands = 0 : i64, tpu.core_type = #tpu.core_type<tc>, window_params = [{transform_indices = @transform_0, window_bounds = array<i64: 2000, 128>}, {transform_indices = @transform_1, window_bounds = array<i64: 2000, 128>}, {transform_indices = @transform_2, window_bounds = array<i64: 2, 2000, 128>}, {transform_indices = @transform_3, window_bounds = array<i64: 2000, 128>}, {transform_indices = @transform_4, window_bounds = array<i64: 2000, 128>}, {pipeline_mode = #tpu.pipeline_mode<synchronous>, transform_indices = @transform_5, window_bounds = array<i64: 128, 128>}, {pipeline_mode = #tpu.pipeline_mode<synchronous>, transform_indices = @transform_6, window_bounds = array<i64: 128, 128>}, {pipeline_mode = #tpu.pipeline_mode<synchronous>, transform_indices = @transform_7, window_bounds = array<i64: 128, 128>}, {pipeline_mode = #tpu.pipeline_mode<synchronous>, transform_indices = @transform_8, window_bounds = array<i64: 1, 128>}, {pipeline_mode = #tpu.pipeline_mode<synchronous>, transform_indices = @transform_9, window_bounds = array<i64: 1, 1>}]} {
    %get3A = arith.constant 0 : index
    %get3A_0 = arith.constant 0 : index
    %get3A_1 = vector.load %arg4[%get3A, %get3A_0] : memref<2000x128xf32, #tpu.memory_space<vmem>>, vector<2000x1xf32>
    %get3A_2 = arith.constant 0 : index
    %get3A_3 = arith.constant 0 : index
    %get3A_4 = vector.load %arg2[%get3A_2, %get3A_3] : memref<2000x128xbf16, #tpu.memory_space<vmem>>, vector<2000x128xbf16>
    %convert_element_type3A = arith.extf %get3A_4 : vector<2000x128xbf16> to vector<2000x128xf32>
    %get3A_5 = arith.constant 0 : index
    %get3A_6 = arith.constant 0 : index
    %get3A_7 = arith.constant 0 : index
    %get3A_8 = vector.load %arg3[%get3A_5, %get3A_6, %get3A_7] : memref<2x2000x128xbf16, #tpu.memory_space<vmem>>, vector<1x2000x128xbf16>
    %get3A_9 = vector.shape_cast %get3A_8 : vector<1x2000x128xbf16> to vector<2000x128xbf16>
    %convert_element_type3A_10 = arith.extf %get3A_9 : vector<2000x128xbf16> to vector<2000x128xf32>
    %get3A_11 = arith.constant 1 : index
    %get3A_12 = arith.constant 0 : index
    %get3A_13 = arith.constant 0 : index
    %get3A_14 = vector.load %arg3[%get3A_11, %get3A_12, %get3A_13] : memref<2x2000x128xbf16, #tpu.memory_space<vmem>>, vector<1x2000x128xbf16>
    %get3A_15 = vector.shape_cast %get3A_14 : vector<1x2000x128xbf16> to vector<2000x128xbf16>
    %convert_element_type3A_16 = arith.extf %get3A_15 : vector<2000x128xbf16> to vector<2000x128xf32>
    %add3A = arith.addf %convert_element_type3A_10, %convert_element_type3A_16 : vector<2000x128xf32>
    %mul3A = vector.broadcast %get3A_1 : vector<2000x1xf32> to vector<2000x128xf32>
    %mul3A_17 = arith.mulf %add3A, %mul3A : vector<2000x128xf32>
    %sub3A = arith.subf %convert_element_type3A, %mul3A_17 : vector<2000x128xf32>
    %get3A_18 = arith.constant 0 : index
    %get3A_19 = arith.constant 0 : index
    %get3A_20 = vector.load %arg1[%get3A_18, %get3A_19] : memref<2000x128xbf16, #tpu.memory_space<vmem>>, vector<2000x128xbf16>
    %get3A_21 = arith.constant 0 : index
    %get3A_22 = arith.constant 0 : index
    %get3A_23 = vector.load %arg6[%get3A_21, %get3A_22] : memref<128x128xf32, #tpu.memory_space<vmem>>, vector<128x128xf32>
    %convert_element_type3A_24 = arith.truncf %get3A_23 : vector<128x128xf32> to vector<128x128xbf16>
    %dot_general3A = arith.constant dense<0.000000e+00> : vector<2000x128xf32>
    %dot_general3A_25 = tpu.matmul %get3A_20, %convert_element_type3A_24, %dot_general3A {dimension_numbers = #tpu.dot_dimension_numbers<[1], [0], [0], [1], [0, 0, 1, 1], [], []>, transpose_lhs_hint = false} : vector<2000x128xbf16>, vector<128x128xbf16>, vector<2000x128xf32> -> vector<2000x128xf32>
    %get3A_26 = arith.constant 0 : index
    %get3A_27 = arith.constant 0 : index
    %get3A_28 = vector.load %arg2[%get3A_26, %get3A_27] : memref<2000x128xbf16, #tpu.memory_space<vmem>>, vector<2000x128xbf16>
    %get3A_29 = arith.constant 0 : index
    %get3A_30 = arith.constant 0 : index
    %get3A_31 = vector.load %arg7[%get3A_29, %get3A_30] : memref<128x128xf32, #tpu.memory_space<vmem>>, vector<128x128xf32>
    %convert_element_type3A_32 = arith.truncf %get3A_31 : vector<128x128xf32> to vector<128x128xbf16>
    %dot_general3A_33 = arith.constant dense<0.000000e+00> : vector<2000x128xf32>
    %dot_general3A_34 = tpu.matmul %get3A_28, %convert_element_type3A_32, %dot_general3A_33 {dimension_numbers = #tpu.dot_dimension_numbers<[1], [0], [0], [1], [0, 0, 1, 1], [], []>, transpose_lhs_hint = false} : vector<2000x128xbf16>, vector<128x128xbf16>, vector<2000x128xf32> -> vector<2000x128xf32>
    %add3A_35 = arith.addf %dot_general3A_25, %dot_general3A_34 : vector<2000x128xf32>
    %get3A_36 = arith.constant 0 : index
    %get3A_37 = arith.constant 0 : index
    %get3A_38 = vector.load %arg8[%get3A_36, %get3A_37] : memref<128x128xf32, #tpu.memory_space<vmem>>, vector<128x128xf32>
    %convert_element_type3A_39 = arith.truncf %sub3A : vector<2000x128xf32> to vector<2000x128xbf16>
    %convert_element_type3A_40 = arith.truncf %get3A_38 : vector<128x128xf32> to vector<128x128xbf16>
    %dot_general3A_41 = arith.constant dense<0.000000e+00> : vector<2000x128xf32>
    %dot_general3A_42 = tpu.matmul %convert_element_type3A_39, %convert_element_type3A_40, %dot_general3A_41 {dimension_numbers = #tpu.dot_dimension_numbers<[1], [0], [0], [1], [0, 0, 1, 1], [], []>, transpose_lhs_hint = false} : vector<2000x128xbf16>, vector<128x128xbf16>, vector<2000x128xf32> -> vector<2000x128xf32>
    %add3A_43 = arith.addf %add3A_35, %dot_general3A_42 : vector<2000x128xf32>
    %get3A_44 = arith.constant 0 : index
    %get3A_45 = arith.constant 0 : index
    %get3A_46 = vector.load %arg9[%get3A_44, %get3A_45] : memref<1x128xf32, #tpu.memory_space<vmem>>, vector<1x128xf32>
    %add3A_47 = vector.broadcast %get3A_46 : vector<1x128xf32> to vector<2000x128xf32>
    %add3A_48 = arith.addf %add3A_43, %add3A_47 : vector<2000x128xf32>
    %get3A_49 = arith.constant 0 : index
    %get3A_50 = arith.constant 0 : index
    %get3A_51 = vector.load %arg5[%get3A_49, %get3A_50] : memref<2000x128xf32, #tpu.memory_space<vmem>>, vector<2000x128xf32>
    %sub3A_52 = arith.subf %add3A_48, %get3A_51 : vector<2000x128xf32>
    %eq3A = arith.constant 0 : i32
    %eq3A_53 = arith.cmpi eq, %arg0, %eq3A : i32
    %convert_element_type3A_54 = arith.extui %eq3A_53 : i1 to i32
    %cond3A = arith.constant 0 : i32
    %cond3A_55 = arith.cmpi ne, %convert_element_type3A_54, %cond3A : i32
    scf.if %cond3A_55 {
      %broadcast_in_dim3A = arith.constant 0.000000e+00 : f32
      %broadcast_in_dim3A_67 = vector.broadcast %broadcast_in_dim3A : f32 to vector<1x1xf32>
      %swap3A_68 = arith.constant 0 : index
      %swap3A_69 = arith.constant 0 : index
      %swap3A_70 = vector.load %arg10[%swap3A_68, %swap3A_69] : memref<1x1xf32, #tpu.memory_space<vmem>>, vector<1x1xf32>
      tpu.vector_store %arg10[%swap3A_68, %swap3A_69], %broadcast_in_dim3A_67 {strides = array<i32>} : memref<1x1xf32, #tpu.memory_space<vmem>>, vector<1x1xf32>,
    } else {
    }
    %get3A_56 = arith.constant 0 : index
    %get3A_57 = arith.constant 0 : index
    %get3A_58 = vector.load %arg10[%get3A_56, %get3A_57] : memref<1x1xf32, #tpu.memory_space<vmem>>, vector<1x1xf32>
    %mul3A_59 = arith.mulf %sub3A_52, %sub3A_52 : vector<2000x128xf32>
    %reduce_sum3A = vector.shape_cast %mul3A_59 : vector<2000x128xf32> to vector<1x2000x128xf32>
    %reduce_sum3A_60 = arith.constant dense<0.000000e+00> : vector<1xf32>
    %reduce_sum3A_61 = vector.multi_reduction <add>, %reduce_sum3A, %reduce_sum3A_60 [1, 2] : vector<1x2000x128xf32> to vector<1xf32>
    %reduce_sum3A_62 = vector.shape_cast %reduce_sum3A_61 : vector<1xf32> to vector<1x1x1xf32>
    %reduce_sum3A_63 = vector.extract %reduce_sum3A_62[0, 0, 0] : f32 from vector<1x1x1xf32>
    %reshape3A = vector.broadcast %reduce_sum3A_63 : f32 to vector<1x1xf32>
    %add3A_64 = arith.addf %get3A_58, %reshape3A : vector<1x1xf32>
    %swap3A = arith.constant 0 : index
    %swap3A_65 = arith.constant 0 : index
    %swap3A_66 = vector.load %arg10[%swap3A, %swap3A_65] : memref<1x1xf32, #tpu.memory_space<vmem>>, vector<1x1xf32>
    tpu.vector_store %arg10[%swap3A, %swap3A_65], %add3A_64 {strides = array<i32>} : memref<1x1xf32, #tpu.memory_space<vmem>>, vector<1x1xf32>,
    return
  }
  func.func @transform_0(%arg0: i32) -> (i32, i32) {
    %c0_i32 = arith.constant 0 : i32
    %c0_i32_0 = arith.constant 0 : i32
    return %arg0, %c0_i32 : i32, i32
  }
  func.func @transform_1(%arg0: i32) -> (i32, i32) {
    %c0_i32 = arith.constant 0 : i32
    %c0_i32_0 = arith.constant 0 : i32
    return %arg0, %c0_i32 : i32, i32
  }
  func.func @transform_2(%arg0: i32) -> (i32, i32, i32) {
    %c0_i32 = arith.constant 0 : i32
    %c0_i32_0 = arith.constant 0 : i32
    %c0_i32_1 = arith.constant 0 : i32
    return %c0_i32, %arg0, %c0_i32_0 : i32, i32, i32
  }
  func.func @transform_3(%arg0: i32) -> (i32, i32) {
    %c0_i32 = arith.constant 0 : i32
    %c0_i32_0 = arith.constant 0 : i32
    return %arg0, %c0_i32 : i32, i32
  }
  func.func @transform_4(%arg0: i32) -> (i32, i32) {
    %c0_i32 = arith.constant 0 : i32
    %c0_i32_0 = arith.constant 0 : i32
    return %arg0, %c0_i32 : i32, i32
  }
  func.func @transform_5(%arg0: i32) -> (i32, i32) {
    %c0_i32 = arith.constant 0 : i32
    %c0_i32_0 = arith.constant 0 : i32
    %c0_i32_1 = arith.constant 0 : i32
    return %c0_i32, %c0_i32_0 : i32, i32
  }
  func.func @transform_6(%arg0: i32) -> (i32, i32) {
    %c0_i32 = arith.constant 0 : i32
    %c0_i32_0 = arith.constant 0 : i32
    %c0_i32_1 = arith.constant 0 : i32
    return %c0_i32, %c0_i32_0 : i32, i32
  }
  func.func @transform_7(%arg0: i32) -> (i32, i32) {
    %c0_i32 = arith.constant 0 : i32
    %c0_i32_0 = arith.constant 0 : i32
    %c0_i32_1 = arith.constant 0 : i32
    return %c0_i32, %c0_i32_0 : i32, i32
  }
  func.func @transform_8(%arg0: i32) -> (i32, i32) {
    %c0_i32 = arith.constant 0 : i32
    %c0_i32_0 = arith.constant 0 : i32
    %c0_i32_1 = arith.constant 0 : i32
    return %c0_i32, %c0_i32_0 : i32, i32
  }
  func.func @transform_9(%arg0: i32) -> (i32, i32) {
    %c0_i32 = arith.constant 0 : i32
    %c0_i32_0 = arith.constant 0 : i32
    %c0_i32_1 = arith.constant 0 : i32
    return %c0_i32, %c0_i32_0 : i32, i32
  }
}

</mosaic_0001>

<sc_bundles>
// kernel: kernel.12.cloned.1.call-start
scs
__scs_entry_jumppad:
0x0: {  	(pc) =	sbr.rel $0x88, $3  }
0x1: {  	(tag) =	ssettag $0x0;
	lr =	simm.s32 $0x1  }
0x2: {  	[smem:$0x3F93] =	sst lr;
	_ =	strace $0xD0000000  }
0x3: {  	_ = 	snop  }
0x4: {  	_ = 	snop  }
0x5: {  	_ = 	snop  }
0x6: {  	_ = 	snop  }
0x7: {  	_ = 	snop  }
__scs_overlays_trampoline_lowered:
0x8: {  	[smem:$0x3FA2] =	sst s0  }
0x9: {  	[smem:$0x3FA3] =	sst s1  }
0xa: {  	[smem:$0x3FA4] =	sst s2  }
0xb: {  	[smem:$0x3FA5] =	sst s3  }
0xc: {  	[smem:$0x3FA6] =	sst s4  }
0xd: {  	[smem:$0x3FA7] =	sst s5  }
0xe: {  	[smem:$0x3FA8] =	sst s6  }
0xf: {  	[smem:$0x3FA9] =	sst s7  }
0x10: {  	[smem:$0x3FAA] =	sst s8  }
0x11: {  	[smem:$0x3FAB] =	sst s9;
	s0 =	simm.s32 @!p0 $0x0  }
0x12: {  	s1 =	sld [smem:$0x3F91];
	s0 =	simm.s32 @p0 $0x1  }
0x13: {  	[smem:$0x3FAC] =	sst s0;
	s0 =	simm.s32 @!p1 $0x0  }
0x14: {  	s2 =	sld [smem:$0x3F90];
	s0 =	simm.s32 @p1 $0x1  }
0x15: {  	[smem:$0x3FAD] =	sst s0;
	s0 =	simm.s32 @!p2 $0x0  }
0x16: {  	s3 =	sld [smem:$0x3FDB];
	s0 =	simm.s32 @p2 $0x1  }
0x17: {  	s4 =	simm.s32 $0x1BF5;
	[smem:$0x3FAF] =	sst s0  }
0x18: {  	s0 =	sld [smem:$0x3F92];
	_ =	swait.ge [sflag:s4], $0x0  }
0x19: {  	s7 =	sld [smem:$0x3F93]  }
0x1a: {  	s8 =	sadd.s32 $0xFFFFE003, lr  }
0x1b: {  	s9 =	sadd.s32 $0xFFFFFEF7, lr;
	s5 =	simm.s32 $0xFFFFFFFF;
	p2 =	slt.u32 s8, $0xFFFFF086  }
0x1c: {  	p1 =	slt.u32 s9, $0xF7A;
	s5 =	simm.s32 @!p2 $0x0  }
0x1d: {  	s5 =	simm.s32 @p1 $0x1;
	p0 =	seq.s32 s7, s2  }
0x1e: {  	s7 =	smul.u32 @!p0 $0xF7A, s2;
	p2 =	seq.s32 @!p0 s5, $0x0  }
0x1f: {  	s9 =	smul.u32 $0xF7A, s1;
	s8 =	simm.s32 @!p0 $0x1BF5;
	p2 =	por !p2, p0  }
0x20: {  	[sflag:s8] =	ssyncset.s32 @!p0 $0xFFFFF086;
	s6 =	sadd.s32 @!p0 s3, s7;
	s7 =	simm.s32 @!p0 $0x108  }
0x21: {  	s3 =	sadd.s32 s3, s9;
	s6 =	sadd.s32 @!p0 $0x88, s6;
	s7 =	simm.s32 @p2 $0x1082  }
0x22: {  	[simem:s7], [sflag:s8] =	dma.local @!p0 [hbm:s6], $0xF7A  }
0x23: {  	s9 =	sor.u32 $0xD0000000, s2;
	s6 =	simm.s32 $0x108;
	_ =	swait.ge @!p0 [sflag:s8], $0x0  }
0x24: {  	s3 =	sadd.s32 $0x88, s3;
	s6 =	simm.s32 @!p1 $0x1082;
	[sflag:s4] =	ssyncset.s32 $0xFFFFF086  }
0x25: {  	[simem:s6], [sflag:s4] =	dma.local [hbm:s3], $0xF7A  }
0x26: {  	[smem:$0x3F93] =	sst s1;
	(tag) =	ssettag s2;
	_ =	strace s9  }
0x27: {  	s1 =	sld [smem:$0x3FA3]  }
0x28: {  	s2 =	sld [smem:$0x3FA4]  }
0x29: {  	s4 =	sld [smem:$0x3FA6]  }
0x2a: {  	p0 =	seq.s32 s5, $0x0;
	s5 =	sld [smem:$0x3FA7]  }
0x2b: {  	s6 =	sld [smem:$0x3FA8]  }
0x2c: {  	s7 =	sld [smem:$0x3FA9]  }
0x2d: {  	s3 =	simm.s32 $0x108;
	s8 =	sld [smem:$0x3FAA]  }
0x2e: {  	s3 =	simm.s32 @!p0 $0x1082;
	s9 =	sld [smem:$0x3FAB]  }
0x2f: {  	lr =	sadd.s32 s0, s3;
	s0 =	sld [smem:$0x3FA2]  }
0x30: {  	s3 =	sld [smem:$0x3FA5]  }
0x31: {  	[smem:$0x3FAE] =	sst s10  }
0x32: {  	s10 =	sld [smem:$0x3FAC];
	_ =	sdelay $0x3  }
0x33: {  	p0 =	seq.s32 s10, $0x1;
	s10 =	sld [smem:$0x3FAE];
	_ =	sdelay $0x3  }
0x34: {  	[smem:$0x3FAE] =	sst s10  }
0x35: {  	s10 =	sld [smem:$0x3FAD];
	_ =	sdelay $0x3  }
0x36: {  	p1 =	seq.s32 s10, $0x1;
	s10 =	sld [smem:$0x3FAE];
	_ =	sdelay $0x3  }
0x37: {  	[smem:$0x3FAE] =	sst s10  }
0x38: {  	s10 =	sld [smem:$0x3FAF]  }
0x39: {  	_ = 	snop;
	(pc) =	sbr.ind lr, $3  }
0x3a: {  	_ = 	snop  }
0x3b: {  	_ = 	snop  }
0x3c: {  	p2 =	seq.s32 s10, $0x1;
	s10 =	sld [smem:$0x3FAE]  }
0x3d: {  	_ =	shalt  }
0x3e: {  	_ =	shalt  }
0x3f: {  	_ =	shalt  }
0x40: {  	_ =	shalt  }
0x41: {  	_ =	shalt  }
0x42: {  	_ =	shalt  }
0x43: {  	_ =	shalt  }
0x44: {  	_ =	shalt  }
0x45: {  	_ =	shalt  }
0x46: {  	_ =	shalt  }
0x47: {  	_ =	shalt  }
0x48: {  	_ =	shalt  }
0x49: {  	_ =	shalt  }
0x4a: {  	_ =	shalt  }
0x4b: {  	_ =	shalt  }
0x4c: {  	_ =	shalt  }
0x4d: {  	_ =	shalt  }
0x4e: {  	_ =	shalt  }
0x4f: {  	_ =	shalt  }
0x50: {  	_ =	shalt  }
0x51: {  	_ =	shalt  }
0x52: {  	_ =	shalt  }
0x53: {  	_ =	shalt  }
0x54: {  	_ =	shalt  }
0x55: {  	_ =	shalt  }
0x56: {  	_ =	shalt  }
0x57: {  	_ =	shalt  }
0x58: {  	_ =	shalt  }
0x59: {  	_ =	shalt  }
0x5a: {  	_ =	shalt  }
0x5b: {  	_ =	shalt  }
0x5c: {  	_ =	shalt  }
0x5d: {  	_ =	shalt  }
0x5e: {  	_ =	shalt  }
0x5f: {  	_ =	shalt  }
0x60: {  	_ =	shalt  }
0x61: {  	_ =	shalt  }
0x62: {  	_ =	shalt  }
0x63: {  	_ =	shalt  }
0x64: {  	_ =	shalt  }
0x65: {  	_ =	shalt  }
0x66: {  	_ =	shalt  }
0x67: {  	_ =	shalt  }
0x68: {  	_ =	shalt  }
0x69: {  	_ =	shalt  }
0x6a: {  	_ =	shalt  }
0x6b: {  	_ =	shalt  }
0x6c: {  	_ =	shalt  }
0x6d: {  	_ =	shalt  }
0x6e: {  	_ =	shalt  }
0x6f: {  	_ =	shalt  }
0x70: {  	_ =	shalt  }
0x71: {  	_ =	shalt  }
0x72: {  	_ =	shalt  }
0x73: {  	_ =	shalt  }
0x74: {  	_ =	shalt  }
0x75: {  	_ =	shalt  }
0x76: {  	_ =	shalt  }
0x77: {  	_ =	shalt  }
0x78: {  	_ =	shalt  }
0x79: {  	_ =	shalt  }
0x7a: {  	_ =	shalt  }
0x7b: {  	_ =	shalt  }
0x7c: {  	_ =	shalt  }
0x7d: {  	_ =	shalt  }
0x7e: {  	_ =	shalt  }
0x7f: {  	_ =	shalt  }
0x80: {  	_ =	shalt  }
0x81: {  	_ =	shalt  }
0x82: {  	_ =	shalt  }
0x83: {  	_ =	shalt  }
0x84: {  	_ =	shalt  }
0x85: {  	_ =	shalt  }
0x86: {  	_ =	shalt  }
0x87: {  	_ =	shalt  }
.Lfunc_end0:
.L_simem_size_0:
called_computation_lowered:
.L_overlay_start_0:
0x88: {  	s2 =	sld [smem:$0x3FD9]  }
0x89: {  	s3 =	sld [smem:$0x3FFE];
	_ =	sdelay $0x1  }
0x8a: {  	s1 =	srdreg.scid  }
0x8b: {  	s0 =	sand.u32 $0x1, s1  }
0x8c: {  	s16 =	sshll.u32 s0, $0xA;
	s2 =	sadd.s32 s3, s2  }
0x8d: {  	s2 =	sadd.s32 s2, s16  }
0x8e: {  	[smem:$0x3FBA] =	sst s2  }
0x8f: {  	_ = 	snop  }
0x90: {  	(tm) =	ssettm $0x1  }
0x91: {  	s17 =	sld [smem:$0x3FFB];
	_ =	sdelay $0x3  }
0x92: {  	_ =	strace s17  }
0x93: {  	s2 =	sld [smem:$0x3FFC];
	_ =	sdelay $0x3  }
0x94: {  	_ =	strace s2  }
0x95: {  	s2 =	sld [smem:$0x3FFD];
	_ =	sdelay $0x3  }
0x96: {  	_ =	strace s2  }
0x97: {  	_ =	strace $0x8FFFFFFF  }
0x98: {  	s18 =	sld [smem:$0x3FDB];
	_ =	sdelay $0x1  }
0x99: {  	s19 =	simm.s32 $_scs_section_size  }
0x9a: {  	s4 =	simm.s32 $_size__tile_overlayer_lowered;
	s5 =	simm.s32 $_tile_overlayer_lowered  }
0x9b: {  	s22 =	simm.s32 $0x1BFF;
	s21 =	sshll.u32 s5, $0x1;
	s2 =	sadd.s32 s19, s18  }
0x9c: {  	s6 =	simm.s32 $0x0;
	s20 =	sshll.u32 s4, $0x1;
	s4 =	sadd.s32 s21, s2  }
0x9d: {  	[timem:s6], [sflag:s22] =	dma.local [hbm:s4], s20  }
0x9e: {  	_ =	swait.ge [sflag:s22], s20  }
0x9f: {  	s3 =	ssub.s32 $0x0, s20;
	[sflag:s22] =	ssyncset.done $0x0  }
0xa0: {  	[sflag:s22] =	ssyncadd.s32 s3;
	_ =	sdelay $0x1  }
0xa1: {  	s23 =	simm.s32 $0x1B8B  }
0xa2: {  	_ =	swait.ge [sflag:s23], $0x1  }
0xa3: {  	[sflag:s23] =	ssyncset.done $0x0  }
0xa4: {  	s25 =	simm.s32 $0x1B8E;
	s24 =	sld [smem:$0x3FFE];
	[sflag:s23] =	ssyncadd.s32 $0xFFFFFFFF  }
0xa5: {  	s26 =	simm.s32 $execute0_lowered;
	[smem:$0x3FD2] =	sst s25  }
0xa6: {  	s4 =	sshll.u32 s26, $0x1;
	_ =	strace $0x80000046;
	[dreg:$0x1] =	wrdreg $0xFFFFFFFF  }
0xa7: {  	s28 =	simm.s32 $_size_execute0_lowered;
	s2 =	sadd.s32 s2, s4;
	[dreg:$0x0] =	wrdreg $0x0  }
0xa8: {  	s4 =	sshll.u32 s28, $0x1;
	[dreg:$0x2] =	wrdreg s2  }
0xa9: {  	[dreg:$0x3] =	wrdreg s4  }
0xaa: {  	[dreg:$0x4] =	wrdreg $0xC0  }
0xab: {  	_ =	task [dreg:s6], $0x5FFFF  }
0xac: {  	[dreg:$0x1] =	wrdreg $0xFFFFFFFF  }
0xad: {  	[dreg:$0x0] =	wrdreg $0x60  }
0xae: {  	[dreg:$0x2] =	wrdreg s24  }
0xaf: {  	[dreg:$0x3] =	wrdreg $0x29900  }
0xb0: {  	[dreg:$0x4] =	wrdreg $0x9  }
0xb1: {  	_ =	task.clear_ibuf [dreg:s6], $0x5FFFF;
	_ =	strace $0x90000046  }
0xb2: {  	s29 =	simm.s32 $0x9;
	_ =	strace $0x80000048  }
0xb3: {  	_ =	swait.ge [sflag:s29], $0x1  }
0xb4: {  	[sflag:s29] =	ssyncadd.s32 $0xFFFFFFFF  }
0xb5: {  	_ =	strace $0x90000048  }
0xb6: {  	_ =	sfence  }
0xb7: {  	s30 =	sld [smem:$0x0];
	_ =	sdelay $0x2  }
0xb8: {  	s31 =	sshll.u32 s1, $0xD;
	s1 =	sshrl.u32 s1, $0x2  }
0xb9: {  	s3 =	sand.u32 $0x4000, s31;
	s1 =	sadd.s32 s1, s30  }
0xba: {  	s0 =	sor.u32 s3, s0;
	s1 =	sshll.u32 s1, $0x11  }
0xbb: {  	s0 =	sor.u32 s1, s0  }
0xbc: {  	s0 =	sadd.s32 $0x8F2B, s0  }
0xbd: {  	[sflag:s0] =	ssyncadd.remote.s32 $0x1  }
0xbe: {  	_ =	sfence.sel $0xFFFF  }
0xbf: {  	[dreg:$0x0] =	wrdreg $0xFFFFFFFF;
	(pc) =	sbr.abs _section_cstart, $3  }
0xc0: {  	[dreg:$0x1] =	wrdreg $0xFFFFFFFF  }
0xc1: {  	_ =	task.clear_ibuf [dreg:s6], $0x2FFFF;
	_ =	strace $0x9FFFFFFF  }
0xc2: {  	(tm) =	ssettm $0x7FFFFFFF  }
0xc3: {  	_ =	shalt  }
tec
execute0_lowered:
.L_overlay_start_1:
0x0: {  	(tag) =	ssettag $0x1  }
0x1: {  	s6 =	rddreg [dreg:$0x0]  }
0x2: {  	s0 =	srdreg.scid;
	s2 =	rddreg [dreg:$0x1]  }
0x3: {  	s1 =	stileid.u32;
	s3 =	simm.s32 $0x0;
	s14 =	simm.s32 $0x1  }
0x4: {  	s15 =	simm.s32 $0x0;
	s7 =	sand.u32 $0x1, s0;
	s0 =	rddreg [dreg:$0x2]  }
0x5: {  	s8 =	smul.u32 $0x2710, s1;
	[smem:$0x7FF] =	sst s3;
	s11 =	sshll.u32 s1, $0x6  }
0x6: {  	s4 =	sshll.u32 s7, $0x4;
	s5 =	smul.u32 $0x27100, s7;
	s31 =	ssub.s32 $0x2, s7  }
0x7: {  	_ =	strace $0x80000047;
	s4 =	sor.u32 s1, s4;
	s7 =	sshrl.u32 s31, $0x1  }
0x8: {  	s4 =	smul.u32 $0x4E2, s4;
	s5 =	sadd.s32 s8, s5;
	s8 =	sshrl.u32 s8, $0x1  }
0x9: {  	s12 =	ssub.s32 s31, s7;
	s10 =	sshrl.u32 s5, $0x4;
	s5 =	sadd.s32 $0x18800, s6  }
0xa: {  	s13 =	sadd.s32 s8, s2;
	s9 =	sadd.s32 s4, s6;
	s4 =	sadd.s32 $0x18400, s6  }
0xb: {  	s10 =	sadd.s32 s10, s6;
	s6 =	sor.u32 $0x1C02, s11;
	s11 =	simm.s32 $0x2  }
0xc: {  	s7 =	sadd.s32 $0xE600, s9;
	s8 =	sadd.s32 $0x18A00, s10;
	s9 =	smax.u32 s12, $0x1  }
0xd: {  	s10 =	sshrl.u32 s13, $0x3;
	s12 =	simm.s32 $0x2710;
	s13 =	simm.s32 $0x50  }
.LBB2_1:
0xe: {  	[spmem:s10], [sflag:s6] =	dma.local [hbm:s4], $0x271  }
0xf: {  	_ =	swait.ge [sflag:s11], $0x271  }
0x10: {  	[sflag:s11] =	ssyncset.done $0x0  }
0x11: {  	[sflag:s11] =	ssyncadd.s32 $0xFFFFFD8F  }
0x12: {  	[tilespmem:s3], [sflag:$0x2] =	stream.linear.gather [hbm4b:s7+s3], $0x2710, $0x38;
	[tilespmem:$0x3D18] =	vst v63  }
0x13: {  	_ =	swait.ge [sflag:s11], $0x2710  }
0x14: {  	[sflag:s11] =	ssyncset.done $0x0  }
0x15: {  	[sflag:s11] =	ssyncadd.s32 $0xFFFFD8F0  }
0x16: {  	[tilespmem:s12], [sflag:$0x2] =	stream.linear.gather [hbm4b:s5+s3], $0x280, $0x38;
	[tilespmem:$0x3D18] =	vst v63  }
0x17: {  	_ =	swait.ge [sflag:s11], $0x280  }
0x18: {  	[sflag:s11] =	ssyncset.done $0x0  }
0x19: {  	[sflag:s11] =	ssyncadd.s32 $0xFFFFFD80  }
0x1a: {  	[bflag:$0x0] =	sbarrier.arrive $0xFFFF  }
0x1b: {  	[spmem:s2] =	stream.indirect.scatter.add.bf16 [tilespmem:s12], [sflag:$0x1], $0x8, s3, s13, $0xb8;
	[tilespmem:$0x3D18] =	vst v63  }
0x1c: {  	s16 =	simm.s32 $0x50  }
0x1d: {  	[spmem:s2] =	stream.indirect.scatter.add.bf16 [tilespmem:s12], [sflag:$0x1], $0x8, s16, s13, $0xb8;
	[tilespmem:$0x3D18] =	vst v63  }
0x1e: {  	_ =	swait.ge [sflag:s14], $0x280  }
0x1f: {  	s16 =	simm.s32 $0x280;
	[sflag:s14] =	ssyncset.done $0x0  }
.LBB2_2:
0x20: {  	s17 =	sshra.s32 s16, $0x2;
	[sflag:s14] =	ssyncadd.s32 $0xFFFFFD80;
	p0 =	sne.s32 s16, $0x9B00  }
0x21: {  	[spmem:s2] =	stream.indirect.scatter.add.bf16 [tilespmem:s12], [sflag:$0x1], $0x8, s17, s13, $0xb8;
	[tilespmem:$0x3D18] =	vst v63  }
.Ltmp0:
0x22: {  	_ = 	snop;
	(pc) =	sbr.rel @p0 .LBB2_2-.Ltmp0, $4  }
0x23: {  	_ = 	snop  }
0x24: {  	s16 =	sadd.s32 $0x140, s16  }
0x25: {  	_ =	swait.ge [sflag:s14], $0x280  }
0x26: {  	[sflag:s14] =	ssyncset.done $0x0  }
0x27: {  	[sflag:s14] =	ssyncadd.s32 $0xFFFFFD80  }
0x28: {  	_ =	swait.ge [sflag:s14], $0x280  }
0x29: {  	s15 =	sadd.s32 $0x1, s15;
	[sflag:s14] =	ssyncset.done $0x0  }
0x2a: {  	p0 =	sne.s32 s15, s9;
	[sflag:s14] =	ssyncadd.s32 $0xFFFFFD80  }
.Ltmp1:
0x2b: {  	[bflag:$0x0] =	sbarrier.arrive $0xFFFF;
	(pc) =	sbr.rel @p0 .LBB2_1-.Ltmp1, $4  }
0x2c: {  	[hbm:s8], [sflag:s6] =	dma.local [spmem:s10], $0x271  }
0x2d: {  	_ =	swait.ge [sflag:s11], $0x271  }
0x2e: {  	[sflag:s11] =	ssyncset.done $0x0  }
0x2f: {  	[sflag:s11] =	ssyncadd.s32 $0xFFFFFD8F  }
0x30: {  	_ =	sfence.sel $0x180000  }
0x31: {  	[bflag:$0x0] =	sbarrier.arrive $0xFFFF  }
0x32: {  	p0 =	sne.s32 s1, $0x0;
	_ =	strace $0x90000047  }
0x33: {  	s0 =	sadd.s32 @!p0 $0x100000, s0;
	[bflag:$0x2] =	sbarrier.arrive $0xFFFF  }
0x34: {  	[sflag:s0] =	ssyncadd.tile.s32 @!p0 $0x1;
	_ =	shalt  }
.Lfunc_end2:
_tile_overlayer_lowered:
.L_overlay_start_2:
0x35: {  	(tag) =	ssettag $0x2  }
0x36: {  	s0 =	rddreg [dreg:$0x0];
	s2 =	stileid.u32  }
0x37: {  	s1 =	rddreg [dreg:$0x1];
	p0 =	sne.s32 s2, $0x0  }
0x38: {  	s3 =	rddreg [dreg:$0x2];
	[bflag:$0x3] =	sbarrier.arrive $0xFFFF;
	s2 =	simm.s32 @!p0 $0x1C02  }
0x39: {  	[timem:s3], [sflag:s2] =	dma.local @!p0 [hbm:s0], s1  }
0x3a: {  	s0 =	simm.s32 @!p0 $0x2  }
0x3b: {  	_ =	swait.ge @!p0 [sflag:s0], s1  }
0x3c: {  	s1 =	ssub.s32 @!p0 $0x0, s1;
	[sflag:s0] =	ssyncset.done @!p0 $0x0  }
0x3d: {  	[sflag:s0] =	ssyncadd.s32 @!p0 s1  }
0x3e: {  	[bflag:$0x3] =	sbarrier.arrive $0xFFFF  }
0x3f: {  	_ =	shalt  }

// kernel: kernel.15.cloned.1.call-start
scs
__scs_entry_jumppad:
0x0: {  	(pc) =	sbr.rel $0x88, $3  }
0x1: {  	(tag) =	ssettag $0x0;
	lr =	simm.s32 $0x1  }
0x2: {  	[smem:$0x3F93] =	sst lr;
	_ =	strace $0xD0000000  }
0x3: {  	_ = 	snop  }
0x4: {  	_ = 	snop  }
0x5: {  	_ = 	snop  }
0x6: {  	_ = 	snop  }
0x7: {  	_ = 	snop  }
__scs_overlays_trampoline_lowered:
0x8: {  	[smem:$0x3FA2] =	sst s0  }
0x9: {  	[smem:$0x3FA3] =	sst s1  }
0xa: {  	[smem:$0x3FA4] =	sst s2  }
0xb: {  	[smem:$0x3FA5] =	sst s3  }
0xc: {  	[smem:$0x3FA6] =	sst s4  }
0xd: {  	[smem:$0x3FA7] =	sst s5  }
0xe: {  	[smem:$0x3FA8] =	sst s6  }
0xf: {  	[smem:$0x3FA9] =	sst s7  }
0x10: {  	[smem:$0x3FAA] =	sst s8  }
0x11: {  	[smem:$0x3FAB] =	sst s9;
	s0 =	simm.s32 @!p0 $0x0  }
0x12: {  	s1 =	sld [smem:$0x3F91];
	s0 =	simm.s32 @p0 $0x1  }
0x13: {  	[smem:$0x3FAC] =	sst s0;
	s0 =	simm.s32 @!p1 $0x0  }
0x14: {  	s2 =	sld [smem:$0x3F90];
	s0 =	simm.s32 @p1 $0x1  }
0x15: {  	[smem:$0x3FAD] =	sst s0;
	s0 =	simm.s32 @!p2 $0x0  }
0x16: {  	s3 =	sld [smem:$0x3FDB];
	s0 =	simm.s32 @p2 $0x1  }
0x17: {  	s4 =	simm.s32 $0x1BF5;
	[smem:$0x3FAF] =	sst s0  }
0x18: {  	s0 =	sld [smem:$0x3F92];
	_ =	swait.ge [sflag:s4], $0x0  }
0x19: {  	s7 =	sld [smem:$0x3F93]  }
0x1a: {  	s8 =	sadd.s32 $0xFFFFE003, lr  }
0x1b: {  	s9 =	sadd.s32 $0xFFFFFEF7, lr;
	s5 =	simm.s32 $0xFFFFFFFF;
	p2 =	slt.u32 s8, $0xFFFFF086  }
0x1c: {  	p1 =	slt.u32 s9, $0xF7A;
	s5 =	simm.s32 @!p2 $0x0  }
0x1d: {  	s5 =	simm.s32 @p1 $0x1;
	p0 =	seq.s32 s7, s2  }
0x1e: {  	s7 =	smul.u32 @!p0 $0xF7A, s2;
	p2 =	seq.s32 @!p0 s5, $0x0  }
0x1f: {  	s9 =	smul.u32 $0xF7A, s1;
	s8 =	simm.s32 @!p0 $0x1BF5;
	p2 =	por !p2, p0  }
0x20: {  	[sflag:s8] =	ssyncset.s32 @!p0 $0xFFFFF086;
	s6 =	sadd.s32 @!p0 s3, s7;
	s7 =	simm.s32 @!p0 $0x108  }
0x21: {  	s3 =	sadd.s32 s3, s9;
	s6 =	sadd.s32 @!p0 $0x88, s6;
	s7 =	simm.s32 @p2 $0x1082  }
0x22: {  	[simem:s7], [sflag:s8] =	dma.local @!p0 [hbm:s6], $0xF7A  }
0x23: {  	s9 =	sor.u32 $0xD0000000, s2;
	s6 =	simm.s32 $0x108;
	_ =	swait.ge @!p0 [sflag:s8], $0x0  }
0x24: {  	s3 =	sadd.s32 $0x88, s3;
	s6 =	simm.s32 @!p1 $0x1082;
	[sflag:s4] =	ssyncset.s32 $0xFFFFF086  }
0x25: {  	[simem:s6], [sflag:s4] =	dma.local [hbm:s3], $0xF7A  }
0x26: {  	[smem:$0x3F93] =	sst s1;
	(tag) =	ssettag s2;
	_ =	strace s9  }
0x27: {  	s1 =	sld [smem:$0x3FA3]  }
0x28: {  	s2 =	sld [smem:$0x3FA4]  }
0x29: {  	s4 =	sld [smem:$0x3FA6]  }
0x2a: {  	p0 =	seq.s32 s5, $0x0;
	s5 =	sld [smem:$0x3FA7]  }
0x2b: {  	s6 =	sld [smem:$0x3FA8]  }
0x2c: {  	s7 =	sld [smem:$0x3FA9]  }
0x2d: {  	s3 =	simm.s32 $0x108;
	s8 =	sld [smem:$0x3FAA]  }
0x2e: {  	s3 =	simm.s32 @!p0 $0x1082;
	s9 =	sld [smem:$0x3FAB]  }
0x2f: {  	lr =	sadd.s32 s0, s3;
	s0 =	sld [smem:$0x3FA2]  }
0x30: {  	s3 =	sld [smem:$0x3FA5]  }
0x31: {  	[smem:$0x3FAE] =	sst s10  }
0x32: {  	s10 =	sld [smem:$0x3FAC];
	_ =	sdelay $0x3  }
0x33: {  	p0 =	seq.s32 s10, $0x1;
	s10 =	sld [smem:$0x3FAE];
	_ =	sdelay $0x3  }
0x34: {  	[smem:$0x3FAE] =	sst s10  }
0x35: {  	s10 =	sld [smem:$0x3FAD];
	_ =	sdelay $0x3  }
0x36: {  	p1 =	seq.s32 s10, $0x1;
	s10 =	sld [smem:$0x3FAE];
	_ =	sdelay $0x3  }
0x37: {  	[smem:$0x3FAE] =	sst s10  }
0x38: {  	s10 =	sld [smem:$0x3FAF]  }
0x39: {  	_ = 	snop;
	(pc) =	sbr.ind lr, $3  }
0x3a: {  	_ = 	snop  }
0x3b: {  	_ = 	snop  }
0x3c: {  	p2 =	seq.s32 s10, $0x1;
	s10 =	sld [smem:$0x3FAE]  }
0x3d: {  	_ =	shalt  }
0x3e: {  	_ =	shalt  }
0x3f: {  	_ =	shalt  }
0x40: {  	_ =	shalt  }
0x41: {  	_ =	shalt  }
0x42: {  	_ =	shalt  }
0x43: {  	_ =	shalt  }
0x44: {  	_ =	shalt  }
0x45: {  	_ =	shalt  }
0x46: {  	_ =	shalt  }
0x47: {  	_ =	shalt  }
0x48: {  	_ =	shalt  }
0x49: {  	_ =	shalt  }
0x4a: {  	_ =	shalt  }
0x4b: {  	_ =	shalt  }
0x4c: {  	_ =	shalt  }
0x4d: {  	_ =	shalt  }
0x4e: {  	_ =	shalt  }
0x4f: {  	_ =	shalt  }
0x50: {  	_ =	shalt  }
0x51: {  	_ =	shalt  }
0x52: {  	_ =	shalt  }
0x53: {  	_ =	shalt  }
0x54: {  	_ =	shalt  }
0x55: {  	_ =	shalt  }
0x56: {  	_ =	shalt  }
0x57: {  	_ =	shalt  }
0x58: {  	_ =	shalt  }
0x59: {  	_ =	shalt  }
0x5a: {  	_ =	shalt  }
0x5b: {  	_ =	shalt  }
0x5c: {  	_ =	shalt  }
0x5d: {  	_ =	shalt  }
0x5e: {  	_ =	shalt  }
0x5f: {  	_ =	shalt  }
0x60: {  	_ =	shalt  }
0x61: {  	_ =	shalt  }
0x62: {  	_ =	shalt  }
0x63: {  	_ =	shalt  }
0x64: {  	_ =	shalt  }
0x65: {  	_ =	shalt  }
0x66: {  	_ =	shalt  }
0x67: {  	_ =	shalt  }
0x68: {  	_ =	shalt  }
0x69: {  	_ =	shalt  }
0x6a: {  	_ =	shalt  }
0x6b: {  	_ =	shalt  }
0x6c: {  	_ =	shalt  }
0x6d: {  	_ =	shalt  }
0x6e: {  	_ =	shalt  }
0x6f: {  	_ =	shalt  }
0x70: {  	_ =	shalt  }
0x71: {  	_ =	shalt  }
0x72: {  	_ =	shalt  }
0x73: {  	_ =	shalt  }
0x74: {  	_ =	shalt  }
0x75: {  	_ =	shalt  }
0x76: {  	_ =	shalt  }
0x77: {  	_ =	shalt  }
0x78: {  	_ =	shalt  }
0x79: {  	_ =	shalt  }
0x7a: {  	_ =	shalt  }
0x7b: {  	_ =	shalt  }
0x7c: {  	_ =	shalt  }
0x7d: {  	_ =	shalt  }
0x7e: {  	_ =	shalt  }
0x7f: {  	_ =	shalt  }
0x80: {  	_ =	shalt  }
0x81: {  	_ =	shalt  }
0x82: {  	_ =	shalt  }
0x83: {  	_ =	shalt  }
0x84: {  	_ =	shalt  }
0x85: {  	_ =	shalt  }
0x86: {  	_ =	shalt  }
0x87: {  	_ =	shalt  }
.Lfunc_end0:
.L_simem_size_0:
called_computation.1_lowered:
.L_overlay_start_0:
0x88: {  	s2 =	sld [smem:$0x3FD9]  }
0x89: {  	s3 =	sld [smem:$0x3FFE];
	_ =	sdelay $0x1  }
0x8a: {  	s1 =	srdreg.scid  }
0x8b: {  	s0 =	sand.u32 $0x1, s1  }
0x8c: {  	s16 =	sshll.u32 s0, $0xA;
	s2 =	sadd.s32 s3, s2  }
0x8d: {  	s2 =	sadd.s32 s2, s16  }
0x8e: {  	[smem:$0x3FBA] =	sst s2  }
0x8f: {  	_ = 	snop  }
0x90: {  	(tm) =	ssettm $0x1  }
0x91: {  	s17 =	sld [smem:$0x3FFB];
	_ =	sdelay $0x3  }
0x92: {  	_ =	strace s17  }
0x93: {  	s2 =	sld [smem:$0x3FFC];
	_ =	sdelay $0x3  }
0x94: {  	_ =	strace s2  }
0x95: {  	s2 =	sld [smem:$0x3FFD];
	_ =	sdelay $0x3  }
0x96: {  	_ =	strace s2  }
0x97: {  	_ =	strace $0x8FFFFFFF  }
0x98: {  	s18 =	sld [smem:$0x3FDB];
	_ =	sdelay $0x1  }
0x99: {  	s19 =	simm.s32 $_scs_section_size  }
0x9a: {  	s4 =	simm.s32 $_size__tile_overlayer_lowered;
	s5 =	simm.s32 $_tile_overlayer_lowered  }
0x9b: {  	s22 =	simm.s32 $0x1BFF;
	s21 =	sshll.u32 s5, $0x1;
	s2 =	sadd.s32 s19, s18  }
0x9c: {  	s6 =	simm.s32 $0x0;
	s20 =	sshll.u32 s4, $0x1;
	s4 =	sadd.s32 s21, s2  }
0x9d: {  	[timem:s6], [sflag:s22] =	dma.local [hbm:s4], s20  }
0x9e: {  	_ =	swait.ge [sflag:s22], s20  }
0x9f: {  	s3 =	ssub.s32 $0x0, s20;
	[sflag:s22] =	ssyncset.done $0x0  }
0xa0: {  	[sflag:s22] =	ssyncadd.s32 s3;
	_ =	sdelay $0x1  }
0xa1: {  	s23 =	simm.s32 $0x1B8B  }
0xa2: {  	_ =	swait.ge [sflag:s23], $0x1  }
0xa3: {  	[sflag:s23] =	ssyncset.done $0x0  }
0xa4: {  	s25 =	simm.s32 $0x1B8E;
	s24 =	sld [smem:$0x3FFE];
	[sflag:s23] =	ssyncadd.s32 $0xFFFFFFFF  }
0xa5: {  	s26 =	simm.s32 $execute0_lowered;
	[smem:$0x3FD2] =	sst s25  }
0xa6: {  	s4 =	sshll.u32 s26, $0x1;
	_ =	strace $0x80000049;
	[dreg:$0x1] =	wrdreg $0xFFFFFFFF  }
0xa7: {  	s28 =	simm.s32 $_size_execute0_lowered;
	s2 =	sadd.s32 s2, s4;
	[dreg:$0x0] =	wrdreg $0x0  }
0xa8: {  	s4 =	sshll.u32 s28, $0x1;
	[dreg:$0x2] =	wrdreg s2  }
0xa9: {  	[dreg:$0x3] =	wrdreg s4  }
0xaa: {  	[dreg:$0x4] =	wrdreg $0xC0  }
0xab: {  	_ =	task [dreg:s6], $0x5FFFF  }
0xac: {  	[dreg:$0x1] =	wrdreg $0xFFFFFFFF  }
0xad: {  	[dreg:$0x0] =	wrdreg $0x60  }
0xae: {  	[dreg:$0x2] =	wrdreg s24  }
0xaf: {  	[dreg:$0x3] =	wrdreg $0x80200  }
0xb0: {  	[dreg:$0x4] =	wrdreg $0x9  }
0xb1: {  	_ =	task.clear_ibuf [dreg:s6], $0x5FFFF;
	_ =	strace $0x90000049  }
0xb2: {  	s29 =	simm.s32 $0x9;
	_ =	strace $0x8000004B  }
0xb3: {  	_ =	swait.ge [sflag:s29], $0x1  }
0xb4: {  	[sflag:s29] =	ssyncadd.s32 $0xFFFFFFFF  }
0xb5: {  	_ =	strace $0x9000004B  }
0xb6: {  	_ =	sfence  }
0xb7: {  	s30 =	sld [smem:$0x0];
	_ =	sdelay $0x2  }
0xb8: {  	s31 =	sshll.u32 s1, $0xD;
	s1 =	sshrl.u32 s1, $0x2  }
0xb9: {  	s3 =	sand.u32 $0x4000, s31;
	s1 =	sadd.s32 s1, s30  }
0xba: {  	s0 =	sor.u32 s3, s0;
	s1 =	sshll.u32 s1, $0x11  }
0xbb: {  	s0 =	sor.u32 s1, s0  }
0xbc: {  	s0 =	sadd.s32 $0x8F2B, s0  }
0xbd: {  	[sflag:s0] =	ssyncadd.remote.s32 $0x1  }
0xbe: {  	_ =	sfence.sel $0xFFFF  }
0xbf: {  	[dreg:$0x0] =	wrdreg $0xFFFFFFFF;
	(pc) =	sbr.abs _section_cstart, $3  }
0xc0: {  	[dreg:$0x1] =	wrdreg $0xFFFFFFFF  }
0xc1: {  	_ =	task.clear_ibuf [dreg:s6], $0x2FFFF;
	_ =	strace $0x9FFFFFFF  }
0xc2: {  	(tm) =	ssettm $0x7FFFFFFF  }
0xc3: {  	_ =	shalt  }
tec
execute0_lowered:
.L_overlay_start_1:
0x0: {  	(tag) =	ssettag $0x1  }
0x1: {  	s0 =	srdreg.scid;
	s6 =	rddreg [dreg:$0x0]  }
0x2: {  	s10 =	stileid.u32;
	s2 =	rddreg [dreg:$0x1]  }
0x3: {  	s3 =	simm.s32 $0x0;
	s12 =	simm.s32 $0xB;
	s14 =	simm.s32 $0x50  }
0x4: {  	s15 =	simm.s32 $0x4E20;
	s16 =	simm.s32 $0x5820;
	s18 =	simm.s32 $0x6220  }
0x5: {  	s20 =	simm.s32 $0x6C20;
	s22 =	simm.s32 $0x7620;
	s23 =	simm.s32 $0x1  }
0x6: {  	s24 =	simm.s32 $0x6;
	s28 =	simm.s32 $0x3;
	s29 =	simm.s32 $0x8  }
0x7: {  	s30 =	simm.s32 $0x4;
	s31 =	simm.s32 $0x9;
	s17 =	simm.s32 $0x0  }
0x8: {  	s0 =	sand.u32 $0x1, s0;
	s7 =	smul.u32 $0x9C40, s10;
	[smem:$0x7FF] =	sst s3  }
0x9: {  	s4 =	sadd.s32 $0x45600, s6;
	s26 =	sshll.u32 s10, $0x6;
	s1 =	sshll.u32 s0, $0x4  }
0xa: {  	s5 =	smul.u32 $0x9C400, s0;
	s0 =	ssub.s32 $0x2, s0;
	s1 =	sor.u32 s10, s1  }
0xb: {  	_ =	strace $0x8000004A;
	s25 =	sshrl.u32 s0, $0x1;
	s1 =	smul.u32 $0x4E2, s1  }
0xc: {  	s8 =	sadd.s32 s7, s5;
	s5 =	sadd.s32 $0x1DA00, s6;
	s7 =	sshrl.u32 s7, $0x1  }
0xd: {  	s0 =	ssub.s32 s0, s25;
	s25 =	simm.s32 $0x2;
	s8 =	sshrl.u32 s8, $0x4  }
0xe: {  	s11 =	sadd.s32 s7, s2;
	s10 =	smax.u32 s0, $0x1;
	s0 =	simm.s32 $0xA  }
0xf: {  	s1 =	sadd.s32 s1, s6;
	s9 =	sadd.s32 s8, s6;
	s6 =	sor.u32 $0x1C0B, s26  }
0x10: {  	s11 =	sshrl.u32 s11, $0x3;
	s26 =	simm.s32 $0x7;
	s7 =	sadd.s32 $0x4800, s1  }
0x11: {  	s8 =	sadd.s32 $0xE600, s1;
	s9 =	sadd.s32 $0x4F400, s9;
	s1 =	simm.s32 $0x5  }
.LBB2_1:
0x12: {  	[spmem:s11], [sflag:s6] =	dma.local [hbm:s5], $0x9C4  }
0x13: {  	_ =	swait.ge [sflag:s12], $0x9C4  }
0x14: {  	[sflag:s12] =	ssyncset.done $0x0  }
0x15: {  	[sflag:s12] =	ssyncadd.s32 $0xFFFFF63C  }
0x16: {  	[tilespmem:s3], [sflag:$0xB] =	stream.linear.gather [hbm4b:s7+s3], $0x2710, $0x38;
	[tilespmem:$0xCE40] =	vst v63  }
0x17: {  	_ =	swait.ge [sflag:s12], $0x2710  }
0x18: {  	[sflag:s12] =	ssyncset.done $0x0  }
0x19: {  	s13 =	simm.s32 $0x2710;
	[sflag:s12] =	ssyncadd.s32 $0xFFFFD8F0  }
0x1a: {  	[tilespmem:s13], [sflag:$0xB] =	stream.linear.gather [hbm4b:s8+s3], $0x2710, $0x38;
	[tilespmem:$0xCE40] =	vst v63  }
0x1b: {  	_ =	swait.ge [sflag:s12], $0x2710  }
0x1c: {  	[sflag:s12] =	ssyncset.done $0x0  }
0x1d: {  	[sflag:s12] =	ssyncadd.s32 $0xFFFFD8F0  }
0x1e: {  	[bflag:$0x0] =	sbarrier.arrive $0xFFFF  }
0x1f: {  	[tilespmem:s15], [sflag:$0x1] =	stream.indirect.gather [hbm4b:s4+s14], $0x20, s3, s14, $0xb8;
	[tilespmem:$0xCE40] =	vst v63  }
0x20: {  	_ = 	snop  }
0x21: {  	[tilespmem:s16], [sflag:$0x2] =	stream.indirect.gather [hbm4b:s4+s14], $0x20, s14, s14, $0xb8;
	[tilespmem:$0xCE40] =	vst v63  }
0x22: {  	s21 =	simm.s32 $0xA0  }
0x23: {  	[tilespmem:s18], [sflag:$0x3] =	stream.indirect.gather [hbm4b:s4+s14], $0x20, s21, s14, $0xb8;
	[tilespmem:$0xCE40] =	vst v63  }
0x24: {  	s19 =	simm.s32 $0xF0  }
0x25: {  	[tilespmem:s20], [sflag:$0x4] =	stream.indirect.gather [hbm4b:s4+s14], $0x20, s19, s14, $0xb8;
	[tilespmem:$0xCE40] =	vst v63  }
0x26: {  	s21 =	simm.s32 $0x140  }
0x27: {  	[tilespmem:s22], [sflag:$0x5] =	stream.indirect.gather [hbm4b:s4+s14], $0x20, s21, s14, $0xb8;
	[tilespmem:$0xCE40] =	vst v63  }
0x28: {  	_ =	swait.ge [sflag:s23], $0xA00  }
0x29: {  	[sflag:s23] =	ssyncset.done $0x0  }
0x2a: {  	s19 =	simm.s32 $0x2710;
	[sflag:s23] =	ssyncadd.s32 $0xFFFFF600  }
0x2b: {  	[spmem:s2] =	stream.indirect.scatter.add.bf16 [tilespmem:s15], [sflag:$0x6], $0x20, s19, s14, $0xb8;
	[tilespmem:$0xCE40] =	vst v63  }
0x2c: {  	_ =	swait.ge [sflag:s24], $0xA00  }
0x2d: {  	[sflag:s24] =	ssyncset.done $0x0  }
0x2e: {  	s13 =	simm.s32 $0x190;
	[sflag:s24] =	ssyncadd.s32 $0xFFFFF600  }
0x2f: {  	[tilespmem:s15], [sflag:$0x1] =	stream.indirect.gather [hbm4b:s4+s14], $0x20, s13, s14, $0xb8;
	[tilespmem:$0xCE40] =	vst v63  }
0x30: {  	_ =	swait.ge [sflag:s25], $0xA00  }
0x31: {  	[sflag:s25] =	ssyncset.done $0x0  }
0x32: {  	s21 =	simm.s32 $0x2760;
	[sflag:s25] =	ssyncadd.s32 $0xFFFFF600  }
0x33: {  	[spmem:s2] =	stream.indirect.scatter.add.bf16 [tilespmem:s16], [sflag:$0x7], $0x20, s21, s14, $0xb8;
	[tilespmem:$0xCE40] =	vst v63  }
0x34: {  	_ =	swait.ge [sflag:s26], $0xA00  }
0x35: {  	[sflag:s26] =	ssyncset.done $0x0  }
0x36: {  	s13 =	simm.s32 $0x1E0;
	[sflag:s26] =	ssyncadd.s32 $0xFFFFF600  }
0x37: {  	[tilespmem:s16], [sflag:$0x2] =	stream.indirect.gather [hbm4b:s4+s14], $0x20, s13, s14, $0xb8;
	[tilespmem:$0xCE40] =	vst v63  }
0x38: {  	_ =	swait.ge [sflag:s28], $0xA00  }
0x39: {  	[sflag:s28] =	ssyncset.done $0x0  }
0x3a: {  	s21 =	simm.s32 $0x27B0;
	[sflag:s28] =	ssyncadd.s32 $0xFFFFF600  }
0x3b: {  	[spmem:s2] =	stream.indirect.scatter.add.bf16 [tilespmem:s18], [sflag:$0x8], $0x20, s21, s14, $0xb8;
	[tilespmem:$0xCE40] =	vst v63  }
0x3c: {  	_ =	swait.ge [sflag:s29], $0xA00  }
0x3d: {  	[sflag:s29] =	ssyncset.done $0x0  }
0x3e: {  	s13 =	simm.s32 $0x230;
	[sflag:s29] =	ssyncadd.s32 $0xFFFFF600  }
0x3f: {  	[tilespmem:s18], [sflag:$0x3] =	stream.indirect.gather [hbm4b:s4+s14], $0x20, s13, s14, $0xb8;
	[tilespmem:$0xCE40] =	vst v63  }
0x40: {  	_ =	swait.ge [sflag:s30], $0xA00  }
0x41: {  	[sflag:s30] =	ssyncset.done $0x0  }
0x42: {  	s21 =	simm.s32 $0x2800;
	[sflag:s30] =	ssyncadd.s32 $0xFFFFF600  }
0x43: {  	[spmem:s2] =	stream.indirect.scatter.add.bf16 [tilespmem:s20], [sflag:$0x9], $0x20, s21, s14, $0xb8;
	[tilespmem:$0xCE40] =	vst v63  }
0x44: {  	_ =	swait.ge [sflag:s31], $0xA00  }
0x45: {  	[sflag:s31] =	ssyncset.done $0x0  }
0x46: {  	s13 =	simm.s32 $0x280;
	[sflag:s31] =	ssyncadd.s32 $0xFFFFF600  }
0x47: {  	[tilespmem:s20], [sflag:$0x4] =	stream.indirect.gather [hbm4b:s4+s14], $0x20, s13, s14, $0xb8;
	[tilespmem:$0xCE40] =	vst v63  }
0x48: {  	_ =	swait.ge [sflag:s1], $0xA00  }
0x49: {  	[sflag:s1] =	ssyncset.done $0x0  }
0x4a: {  	s21 =	simm.s32 $0x2850;
	[sflag:s1] =	ssyncadd.s32 $0xFFFFF600  }
0x4b: {  	[spmem:s2] =	stream.indirect.scatter.add.bf16 [tilespmem:s22], [sflag:$0xA], $0x20, s21, s14, $0xb8;
	[tilespmem:$0xCE40] =	vst v63  }
0x4c: {  	_ =	swait.ge [sflag:s0], $0xA00  }
0x4d: {  	[sflag:s0] =	ssyncset.done $0x0  }
0x4e: {  	s19 =	simm.s32 $0x640;
	s21 =	simm.s32 $0x2D0;
	[sflag:s0] =	ssyncadd.s32 $0xFFFFF600  }
.LBB2_2:
0x4f: {  	[tilespmem:s22], [sflag:$0x5] =	stream.indirect.gather [hbm4b:s4+s14], $0x20, s21, s14, $0xb8;
	[tilespmem:$0xCE40] =	vst v63  }
0x50: {  	s21 =	smov.u32 s19  }
0x51: {  	p0 =	sne.s32 s19, $0x8FC0;
	s19 =	sadd.s32 $0x640, s19;
	_ =	swait.ge [sflag:s23], $0xA00  }
0x52: {  	s21 =	sshra.s32 s21, $0x2;
	[sflag:s23] =	ssyncset.done $0x0  }
0x53: {  	s13 =	sadd.s32 $0x2710, s21;
	[sflag:s23] =	ssyncadd.s32 $0xFFFFF600  }
0x54: {  	[spmem:s2] =	stream.indirect.scatter.add.bf16 [tilespmem:s15], [sflag:$0x6], $0x20, s13, s14, $0xb8;
	[tilespmem:$0xCE40] =	vst v63  }
0x55: {  	_ =	swait.ge [sflag:s24], $0xA00  }
0x56: {  	[sflag:s24] =	ssyncset.done $0x0  }
0x57: {  	s13 =	sadd.s32 $0x190, s21;
	[sflag:s24] =	ssyncadd.s32 $0xFFFFF600  }
0x58: {  	[tilespmem:s15], [sflag:$0x1] =	stream.indirect.gather [hbm4b:s4+s14], $0x20, s13, s14, $0xb8;
	[tilespmem:$0xCE40] =	vst v63  }
0x59: {  	_ =	swait.ge [sflag:s25], $0xA00  }
0x5a: {  	[sflag:s25] =	ssyncset.done $0x0  }
0x5b: {  	s13 =	sadd.s32 $0x2760, s21;
	[sflag:s25] =	ssyncadd.s32 $0xFFFFF600  }
0x5c: {  	[spmem:s2] =	stream.indirect.scatter.add.bf16 [tilespmem:s16], [sflag:$0x7], $0x20, s13, s14, $0xb8;
	[tilespmem:$0xCE40] =	vst v63  }
0x5d: {  	_ =	swait.ge [sflag:s26], $0xA00  }
0x5e: {  	[sflag:s26] =	ssyncset.done $0x0  }
0x5f: {  	s13 =	sadd.s32 $0x1E0, s21;
	[sflag:s26] =	ssyncadd.s32 $0xFFFFF600  }
0x60: {  	[tilespmem:s16], [sflag:$0x2] =	stream.indirect.gather [hbm4b:s4+s14], $0x20, s13, s14, $0xb8;
	[tilespmem:$0xCE40] =	vst v63  }
0x61: {  	_ =	swait.ge [sflag:s28], $0xA00  }
0x62: {  	[sflag:s28] =	ssyncset.done $0x0  }
0x63: {  	s13 =	sadd.s32 $0x27B0, s21;
	[sflag:s28] =	ssyncadd.s32 $0xFFFFF600  }
0x64: {  	[spmem:s2] =	stream.indirect.scatter.add.bf16 [tilespmem:s18], [sflag:$0x8], $0x20, s13, s14, $0xb8;
	[tilespmem:$0xCE40] =	vst v63  }
0x65: {  	_ =	swait.ge [sflag:s29], $0xA00  }
0x66: {  	[sflag:s29] =	ssyncset.done $0x0  }
0x67: {  	s13 =	sadd.s32 $0x230, s21;
	[sflag:s29] =	ssyncadd.s32 $0xFFFFF600  }
0x68: {  	[tilespmem:s18], [sflag:$0x3] =	stream.indirect.gather [hbm4b:s4+s14], $0x20, s13, s14, $0xb8;
	[tilespmem:$0xCE40] =	vst v63  }
0x69: {  	_ =	swait.ge [sflag:s30], $0xA00  }
0x6a: {  	[sflag:s30] =	ssyncset.done $0x0  }
0x6b: {  	s13 =	sadd.s32 $0x2800, s21;
	[sflag:s30] =	ssyncadd.s32 $0xFFFFF600  }
0x6c: {  	[spmem:s2] =	stream.indirect.scatter.add.bf16 [tilespmem:s20], [sflag:$0x9], $0x20, s13, s14, $0xb8;
	[tilespmem:$0xCE40] =	vst v63  }
0x6d: {  	_ =	swait.ge [sflag:s31], $0xA00  }
0x6e: {  	[sflag:s31] =	ssyncset.done $0x0  }
0x6f: {  	s13 =	sadd.s32 $0x280, s21;
	[sflag:s31] =	ssyncadd.s32 $0xFFFFF600  }
0x70: {  	[tilespmem:s20], [sflag:$0x4] =	stream.indirect.gather [hbm4b:s4+s14], $0x20, s13, s14, $0xb8;
	[tilespmem:$0xCE40] =	vst v63  }
0x71: {  	_ =	swait.ge [sflag:s1], $0xA00  }
0x72: {  	[sflag:s1] =	ssyncset.done $0x0  }
.Ltmp0:
0x73: {  	s13 =	sadd.s32 $0x2850, s21;
	[sflag:s1] =	ssyncadd.s32 $0xFFFFF600;
	(pc) =	sbr.rel @p0 .LBB2_2-.Ltmp0, $4  }
0x74: {  	[spmem:s2] =	stream.indirect.scatter.add.bf16 [tilespmem:s22], [sflag:$0xA], $0x20, s13, s14, $0xb8;
	[tilespmem:$0xCE40] =	vst v63  }
0x75: {  	_ =	swait.ge [sflag:s0], $0xA00  }
0x76: {  	[sflag:s0] =	ssyncset.done $0x0  }
0x77: {  	s21 =	sadd.s32 $0x2D0, s21;
	[sflag:s0] =	ssyncadd.s32 $0xFFFFF600  }
0x78: {  	[tilespmem:s22], [sflag:$0x5] =	stream.indirect.gather [hbm4b:s4+s14], $0x20, s21, s14, $0xb8;
	[tilespmem:$0xCE40] =	vst v63  }
0x79: {  	_ =	swait.ge [sflag:s23], $0xA00  }
0x7a: {  	[sflag:s23] =	ssyncset.done $0x0  }
0x7b: {  	s13 =	simm.s32 $0x4C90;
	[sflag:s23] =	ssyncadd.s32 $0xFFFFF600  }
0x7c: {  	[spmem:s2] =	stream.indirect.scatter.add.bf16 [tilespmem:s15], [sflag:$0x6], $0x20, s13, s14, $0xb8;
	[tilespmem:$0xCE40] =	vst v63  }
0x7d: {  	_ =	swait.ge [sflag:s25], $0xA00  }
0x7e: {  	[sflag:s25] =	ssyncset.done $0x0  }
0x7f: {  	s19 =	simm.s32 $0x4CE0;
	[sflag:s25] =	ssyncadd.s32 $0xFFFFF600  }
0x80: {  	[spmem:s2] =	stream.indirect.scatter.add.bf16 [tilespmem:s16], [sflag:$0x7], $0x20, s19, s14, $0xb8;
	[tilespmem:$0xCE40] =	vst v63  }
0x81: {  	_ =	swait.ge [sflag:s28], $0xA00  }
0x82: {  	[sflag:s28] =	ssyncset.done $0x0  }
0x83: {  	s21 =	simm.s32 $0x4D30;
	[sflag:s28] =	ssyncadd.s32 $0xFFFFF600  }
0x84: {  	[spmem:s2] =	stream.indirect.scatter.add.bf16 [tilespmem:s18], [sflag:$0x8], $0x20, s21, s14, $0xb8;
	[tilespmem:$0xCE40] =	vst v63  }
0x85: {  	_ =	swait.ge [sflag:s30], $0xA00  }
0x86: {  	[sflag:s30] =	ssyncset.done $0x0  }
0x87: {  	s19 =	simm.s32 $0x4D80;
	[sflag:s30] =	ssyncadd.s32 $0xFFFFF600  }
0x88: {  	[spmem:s2] =	stream.indirect.scatter.add.bf16 [tilespmem:s20], [sflag:$0x9], $0x20, s19, s14, $0xb8;
	[tilespmem:$0xCE40] =	vst v63  }
0x89: {  	_ =	swait.ge [sflag:s1], $0xA00  }
0x8a: {  	[sflag:s1] =	ssyncset.done $0x0  }
0x8b: {  	s21 =	simm.s32 $0x4DD0;
	[sflag:s1] =	ssyncadd.s32 $0xFFFFF600  }
0x8c: {  	[spmem:s2] =	stream.indirect.scatter.add.bf16 [tilespmem:s22], [sflag:$0xA], $0x20, s21, s14, $0xb8;
	[tilespmem:$0xCE40] =	vst v63  }
0x8d: {  	_ =	swait.ge [sflag:s24], $0xA00  }
0x8e: {  	[sflag:s24] =	ssyncset.done $0x0  }
0x8f: {  	[sflag:s24] =	ssyncadd.s32 $0xFFFFF600  }
0x90: {  	_ =	swait.ge [sflag:s26], $0xA00  }
0x91: {  	[sflag:s26] =	ssyncset.done $0x0  }
0x92: {  	[sflag:s26] =	ssyncadd.s32 $0xFFFFF600  }
0x93: {  	_ =	swait.ge [sflag:s29], $0xA00  }
0x94: {  	[sflag:s29] =	ssyncset.done $0x0  }
0x95: {  	[sflag:s29] =	ssyncadd.s32 $0xFFFFF600  }
0x96: {  	_ =	swait.ge [sflag:s31], $0xA00  }
0x97: {  	[sflag:s31] =	ssyncset.done $0x0  }
0x98: {  	[sflag:s31] =	ssyncadd.s32 $0xFFFFF600  }
0x99: {  	_ =	swait.ge [sflag:s0], $0xA00  }
0x9a: {  	s17 =	sadd.s32 $0x1, s17;
	[sflag:s0] =	ssyncset.done $0x0  }
0x9b: {  	p0 =	sne.s32 s17, s10;
	[sflag:s0] =	ssyncadd.s32 $0xFFFFF600  }
.Ltmp1:
0x9c: {  	[bflag:$0x0] =	sbarrier.arrive $0xFFFF;
	(pc) =	sbr.rel @p0 .LBB2_1-.Ltmp1, $4  }
0x9d: {  	[hbm:s9], [sflag:s6] =	dma.local [spmem:s11], $0x9C4  }
0x9e: {  	_ =	swait.ge [sflag:s12], $0x9C4  }
0x9f: {  	[sflag:s12] =	ssyncset.done $0x0  }
0xa0: {  	[sflag:s12] =	ssyncadd.s32 $0xFFFFF63C  }
0xa1: {  	_ =	sfence.sel $0x180000  }
0xa2: {  	[bflag:$0x0] =	sbarrier.arrive $0xFFFF  }
0xa3: {  	_ =	strace $0x9000004A  }
0xa4: {  	s0 =	stileid.u32;
	[bflag:$0x2] =	sbarrier.arrive $0xFFFF  }
0xa5: {  	p0 =	sne.s32 s0, $0x0;
	s0 =	rddreg [dreg:$0x2]  }
0xa6: {  	s0 =	sadd.s32 @!p0 $0x100000, s0  }
0xa7: {  	[sflag:s0] =	ssyncadd.tile.s32 @!p0 $0x1;
	_ =	shalt  }
.Lfunc_end2:
_tile_overlayer_lowered:
.L_overlay_start_2:
0xa8: {  	(tag) =	ssettag $0x2  }
0xa9: {  	s0 =	rddreg [dreg:$0x0];
	s2 =	stileid.u32  }
0xaa: {  	s1 =	rddreg [dreg:$0x1];
	p0 =	sne.s32 s2, $0x0  }
0xab: {  	s3 =	rddreg [dreg:$0x2];
	[bflag:$0x3] =	sbarrier.arrive $0xFFFF;
	s2 =	simm.s32 @!p0 $0x1C0B  }
0xac: {  	[timem:s3], [sflag:s2] =	dma.local @!p0 [hbm:s0], s1  }
0xad: {  	s0 =	simm.s32 @!p0 $0xB  }
0xae: {  	_ =	swait.ge @!p0 [sflag:s0], s1  }
0xaf: {  	s1 =	ssub.s32 @!p0 $0x0, s1;
	[sflag:s0] =	ssyncset.done @!p0 $0x0  }
0xb0: {  	[sflag:s0] =	ssyncadd.s32 @!p0 s1  }
0xb1: {  	[bflag:$0x3] =	sbarrier.arrive $0xFFFF  }
0xb2: {  	_ =	shalt  }

// kernel: kernel.18.cloned.1.call-start
scs
__scs_entry_jumppad:
0x0: {  	(pc) =	sbr.rel $0x88, $3  }
0x1: {  	(tag) =	ssettag $0x0;
	lr =	simm.s32 $0x1  }
0x2: {  	[smem:$0x3F93] =	sst lr;
	_ =	strace $0xD0000000  }
0x3: {  	_ = 	snop  }
0x4: {  	_ = 	snop  }
0x5: {  	_ = 	snop  }
0x6: {  	_ = 	snop  }
0x7: {  	_ = 	snop  }
__scs_overlays_trampoline_lowered:
0x8: {  	[smem:$0x3FA2] =	sst s0  }
0x9: {  	[smem:$0x3FA3] =	sst s1  }
0xa: {  	[smem:$0x3FA4] =	sst s2  }
0xb: {  	[smem:$0x3FA5] =	sst s3  }
0xc: {  	[smem:$0x3FA6] =	sst s4  }
0xd: {  	[smem:$0x3FA7] =	sst s5  }
0xe: {  	[smem:$0x3FA8] =	sst s6  }
0xf: {  	[smem:$0x3FA9] =	sst s7  }
0x10: {  	[smem:$0x3FAA] =	sst s8  }
0x11: {  	[smem:$0x3FAB] =	sst s9;
	s0 =	simm.s32 @!p0 $0x0  }
0x12: {  	s1 =	sld [smem:$0x3F91];
	s0 =	simm.s32 @p0 $0x1  }
0x13: {  	[smem:$0x3FAC] =	sst s0;
	s0 =	simm.s32 @!p1 $0x0  }
0x14: {  	s2 =	sld [smem:$0x3F90];
	s0 =	simm.s32 @p1 $0x1  }
0x15: {  	[smem:$0x3FAD] =	sst s0;
	s0 =	simm.s32 @!p2 $0x0  }
0x16: {  	s3 =	sld [smem:$0x3FDB];
	s0 =	simm.s32 @p2 $0x1  }
0x17: {  	s4 =	simm.s32 $0x1BF5;
	[smem:$0x3FAF] =	sst s0  }
0x18: {  	s0 =	sld [smem:$0x3F92];
	_ =	swait.ge [sflag:s4], $0x0  }
0x19: {  	s7 =	sld [smem:$0x3F93]  }
0x1a: {  	s8 =	sadd.s32 $0xFFFFE003, lr  }
0x1b: {  	s9 =	sadd.s32 $0xFFFFFEF7, lr;
	s5 =	simm.s32 $0xFFFFFFFF;
	p2 =	slt.u32 s8, $0xFFFFF086  }
0x1c: {  	p1 =	slt.u32 s9, $0xF7A;
	s5 =	simm.s32 @!p2 $0x0  }
0x1d: {  	s5 =	simm.s32 @p1 $0x1;
	p0 =	seq.s32 s7, s2  }
0x1e: {  	s7 =	smul.u32 @!p0 $0xF7A, s2;
	p2 =	seq.s32 @!p0 s5, $0x0  }
0x1f: {  	s9 =	smul.u32 $0xF7A, s1;
	s8 =	simm.s32 @!p0 $0x1BF5;
	p2 =	por !p2, p0  }
0x20: {  	[sflag:s8] =	ssyncset.s32 @!p0 $0xFFFFF086;
	s6 =	sadd.s32 @!p0 s3, s7;
	s7 =	simm.s32 @!p0 $0x108  }
0x21: {  	s3 =	sadd.s32 s3, s9;
	s6 =	sadd.s32 @!p0 $0x88, s6;
	s7 =	simm.s32 @p2 $0x1082  }
0x22: {  	[simem:s7], [sflag:s8] =	dma.local @!p0 [hbm:s6], $0xF7A  }
0x23: {  	s9 =	sor.u32 $0xD0000000, s2;
	s6 =	simm.s32 $0x108;
	_ =	swait.ge @!p0 [sflag:s8], $0x0  }
0x24: {  	s3 =	sadd.s32 $0x88, s3;
	s6 =	simm.s32 @!p1 $0x1082;
	[sflag:s4] =	ssyncset.s32 $0xFFFFF086  }
0x25: {  	[simem:s6], [sflag:s4] =	dma.local [hbm:s3], $0xF7A  }
0x26: {  	[smem:$0x3F93] =	sst s1;
	(tag) =	ssettag s2;
	_ =	strace s9  }
0x27: {  	s1 =	sld [smem:$0x3FA3]  }
0x28: {  	s2 =	sld [smem:$0x3FA4]  }
0x29: {  	s4 =	sld [smem:$0x3FA6]  }
0x2a: {  	p0 =	seq.s32 s5, $0x0;
	s5 =	sld [smem:$0x3FA7]  }
0x2b: {  	s6 =	sld [smem:$0x3FA8]  }
0x2c: {  	s7 =	sld [smem:$0x3FA9]  }
0x2d: {  	s3 =	simm.s32 $0x108;
	s8 =	sld [smem:$0x3FAA]  }
0x2e: {  	s3 =	simm.s32 @!p0 $0x1082;
	s9 =	sld [smem:$0x3FAB]  }
0x2f: {  	lr =	sadd.s32 s0, s3;
	s0 =	sld [smem:$0x3FA2]  }
0x30: {  	s3 =	sld [smem:$0x3FA5]  }
0x31: {  	[smem:$0x3FAE] =	sst s10  }
0x32: {  	s10 =	sld [smem:$0x3FAC];
	_ =	sdelay $0x3  }
0x33: {  	p0 =	seq.s32 s10, $0x1;
	s10 =	sld [smem:$0x3FAE];
	_ =	sdelay $0x3  }
0x34: {  	[smem:$0x3FAE] =	sst s10  }
0x35: {  	s10 =	sld [smem:$0x3FAD];
	_ =	sdelay $0x3  }
0x36: {  	p1 =	seq.s32 s10, $0x1;
	s10 =	sld [smem:$0x3FAE];
	_ =	sdelay $0x3  }
0x37: {  	[smem:$0x3FAE] =	sst s10  }
0x38: {  	s10 =	sld [smem:$0x3FAF]  }
0x39: {  	_ = 	snop;
	(pc) =	sbr.ind lr, $3  }
0x3a: {  	_ = 	snop  }
0x3b: {  	_ = 	snop  }
0x3c: {  	p2 =	seq.s32 s10, $0x1;
	s10 =	sld [smem:$0x3FAE]  }
0x3d: {  	_ =	shalt  }
0x3e: {  	_ =	shalt  }
0x3f: {  	_ =	shalt  }
0x40: {  	_ =	shalt  }
0x41: {  	_ =	shalt  }
0x42: {  	_ =	shalt  }
0x43: {  	_ =	shalt  }
0x44: {  	_ =	shalt  }
0x45: {  	_ =	shalt  }
0x46: {  	_ =	shalt  }
0x47: {  	_ =	shalt  }
0x48: {  	_ =	shalt  }
0x49: {  	_ =	shalt  }
0x4a: {  	_ =	shalt  }
0x4b: {  	_ =	shalt  }
0x4c: {  	_ =	shalt  }
0x4d: {  	_ =	shalt  }
0x4e: {  	_ =	shalt  }
0x4f: {  	_ =	shalt  }
0x50: {  	_ =	shalt  }
0x51: {  	_ =	shalt  }
0x52: {  	_ =	shalt  }
0x53: {  	_ =	shalt  }
0x54: {  	_ =	shalt  }
0x55: {  	_ =	shalt  }
0x56: {  	_ =	shalt  }
0x57: {  	_ =	shalt  }
0x58: {  	_ =	shalt  }
0x59: {  	_ =	shalt  }
0x5a: {  	_ =	shalt  }
0x5b: {  	_ =	shalt  }
0x5c: {  	_ =	shalt  }
0x5d: {  	_ =	shalt  }
0x5e: {  	_ =	shalt  }
0x5f: {  	_ =	shalt  }
0x60: {  	_ =	shalt  }
0x61: {  	_ =	shalt  }
0x62: {  	_ =	shalt  }
0x63: {  	_ =	shalt  }
0x64: {  	_ =	shalt  }
0x65: {  	_ =	shalt  }
0x66: {  	_ =	shalt  }
0x67: {  	_ =	shalt  }
0x68: {  	_ =	shalt  }
0x69: {  	_ =	shalt  }
0x6a: {  	_ =	shalt  }
0x6b: {  	_ =	shalt  }
0x6c: {  	_ =	shalt  }
0x6d: {  	_ =	shalt  }
0x6e: {  	_ =	shalt  }
0x6f: {  	_ =	shalt  }
0x70: {  	_ =	shalt  }
0x71: {  	_ =	shalt  }
0x72: {  	_ =	shalt  }
0x73: {  	_ =	shalt  }
0x74: {  	_ =	shalt  }
0x75: {  	_ =	shalt  }
0x76: {  	_ =	shalt  }
0x77: {  	_ =	shalt  }
0x78: {  	_ =	shalt  }
0x79: {  	_ =	shalt  }
0x7a: {  	_ =	shalt  }
0x7b: {  	_ =	shalt  }
0x7c: {  	_ =	shalt  }
0x7d: {  	_ =	shalt  }
0x7e: {  	_ =	shalt  }
0x7f: {  	_ =	shalt  }
0x80: {  	_ =	shalt  }
0x81: {  	_ =	shalt  }
0x82: {  	_ =	shalt  }
0x83: {  	_ =	shalt  }
0x84: {  	_ =	shalt  }
0x85: {  	_ =	shalt  }
0x86: {  	_ =	shalt  }
0x87: {  	_ =	shalt  }
.Lfunc_end0:
.L_simem_size_0:
called_computation.2_lowered:
.L_overlay_start_0:
0x88: {  	s2 =	sld [smem:$0x3FD9]  }
0x89: {  	s3 =	sld [smem:$0x3FFE];
	_ =	sdelay $0x1  }
0x8a: {  	s1 =	srdreg.scid  }
0x8b: {  	s0 =	sand.u32 $0x1, s1  }
0x8c: {  	s16 =	sshll.u32 s0, $0xA;
	s2 =	sadd.s32 s3, s2  }
0x8d: {  	s2 =	sadd.s32 s2, s16  }
0x8e: {  	[smem:$0x3FBA] =	sst s2  }
0x8f: {  	_ = 	snop  }
0x90: {  	(tm) =	ssettm $0x1  }
0x91: {  	s17 =	sld [smem:$0x3FFB];
	_ =	sdelay $0x3  }
0x92: {  	_ =	strace s17  }
0x93: {  	s2 =	sld [smem:$0x3FFC];
	_ =	sdelay $0x3  }
0x94: {  	_ =	strace s2  }
0x95: {  	s2 =	sld [smem:$0x3FFD];
	_ =	sdelay $0x3  }
0x96: {  	_ =	strace s2  }
0x97: {  	_ =	strace $0x8FFFFFFF  }
0x98: {  	s18 =	sld [smem:$0x3FDB];
	_ =	sdelay $0x1  }
0x99: {  	s19 =	simm.s32 $_scs_section_size  }
0x9a: {  	s4 =	simm.s32 $_size__tile_overlayer_lowered;
	s5 =	simm.s32 $_tile_overlayer_lowered  }
0x9b: {  	s22 =	simm.s32 $0x1BFF;
	s21 =	sshll.u32 s5, $0x1;
	s2 =	sadd.s32 s19, s18  }
0x9c: {  	s6 =	simm.s32 $0x0;
	s20 =	sshll.u32 s4, $0x1;
	s4 =	sadd.s32 s21, s2  }
0x9d: {  	[timem:s6], [sflag:s22] =	dma.local [hbm:s4], s20  }
0x9e: {  	_ =	swait.ge [sflag:s22], s20  }
0x9f: {  	s3 =	ssub.s32 $0x0, s20;
	[sflag:s22] =	ssyncset.done $0x0  }
0xa0: {  	[sflag:s22] =	ssyncadd.s32 s3;
	_ =	sdelay $0x1  }
0xa1: {  	s23 =	simm.s32 $0x1B8B  }
0xa2: {  	_ =	swait.ge [sflag:s23], $0x1  }
0xa3: {  	[sflag:s23] =	ssyncset.done $0x0  }
0xa4: {  	s25 =	simm.s32 $0x1B8E;
	s24 =	sld [smem:$0x3FFE];
	[sflag:s23] =	ssyncadd.s32 $0xFFFFFFFF  }
0xa5: {  	s26 =	simm.s32 $execute0_lowered;
	[smem:$0x3FD2] =	sst s25  }
0xa6: {  	s4 =	sshll.u32 s26, $0x1;
	_ =	strace $0x8000004C;
	[dreg:$0x1] =	wrdreg $0xFFFFFFFF  }
0xa7: {  	s28 =	simm.s32 $_size_execute0_lowered;
	s2 =	sadd.s32 s2, s4;
	[dreg:$0x0] =	wrdreg $0x0  }
0xa8: {  	s4 =	sshll.u32 s28, $0x1;
	[dreg:$0x2] =	wrdreg s2  }
0xa9: {  	[dreg:$0x3] =	wrdreg s4  }
0xaa: {  	[dreg:$0x4] =	wrdreg $0xC0  }
0xab: {  	_ =	task [dreg:s6], $0x5FFFF  }
0xac: {  	[dreg:$0x1] =	wrdreg $0xFFFFFFFF  }
0xad: {  	[dreg:$0x0] =	wrdreg $0x60  }
0xae: {  	[dreg:$0x2] =	wrdreg s24  }
0xaf: {  	[dreg:$0x3] =	wrdreg $0x80200  }
0xb0: {  	[dreg:$0x4] =	wrdreg $0x9  }
0xb1: {  	_ =	task.clear_ibuf [dreg:s6], $0x5FFFF;
	_ =	strace $0x9000004C  }
0xb2: {  	s29 =	simm.s32 $0x9;
	_ =	strace $0x8000004E  }
0xb3: {  	_ =	swait.ge [sflag:s29], $0x1  }
0xb4: {  	[sflag:s29] =	ssyncadd.s32 $0xFFFFFFFF  }
0xb5: {  	_ =	strace $0x9000004E  }
0xb6: {  	_ =	sfence  }
0xb7: {  	s30 =	sld [smem:$0x0];
	_ =	sdelay $0x2  }
0xb8: {  	s31 =	sshll.u32 s1, $0xD;
	s1 =	sshrl.u32 s1, $0x2  }
0xb9: {  	s3 =	sand.u32 $0x4000, s31;
	s1 =	sadd.s32 s1, s30  }
0xba: {  	s0 =	sor.u32 s3, s0;
	s1 =	sshll.u32 s1, $0x11  }
0xbb: {  	s0 =	sor.u32 s1, s0  }
0xbc: {  	s0 =	sadd.s32 $0x8F2B, s0  }
0xbd: {  	[sflag:s0] =	ssyncadd.remote.s32 $0x1  }
0xbe: {  	_ =	sfence.sel $0xFFFF  }
0xbf: {  	[dreg:$0x0] =	wrdreg $0xFFFFFFFF;
	(pc) =	sbr.abs _section_cstart, $3  }
0xc0: {  	[dreg:$0x1] =	wrdreg $0xFFFFFFFF  }
0xc1: {  	_ =	task.clear_ibuf [dreg:s6], $0x2FFFF;
	_ =	strace $0x9FFFFFFF  }
0xc2: {  	(tm) =	ssettm $0x7FFFFFFF  }
0xc3: {  	_ =	shalt  }
tec
execute0_lowered:
.L_overlay_start_1:
0x0: {  	(tag) =	ssettag $0x1  }
0x1: {  	s0 =	srdreg.scid;
	s6 =	rddreg [dreg:$0x0]  }
0x2: {  	s10 =	stileid.u32;
	s2 =	rddreg [dreg:$0x1]  }
0x3: {  	s3 =	simm.s32 $0x0;
	s12 =	simm.s32 $0xB;
	s14 =	simm.s32 $0x50  }
0x4: {  	s15 =	simm.s32 $0x4E20;
	s16 =	simm.s32 $0x5820;
	s18 =	simm.s32 $0x6220  }
0x5: {  	s20 =	simm.s32 $0x6C20;
	s22 =	simm.s32 $0x7620;
	s23 =	simm.s32 $0x1  }
0x6: {  	s24 =	simm.s32 $0x6;
	s28 =	simm.s32 $0x3;
	s29 =	simm.s32 $0x8  }
0x7: {  	s30 =	simm.s32 $0x4;
	s31 =	simm.s32 $0x9;
	s17 =	simm.s32 $0x0  }
0x8: {  	s0 =	sand.u32 $0x1, s0;
	s7 =	smul.u32 $0x9C40, s10;
	[smem:$0x7FF] =	sst s3  }
0x9: {  	s4 =	sadd.s32 $0x45600, s6;
	s26 =	sshll.u32 s10, $0x6;
	s1 =	sshll.u32 s0, $0x4  }
0xa: {  	s5 =	smul.u32 $0x9C400, s0;
	s0 =	ssub.s32 $0x2, s0;
	s1 =	sor.u32 s10, s1  }
0xb: {  	_ =	strace $0x8000004D;
	s25 =	sshrl.u32 s0, $0x1;
	s1 =	smul.u32 $0x4E2, s1  }
0xc: {  	s8 =	sadd.s32 s7, s5;
	s5 =	sadd.s32 $0x1DA00, s6;
	s7 =	sshrl.u32 s7, $0x1  }
0xd: {  	s0 =	ssub.s32 s0, s25;
	s25 =	simm.s32 $0x2;
	s8 =	sshrl.u32 s8, $0x4  }
0xe: {  	s11 =	sadd.s32 s7, s2;
	s10 =	smax.u32 s0, $0x1;
	s0 =	simm.s32 $0xA  }
0xf: {  	s1 =	sadd.s32 s1, s6;
	s9 =	sadd.s32 s8, s6;
	s6 =	sor.u32 $0x1C0B, s26  }
0x10: {  	s11 =	sshrl.u32 s11, $0x3;
	s26 =	simm.s32 $0x7;
	s7 =	sadd.s32 $0x4800, s1  }
0x11: {  	s8 =	sadd.s32 $0xE600, s1;
	s9 =	sadd.s32 $0x4F400, s9;
	s1 =	simm.s32 $0x5  }
.LBB2_1:
0x12: {  	[spmem:s11], [sflag:s6] =	dma.local [hbm:s5], $0x9C4  }
0x13: {  	_ =	swait.ge [sflag:s12], $0x9C4  }
0x14: {  	[sflag:s12] =	ssyncset.done $0x0  }
0x15: {  	[sflag:s12] =	ssyncadd.s32 $0xFFFFF63C  }
0x16: {  	[tilespmem:s3], [sflag:$0xB] =	stream.linear.gather [hbm4b:s7+s3], $0x2710, $0x38;
	[tilespmem:$0xCE40] =	vst v63  }
0x17: {  	_ =	swait.ge [sflag:s12], $0x2710  }
0x18: {  	[sflag:s12] =	ssyncset.done $0x0  }
0x19: {  	s13 =	simm.s32 $0x2710;
	[sflag:s12] =	ssyncadd.s32 $0xFFFFD8F0  }
0x1a: {  	[tilespmem:s13], [sflag:$0xB] =	stream.linear.gather [hbm4b:s8+s3], $0x2710, $0x38;
	[tilespmem:$0xCE40] =	vst v63  }
0x1b: {  	_ =	swait.ge [sflag:s12], $0x2710  }
0x1c: {  	[sflag:s12] =	ssyncset.done $0x0  }
0x1d: {  	[sflag:s12] =	ssyncadd.s32 $0xFFFFD8F0  }
0x1e: {  	[bflag:$0x0] =	sbarrier.arrive $0xFFFF  }
0x1f: {  	[tilespmem:s15], [sflag:$0x1] =	stream.indirect.gather [hbm4b:s4+s14], $0x20, s3, s14, $0xb8;
	[tilespmem:$0xCE40] =	vst v63  }
0x20: {  	_ = 	snop  }
0x21: {  	[tilespmem:s16], [sflag:$0x2] =	stream.indirect.gather [hbm4b:s4+s14], $0x20, s14, s14, $0xb8;
	[tilespmem:$0xCE40] =	vst v63  }
0x22: {  	s21 =	simm.s32 $0xA0  }
0x23: {  	[tilespmem:s18], [sflag:$0x3] =	stream.indirect.gather [hbm4b:s4+s14], $0x20, s21, s14, $0xb8;
	[tilespmem:$0xCE40] =	vst v63  }
0x24: {  	s19 =	simm.s32 $0xF0  }
0x25: {  	[tilespmem:s20], [sflag:$0x4] =	stream.indirect.gather [hbm4b:s4+s14], $0x20, s19, s14, $0xb8;
	[tilespmem:$0xCE40] =	vst v63  }
0x26: {  	s21 =	simm.s32 $0x140  }
0x27: {  	[tilespmem:s22], [sflag:$0x5] =	stream.indirect.gather [hbm4b:s4+s14], $0x20, s21, s14, $0xb8;
	[tilespmem:$0xCE40] =	vst v63  }
0x28: {  	_ =	swait.ge [sflag:s23], $0xA00  }
0x29: {  	[sflag:s23] =	ssyncset.done $0x0  }
0x2a: {  	s19 =	simm.s32 $0x2710;
	[sflag:s23] =	ssyncadd.s32 $0xFFFFF600  }
0x2b: {  	[spmem:s2] =	stream.indirect.scatter.add.bf16 [tilespmem:s15], [sflag:$0x6], $0x20, s19, s14, $0xb8;
	[tilespmem:$0xCE40] =	vst v63  }
0x2c: {  	_ =	swait.ge [sflag:s24], $0xA00  }
0x2d: {  	[sflag:s24] =	ssyncset.done $0x0  }
0x2e: {  	s13 =	simm.s32 $0x190;
	[sflag:s24] =	ssyncadd.s32 $0xFFFFF600  }
0x2f: {  	[tilespmem:s15], [sflag:$0x1] =	stream.indirect.gather [hbm4b:s4+s14], $0x20, s13, s14, $0xb8;
	[tilespmem:$0xCE40] =	vst v63  }
0x30: {  	_ =	swait.ge [sflag:s25], $0xA00  }
0x31: {  	[sflag:s25] =	ssyncset.done $0x0  }
0x32: {  	s21 =	simm.s32 $0x2760;
	[sflag:s25] =	ssyncadd.s32 $0xFFFFF600  }
0x33: {  	[spmem:s2] =	stream.indirect.scatter.add.bf16 [tilespmem:s16], [sflag:$0x7], $0x20, s21, s14, $0xb8;
	[tilespmem:$0xCE40] =	vst v63  }
0x34: {  	_ =	swait.ge [sflag:s26], $0xA00  }
0x35: {  	[sflag:s26] =	ssyncset.done $0x0  }
0x36: {  	s13 =	simm.s32 $0x1E0;
	[sflag:s26] =	ssyncadd.s32 $0xFFFFF600  }
0x37: {  	[tilespmem:s16], [sflag:$0x2] =	stream.indirect.gather [hbm4b:s4+s14], $0x20, s13, s14, $0xb8;
	[tilespmem:$0xCE40] =	vst v63  }
0x38: {  	_ =	swait.ge [sflag:s28], $0xA00  }
0x39: {  	[sflag:s28] =	ssyncset.done $0x0  }
0x3a: {  	s21 =	simm.s32 $0x27B0;
	[sflag:s28] =	ssyncadd.s32 $0xFFFFF600  }
0x3b: {  	[spmem:s2] =	stream.indirect.scatter.add.bf16 [tilespmem:s18], [sflag:$0x8], $0x20, s21, s14, $0xb8;
	[tilespmem:$0xCE40] =	vst v63  }
0x3c: {  	_ =	swait.ge [sflag:s29], $0xA00  }
0x3d: {  	[sflag:s29] =	ssyncset.done $0x0  }
0x3e: {  	s13 =	simm.s32 $0x230;
	[sflag:s29] =	ssyncadd.s32 $0xFFFFF600  }
0x3f: {  	[tilespmem:s18], [sflag:$0x3] =	stream.indirect.gather [hbm4b:s4+s14], $0x20, s13, s14, $0xb8;
	[tilespmem:$0xCE40] =	vst v63  }
0x40: {  	_ =	swait.ge [sflag:s30], $0xA00  }
0x41: {  	[sflag:s30] =	ssyncset.done $0x0  }
0x42: {  	s21 =	simm.s32 $0x2800;
	[sflag:s30] =	ssyncadd.s32 $0xFFFFF600  }
0x43: {  	[spmem:s2] =	stream.indirect.scatter.add.bf16 [tilespmem:s20], [sflag:$0x9], $0x20, s21, s14, $0xb8;
	[tilespmem:$0xCE40] =	vst v63  }
0x44: {  	_ =	swait.ge [sflag:s31], $0xA00  }
0x45: {  	[sflag:s31] =	ssyncset.done $0x0  }
0x46: {  	s13 =	simm.s32 $0x280;
	[sflag:s31] =	ssyncadd.s32 $0xFFFFF600  }
0x47: {  	[tilespmem:s20], [sflag:$0x4] =	stream.indirect.gather [hbm4b:s4+s14], $0x20, s13, s14, $0xb8;
	[tilespmem:$0xCE40] =	vst v63  }
0x48: {  	_ =	swait.ge [sflag:s1], $0xA00  }
0x49: {  	[sflag:s1] =	ssyncset.done $0x0  }
0x4a: {  	s21 =	simm.s32 $0x2850;
	[sflag:s1] =	ssyncadd.s32 $0xFFFFF600  }
0x4b: {  	[spmem:s2] =	stream.indirect.scatter.add.bf16 [tilespmem:s22], [sflag:$0xA], $0x20, s21, s14, $0xb8;
	[tilespmem:$0xCE40] =	vst v63  }
0x4c: {  	_ =	swait.ge [sflag:s0], $0xA00  }
0x4d: {  	[sflag:s0] =	ssyncset.done $0x0  }
0x4e: {  	s19 =	simm.s32 $0x640;
	s21 =	simm.s32 $0x2D0;
	[sflag:s0] =	ssyncadd.s32 $0xFFFFF600  }
.LBB2_2:
0x4f: {  	[tilespmem:s22], [sflag:$0x5] =	stream.indirect.gather [hbm4b:s4+s14], $0x20, s21, s14, $0xb8;
	[tilespmem:$0xCE40] =	vst v63  }
0x50: {  	s21 =	smov.u32 s19  }
0x51: {  	p0 =	sne.s32 s19, $0x8FC0;
	s19 =	sadd.s32 $0x640, s19;
	_ =	swait.ge [sflag:s23], $0xA00  }
0x52: {  	s21 =	sshra.s32 s21, $0x2;
	[sflag:s23] =	ssyncset.done $0x0  }
0x53: {  	s13 =	sadd.s32 $0x2710, s21;
	[sflag:s23] =	ssyncadd.s32 $0xFFFFF600  }
0x54: {  	[spmem:s2] =	stream.indirect.scatter.add.bf16 [tilespmem:s15], [sflag:$0x6], $0x20, s13, s14, $0xb8;
	[tilespmem:$0xCE40] =	vst v63  }
0x55: {  	_ =	swait.ge [sflag:s24], $0xA00  }
0x56: {  	[sflag:s24] =	ssyncset.done $0x0  }
0x57: {  	s13 =	sadd.s32 $0x190, s21;
	[sflag:s24] =	ssyncadd.s32 $0xFFFFF600  }
0x58: {  	[tilespmem:s15], [sflag:$0x1] =	stream.indirect.gather [hbm4b:s4+s14], $0x20, s13, s14, $0xb8;
	[tilespmem:$0xCE40] =	vst v63  }
0x59: {  	_ =	swait.ge [sflag:s25], $0xA00  }
0x5a: {  	[sflag:s25] =	ssyncset.done $0x0  }
0x5b: {  	s13 =	sadd.s32 $0x2760, s21;
	[sflag:s25] =	ssyncadd.s32 $0xFFFFF600  }
0x5c: {  	[spmem:s2] =	stream.indirect.scatter.add.bf16 [tilespmem:s16], [sflag:$0x7], $0x20, s13, s14, $0xb8;
	[tilespmem:$0xCE40] =	vst v63  }
0x5d: {  	_ =	swait.ge [sflag:s26], $0xA00  }
0x5e: {  	[sflag:s26] =	ssyncset.done $0x0  }
0x5f: {  	s13 =	sadd.s32 $0x1E0, s21;
	[sflag:s26] =	ssyncadd.s32 $0xFFFFF600  }
0x60: {  	[tilespmem:s16], [sflag:$0x2] =	stream.indirect.gather [hbm4b:s4+s14], $0x20, s13, s14, $0xb8;
	[tilespmem:$0xCE40] =	vst v63  }
0x61: {  	_ =	swait.ge [sflag:s28], $0xA00  }
0x62: {  	[sflag:s28] =	ssyncset.done $0x0  }
0x63: {  	s13 =	sadd.s32 $0x27B0, s21;
	[sflag:s28] =	ssyncadd.s32 $0xFFFFF600  }
0x64: {  	[spmem:s2] =	stream.indirect.scatter.add.bf16 [tilespmem:s18], [sflag:$0x8], $0x20, s13, s14, $0xb8;
	[tilespmem:$0xCE40] =	vst v63  }
0x65: {  	_ =	swait.ge [sflag:s29], $0xA00  }
0x66: {  	[sflag:s29] =	ssyncset.done $0x0  }
0x67: {  	s13 =	sadd.s32 $0x230, s21;
	[sflag:s29] =	ssyncadd.s32 $0xFFFFF600  }
0x68: {  	[tilespmem:s18], [sflag:$0x3] =	stream.indirect.gather [hbm4b:s4+s14], $0x20, s13, s14, $0xb8;
	[tilespmem:$0xCE40] =	vst v63  }
0x69: {  	_ =	swait.ge [sflag:s30], $0xA00  }
0x6a: {  	[sflag:s30] =	ssyncset.done $0x0  }
0x6b: {  	s13 =	sadd.s32 $0x2800, s21;
	[sflag:s30] =	ssyncadd.s32 $0xFFFFF600  }
0x6c: {  	[spmem:s2] =	stream.indirect.scatter.add.bf16 [tilespmem:s20], [sflag:$0x9], $0x20, s13, s14, $0xb8;
	[tilespmem:$0xCE40] =	vst v63  }
0x6d: {  	_ =	swait.ge [sflag:s31], $0xA00  }
0x6e: {  	[sflag:s31] =	ssyncset.done $0x0  }
0x6f: {  	s13 =	sadd.s32 $0x280, s21;
	[sflag:s31] =	ssyncadd.s32 $0xFFFFF600  }
0x70: {  	[tilespmem:s20], [sflag:$0x4] =	stream.indirect.gather [hbm4b:s4+s14], $0x20, s13, s14, $0xb8;
	[tilespmem:$0xCE40] =	vst v63  }
0x71: {  	_ =	swait.ge [sflag:s1], $0xA00  }
0x72: {  	[sflag:s1] =	ssyncset.done $0x0  }
.Ltmp0:
0x73: {  	s13 =	sadd.s32 $0x2850, s21;
	[sflag:s1] =	ssyncadd.s32 $0xFFFFF600;
	(pc) =	sbr.rel @p0 .LBB2_2-.Ltmp0, $4  }
0x74: {  	[spmem:s2] =	stream.indirect.scatter.add.bf16 [tilespmem:s22], [sflag:$0xA], $0x20, s13, s14, $0xb8;
	[tilespmem:$0xCE40] =	vst v63  }
0x75: {  	_ =	swait.ge [sflag:s0], $0xA00  }
0x76: {  	[sflag:s0] =	ssyncset.done $0x0  }
0x77: {  	s21 =	sadd.s32 $0x2D0, s21;
	[sflag:s0] =	ssyncadd.s32 $0xFFFFF600  }
0x78: {  	[tilespmem:s22], [sflag:$0x5] =	stream.indirect.gather [hbm4b:s4+s14], $0x20, s21, s14, $0xb8;
	[tilespmem:$0xCE40] =	vst v63  }
0x79: {  	_ =	swait.ge [sflag:s23], $0xA00  }
0x7a: {  	[sflag:s23] =	ssyncset.done $0x0  }
0x7b: {  	s13 =	simm.s32 $0x4C90;
	[sflag:s23] =	ssyncadd.s32 $0xFFFFF600  }
0x7c: {  	[spmem:s2] =	stream.indirect.scatter.add.bf16 [tilespmem:s15], [sflag:$0x6], $0x20, s13, s14, $0xb8;
	[tilespmem:$0xCE40] =	vst v63  }
0x7d: {  	_ =	swait.ge [sflag:s25], $0xA00  }
0x7e: {  	[sflag:s25] =	ssyncset.done $0x0  }
0x7f: {  	s19 =	simm.s32 $0x4CE0;
	[sflag:s25] =	ssyncadd.s32 $0xFFFFF600  }
0x80: {  	[spmem:s2] =	stream.indirect.scatter.add.bf16 [tilespmem:s16], [sflag:$0x7], $0x20, s19, s14, $0xb8;
	[tilespmem:$0xCE40] =	vst v63  }
0x81: {  	_ =	swait.ge [sflag:s28], $0xA00  }
0x82: {  	[sflag:s28] =	ssyncset.done $0x0  }
0x83: {  	s21 =	simm.s32 $0x4D30;
	[sflag:s28] =	ssyncadd.s32 $0xFFFFF600  }
0x84: {  	[spmem:s2] =	stream.indirect.scatter.add.bf16 [tilespmem:s18], [sflag:$0x8], $0x20, s21, s14, $0xb8;
	[tilespmem:$0xCE40] =	vst v63  }
0x85: {  	_ =	swait.ge [sflag:s30], $0xA00  }
0x86: {  	[sflag:s30] =	ssyncset.done $0x0  }
0x87: {  	s19 =	simm.s32 $0x4D80;
	[sflag:s30] =	ssyncadd.s32 $0xFFFFF600  }
0x88: {  	[spmem:s2] =	stream.indirect.scatter.add.bf16 [tilespmem:s20], [sflag:$0x9], $0x20, s19, s14, $0xb8;
	[tilespmem:$0xCE40] =	vst v63  }
0x89: {  	_ =	swait.ge [sflag:s1], $0xA00  }
0x8a: {  	[sflag:s1] =	ssyncset.done $0x0  }
0x8b: {  	s21 =	simm.s32 $0x4DD0;
	[sflag:s1] =	ssyncadd.s32 $0xFFFFF600  }
0x8c: {  	[spmem:s2] =	stream.indirect.scatter.add.bf16 [tilespmem:s22], [sflag:$0xA], $0x20, s21, s14, $0xb8;
	[tilespmem:$0xCE40] =	vst v63  }
0x8d: {  	_ =	swait.ge [sflag:s24], $0xA00  }
0x8e: {  	[sflag:s24] =	ssyncset.done $0x0  }
0x8f: {  	[sflag:s24] =	ssyncadd.s32 $0xFFFFF600  }
0x90: {  	_ =	swait.ge [sflag:s26], $0xA00  }
0x91: {  	[sflag:s26] =	ssyncset.done $0x0  }
0x92: {  	[sflag:s26] =	ssyncadd.s32 $0xFFFFF600  }
0x93: {  	_ =	swait.ge [sflag:s29], $0xA00  }
0x94: {  	[sflag:s29] =	ssyncset.done $0x0  }
0x95: {  	[sflag:s29] =	ssyncadd.s32 $0xFFFFF600  }
0x96: {  	_ =	swait.ge [sflag:s31], $0xA00  }
0x97: {  	[sflag:s31] =	ssyncset.done $0x0  }
0x98: {  	[sflag:s31] =	ssyncadd.s32 $0xFFFFF600  }
0x99: {  	_ =	swait.ge [sflag:s0], $0xA00  }
0x9a: {  	s17 =	sadd.s32 $0x1, s17;
	[sflag:s0] =	ssyncset.done $0x0  }
0x9b: {  	p0 =	sne.s32 s17, s10;
	[sflag:s0] =	ssyncadd.s32 $0xFFFFF600  }
.Ltmp1:
0x9c: {  	[bflag:$0x0] =	sbarrier.arrive $0xFFFF;
	(pc) =	sbr.rel @p0 .LBB2_1-.Ltmp1, $4  }
0x9d: {  	[hbm:s9], [sflag:s6] =	dma.local [spmem:s11], $0x9C4  }
0x9e: {  	_ =	swait.ge [sflag:s12], $0x9C4  }
0x9f: {  	[sflag:s12] =	ssyncset.done $0x0  }
0xa0: {  	[sflag:s12] =	ssyncadd.s32 $0xFFFFF63C  }
0xa1: {  	_ =	sfence.sel $0x180000  }
0xa2: {  	[bflag:$0x0] =	sbarrier.arrive $0xFFFF  }
0xa3: {  	_ =	strace $0x9000004D  }
0xa4: {  	s0 =	stileid.u32;
	[bflag:$0x2] =	sbarrier.arrive $0xFFFF  }
0xa5: {  	p0 =	sne.s32 s0, $0x0;
	s0 =	rddreg [dreg:$0x2]  }
0xa6: {  	s0 =	sadd.s32 @!p0 $0x100000, s0  }
0xa7: {  	[sflag:s0] =	ssyncadd.tile.s32 @!p0 $0x1;
	_ =	shalt  }
.Lfunc_end2:
_tile_overlayer_lowered:
.L_overlay_start_2:
0xa8: {  	(tag) =	ssettag $0x2  }
0xa9: {  	s0 =	rddreg [dreg:$0x0];
	s2 =	stileid.u32  }
0xaa: {  	s1 =	rddreg [dreg:$0x1];
	p0 =	sne.s32 s2, $0x0  }
0xab: {  	s3 =	rddreg [dreg:$0x2];
	[bflag:$0x3] =	sbarrier.arrive $0xFFFF;
	s2 =	simm.s32 @!p0 $0x1C0B  }
0xac: {  	[timem:s3], [sflag:s2] =	dma.local @!p0 [hbm:s0], s1  }
0xad: {  	s0 =	simm.s32 @!p0 $0xB  }
0xae: {  	_ =	swait.ge @!p0 [sflag:s0], s1  }
0xaf: {  	s1 =	ssub.s32 @!p0 $0x0, s1;
	[sflag:s0] =	ssyncset.done @!p0 $0x0  }
0xb0: {  	[sflag:s0] =	ssyncadd.s32 @!p0 s1  }
0xb1: {  	[bflag:$0x3] =	sbarrier.arrive $0xFFFF  }
0xb2: {  	_ =	shalt  }

// kernel: kernel.21.cloned.1.call-start
scs
__scs_entry_jumppad:
0x0: {  	(pc) =	sbr.rel $0x88, $3  }
0x1: {  	(tag) =	ssettag $0x0;
	lr =	simm.s32 $0x1  }
0x2: {  	[smem:$0x3F93] =	sst lr;
	_ =	strace $0xD0000000  }
0x3: {  	_ = 	snop  }
0x4: {  	_ = 	snop  }
0x5: {  	_ = 	snop  }
0x6: {  	_ = 	snop  }
0x7: {  	_ = 	snop  }
__scs_overlays_trampoline_lowered:
0x8: {  	[smem:$0x3FA2] =	sst s0  }
0x9: {  	[smem:$0x3FA3] =	sst s1  }
0xa: {  	[smem:$0x3FA4] =	sst s2  }
0xb: {  	[smem:$0x3FA5] =	sst s3  }
0xc: {  	[smem:$0x3FA6] =	sst s4  }
0xd: {  	[smem:$0x3FA7] =	sst s5  }
0xe: {  	[smem:$0x3FA8] =	sst s6  }
0xf: {  	[smem:$0x3FA9] =	sst s7  }
0x10: {  	[smem:$0x3FAA] =	sst s8  }
0x11: {  	[smem:$0x3FAB] =	sst s9;
	s0 =	simm.s32 @!p0 $0x0  }
0x12: {  	s1 =	sld [smem:$0x3F91];
	s0 =	simm.s32 @p0 $0x1  }
0x13: {  	[smem:$0x3FAC] =	sst s0;
	s0 =	simm.s32 @!p1 $0x0  }
0x14: {  	s2 =	sld [smem:$0x3F90];
	s0 =	simm.s32 @p1 $0x1  }
0x15: {  	[smem:$0x3FAD] =	sst s0;
	s0 =	simm.s32 @!p2 $0x0  }
0x16: {  	s3 =	sld [smem:$0x3FDB];
	s0 =	simm.s32 @p2 $0x1  }
0x17: {  	s4 =	simm.s32 $0x1BF5;
	[smem:$0x3FAF] =	sst s0  }
0x18: {  	s0 =	sld [smem:$0x3F92];
	_ =	swait.ge [sflag:s4], $0x0  }
0x19: {  	s7 =	sld [smem:$0x3F93]  }
0x1a: {  	s8 =	sadd.s32 $0xFFFFE003, lr  }
0x1b: {  	s9 =	sadd.s32 $0xFFFFFEF7, lr;
	s5 =	simm.s32 $0xFFFFFFFF;
	p2 =	slt.u32 s8, $0xFFFFF086  }
0x1c: {  	p1 =	slt.u32 s9, $0xF7A;
	s5 =	simm.s32 @!p2 $0x0  }
0x1d: {  	s5 =	simm.s32 @p1 $0x1;
	p0 =	seq.s32 s7, s2  }
0x1e: {  	s7 =	smul.u32 @!p0 $0xF7A, s2;
	p2 =	seq.s32 @!p0 s5, $0x0  }
0x1f: {  	s9 =	smul.u32 $0xF7A, s1;
	s8 =	simm.s32 @!p0 $0x1BF5;
	p2 =	por !p2, p0  }
0x20: {  	[sflag:s8] =	ssyncset.s32 @!p0 $0xFFFFF086;
	s6 =	sadd.s32 @!p0 s3, s7;
	s7 =	simm.s32 @!p0 $0x108  }
0x21: {  	s3 =	sadd.s32 s3, s9;
	s6 =	sadd.s32 @!p0 $0x88, s6;
	s7 =	simm.s32 @p2 $0x1082  }
0x22: {  	[simem:s7], [sflag:s8] =	dma.local @!p0 [hbm:s6], $0xF7A  }
0x23: {  	s9 =	sor.u32 $0xD0000000, s2;
	s6 =	simm.s32 $0x108;
	_ =	swait.ge @!p0 [sflag:s8], $0x0  }
0x24: {  	s3 =	sadd.s32 $0x88, s3;
	s6 =	simm.s32 @!p1 $0x1082;
	[sflag:s4] =	ssyncset.s32 $0xFFFFF086  }
0x25: {  	[simem:s6], [sflag:s4] =	dma.local [hbm:s3], $0xF7A  }
0x26: {  	[smem:$0x3F93] =	sst s1;
	(tag) =	ssettag s2;
	_ =	strace s9  }
0x27: {  	s1 =	sld [smem:$0x3FA3]  }
0x28: {  	s2 =	sld [smem:$0x3FA4]  }
0x29: {  	s4 =	sld [smem:$0x3FA6]  }
0x2a: {  	p0 =	seq.s32 s5, $0x0;
	s5 =	sld [smem:$0x3FA7]  }
0x2b: {  	s6 =	sld [smem:$0x3FA8]  }
0x2c: {  	s7 =	sld [smem:$0x3FA9]  }
0x2d: {  	s3 =	simm.s32 $0x108;
	s8 =	sld [smem:$0x3FAA]  }
0x2e: {  	s3 =	simm.s32 @!p0 $0x1082;
	s9 =	sld [smem:$0x3FAB]  }
0x2f: {  	lr =	sadd.s32 s0, s3;
	s0 =	sld [smem:$0x3FA2]  }
0x30: {  	s3 =	sld [smem:$0x3FA5]  }
0x31: {  	[smem:$0x3FAE] =	sst s10  }
0x32: {  	s10 =	sld [smem:$0x3FAC];
	_ =	sdelay $0x3  }
0x33: {  	p0 =	seq.s32 s10, $0x1;
	s10 =	sld [smem:$0x3FAE];
	_ =	sdelay $0x3  }
0x34: {  	[smem:$0x3FAE] =	sst s10  }
0x35: {  	s10 =	sld [smem:$0x3FAD];
	_ =	sdelay $0x3  }
0x36: {  	p1 =	seq.s32 s10, $0x1;
	s10 =	sld [smem:$0x3FAE];
	_ =	sdelay $0x3  }
0x37: {  	[smem:$0x3FAE] =	sst s10  }
0x38: {  	s10 =	sld [smem:$0x3FAF]  }
0x39: {  	_ = 	snop;
	(pc) =	sbr.ind lr, $3  }
0x3a: {  	_ = 	snop  }
0x3b: {  	_ = 	snop  }
0x3c: {  	p2 =	seq.s32 s10, $0x1;
	s10 =	sld [smem:$0x3FAE]  }
0x3d: {  	_ =	shalt  }
0x3e: {  	_ =	shalt  }
0x3f: {  	_ =	shalt  }
0x40: {  	_ =	shalt  }
0x41: {  	_ =	shalt  }
0x42: {  	_ =	shalt  }
0x43: {  	_ =	shalt  }
0x44: {  	_ =	shalt  }
0x45: {  	_ =	shalt  }
0x46: {  	_ =	shalt  }
0x47: {  	_ =	shalt  }
0x48: {  	_ =	shalt  }
0x49: {  	_ =	shalt  }
0x4a: {  	_ =	shalt  }
0x4b: {  	_ =	shalt  }
0x4c: {  	_ =	shalt  }
0x4d: {  	_ =	shalt  }
0x4e: {  	_ =	shalt  }
0x4f: {  	_ =	shalt  }
0x50: {  	_ =	shalt  }
0x51: {  	_ =	shalt  }
0x52: {  	_ =	shalt  }
0x53: {  	_ =	shalt  }
0x54: {  	_ =	shalt  }
0x55: {  	_ =	shalt  }
0x56: {  	_ =	shalt  }
0x57: {  	_ =	shalt  }
0x58: {  	_ =	shalt  }
0x59: {  	_ =	shalt  }
0x5a: {  	_ =	shalt  }
0x5b: {  	_ =	shalt  }
0x5c: {  	_ =	shalt  }
0x5d: {  	_ =	shalt  }
0x5e: {  	_ =	shalt  }
0x5f: {  	_ =	shalt  }
0x60: {  	_ =	shalt  }
0x61: {  	_ =	shalt  }
0x62: {  	_ =	shalt  }
0x63: {  	_ =	shalt  }
0x64: {  	_ =	shalt  }
0x65: {  	_ =	shalt  }
0x66: {  	_ =	shalt  }
0x67: {  	_ =	shalt  }
0x68: {  	_ =	shalt  }
0x69: {  	_ =	shalt  }
0x6a: {  	_ =	shalt  }
0x6b: {  	_ =	shalt  }
0x6c: {  	_ =	shalt  }
0x6d: {  	_ =	shalt  }
0x6e: {  	_ =	shalt  }
0x6f: {  	_ =	shalt  }
0x70: {  	_ =	shalt  }
0x71: {  	_ =	shalt  }
0x72: {  	_ =	shalt  }
0x73: {  	_ =	shalt  }
0x74: {  	_ =	shalt  }
0x75: {  	_ =	shalt  }
0x76: {  	_ =	shalt  }
0x77: {  	_ =	shalt  }
0x78: {  	_ =	shalt  }
0x79: {  	_ =	shalt  }
0x7a: {  	_ =	shalt  }
0x7b: {  	_ =	shalt  }
0x7c: {  	_ =	shalt  }
0x7d: {  	_ =	shalt  }
0x7e: {  	_ =	shalt  }
0x7f: {  	_ =	shalt  }
0x80: {  	_ =	shalt  }
0x81: {  	_ =	shalt  }
0x82: {  	_ =	shalt  }
0x83: {  	_ =	shalt  }
0x84: {  	_ =	shalt  }
0x85: {  	_ =	shalt  }
0x86: {  	_ =	shalt  }
0x87: {  	_ =	shalt  }
.Lfunc_end0:
.L_simem_size_0:
called_computation.3_lowered:
.L_overlay_start_0:
0x88: {  	s2 =	sld [smem:$0x3FD9]  }
0x89: {  	s3 =	sld [smem:$0x3FFE];
	_ =	sdelay $0x1  }
0x8a: {  	s1 =	srdreg.scid  }
0x8b: {  	s0 =	sand.u32 $0x1, s1  }
0x8c: {  	s16 =	sshll.u32 s0, $0xA;
	s2 =	sadd.s32 s3, s2  }
0x8d: {  	s2 =	sadd.s32 s2, s16  }
0x8e: {  	[smem:$0x3FBA] =	sst s2  }
0x8f: {  	_ = 	snop  }
0x90: {  	(tm) =	ssettm $0x1  }
0x91: {  	s17 =	sld [smem:$0x3FFB];
	_ =	sdelay $0x3  }
0x92: {  	_ =	strace s17  }
0x93: {  	s2 =	sld [smem:$0x3FFC];
	_ =	sdelay $0x3  }
0x94: {  	_ =	strace s2  }
0x95: {  	s2 =	sld [smem:$0x3FFD];
	_ =	sdelay $0x3  }
0x96: {  	_ =	strace s2  }
0x97: {  	_ =	strace $0x8FFFFFFF  }
0x98: {  	s18 =	sld [smem:$0x3FDB];
	_ =	sdelay $0x1  }
0x99: {  	s19 =	simm.s32 $_scs_section_size  }
0x9a: {  	s4 =	simm.s32 $_size__tile_overlayer_lowered;
	s5 =	simm.s32 $_tile_overlayer_lowered  }
0x9b: {  	s22 =	simm.s32 $0x1BFF;
	s21 =	sshll.u32 s5, $0x1;
	s2 =	sadd.s32 s19, s18  }
0x9c: {  	s6 =	simm.s32 $0x0;
	s20 =	sshll.u32 s4, $0x1;
	s4 =	sadd.s32 s21, s2  }
0x9d: {  	[timem:s6], [sflag:s22] =	dma.local [hbm:s4], s20  }
0x9e: {  	_ =	swait.ge [sflag:s22], s20  }
0x9f: {  	s3 =	ssub.s32 $0x0, s20;
	[sflag:s22] =	ssyncset.done $0x0  }
0xa0: {  	[sflag:s22] =	ssyncadd.s32 s3;
	_ =	sdelay $0x1  }
0xa1: {  	s23 =	simm.s32 $0x1B8B  }
0xa2: {  	_ =	swait.ge [sflag:s23], $0x1  }
0xa3: {  	[sflag:s23] =	ssyncset.done $0x0  }
0xa4: {  	s25 =	simm.s32 $0x1B8E;
	s24 =	sld [smem:$0x3FFE];
	[sflag:s23] =	ssyncadd.s32 $0xFFFFFFFF  }
0xa5: {  	s26 =	simm.s32 $execute0_lowered;
	[smem:$0x3FD2] =	sst s25  }
0xa6: {  	s4 =	sshll.u32 s26, $0x1;
	_ =	strace $0x8000004F;
	[dreg:$0x1] =	wrdreg $0xFFFFFFFF  }
0xa7: {  	s28 =	simm.s32 $_size_execute0_lowered;
	s2 =	sadd.s32 s2, s4;
	[dreg:$0x0] =	wrdreg $0x0  }
0xa8: {  	s4 =	sshll.u32 s28, $0x1;
	[dreg:$0x2] =	wrdreg s2  }
0xa9: {  	[dreg:$0x3] =	wrdreg s4  }
0xaa: {  	[dreg:$0x4] =	wrdreg $0xC0  }
0xab: {  	_ =	task [dreg:s6], $0x5FFFF  }
0xac: {  	[dreg:$0x1] =	wrdreg $0xFFFFFFFF  }
0xad: {  	[dreg:$0x0] =	wrdreg $0x60  }
0xae: {  	[dreg:$0x2] =	wrdreg s24  }
0xaf: {  	[dreg:$0x3] =	wrdreg $0xB2200  }
0xb0: {  	[dreg:$0x4] =	wrdreg $0x9  }
0xb1: {  	_ =	task.clear_ibuf [dreg:s6], $0x5FFFF;
	_ =	strace $0x9000004F  }
0xb2: {  	s29 =	simm.s32 $0x9;
	_ =	strace $0x80000051  }
0xb3: {  	_ =	swait.ge [sflag:s29], $0x1  }
0xb4: {  	[sflag:s29] =	ssyncadd.s32 $0xFFFFFFFF  }
0xb5: {  	_ =	strace $0x90000051  }
0xb6: {  	_ =	sfence  }
0xb7: {  	s30 =	sld [smem:$0x0];
	_ =	sdelay $0x2  }
0xb8: {  	s31 =	sshll.u32 s1, $0xD;
	s1 =	sshrl.u32 s1, $0x2  }
0xb9: {  	s3 =	sand.u32 $0x4000, s31;
	s1 =	sadd.s32 s1, s30  }
0xba: {  	s0 =	sor.u32 s3, s0;
	s1 =	sshll.u32 s1, $0x11  }
0xbb: {  	s0 =	sor.u32 s1, s0  }
0xbc: {  	s0 =	sadd.s32 $0x8F2B, s0  }
0xbd: {  	[sflag:s0] =	ssyncadd.remote.s32 $0x1  }
0xbe: {  	_ =	sfence.sel $0xFFFF  }
0xbf: {  	[dreg:$0x0] =	wrdreg $0xFFFFFFFF;
	(pc) =	sbr.abs _section_cstart, $3  }
0xc0: {  	[dreg:$0x1] =	wrdreg $0xFFFFFFFF  }
0xc1: {  	_ =	task.clear_ibuf [dreg:s6], $0x2FFFF;
	_ =	strace $0x9FFFFFFF  }
0xc2: {  	(tm) =	ssettm $0x7FFFFFFF  }
0xc3: {  	_ =	shalt  }
tec
execute0_lowered:
.L_overlay_start_1:
0x0: {  	(tag) =	ssettag $0x1  }
0x1: {  	s0 =	srdreg.scid;
	s6 =	rddreg [dreg:$0x0]  }
0x2: {  	s10 =	stileid.u32;
	s2 =	rddreg [dreg:$0x1]  }
0x3: {  	s3 =	simm.s32 $0x0;
	s12 =	simm.s32 $0xB;
	s14 =	simm.s32 $0x50  }
0x4: {  	s15 =	simm.s32 $0x4E20;
	s16 =	simm.s32 $0x6220;
	s18 =	simm.s32 $0x7620  }
0x5: {  	s20 =	simm.s32 $0x8A20;
	s22 =	simm.s32 $0x9E20;
	s23 =	simm.s32 $0x1  }
0x6: {  	s24 =	simm.s32 $0x6;
	s28 =	simm.s32 $0x3;
	s29 =	simm.s32 $0x8  }
0x7: {  	s30 =	simm.s32 $0x4;
	s31 =	simm.s32 $0x9;
	s17 =	simm.s32 $0x0  }
0x8: {  	s0 =	sand.u32 $0x1, s0;
	s7 =	smul.u32 $0x13880, s10;
	[smem:$0x7FF] =	sst s3  }
0x9: {  	s4 =	sadd.s32 $0x45600, s6;
	s26 =	sshll.u32 s10, $0x6;
	s1 =	sshll.u32 s0, $0x4  }
0xa: {  	s5 =	smul.u32 $0x138800, s0;
	s0 =	ssub.s32 $0x2, s0;
	s1 =	sor.u32 s10, s1  }
0xb: {  	_ =	strace $0x80000050;
	s25 =	sshrl.u32 s0, $0x1;
	s1 =	smul.u32 $0x4E2, s1  }
0xc: {  	s8 =	sadd.s32 s7, s5;
	s5 =	sadd.s32 $0x18600, s6;
	s7 =	sshrl.u32 s7, $0x1  }
0xd: {  	s0 =	ssub.s32 s0, s25;
	s25 =	simm.s32 $0x2;
	s8 =	sshrl.u32 s8, $0x4  }
0xe: {  	s11 =	sadd.s32 s7, s2;
	s10 =	smax.u32 s0, $0x1;
	s0 =	simm.s32 $0xA  }
0xf: {  	s1 =	sadd.s32 s1, s6;
	s9 =	sadd.s32 s8, s6;
	s6 =	sor.u32 $0x1C0B, s26  }
0x10: {  	s11 =	sshrl.u32 s11, $0x3;
	s26 =	simm.s32 $0x7;
	s7 =	sadd.s32 $0x4800, s1  }
0x11: {  	s8 =	sadd.s32 $0xE600, s1;
	s9 =	sadd.s32 $0x59000, s9;
	s1 =	simm.s32 $0x5  }
.LBB2_1:
0x12: {  	[spmem:s11], [sflag:s6] =	dma.local [hbm:s5], $0x1388  }
0x13: {  	_ =	swait.ge [sflag:s12], $0x1388  }
0x14: {  	[sflag:s12] =	ssyncset.done $0x0  }
0x15: {  	[sflag:s12] =	ssyncadd.s32 $0xFFFFEC78  }
0x16: {  	[tilespmem:s3], [sflag:$0xB] =	stream.linear.gather [hbm4b:s7+s3], $0x2710, $0x38;
	[tilespmem:$0x14E60] =	vst v63  }
0x17: {  	_ =	swait.ge [sflag:s12], $0x2710  }
0x18: {  	[sflag:s12] =	ssyncset.done $0x0  }
0x19: {  	s13 =	simm.s32 $0x2710;
	[sflag:s12] =	ssyncadd.s32 $0xFFFFD8F0  }
0x1a: {  	[tilespmem:s13], [sflag:$0xB] =	stream.linear.gather [hbm4b:s8+s3], $0x2710, $0x38;
	[tilespmem:$0x14E60] =	vst v63  }
0x1b: {  	_ =	swait.ge [sflag:s12], $0x2710  }
0x1c: {  	[sflag:s12] =	ssyncset.done $0x0  }
0x1d: {  	[sflag:s12] =	ssyncadd.s32 $0xFFFFD8F0  }
0x1e: {  	[bflag:$0x0] =	sbarrier.arrive $0xFFFF  }
0x1f: {  	[tilespmem:s15], [sflag:$0x1] =	stream.indirect.gather [hbm4b:s4+s14], $0x40, s3, s14, $0xb8;
	[tilespmem:$0x14E60] =	vst v63  }
0x20: {  	_ = 	snop  }
0x21: {  	[tilespmem:s16], [sflag:$0x2] =	stream.indirect.gather [hbm4b:s4+s14], $0x40, s14, s14, $0xb8;
	[tilespmem:$0x14E60] =	vst v63  }
0x22: {  	s21 =	simm.s32 $0xA0  }
0x23: {  	[tilespmem:s18], [sflag:$0x3] =	stream.indirect.gather [hbm4b:s4+s14], $0x40, s21, s14, $0xb8;
	[tilespmem:$0x14E60] =	vst v63  }
0x24: {  	s19 =	simm.s32 $0xF0  }
0x25: {  	[tilespmem:s20], [sflag:$0x4] =	stream.indirect.gather [hbm4b:s4+s14], $0x40, s19, s14, $0xb8;
	[tilespmem:$0x14E60] =	vst v63  }
0x26: {  	s21 =	simm.s32 $0x140  }
0x27: {  	[tilespmem:s22], [sflag:$0x5] =	stream.indirect.gather [hbm4b:s4+s14], $0x40, s21, s14, $0xb8;
	[tilespmem:$0x14E60] =	vst v63  }
0x28: {  	_ =	swait.ge [sflag:s23], $0x1400  }
0x29: {  	[sflag:s23] =	ssyncset.done $0x0  }
0x2a: {  	s19 =	simm.s32 $0x2710;
	[sflag:s23] =	ssyncadd.s32 $0xFFFFEC00  }
0x2b: {  	[spmem:s2] =	stream.indirect.scatter.add.bf16 [tilespmem:s15], [sflag:$0x6], $0x40, s19, s14, $0xb8;
	[tilespmem:$0x14E60] =	vst v63  }
0x2c: {  	_ =	swait.ge [sflag:s24], $0x1400  }
0x2d: {  	[sflag:s24] =	ssyncset.done $0x0  }
0x2e: {  	s13 =	simm.s32 $0x190;
	[sflag:s24] =	ssyncadd.s32 $0xFFFFEC00  }
0x2f: {  	[tilespmem:s15], [sflag:$0x1] =	stream.indirect.gather [hbm4b:s4+s14], $0x40, s13, s14, $0xb8;
	[tilespmem:$0x14E60] =	vst v63  }
0x30: {  	_ =	swait.ge [sflag:s25], $0x1400  }
0x31: {  	[sflag:s25] =	ssyncset.done $0x0  }
0x32: {  	s21 =	simm.s32 $0x2760;
	[sflag:s25] =	ssyncadd.s32 $0xFFFFEC00  }
0x33: {  	[spmem:s2] =	stream.indirect.scatter.add.bf16 [tilespmem:s16], [sflag:$0x7], $0x40, s21, s14, $0xb8;
	[tilespmem:$0x14E60] =	vst v63  }
0x34: {  	_ =	swait.ge [sflag:s26], $0x1400  }
0x35: {  	[sflag:s26] =	ssyncset.done $0x0  }
0x36: {  	s13 =	simm.s32 $0x1E0;
	[sflag:s26] =	ssyncadd.s32 $0xFFFFEC00  }
0x37: {  	[tilespmem:s16], [sflag:$0x2] =	stream.indirect.gather [hbm4b:s4+s14], $0x40, s13, s14, $0xb8;
	[tilespmem:$0x14E60] =	vst v63  }
0x38: {  	_ =	swait.ge [sflag:s28], $0x1400  }
0x39: {  	[sflag:s28] =	ssyncset.done $0x0  }
0x3a: {  	s21 =	simm.s32 $0x27B0;
	[sflag:s28] =	ssyncadd.s32 $0xFFFFEC00  }
0x3b: {  	[spmem:s2] =	stream.indirect.scatter.add.bf16 [tilespmem:s18], [sflag:$0x8], $0x40, s21, s14, $0xb8;
	[tilespmem:$0x14E60] =	vst v63  }
0x3c: {  	_ =	swait.ge [sflag:s29], $0x1400  }
0x3d: {  	[sflag:s29] =	ssyncset.done $0x0  }
0x3e: {  	s13 =	simm.s32 $0x230;
	[sflag:s29] =	ssyncadd.s32 $0xFFFFEC00  }
0x3f: {  	[tilespmem:s18], [sflag:$0x3] =	stream.indirect.gather [hbm4b:s4+s14], $0x40, s13, s14, $0xb8;
	[tilespmem:$0x14E60] =	vst v63  }
0x40: {  	_ =	swait.ge [sflag:s30], $0x1400  }
0x41: {  	[sflag:s30] =	ssyncset.done $0x0  }
0x42: {  	s21 =	simm.s32 $0x2800;
	[sflag:s30] =	ssyncadd.s32 $0xFFFFEC00  }
0x43: {  	[spmem:s2] =	stream.indirect.scatter.add.bf16 [tilespmem:s20], [sflag:$0x9], $0x40, s21, s14, $0xb8;
	[tilespmem:$0x14E60] =	vst v63  }
0x44: {  	_ =	swait.ge [sflag:s31], $0x1400  }
0x45: {  	[sflag:s31] =	ssyncset.done $0x0  }
0x46: {  	s13 =	simm.s32 $0x280;
	[sflag:s31] =	ssyncadd.s32 $0xFFFFEC00  }
0x47: {  	[tilespmem:s20], [sflag:$0x4] =	stream.indirect.gather [hbm4b:s4+s14], $0x40, s13, s14, $0xb8;
	[tilespmem:$0x14E60] =	vst v63  }
0x48: {  	_ =	swait.ge [sflag:s1], $0x1400  }
0x49: {  	[sflag:s1] =	ssyncset.done $0x0  }
0x4a: {  	s21 =	simm.s32 $0x2850;
	[sflag:s1] =	ssyncadd.s32 $0xFFFFEC00  }
0x4b: {  	[spmem:s2] =	stream.indirect.scatter.add.bf16 [tilespmem:s22], [sflag:$0xA], $0x40, s21, s14, $0xb8;
	[tilespmem:$0x14E60] =	vst v63  }
0x4c: {  	_ =	swait.ge [sflag:s0], $0x1400  }
0x4d: {  	[sflag:s0] =	ssyncset.done $0x0  }
0x4e: {  	s19 =	simm.s32 $0x640;
	s21 =	simm.s32 $0x2D0;
	[sflag:s0] =	ssyncadd.s32 $0xFFFFEC00  }
.LBB2_2:
0x4f: {  	[tilespmem:s22], [sflag:$0x5] =	stream.indirect.gather [hbm4b:s4+s14], $0x40, s21, s14, $0xb8;
	[tilespmem:$0x14E60] =	vst v63  }
0x50: {  	s21 =	smov.u32 s19  }
0x51: {  	p0 =	sne.s32 s19, $0x8FC0;
	s19 =	sadd.s32 $0x640, s19;
	_ =	swait.ge [sflag:s23], $0x1400  }
0x52: {  	s21 =	sshra.s32 s21, $0x2;
	[sflag:s23] =	ssyncset.done $0x0  }
0x53: {  	s13 =	sadd.s32 $0x2710, s21;
	[sflag:s23] =	ssyncadd.s32 $0xFFFFEC00  }
0x54: {  	[spmem:s2] =	stream.indirect.scatter.add.bf16 [tilespmem:s15], [sflag:$0x6], $0x40, s13, s14, $0xb8;
	[tilespmem:$0x14E60] =	vst v63  }
0x55: {  	_ =	swait.ge [sflag:s24], $0x1400  }
0x56: {  	[sflag:s24] =	ssyncset.done $0x0  }
0x57: {  	s13 =	sadd.s32 $0x190, s21;
	[sflag:s24] =	ssyncadd.s32 $0xFFFFEC00  }
0x58: {  	[tilespmem:s15], [sflag:$0x1] =	stream.indirect.gather [hbm4b:s4+s14], $0x40, s13, s14, $0xb8;
	[tilespmem:$0x14E60] =	vst v63  }
0x59: {  	_ =	swait.ge [sflag:s25], $0x1400  }
0x5a: {  	[sflag:s25] =	ssyncset.done $0x0  }
0x5b: {  	s13 =	sadd.s32 $0x2760, s21;
	[sflag:s25] =	ssyncadd.s32 $0xFFFFEC00  }
0x5c: {  	[spmem:s2] =	stream.indirect.scatter.add.bf16 [tilespmem:s16], [sflag:$0x7], $0x40, s13, s14, $0xb8;
	[tilespmem:$0x14E60] =	vst v63  }
0x5d: {  	_ =	swait.ge [sflag:s26], $0x1400  }
0x5e: {  	[sflag:s26] =	ssyncset.done $0x0  }
0x5f: {  	s13 =	sadd.s32 $0x1E0, s21;
	[sflag:s26] =	ssyncadd.s32 $0xFFFFEC00  }
0x60: {  	[tilespmem:s16], [sflag:$0x2] =	stream.indirect.gather [hbm4b:s4+s14], $0x40, s13, s14, $0xb8;
	[tilespmem:$0x14E60] =	vst v63  }
0x61: {  	_ =	swait.ge [sflag:s28], $0x1400  }
0x62: {  	[sflag:s28] =	ssyncset.done $0x0  }
0x63: {  	s13 =	sadd.s32 $0x27B0, s21;
	[sflag:s28] =	ssyncadd.s32 $0xFFFFEC00  }
0x64: {  	[spmem:s2] =	stream.indirect.scatter.add.bf16 [tilespmem:s18], [sflag:$0x8], $0x40, s13, s14, $0xb8;
	[tilespmem:$0x14E60] =	vst v63  }
0x65: {  	_ =	swait.ge [sflag:s29], $0x1400  }
0x66: {  	[sflag:s29] =	ssyncset.done $0x0  }
0x67: {  	s13 =	sadd.s32 $0x230, s21;
	[sflag:s29] =	ssyncadd.s32 $0xFFFFEC00  }
0x68: {  	[tilespmem:s18], [sflag:$0x3] =	stream.indirect.gather [hbm4b:s4+s14], $0x40, s13, s14, $0xb8;
	[tilespmem:$0x14E60] =	vst v63  }
0x69: {  	_ =	swait.ge [sflag:s30], $0x1400  }
0x6a: {  	[sflag:s30] =	ssyncset.done $0x0  }
0x6b: {  	s13 =	sadd.s32 $0x2800, s21;
	[sflag:s30] =	ssyncadd.s32 $0xFFFFEC00  }
0x6c: {  	[spmem:s2] =	stream.indirect.scatter.add.bf16 [tilespmem:s20], [sflag:$0x9], $0x40, s13, s14, $0xb8;
	[tilespmem:$0x14E60] =	vst v63  }
0x6d: {  	_ =	swait.ge [sflag:s31], $0x1400  }
0x6e: {  	[sflag:s31] =	ssyncset.done $0x0  }
0x6f: {  	s13 =	sadd.s32 $0x280, s21;
	[sflag:s31] =	ssyncadd.s32 $0xFFFFEC00  }
0x70: {  	[tilespmem:s20], [sflag:$0x4] =	stream.indirect.gather [hbm4b:s4+s14], $0x40, s13, s14, $0xb8;
	[tilespmem:$0x14E60] =	vst v63  }
0x71: {  	_ =	swait.ge [sflag:s1], $0x1400  }
0x72: {  	[sflag:s1] =	ssyncset.done $0x0  }
.Ltmp0:
0x73: {  	s13 =	sadd.s32 $0x2850, s21;
	[sflag:s1] =	ssyncadd.s32 $0xFFFFEC00;
	(pc) =	sbr.rel @p0 .LBB2_2-.Ltmp0, $4  }
0x74: {  	[spmem:s2] =	stream.indirect.scatter.add.bf16 [tilespmem:s22], [sflag:$0xA], $0x40, s13, s14, $0xb8;
	[tilespmem:$0x14E60] =	vst v63  }
0x75: {  	_ =	swait.ge [sflag:s0], $0x1400  }
0x76: {  	[sflag:s0] =	ssyncset.done $0x0  }
0x77: {  	s21 =	sadd.s32 $0x2D0, s21;
	[sflag:s0] =	ssyncadd.s32 $0xFFFFEC00  }
0x78: {  	[tilespmem:s22], [sflag:$0x5] =	stream.indirect.gather [hbm4b:s4+s14], $0x40, s21, s14, $0xb8;
	[tilespmem:$0x14E60] =	vst v63  }
0x79: {  	_ =	swait.ge [sflag:s23], $0x1400  }
0x7a: {  	[sflag:s23] =	ssyncset.done $0x0  }
0x7b: {  	s13 =	simm.s32 $0x4C90;
	[sflag:s23] =	ssyncadd.s32 $0xFFFFEC00  }
0x7c: {  	[spmem:s2] =	stream.indirect.scatter.add.bf16 [tilespmem:s15], [sflag:$0x6], $0x40, s13, s14, $0xb8;
	[tilespmem:$0x14E60] =	vst v63  }
0x7d: {  	_ =	swait.ge [sflag:s25], $0x1400  }
0x7e: {  	[sflag:s25] =	ssyncset.done $0x0  }
0x7f: {  	s19 =	simm.s32 $0x4CE0;
	[sflag:s25] =	ssyncadd.s32 $0xFFFFEC00  }
0x80: {  	[spmem:s2] =	stream.indirect.scatter.add.bf16 [tilespmem:s16], [sflag:$0x7], $0x40, s19, s14, $0xb8;
	[tilespmem:$0x14E60] =	vst v63  }
0x81: {  	_ =	swait.ge [sflag:s28], $0x1400  }
0x82: {  	[sflag:s28] =	ssyncset.done $0x0  }
0x83: {  	s21 =	simm.s32 $0x4D30;
	[sflag:s28] =	ssyncadd.s32 $0xFFFFEC00  }
0x84: {  	[spmem:s2] =	stream.indirect.scatter.add.bf16 [tilespmem:s18], [sflag:$0x8], $0x40, s21, s14, $0xb8;
	[tilespmem:$0x14E60] =	vst v63  }
0x85: {  	_ =	swait.ge [sflag:s30], $0x1400  }
0x86: {  	[sflag:s30] =	ssyncset.done $0x0  }
0x87: {  	s19 =	simm.s32 $0x4D80;
	[sflag:s30] =	ssyncadd.s32 $0xFFFFEC00  }
0x88: {  	[spmem:s2] =	stream.indirect.scatter.add.bf16 [tilespmem:s20], [sflag:$0x9], $0x40, s19, s14, $0xb8;
	[tilespmem:$0x14E60] =	vst v63  }
0x89: {  	_ =	swait.ge [sflag:s1], $0x1400  }
0x8a: {  	[sflag:s1] =	ssyncset.done $0x0  }
0x8b: {  	s21 =	simm.s32 $0x4DD0;
	[sflag:s1] =	ssyncadd.s32 $0xFFFFEC00  }
0x8c: {  	[spmem:s2] =	stream.indirect.scatter.add.bf16 [tilespmem:s22], [sflag:$0xA], $0x40, s21, s14, $0xb8;
	[tilespmem:$0x14E60] =	vst v63  }
0x8d: {  	_ =	swait.ge [sflag:s24], $0x1400  }
0x8e: {  	[sflag:s24] =	ssyncset.done $0x0  }
0x8f: {  	[sflag:s24] =	ssyncadd.s32 $0xFFFFEC00  }
0x90: {  	_ =	swait.ge [sflag:s26], $0x1400  }
0x91: {  	[sflag:s26] =	ssyncset.done $0x0  }
0x92: {  	[sflag:s26] =	ssyncadd.s32 $0xFFFFEC00  }
0x93: {  	_ =	swait.ge [sflag:s29], $0x1400  }
0x94: {  	[sflag:s29] =	ssyncset.done $0x0  }
0x95: {  	[sflag:s29] =	ssyncadd.s32 $0xFFFFEC00  }
0x96: {  	_ =	swait.ge [sflag:s31], $0x1400  }
0x97: {  	[sflag:s31] =	ssyncset.done $0x0  }
0x98: {  	[sflag:s31] =	ssyncadd.s32 $0xFFFFEC00  }
0x99: {  	_ =	swait.ge [sflag:s0], $0x1400  }
0x9a: {  	s17 =	sadd.s32 $0x1, s17;
	[sflag:s0] =	ssyncset.done $0x0  }
0x9b: {  	p0 =	sne.s32 s17, s10;
	[sflag:s0] =	ssyncadd.s32 $0xFFFFEC00  }
.Ltmp1:
0x9c: {  	[bflag:$0x0] =	sbarrier.arrive $0xFFFF;
	(pc) =	sbr.rel @p0 .LBB2_1-.Ltmp1, $4  }
0x9d: {  	[hbm:s9], [sflag:s6] =	dma.local [spmem:s11], $0x1388  }
0x9e: {  	_ =	swait.ge [sflag:s12], $0x1388  }
0x9f: {  	[sflag:s12] =	ssyncset.done $0x0  }
0xa0: {  	[sflag:s12] =	ssyncadd.s32 $0xFFFFEC78  }
0xa1: {  	_ =	sfence.sel $0x180000  }
0xa2: {  	[bflag:$0x0] =	sbarrier.arrive $0xFFFF  }
0xa3: {  	_ =	strace $0x90000050  }
0xa4: {  	s0 =	stileid.u32;
	[bflag:$0x2] =	sbarrier.arrive $0xFFFF  }
0xa5: {  	p0 =	sne.s32 s0, $0x0;
	s0 =	rddreg [dreg:$0x2]  }
0xa6: {  	s0 =	sadd.s32 @!p0 $0x100000, s0  }
0xa7: {  	[sflag:s0] =	ssyncadd.tile.s32 @!p0 $0x1;
	_ =	shalt  }
.Lfunc_end2:
_tile_overlayer_lowered:
.L_overlay_start_2:
0xa8: {  	(tag) =	ssettag $0x2  }
0xa9: {  	s0 =	rddreg [dreg:$0x0];
	s2 =	stileid.u32  }
0xaa: {  	s1 =	rddreg [dreg:$0x1];
	p0 =	sne.s32 s2, $0x0  }
0xab: {  	s3 =	rddreg [dreg:$0x2];
	[bflag:$0x3] =	sbarrier.arrive $0xFFFF;
	s2 =	simm.s32 @!p0 $0x1C0B  }
0xac: {  	[timem:s3], [sflag:s2] =	dma.local @!p0 [hbm:s0], s1  }
0xad: {  	s0 =	simm.s32 @!p0 $0xB  }
0xae: {  	_ =	swait.ge @!p0 [sflag:s0], s1  }
0xaf: {  	s1 =	ssub.s32 @!p0 $0x0, s1;
	[sflag:s0] =	ssyncset.done @!p0 $0x0  }
0xb0: {  	[sflag:s0] =	ssyncadd.s32 @!p0 s1  }
0xb1: {  	[bflag:$0x3] =	sbarrier.arrive $0xFFFF  }
0xb2: {  	_ =	shalt  }

// kernel: kernel.24.cloned.1.call-start
scs
__scs_entry_jumppad:
0x0: {  	(pc) =	sbr.rel $0x88, $3  }
0x1: {  	(tag) =	ssettag $0x0;
	lr =	simm.s32 $0x1  }
0x2: {  	[smem:$0x3F93] =	sst lr;
	_ =	strace $0xD0000000  }
0x3: {  	_ = 	snop  }
0x4: {  	_ = 	snop  }
0x5: {  	_ = 	snop  }
0x6: {  	_ = 	snop  }
0x7: {  	_ = 	snop  }
__scs_overlays_trampoline_lowered:
0x8: {  	[smem:$0x3FA2] =	sst s0  }
0x9: {  	[smem:$0x3FA3] =	sst s1  }
0xa: {  	[smem:$0x3FA4] =	sst s2  }
0xb: {  	[smem:$0x3FA5] =	sst s3  }
0xc: {  	[smem:$0x3FA6] =	sst s4  }
0xd: {  	[smem:$0x3FA7] =	sst s5  }
0xe: {  	[smem:$0x3FA8] =	sst s6  }
0xf: {  	[smem:$0x3FA9] =	sst s7  }
0x10: {  	[smem:$0x3FAA] =	sst s8  }
0x11: {  	[smem:$0x3FAB] =	sst s9;
	s0 =	simm.s32 @!p0 $0x0  }
0x12: {  	s1 =	sld [smem:$0x3F91];
	s0 =	simm.s32 @p0 $0x1  }
0x13: {  	[smem:$0x3FAC] =	sst s0;
	s0 =	simm.s32 @!p1 $0x0  }
0x14: {  	s2 =	sld [smem:$0x3F90];
	s0 =	simm.s32 @p1 $0x1  }
0x15: {  	[smem:$0x3FAD] =	sst s0;
	s0 =	simm.s32 @!p2 $0x0  }
0x16: {  	s3 =	sld [smem:$0x3FDB];
	s0 =	simm.s32 @p2 $0x1  }
0x17: {  	s4 =	simm.s32 $0x1BF5;
	[smem:$0x3FAF] =	sst s0  }
0x18: {  	s0 =	sld [smem:$0x3F92];
	_ =	swait.ge [sflag:s4], $0x0  }
0x19: {  	s7 =	sld [smem:$0x3F93]  }
0x1a: {  	s8 =	sadd.s32 $0xFFFFE003, lr  }
0x1b: {  	s9 =	sadd.s32 $0xFFFFFEF7, lr;
	s5 =	simm.s32 $0xFFFFFFFF;
	p2 =	slt.u32 s8, $0xFFFFF086  }
0x1c: {  	p1 =	slt.u32 s9, $0xF7A;
	s5 =	simm.s32 @!p2 $0x0  }
0x1d: {  	s5 =	simm.s32 @p1 $0x1;
	p0 =	seq.s32 s7, s2  }
0x1e: {  	s7 =	smul.u32 @!p0 $0xF7A, s2;
	p2 =	seq.s32 @!p0 s5, $0x0  }
0x1f: {  	s9 =	smul.u32 $0xF7A, s1;
	s8 =	simm.s32 @!p0 $0x1BF5;
	p2 =	por !p2, p0  }
0x20: {  	[sflag:s8] =	ssyncset.s32 @!p0 $0xFFFFF086;
	s6 =	sadd.s32 @!p0 s3, s7;
	s7 =	simm.s32 @!p0 $0x108  }
0x21: {  	s3 =	sadd.s32 s3, s9;
	s6 =	sadd.s32 @!p0 $0x88, s6;
	s7 =	simm.s32 @p2 $0x1082  }
0x22: {  	[simem:s7], [sflag:s8] =	dma.local @!p0 [hbm:s6], $0xF7A  }
0x23: {  	s9 =	sor.u32 $0xD0000000, s2;
	s6 =	simm.s32 $0x108;
	_ =	swait.ge @!p0 [sflag:s8], $0x0  }
0x24: {  	s3 =	sadd.s32 $0x88, s3;
	s6 =	simm.s32 @!p1 $0x1082;
	[sflag:s4] =	ssyncset.s32 $0xFFFFF086  }
0x25: {  	[simem:s6], [sflag:s4] =	dma.local [hbm:s3], $0xF7A  }
0x26: {  	[smem:$0x3F93] =	sst s1;
	(tag) =	ssettag s2;
	_ =	strace s9  }
0x27: {  	s1 =	sld [smem:$0x3FA3]  }
0x28: {  	s2 =	sld [smem:$0x3FA4]  }
0x29: {  	s4 =	sld [smem:$0x3FA6]  }
0x2a: {  	p0 =	seq.s32 s5, $0x0;
	s5 =	sld [smem:$0x3FA7]  }
0x2b: {  	s6 =	sld [smem:$0x3FA8]  }
0x2c: {  	s7 =	sld [smem:$0x3FA9]  }
0x2d: {  	s3 =	simm.s32 $0x108;
	s8 =	sld [smem:$0x3FAA]  }
0x2e: {  	s3 =	simm.s32 @!p0 $0x1082;
	s9 =	sld [smem:$0x3FAB]  }
0x2f: {  	lr =	sadd.s32 s0, s3;
	s0 =	sld [smem:$0x3FA2]  }
0x30: {  	s3 =	sld [smem:$0x3FA5]  }
0x31: {  	[smem:$0x3FAE] =	sst s10  }
0x32: {  	s10 =	sld [smem:$0x3FAC];
	_ =	sdelay $0x3  }
0x33: {  	p0 =	seq.s32 s10, $0x1;
	s10 =	sld [smem:$0x3FAE];
	_ =	sdelay $0x3  }
0x34: {  	[smem:$0x3FAE] =	sst s10  }
0x35: {  	s10 =	sld [smem:$0x3FAD];
	_ =	sdelay $0x3  }
0x36: {  	p1 =	seq.s32 s10, $0x1;
	s10 =	sld [smem:$0x3FAE];
	_ =	sdelay $0x3  }
0x37: {  	[smem:$0x3FAE] =	sst s10  }
0x38: {  	s10 =	sld [smem:$0x3FAF]  }
0x39: {  	_ = 	snop;
	(pc) =	sbr.ind lr, $3  }
0x3a: {  	_ = 	snop  }
0x3b: {  	_ = 	snop  }
0x3c: {  	p2 =	seq.s32 s10, $0x1;
	s10 =	sld [smem:$0x3FAE]  }
0x3d: {  	_ =	shalt  }
0x3e: {  	_ =	shalt  }
0x3f: {  	_ =	shalt  }
0x40: {  	_ =	shalt  }
0x41: {  	_ =	shalt  }
0x42: {  	_ =	shalt  }
0x43: {  	_ =	shalt  }
0x44: {  	_ =	shalt  }
0x45: {  	_ =	shalt  }
0x46: {  	_ =	shalt  }
0x47: {  	_ =	shalt  }
0x48: {  	_ =	shalt  }
0x49: {  	_ =	shalt  }
0x4a: {  	_ =	shalt  }
0x4b: {  	_ =	shalt  }
0x4c: {  	_ =	shalt  }
0x4d: {  	_ =	shalt  }
0x4e: {  	_ =	shalt  }
0x4f: {  	_ =	shalt  }
0x50: {  	_ =	shalt  }
0x51: {  	_ =	shalt  }
0x52: {  	_ =	shalt  }
0x53: {  	_ =	shalt  }
0x54: {  	_ =	shalt  }
0x55: {  	_ =	shalt  }
0x56: {  	_ =	shalt  }
0x57: {  	_ =	shalt  }
0x58: {  	_ =	shalt  }
0x59: {  	_ =	shalt  }
0x5a: {  	_ =	shalt  }
0x5b: {  	_ =	shalt  }
0x5c: {  	_ =	shalt  }
0x5d: {  	_ =	shalt  }
0x5e: {  	_ =	shalt  }
0x5f: {  	_ =	shalt  }
0x60: {  	_ =	shalt  }
0x61: {  	_ =	shalt  }
0x62: {  	_ =	shalt  }
0x63: {  	_ =	shalt  }
0x64: {  	_ =	shalt  }
0x65: {  	_ =	shalt  }
0x66: {  	_ =	shalt  }
0x67: {  	_ =	shalt  }
0x68: {  	_ =	shalt  }
0x69: {  	_ =	shalt  }
0x6a: {  	_ =	shalt  }
0x6b: {  	_ =	shalt  }
0x6c: {  	_ =	shalt  }
0x6d: {  	_ =	shalt  }
0x6e: {  	_ =	shalt  }
0x6f: {  	_ =	shalt  }
0x70: {  	_ =	shalt  }
0x71: {  	_ =	shalt  }
0x72: {  	_ =	shalt  }
0x73: {  	_ =	shalt  }
0x74: {  	_ =	shalt  }
0x75: {  	_ =	shalt  }
0x76: {  	_ =	shalt  }
0x77: {  	_ =	shalt  }
0x78: {  	_ =	shalt  }
0x79: {  	_ =	shalt  }
0x7a: {  	_ =	shalt  }
0x7b: {  	_ =	shalt  }
0x7c: {  	_ =	shalt  }
0x7d: {  	_ =	shalt  }
0x7e: {  	_ =	shalt  }
0x7f: {  	_ =	shalt  }
0x80: {  	_ =	shalt  }
0x81: {  	_ =	shalt  }
0x82: {  	_ =	shalt  }
0x83: {  	_ =	shalt  }
0x84: {  	_ =	shalt  }
0x85: {  	_ =	shalt  }
0x86: {  	_ =	shalt  }
0x87: {  	_ =	shalt  }
.Lfunc_end0:
.L_simem_size_0:
called_computation.4_lowered:
.L_overlay_start_0:
0x88: {  	s2 =	sld [smem:$0x3FD9]  }
0x89: {  	s3 =	sld [smem:$0x3FFE];
	_ =	sdelay $0x1  }
0x8a: {  	s1 =	srdreg.scid  }
0x8b: {  	s0 =	sand.u32 $0x1, s1  }
0x8c: {  	s16 =	sshll.u32 s0, $0xA;
	s2 =	sadd.s32 s3, s2  }
0x8d: {  	s2 =	sadd.s32 s2, s16  }
0x8e: {  	[smem:$0x3FBA] =	sst s2  }
0x8f: {  	_ = 	snop  }
0x90: {  	(tm) =	ssettm $0x1  }
0x91: {  	s17 =	sld [smem:$0x3FFB];
	_ =	sdelay $0x3  }
0x92: {  	_ =	strace s17  }
0x93: {  	s2 =	sld [smem:$0x3FFC];
	_ =	sdelay $0x3  }
0x94: {  	_ =	strace s2  }
0x95: {  	s2 =	sld [smem:$0x3FFD];
	_ =	sdelay $0x3  }
0x96: {  	_ =	strace s2  }
0x97: {  	_ =	strace $0x8FFFFFFF  }
0x98: {  	s18 =	sld [smem:$0x3FDB];
	_ =	sdelay $0x1  }
0x99: {  	s19 =	simm.s32 $_scs_section_size  }
0x9a: {  	s4 =	simm.s32 $_size__tile_overlayer_lowered;
	s5 =	simm.s32 $_tile_overlayer_lowered  }
0x9b: {  	s22 =	simm.s32 $0x1BFF;
	s21 =	sshll.u32 s5, $0x1;
	s2 =	sadd.s32 s19, s18  }
0x9c: {  	s6 =	simm.s32 $0x0;
	s20 =	sshll.u32 s4, $0x1;
	s4 =	sadd.s32 s21, s2  }
0x9d: {  	[timem:s6], [sflag:s22] =	dma.local [hbm:s4], s20  }
0x9e: {  	_ =	swait.ge [sflag:s22], s20  }
0x9f: {  	s3 =	ssub.s32 $0x0, s20;
	[sflag:s22] =	ssyncset.done $0x0  }
0xa0: {  	[sflag:s22] =	ssyncadd.s32 s3;
	_ =	sdelay $0x1  }
0xa1: {  	s23 =	simm.s32 $0x1B8B  }
0xa2: {  	_ =	swait.ge [sflag:s23], $0x1  }
0xa3: {  	[sflag:s23] =	ssyncset.done $0x0  }
0xa4: {  	s25 =	simm.s32 $0x1B8E;
	s24 =	sld [smem:$0x3FFE];
	[sflag:s23] =	ssyncadd.s32 $0xFFFFFFFF  }
0xa5: {  	s26 =	simm.s32 $execute0_lowered;
	[smem:$0x3FD2] =	sst s25  }
0xa6: {  	s4 =	sshll.u32 s26, $0x1;
	_ =	strace $0x80000052;
	[dreg:$0x1] =	wrdreg $0xFFFFFFFF  }
0xa7: {  	s28 =	simm.s32 $_size_execute0_lowered;
	s2 =	sadd.s32 s2, s4;
	[dreg:$0x0] =	wrdreg $0x0  }
0xa8: {  	s4 =	sshll.u32 s28, $0x1;
	[dreg:$0x2] =	wrdreg s2  }
0xa9: {  	[dreg:$0x3] =	wrdreg s4  }
0xaa: {  	[dreg:$0x4] =	wrdreg $0xC0  }
0xab: {  	_ =	task [dreg:s6], $0x5FFFF  }
0xac: {  	[dreg:$0x1] =	wrdreg $0xFFFFFFFF  }
0xad: {  	[dreg:$0x0] =	wrdreg $0x60  }
0xae: {  	[dreg:$0x2] =	wrdreg s24  }
0xaf: {  	[dreg:$0x3] =	wrdreg $0xB2200  }
0xb0: {  	[dreg:$0x4] =	wrdreg $0x9  }
0xb1: {  	_ =	task.clear_ibuf [dreg:s6], $0x5FFFF;
	_ =	strace $0x90000052  }
0xb2: {  	s29 =	simm.s32 $0x9;
	_ =	strace $0x80000054  }
0xb3: {  	_ =	swait.ge [sflag:s29], $0x1  }
0xb4: {  	[sflag:s29] =	ssyncadd.s32 $0xFFFFFFFF  }
0xb5: {  	_ =	strace $0x90000054  }
0xb6: {  	_ =	sfence  }
0xb7: {  	s30 =	sld [smem:$0x0];
	_ =	sdelay $0x2  }
0xb8: {  	s31 =	sshll.u32 s1, $0xD;
	s1 =	sshrl.u32 s1, $0x2  }
0xb9: {  	s3 =	sand.u32 $0x4000, s31;
	s1 =	sadd.s32 s1, s30  }
0xba: {  	s0 =	sor.u32 s3, s0;
	s1 =	sshll.u32 s1, $0x11  }
0xbb: {  	s0 =	sor.u32 s1, s0  }
0xbc: {  	s0 =	sadd.s32 $0x8F2B, s0  }
0xbd: {  	[sflag:s0] =	ssyncadd.remote.s32 $0x1  }
0xbe: {  	_ =	sfence.sel $0xFFFF  }
0xbf: {  	[dreg:$0x0] =	wrdreg $0xFFFFFFFF;
	(pc) =	sbr.abs _section_cstart, $3  }
0xc0: {  	[dreg:$0x1] =	wrdreg $0xFFFFFFFF  }
0xc1: {  	_ =	task.clear_ibuf [dreg:s6], $0x2FFFF;
	_ =	strace $0x9FFFFFFF  }
0xc2: {  	(tm) =	ssettm $0x7FFFFFFF  }
0xc3: {  	_ =	shalt  }
tec
execute0_lowered:
.L_overlay_start_1:
0x0: {  	(tag) =	ssettag $0x1  }
0x1: {  	s0 =	srdreg.scid;
	s6 =	rddreg [dreg:$0x0]  }
0x2: {  	s10 =	stileid.u32;
	s2 =	rddreg [dreg:$0x1]  }
0x3: {  	s3 =	simm.s32 $0x0;
	s12 =	simm.s32 $0xB;
	s14 =	simm.s32 $0x50  }
0x4: {  	s15 =	simm.s32 $0x4E20;
	s16 =	simm.s32 $0x6220;
	s18 =	simm.s32 $0x7620  }
0x5: {  	s20 =	simm.s32 $0x8A20;
	s22 =	simm.s32 $0x9E20;
	s23 =	simm.s32 $0x1  }
0x6: {  	s24 =	simm.s32 $0x6;
	s28 =	simm.s32 $0x3;
	s29 =	simm.s32 $0x8  }
0x7: {  	s30 =	simm.s32 $0x4;
	s31 =	simm.s32 $0x9;
	s17 =	simm.s32 $0x0  }
0x8: {  	s0 =	sand.u32 $0x1, s0;
	s7 =	smul.u32 $0x13880, s10;
	[smem:$0x7FF] =	sst s3  }
0x9: {  	s4 =	sadd.s32 $0x19A00, s6;
	s26 =	sshll.u32 s10, $0x6;
	s1 =	sshll.u32 s0, $0x4  }
0xa: {  	s5 =	smul.u32 $0x138800, s0;
	s0 =	ssub.s32 $0x2, s0;
	s1 =	sor.u32 s10, s1  }
0xb: {  	_ =	strace $0x80000053;
	s25 =	sshrl.u32 s0, $0x1;
	s1 =	smul.u32 $0x4E2, s1  }
0xc: {  	s8 =	sadd.s32 s7, s5;
	s5 =	sadd.s32 $0x18600, s6;
	s7 =	sshrl.u32 s7, $0x1  }
0xd: {  	s0 =	ssub.s32 s0, s25;
	s25 =	simm.s32 $0x2;
	s8 =	sshrl.u32 s8, $0x4  }
0xe: {  	s11 =	sadd.s32 s7, s2;
	s10 =	smax.u32 s0, $0x1;
	s0 =	simm.s32 $0xA  }
0xf: {  	s1 =	sadd.s32 s1, s6;
	s9 =	sadd.s32 s8, s6;
	s6 =	sor.u32 $0x1C0B, s26  }
0x10: {  	s11 =	sshrl.u32 s11, $0x3;
	s26 =	simm.s32 $0x7;
	s7 =	sadd.s32 $0x4800, s1  }
0x11: {  	s8 =	sadd.s32 $0xE600, s1;
	s9 =	sadd.s32 $0x2D400, s9;
	s1 =	simm.s32 $0x5  }
.LBB2_1:
0x12: {  	[spmem:s11], [sflag:s6] =	dma.local [hbm:s5], $0x1388  }
0x13: {  	_ =	swait.ge [sflag:s12], $0x1388  }
0x14: {  	[sflag:s12] =	ssyncset.done $0x0  }
0x15: {  	[sflag:s12] =	ssyncadd.s32 $0xFFFFEC78  }
0x16: {  	[tilespmem:s3], [sflag:$0xB] =	stream.linear.gather [hbm4b:s7+s3], $0x2710, $0x38;
	[tilespmem:$0x14E60] =	vst v63  }
0x17: {  	_ =	swait.ge [sflag:s12], $0x2710  }
0x18: {  	[sflag:s12] =	ssyncset.done $0x0  }
0x19: {  	s13 =	simm.s32 $0x2710;
	[sflag:s12] =	ssyncadd.s32 $0xFFFFD8F0  }
0x1a: {  	[tilespmem:s13], [sflag:$0xB] =	stream.linear.gather [hbm4b:s8+s3], $0x2710, $0x38;
	[tilespmem:$0x14E60] =	vst v63  }
0x1b: {  	_ =	swait.ge [sflag:s12], $0x2710  }
0x1c: {  	[sflag:s12] =	ssyncset.done $0x0  }
0x1d: {  	[sflag:s12] =	ssyncadd.s32 $0xFFFFD8F0  }
0x1e: {  	[bflag:$0x0] =	sbarrier.arrive $0xFFFF  }
0x1f: {  	[tilespmem:s15], [sflag:$0x1] =	stream.indirect.gather [hbm4b:s4+s14], $0x40, s3, s14, $0xb8;
	[tilespmem:$0x14E60] =	vst v63  }
0x20: {  	_ = 	snop  }
0x21: {  	[tilespmem:s16], [sflag:$0x2] =	stream.indirect.gather [hbm4b:s4+s14], $0x40, s14, s14, $0xb8;
	[tilespmem:$0x14E60] =	vst v63  }
0x22: {  	s21 =	simm.s32 $0xA0  }
0x23: {  	[tilespmem:s18], [sflag:$0x3] =	stream.indirect.gather [hbm4b:s4+s14], $0x40, s21, s14, $0xb8;
	[tilespmem:$0x14E60] =	vst v63  }
0x24: {  	s19 =	simm.s32 $0xF0  }
0x25: {  	[tilespmem:s20], [sflag:$0x4] =	stream.indirect.gather [hbm4b:s4+s14], $0x40, s19, s14, $0xb8;
	[tilespmem:$0x14E60] =	vst v63  }
0x26: {  	s21 =	simm.s32 $0x140  }
0x27: {  	[tilespmem:s22], [sflag:$0x5] =	stream.indirect.gather [hbm4b:s4+s14], $0x40, s21, s14, $0xb8;
	[tilespmem:$0x14E60] =	vst v63  }
0x28: {  	_ =	swait.ge [sflag:s23], $0x1400  }
0x29: {  	[sflag:s23] =	ssyncset.done $0x0  }
0x2a: {  	s19 =	simm.s32 $0x2710;
	[sflag:s23] =	ssyncadd.s32 $0xFFFFEC00  }
0x2b: {  	[spmem:s2] =	stream.indirect.scatter.add.bf16 [tilespmem:s15], [sflag:$0x6], $0x40, s19, s14, $0xb8;
	[tilespmem:$0x14E60] =	vst v63  }
0x2c: {  	_ =	swait.ge [sflag:s24], $0x1400  }
0x2d: {  	[sflag:s24] =	ssyncset.done $0x0  }
0x2e: {  	s13 =	simm.s32 $0x190;
	[sflag:s24] =	ssyncadd.s32 $0xFFFFEC00  }
0x2f: {  	[tilespmem:s15], [sflag:$0x1] =	stream.indirect.gather [hbm4b:s4+s14], $0x40, s13, s14, $0xb8;
	[tilespmem:$0x14E60] =	vst v63  }
0x30: {  	_ =	swait.ge [sflag:s25], $0x1400  }
0x31: {  	[sflag:s25] =	ssyncset.done $0x0  }
0x32: {  	s21 =	simm.s32 $0x2760;
	[sflag:s25] =	ssyncadd.s32 $0xFFFFEC00  }
0x33: {  	[spmem:s2] =	stream.indirect.scatter.add.bf16 [tilespmem:s16], [sflag:$0x7], $0x40, s21, s14, $0xb8;
	[tilespmem:$0x14E60] =	vst v63  }
0x34: {  	_ =	swait.ge [sflag:s26], $0x1400  }
0x35: {  	[sflag:s26] =	ssyncset.done $0x0  }
0x36: {  	s13 =	simm.s32 $0x1E0;
	[sflag:s26] =	ssyncadd.s32 $0xFFFFEC00  }
0x37: {  	[tilespmem:s16], [sflag:$0x2] =	stream.indirect.gather [hbm4b:s4+s14], $0x40, s13, s14, $0xb8;
	[tilespmem:$0x14E60] =	vst v63  }
0x38: {  	_ =	swait.ge [sflag:s28], $0x1400  }
0x39: {  	[sflag:s28] =	ssyncset.done $0x0  }
0x3a: {  	s21 =	simm.s32 $0x27B0;
	[sflag:s28] =	ssyncadd.s32 $0xFFFFEC00  }
0x3b: {  	[spmem:s2] =	stream.indirect.scatter.add.bf16 [tilespmem:s18], [sflag:$0x8], $0x40, s21, s14, $0xb8;
	[tilespmem:$0x14E60] =	vst v63  }
0x3c: {  	_ =	swait.ge [sflag:s29], $0x1400  }
0x3d: {  	[sflag:s29] =	ssyncset.done $0x0  }
0x3e: {  	s13 =	simm.s32 $0x230;
	[sflag:s29] =	ssyncadd.s32 $0xFFFFEC00  }
0x3f: {  	[tilespmem:s18], [sflag:$0x3] =	stream.indirect.gather [hbm4b:s4+s14], $0x40, s13, s14, $0xb8;
	[tilespmem:$0x14E60] =	vst v63  }
0x40: {  	_ =	swait.ge [sflag:s30], $0x1400  }
0x41: {  	[sflag:s30] =	ssyncset.done $0x0  }
0x42: {  	s21 =	simm.s32 $0x2800;
	[sflag:s30] =	ssyncadd.s32 $0xFFFFEC00  }
0x43: {  	[spmem:s2] =	stream.indirect.scatter.add.bf16 [tilespmem:s20], [sflag:$0x9], $0x40, s21, s14, $0xb8;
	[tilespmem:$0x14E60] =	vst v63  }
0x44: {  	_ =	swait.ge [sflag:s31], $0x1400  }
0x45: {  	[sflag:s31] =	ssyncset.done $0x0  }
0x46: {  	s13 =	simm.s32 $0x280;
	[sflag:s31] =	ssyncadd.s32 $0xFFFFEC00  }
0x47: {  	[tilespmem:s20], [sflag:$0x4] =	stream.indirect.gather [hbm4b:s4+s14], $0x40, s13, s14, $0xb8;
	[tilespmem:$0x14E60] =	vst v63  }
0x48: {  	_ =	swait.ge [sflag:s1], $0x1400  }
0x49: {  	[sflag:s1] =	ssyncset.done $0x0  }
0x4a: {  	s21 =	simm.s32 $0x2850;
	[sflag:s1] =	ssyncadd.s32 $0xFFFFEC00  }
0x4b: {  	[spmem:s2] =	stream.indirect.scatter.add.bf16 [tilespmem:s22], [sflag:$0xA], $0x40, s21, s14, $0xb8;
	[tilespmem:$0x14E60] =	vst v63  }
0x4c: {  	_ =	swait.ge [sflag:s0], $0x1400  }
0x4d: {  	[sflag:s0] =	ssyncset.done $0x0  }
0x4e: {  	s19 =	simm.s32 $0x640;
	s21 =	simm.s32 $0x2D0;
	[sflag:s0] =	ssyncadd.s32 $0xFFFFEC00  }
.LBB2_2:
0x4f: {  	[tilespmem:s22], [sflag:$0x5] =	stream.indirect.gather [hbm4b:s4+s14], $0x40, s21, s14, $0xb8;
	[tilespmem:$0x14E60] =	vst v63  }
0x50: {  	s21 =	smov.u32 s19  }
0x51: {  	p0 =	sne.s32 s19, $0x8FC0;
	s19 =	sadd.s32 $0x640, s19;
	_ =	swait.ge [sflag:s23], $0x1400  }
0x52: {  	s21 =	sshra.s32 s21, $0x2;
	[sflag:s23] =	ssyncset.done $0x0  }
0x53: {  	s13 =	sadd.s32 $0x2710, s21;
	[sflag:s23] =	ssyncadd.s32 $0xFFFFEC00  }
0x54: {  	[spmem:s2] =	stream.indirect.scatter.add.bf16 [tilespmem:s15], [sflag:$0x6], $0x40, s13, s14, $0xb8;
	[tilespmem:$0x14E60] =	vst v63  }
0x55: {  	_ =	swait.ge [sflag:s24], $0x1400  }
0x56: {  	[sflag:s24] =	ssyncset.done $0x0  }
0x57: {  	s13 =	sadd.s32 $0x190, s21;
	[sflag:s24] =	ssyncadd.s32 $0xFFFFEC00  }
0x58: {  	[tilespmem:s15], [sflag:$0x1] =	stream.indirect.gather [hbm4b:s4+s14], $0x40, s13, s14, $0xb8;
	[tilespmem:$0x14E60] =	vst v63  }
0x59: {  	_ =	swait.ge [sflag:s25], $0x1400  }
0x5a: {  	[sflag:s25] =	ssyncset.done $0x0  }
0x5b: {  	s13 =	sadd.s32 $0x2760, s21;
	[sflag:s25] =	ssyncadd.s32 $0xFFFFEC00  }
0x5c: {  	[spmem:s2] =	stream.indirect.scatter.add.bf16 [tilespmem:s16], [sflag:$0x7], $0x40, s13, s14, $0xb8;
	[tilespmem:$0x14E60] =	vst v63  }
0x5d: {  	_ =	swait.ge [sflag:s26], $0x1400  }
0x5e: {  	[sflag:s26] =	ssyncset.done $0x0  }
0x5f: {  	s13 =	sadd.s32 $0x1E0, s21;
	[sflag:s26] =	ssyncadd.s32 $0xFFFFEC00  }
0x60: {  	[tilespmem:s16], [sflag:$0x2] =	stream.indirect.gather [hbm4b:s4+s14], $0x40, s13, s14, $0xb8;
	[tilespmem:$0x14E60] =	vst v63  }
0x61: {  	_ =	swait.ge [sflag:s28], $0x1400  }
0x62: {  	[sflag:s28] =	ssyncset.done $0x0  }
0x63: {  	s13 =	sadd.s32 $0x27B0, s21;
	[sflag:s28] =	ssyncadd.s32 $0xFFFFEC00  }
0x64: {  	[spmem:s2] =	stream.indirect.scatter.add.bf16 [tilespmem:s18], [sflag:$0x8], $0x40, s13, s14, $0xb8;
	[tilespmem:$0x14E60] =	vst v63  }
0x65: {  	_ =	swait.ge [sflag:s29], $0x1400  }
0x66: {  	[sflag:s29] =	ssyncset.done $0x0  }
0x67: {  	s13 =	sadd.s32 $0x230, s21;
	[sflag:s29] =	ssyncadd.s32 $0xFFFFEC00  }
0x68: {  	[tilespmem:s18], [sflag:$0x3] =	stream.indirect.gather [hbm4b:s4+s14], $0x40, s13, s14, $0xb8;
	[tilespmem:$0x14E60] =	vst v63  }
0x69: {  	_ =	swait.ge [sflag:s30], $0x1400  }
0x6a: {  	[sflag:s30] =	ssyncset.done $0x0  }
0x6b: {  	s13 =	sadd.s32 $0x2800, s21;
	[sflag:s30] =	ssyncadd.s32 $0xFFFFEC00  }
0x6c: {  	[spmem:s2] =	stream.indirect.scatter.add.bf16 [tilespmem:s20], [sflag:$0x9], $0x40, s13, s14, $0xb8;
	[tilespmem:$0x14E60] =	vst v63  }
0x6d: {  	_ =	swait.ge [sflag:s31], $0x1400  }
0x6e: {  	[sflag:s31] =	ssyncset.done $0x0  }
0x6f: {  	s13 =	sadd.s32 $0x280, s21;
	[sflag:s31] =	ssyncadd.s32 $0xFFFFEC00  }
0x70: {  	[tilespmem:s20], [sflag:$0x4] =	stream.indirect.gather [hbm4b:s4+s14], $0x40, s13, s14, $0xb8;
	[tilespmem:$0x14E60] =	vst v63  }
0x71: {  	_ =	swait.ge [sflag:s1], $0x1400  }
0x72: {  	[sflag:s1] =	ssyncset.done $0x0  }
.Ltmp0:
0x73: {  	s13 =	sadd.s32 $0x2850, s21;
	[sflag:s1] =	ssyncadd.s32 $0xFFFFEC00;
	(pc) =	sbr.rel @p0 .LBB2_2-.Ltmp0, $4  }
0x74: {  	[spmem:s2] =	stream.indirect.scatter.add.bf16 [tilespmem:s22], [sflag:$0xA], $0x40, s13, s14, $0xb8;
	[tilespmem:$0x14E60] =	vst v63  }
0x75: {  	_ =	swait.ge [sflag:s0], $0x1400  }
0x76: {  	[sflag:s0] =	ssyncset.done $0x0  }
0x77: {  	s21 =	sadd.s32 $0x2D0, s21;
	[sflag:s0] =	ssyncadd.s32 $0xFFFFEC00  }
0x78: {  	[tilespmem:s22], [sflag:$0x5] =	stream.indirect.gather [hbm4b:s4+s14], $0x40, s21, s14, $0xb8;
	[tilespmem:$0x14E60] =	vst v63  }
0x79: {  	_ =	swait.ge [sflag:s23], $0x1400  }
0x7a: {  	[sflag:s23] =	ssyncset.done $0x0  }
0x7b: {  	s13 =	simm.s32 $0x4C90;
	[sflag:s23] =	ssyncadd.s32 $0xFFFFEC00  }
0x7c: {  	[spmem:s2] =	stream.indirect.scatter.add.bf16 [tilespmem:s15], [sflag:$0x6], $0x40, s13, s14, $0xb8;
	[tilespmem:$0x14E60] =	vst v63  }
0x7d: {  	_ =	swait.ge [sflag:s25], $0x1400  }
0x7e: {  	[sflag:s25] =	ssyncset.done $0x0  }
0x7f: {  	s19 =	simm.s32 $0x4CE0;
	[sflag:s25] =	ssyncadd.s32 $0xFFFFEC00  }
0x80: {  	[spmem:s2] =	stream.indirect.scatter.add.bf16 [tilespmem:s16], [sflag:$0x7], $0x40, s19, s14, $0xb8;
	[tilespmem:$0x14E60] =	vst v63  }
0x81: {  	_ =	swait.ge [sflag:s28], $0x1400  }
0x82: {  	[sflag:s28] =	ssyncset.done $0x0  }
0x83: {  	s21 =	simm.s32 $0x4D30;
	[sflag:s28] =	ssyncadd.s32 $0xFFFFEC00  }
0x84: {  	[spmem:s2] =	stream.indirect.scatter.add.bf16 [tilespmem:s18], [sflag:$0x8], $0x40, s21, s14, $0xb8;
	[tilespmem:$0x14E60] =	vst v63  }
0x85: {  	_ =	swait.ge [sflag:s30], $0x1400  }
0x86: {  	[sflag:s30] =	ssyncset.done $0x0  }
0x87: {  	s19 =	simm.s32 $0x4D80;
	[sflag:s30] =	ssyncadd.s32 $0xFFFFEC00  }
0x88: {  	[spmem:s2] =	stream.indirect.scatter.add.bf16 [tilespmem:s20], [sflag:$0x9], $0x40, s19, s14, $0xb8;
	[tilespmem:$0x14E60] =	vst v63  }
0x89: {  	_ =	swait.ge [sflag:s1], $0x1400  }
0x8a: {  	[sflag:s1] =	ssyncset.done $0x0  }
0x8b: {  	s21 =	simm.s32 $0x4DD0;
	[sflag:s1] =	ssyncadd.s32 $0xFFFFEC00  }
0x8c: {  	[spmem:s2] =	stream.indirect.scatter.add.bf16 [tilespmem:s22], [sflag:$0xA], $0x40, s21, s14, $0xb8;
	[tilespmem:$0x14E60] =	vst v63  }
0x8d: {  	_ =	swait.ge [sflag:s24], $0x1400  }
0x8e: {  	[sflag:s24] =	ssyncset.done $0x0  }
0x8f: {  	[sflag:s24] =	ssyncadd.s32 $0xFFFFEC00  }
0x90: {  	_ =	swait.ge [sflag:s26], $0x1400  }
0x91: {  	[sflag:s26] =	ssyncset.done $0x0  }
0x92: {  	[sflag:s26] =	ssyncadd.s32 $0xFFFFEC00  }
0x93: {  	_ =	swait.ge [sflag:s29], $0x1400  }
0x94: {  	[sflag:s29] =	ssyncset.done $0x0  }
0x95: {  	[sflag:s29] =	ssyncadd.s32 $0xFFFFEC00  }
0x96: {  	_ =	swait.ge [sflag:s31], $0x1400  }
0x97: {  	[sflag:s31] =	ssyncset.done $0x0  }
0x98: {  	[sflag:s31] =	ssyncadd.s32 $0xFFFFEC00  }
0x99: {  	_ =	swait.ge [sflag:s0], $0x1400  }
0x9a: {  	s17 =	sadd.s32 $0x1, s17;
	[sflag:s0] =	ssyncset.done $0x0  }
0x9b: {  	p0 =	sne.s32 s17, s10;
	[sflag:s0] =	ssyncadd.s32 $0xFFFFEC00  }
.Ltmp1:
0x9c: {  	[bflag:$0x0] =	sbarrier.arrive $0xFFFF;
	(pc) =	sbr.rel @p0 .LBB2_1-.Ltmp1, $4  }
0x9d: {  	[hbm:s9], [sflag:s6] =	dma.local [spmem:s11], $0x1388  }
0x9e: {  	_ =	swait.ge [sflag:s12], $0x1388  }
0x9f: {  	[sflag:s12] =	ssyncset.done $0x0  }
0xa0: {  	[sflag:s12] =	ssyncadd.s32 $0xFFFFEC78  }
0xa1: {  	_ =	sfence.sel $0x180000  }
0xa2: {  	[bflag:$0x0] =	sbarrier.arrive $0xFFFF  }
0xa3: {  	_ =	strace $0x90000053  }
0xa4: {  	s0 =	stileid.u32;
	[bflag:$0x2] =	sbarrier.arrive $0xFFFF  }
0xa5: {  	p0 =	sne.s32 s0, $0x0;
	s0 =	rddreg [dreg:$0x2]  }
0xa6: {  	s0 =	sadd.s32 @!p0 $0x100000, s0  }
0xa7: {  	[sflag:s0] =	ssyncadd.tile.s32 @!p0 $0x1;
	_ =	shalt  }
.Lfunc_end2:
_tile_overlayer_lowered:
.L_overlay_start_2:
0xa8: {  	(tag) =	ssettag $0x2  }
0xa9: {  	s0 =	rddreg [dreg:$0x0];
	s2 =	stileid.u32  }
0xaa: {  	s1 =	rddreg [dreg:$0x1];
	p0 =	sne.s32 s2, $0x0  }
0xab: {  	s3 =	rddreg [dreg:$0x2];
	[bflag:$0x3] =	sbarrier.arrive $0xFFFF;
	s2 =	simm.s32 @!p0 $0x1C0B  }
0xac: {  	[timem:s3], [sflag:s2] =	dma.local @!p0 [hbm:s0], s1  }
0xad: {  	s0 =	simm.s32 @!p0 $0xB  }
0xae: {  	_ =	swait.ge @!p0 [sflag:s0], s1  }
0xaf: {  	s1 =	ssub.s32 @!p0 $0x0, s1;
	[sflag:s0] =	ssyncset.done @!p0 $0x0  }
0xb0: {  	[sflag:s0] =	ssyncadd.s32 @!p0 s1  }
0xb1: {  	[bflag:$0x3] =	sbarrier.arrive $0xFFFF  }
0xb2: {  	_ =	shalt  }

</sc_bundles>
